<compile_context>
chip_gen: v7x
topology: tpu7x:2x2x1
jax: 0.10.2.dev20260603
libtpu: 0.0.44.dev20260713+nightly
codegen_flags: <defaults>
</compile_context>

<pallas_src>
import functools
import jax
import jax.numpy as jnp
from jax import lax
from jax.experimental import pallas as pl
from jax.experimental.pallas import tpu as pltpu
from jax.experimental.pallas import tpu_sc as plsc

B, N, D, E = 2, 2048, 768, 8
BN = B * N
T = 1024
NC, NS, L = 2, 16, 16
NW = NC * NS
TPW = BN // NW


def _gate_scores_kernel(x_ref, gate_ref, g_ref):
    g = jnp.dot(x_ref[...], gate_ref[...], preferred_element_type=jnp.float32)
    g_ref[...] = g.T


def _sc_route_kernel(g_hbm, w_hbm, g_v, w_v):
    wid = lax.axis_index("s") * NC + lax.axis_index("c")
    base = wid * TPW
    for e in range(E):
        pltpu.sync_copy(g_hbm.at[pl.ds(e * BN + base, TPW)],
                        g_v.at[pl.ds(e * TPW, TPW)])
    for j in range(TPW // L):
        p = [g_v[pl.ds(e * TPW + j * L, L)] for e in range(E)]
        m = p[0]
        for e in range(1, E):
            m = jnp.maximum(m, p[e])
        p = [jnp.exp(p[e] - m) for e in range(E)]
        m1 = p[0]
        for e in range(1, E):
            m1 = jnp.maximum(m1, p[e])
        i1 = jnp.full((L,), 0, jnp.int32)
        for e in range(E - 1, -1, -1):
            i1 = jnp.where(p[e] == m1, e, i1)
        p2 = [jnp.where(i1 == e, -1.0, p[e]) for e in range(E)]
        m2 = p2[0]
        for e in range(1, E):
            m2 = jnp.maximum(m2, p2[e])
        i2 = jnp.full((L,), 0, jnp.int32)
        for e in range(E - 1, -1, -1):
            i2 = jnp.where(p2[e] == m2, e, i2)
        ws = [jnp.where((i1 == e) | (i2 == e), p[e], 0.0) for e in range(E)]
        den = ws[0]
        for e in range(1, E):
            den = den + ws[e]
        inv = 1.0 / den
        for e in range(E):
            w_v[pl.ds(e * TPW + j * L, L)] = ws[e] * inv
    for e in range(E):
        pltpu.sync_copy(w_v.at[pl.ds(e * TPW, TPW)],
                        w_hbm.at[pl.ds(e * BN + base, TPW)])


_sc_route = functools.partial(
    pl.kernel,
    out_type=jax.ShapeDtypeStruct((E * BN,), jnp.float32),
    mesh=plsc.VectorSubcoreMesh(core_axis_name="c", subcore_axis_name="s"),
    scratch_types=[
        pltpu.VMEM((E * TPW,), jnp.float32),
        pltpu.VMEM((E * TPW,), jnp.float32),
    ],
)(_sc_route_kernel)


def _moe_block_kernel(x_ref, w_in_ref, w_ref, b_ref, o_ref):
    xb = x_ref[...]
    w = w_in_ref[...].T
    acc = jnp.dot(w, b_ref[...], preferred_element_type=jnp.float32)
    for e in range(E):
        y = jnp.dot(xb, w_ref[e], preferred_element_type=jnp.float32)
        acc = acc + w[:, e:e + 1] * y
    o_ref[...] = acc


def kernel(x, gate, W_e, b_e):
    xf = x.reshape(BN, D)
    g = pl.pallas_call(
        _gate_scores_kernel,
        grid=(BN // T,),
        in_specs=[
            pl.BlockSpec((T, D), lambda i: (i, 0)),
            pl.BlockSpec((D, E), lambda i: (0, 0)),
        ],
        out_specs=pl.BlockSpec((E, T), lambda i: (0, i)),
        out_shape=jax.ShapeDtypeStruct((E, BN), jnp.float32),
    )(xf, gate)
    w = _sc_route(g.reshape(E * BN)).reshape(E, BN)
    out = pl.pallas_call(
        _moe_block_kernel,
        grid=(BN // T,),
        in_specs=[
            pl.BlockSpec((T, D), lambda i: (i, 0)),
            pl.BlockSpec((E, T), lambda i: (0, i)),
            pl.BlockSpec((E, D, D), lambda i: (0, 0, 0)),
            pl.BlockSpec((E, D), lambda i: (0, 0)),
        ],
        out_specs=pl.BlockSpec((T, D), lambda i: (i, 0)),
        out_shape=jax.ShapeDtypeStruct((BN, D), jnp.float32),
        compiler_params=pltpu.CompilerParams(
            dimension_semantics=("arbitrary",),
        ),
    )(xf, w, W_e, b_e)
    return out.reshape(B, N, D)

# --- scband reference (transcript-rebuilt; emitter-appended) ---
"""Pipeline reference for scband-sparse-kmo-e-1932735284124 (READ-ONLY COPY).

The authoritative reference and input builder live on the scoring server;
editing this copy changes nothing except your own understanding.
"""

import jax, jax.numpy as jnp
import numpy as np

B, N, D, E = 2, 2048, 768, 8
FRACTION = 0.25

def setup_inputs(seed: int = 0) -> dict:
    key = jax.random.key(seed)
    k1, k2, k3, k4 = jax.random.split(key, 4)
    x = jax.random.normal(k1, (B, N, D), dtype=jnp.float32)
    gate = jax.random.normal(k2, (D, E), dtype=jnp.float32)
    W_e = jax.random.normal(k3, (E, D, D), dtype=jnp.float32) * (1.0 / np.sqrt(D))
    b_e = jax.random.normal(k4, (E, D), dtype=jnp.float32) * 0.01
    return {"x": x, "gate": gate, "W_e": W_e, "b_e": b_e}

def reference(x, gate, W_e, b_e):
    n_experts = gate.shape[-1]
    k = int(n_experts * FRACTION)
    # raw gating scores: einsum('bnd,de->bne')
    raw_gate = jnp.einsum('bnd,de->bne', x, gate)
    raw_gate = jax.nn.softmax(raw_gate, axis=-1)
    # top-k over expert dim (scores unused downstream, matching torch code)
    topk_val, topk_idx = jax.lax.top_k(raw_gate, k)
    # each expert is a Linear(D, D): experts_outputs -> [B, N, E, D]
    experts_outputs = jnp.einsum('bnd,edo->bneo', x, W_e) + b_e[None, None, :, :]
    # scatter_(2, topk_idx, 1) -> binary mask over experts
    mask = jnp.sum(jax.nn.one_hot(topk_idx, n_experts, dtype=raw_gate.dtype), axis=2)
    mask = jnp.minimum(mask, 1.0)
    gate_topk = mask * raw_gate
    # F.normalize(p=1, dim=2): x / max(||x||_1, eps)
    denom = jnp.maximum(jnp.sum(jnp.abs(gate_topk), axis=2, keepdims=True), 1e-12)
    gate_topk = gate_topk / denom
    output = jnp.einsum('bte,bteo->bto', gate_topk, experts_outputs)
    return output

if __name__ == "__main__":
    import jax
    _d = setup_inputs()
    print(jax.jit(kernel)(*tuple(_d.values())))

</pallas_src>

<mosaic_0001>
#map = affine_map<(d0, d1) -> (0)>
module attributes {stable_mosaic.version = 14 : i64} {
  func.func @_sc_route_kernel(%arg0: i32, %arg1: i32, %arg2: memref<32768xf32, #tpu.memory_space<hbm>>, %arg3: memref<32768xf32, #tpu.memory_space<hbm>>, %arg4: memref<1024xf32, #tpu.memory_space<vmem>>, %arg5: memref<1024xf32, #tpu.memory_space<vmem>>) attributes {dimension_semantics = [#tpu.dimension_semantics<core_parallel>, #tpu.dimension_semantics<subcore_parallel>], iteration_bounds = array<i64: 2, 16>, scalar_prefetch = 0 : i64, scratch_operands = 2 : i64, tpu.core_type = #tpu.core_type<sc_vector_subcore>, window_params = [{transform_indices = #map}, {transform_indices = #map}]} {
    %mul3A = arith.constant 2 : i32
    %mul3A_0 = arith.muli %arg1, %mul3A : i32
    %add3A = arith.addi %mul3A_0, %arg0 : i32
    %mul3A_1 = arith.constant 128 : i32
    %mul3A_2 = arith.muli %add3A, %mul3A_1 : i32
    %add3A_3 = arith.constant 0 : i32
    %add3A_4 = arith.addi %add3A_3, %mul3A_2 : i32
    "tpu.region"() ({
      %run_scoped3A = tpu.sem_alloc : memref<!tpu.dma_semaphore, #tpu.memory_space<semaphore_mem>>
      %dma_start3A = arith.constant 0 : i32
      %dma_start3A_2480 = tpu.memref_slice %arg4[%dma_start3A] : memref<1024xf32, #tpu.memory_space<vmem>> -> memref<128xf32, #tpu.memory_space<vmem>>
      %dma_start3A_2481 = tpu.memref_slice %arg2[%add3A_4] : memref<32768xf32, #tpu.memory_space<hbm>> -> memref<128xf32, #tpu.memory_space<hbm>>
      %dma_start3A_2482 = arith.constant 0 : i32
      %dma_start3A_2483 = tpu.memref_slice %arg4[%dma_start3A_2482] : memref<1024xf32, #tpu.memory_space<vmem>> -> memref<128xf32, #tpu.memory_space<vmem>>
      %dma_start3A_2484 = tpu.memref_slice %arg2[%add3A_4] : memref<32768xf32, #tpu.memory_space<hbm>> -> memref<128xf32, #tpu.memory_space<hbm>>
      tpu.enqueue_dma source(%dma_start3A_2484 : memref<128xf32, #tpu.memory_space<hbm>>) target(%dma_start3A_2483 : memref<128xf32, #tpu.memory_space<vmem>>) target_semaphore(%run_scoped3A : memref<!tpu.dma_semaphore, #tpu.memory_space<semaphore_mem>>)
      %dma_wait3A = arith.constant 0 : i32
      %dma_wait3A_2485 = tpu.memref_slice %arg4[%dma_wait3A] : memref<1024xf32, #tpu.memory_space<vmem>> -> memref<128xf32, #tpu.memory_space<vmem>>
      %dma_wait3A_2486 = tpu.memref_slice %arg2[%add3A_4] : memref<32768xf32, #tpu.memory_space<hbm>> -> memref<128xf32, #tpu.memory_space<hbm>>
      %dma_wait3A_2487 = arith.constant 0 : i32
      %dma_wait3A_2488 = tpu.memref_slice %arg4[%dma_wait3A_2487] : memref<1024xf32, #tpu.memory_space<vmem>> -> memref<128xf32, #tpu.memory_space<vmem>>
      %dma_wait3A_2489 = tpu.memref_slice %arg2[%add3A_4] : memref<32768xf32, #tpu.memory_space<hbm>> -> memref<128xf32, #tpu.memory_space<hbm>>
      tpu.wait_dma2 semaphore(%run_scoped3A : memref<!tpu.dma_semaphore, #tpu.memory_space<semaphore_mem>>) src(%dma_wait3A_2489 : memref<128xf32, #tpu.memory_space<hbm>>) dst(%dma_wait3A_2488 : memref<128xf32, #tpu.memory_space<vmem>>)
      tpu.yield
    }) : () -> ()
    %add3A_5 = arith.constant 4096 : i32
    %add3A_6 = arith.addi %add3A_5, %mul3A_2 : i32
    "tpu.region"() ({
      %run_scoped3A = tpu.sem_alloc : memref<!tpu.dma_semaphore, #tpu.memory_space<semaphore_mem>>
      %dma_start3A = arith.constant 128 : i32
      %dma_start3A_2480 = tpu.memref_slice %arg4[%dma_start3A] : memref<1024xf32, #tpu.memory_space<vmem>> -> memref<128xf32, #tpu.memory_space<vmem>>
      %dma_start3A_2481 = tpu.memref_slice %arg2[%add3A_6] : memref<32768xf32, #tpu.memory_space<hbm>> -> memref<128xf32, #tpu.memory_space<hbm>>
      %dma_start3A_2482 = arith.constant 128 : i32
      %dma_start3A_2483 = tpu.memref_slice %arg4[%dma_start3A_2482] : memref<1024xf32, #tpu.memory_space<vmem>> -> memref<128xf32, #tpu.memory_space<vmem>>
      %dma_start3A_2484 = tpu.memref_slice %arg2[%add3A_6] : memref<32768xf32, #tpu.memory_space<hbm>> -> memref<128xf32, #tpu.memory_space<hbm>>
      tpu.enqueue_dma source(%dma_start3A_2484 : memref<128xf32, #tpu.memory_space<hbm>>) target(%dma_start3A_2483 : memref<128xf32, #tpu.memory_space<vmem>>) target_semaphore(%run_scoped3A : memref<!tpu.dma_semaphore, #tpu.memory_space<semaphore_mem>>)
      %dma_wait3A = arith.constant 128 : i32
      %dma_wait3A_2485 = tpu.memref_slice %arg4[%dma_wait3A] : memref<1024xf32, #tpu.memory_space<vmem>> -> memref<128xf32, #tpu.memory_space<vmem>>
      %dma_wait3A_2486 = tpu.memref_slice %arg2[%add3A_6] : memref<32768xf32, #tpu.memory_space<hbm>> -> memref<128xf32, #tpu.memory_space<hbm>>
      %dma_wait3A_2487 = arith.constant 128 : i32
      %dma_wait3A_2488 = tpu.memref_slice %arg4[%dma_wait3A_2487] : memref<1024xf32, #tpu.memory_space<vmem>> -> memref<128xf32, #tpu.memory_space<vmem>>
      %dma_wait3A_2489 = tpu.memref_slice %arg2[%add3A_6] : memref<32768xf32, #tpu.memory_space<hbm>> -> memref<128xf32, #tpu.memory_space<hbm>>
      tpu.wait_dma2 semaphore(%run_scoped3A : memref<!tpu.dma_semaphore, #tpu.memory_space<semaphore_mem>>) src(%dma_wait3A_2489 : memref<128xf32, #tpu.memory_space<hbm>>) dst(%dma_wait3A_2488 : memref<128xf32, #tpu.memory_space<vmem>>)
      tpu.yield
    }) : () -> ()
    %add3A_7 = arith.constant 8192 : i32
    %add3A_8 = arith.addi %add3A_7, %mul3A_2 : i32
    "tpu.region"() ({
      %run_scoped3A = tpu.sem_alloc : memref<!tpu.dma_semaphore, #tpu.memory_space<semaphore_mem>>
      %dma_start3A = arith.constant 256 : i32
      %dma_start3A_2480 = tpu.memref_slice %arg4[%dma_start3A] : memref<1024xf32, #tpu.memory_space<vmem>> -> memref<128xf32, #tpu.memory_space<vmem>>
      %dma_start3A_2481 = tpu.memref_slice %arg2[%add3A_8] : memref<32768xf32, #tpu.memory_space<hbm>> -> memref<128xf32, #tpu.memory_space<hbm>>
      %dma_start3A_2482 = arith.constant 256 : i32
      %dma_start3A_2483 = tpu.memref_slice %arg4[%dma_start3A_2482] : memref<1024xf32, #tpu.memory_space<vmem>> -> memref<128xf32, #tpu.memory_space<vmem>>
      %dma_start3A_2484 = tpu.memref_slice %arg2[%add3A_8] : memref<32768xf32, #tpu.memory_space<hbm>> -> memref<128xf32, #tpu.memory_space<hbm>>
      tpu.enqueue_dma source(%dma_start3A_2484 : memref<128xf32, #tpu.memory_space<hbm>>) target(%dma_start3A_2483 : memref<128xf32, #tpu.memory_space<vmem>>) target_semaphore(%run_scoped3A : memref<!tpu.dma_semaphore, #tpu.memory_space<semaphore_mem>>)
      %dma_wait3A = arith.constant 256 : i32
      %dma_wait3A_2485 = tpu.memref_slice %arg4[%dma_wait3A] : memref<1024xf32, #tpu.memory_space<vmem>> -> memref<128xf32, #tpu.memory_space<vmem>>
      %dma_wait3A_2486 = tpu.memref_slice %arg2[%add3A_8] : memref<32768xf32, #tpu.memory_space<hbm>> -> memref<128xf32, #tpu.memory_space<hbm>>
      %dma_wait3A_2487 = arith.constant 256 : i32
      %dma_wait3A_2488 = tpu.memref_slice %arg4[%dma_wait3A_2487] : memref<1024xf32, #tpu.memory_space<vmem>> -> memref<128xf32, #tpu.memory_space<vmem>>
      %dma_wait3A_2489 = tpu.memref_slice %arg2[%add3A_8] : memref<32768xf32, #tpu.memory_space<hbm>> -> memref<128xf32, #tpu.memory_space<hbm>>
      tpu.wait_dma2 semaphore(%run_scoped3A : memref<!tpu.dma_semaphore, #tpu.memory_space<semaphore_mem>>) src(%dma_wait3A_2489 : memref<128xf32, #tpu.memory_space<hbm>>) dst(%dma_wait3A_2488 : memref<128xf32, #tpu.memory_space<vmem>>)
      tpu.yield
    }) : () -> ()
    %add3A_9 = arith.constant 12288 : i32
    %add3A_10 = arith.addi %add3A_9, %mul3A_2 : i32
    "tpu.region"() ({
      %run_scoped3A = tpu.sem_alloc : memref<!tpu.dma_semaphore, #tpu.memory_space<semaphore_mem>>
      %dma_start3A = arith.constant 384 : i32
      %dma_start3A_2480 = tpu.memref_slice %arg4[%dma_start3A] : memref<1024xf32, #tpu.memory_space<vmem>> -> memref<128xf32, #tpu.memory_space<vmem>>
      %dma_start3A_2481 = tpu.memref_slice %arg2[%add3A_10] : memref<32768xf32, #tpu.memory_space<hbm>> -> memref<128xf32, #tpu.memory_space<hbm>>
      %dma_start3A_2482 = arith.constant 384 : i32
      %dma_start3A_2483 = tpu.memref_slice %arg4[%dma_start3A_2482] : memref<1024xf32, #tpu.memory_space<vmem>> -> memref<128xf32, #tpu.memory_space<vmem>>
      %dma_start3A_2484 = tpu.memref_slice %arg2[%add3A_10] : memref<32768xf32, #tpu.memory_space<hbm>> -> memref<128xf32, #tpu.memory_space<hbm>>
      tpu.enqueue_dma source(%dma_start3A_2484 : memref<128xf32, #tpu.memory_space<hbm>>) target(%dma_start3A_2483 : memref<128xf32, #tpu.memory_space<vmem>>) target_semaphore(%run_scoped3A : memref<!tpu.dma_semaphore, #tpu.memory_space<semaphore_mem>>)
      %dma_wait3A = arith.constant 384 : i32
      %dma_wait3A_2485 = tpu.memref_slice %arg4[%dma_wait3A] : memref<1024xf32, #tpu.memory_space<vmem>> -> memref<128xf32, #tpu.memory_space<vmem>>
      %dma_wait3A_2486 = tpu.memref_slice %arg2[%add3A_10] : memref<32768xf32, #tpu.memory_space<hbm>> -> memref<128xf32, #tpu.memory_space<hbm>>
      %dma_wait3A_2487 = arith.constant 384 : i32
      %dma_wait3A_2488 = tpu.memref_slice %arg4[%dma_wait3A_2487] : memref<1024xf32, #tpu.memory_space<vmem>> -> memref<128xf32, #tpu.memory_space<vmem>>
      %dma_wait3A_2489 = tpu.memref_slice %arg2[%add3A_10] : memref<32768xf32, #tpu.memory_space<hbm>> -> memref<128xf32, #tpu.memory_space<hbm>>
      tpu.wait_dma2 semaphore(%run_scoped3A : memref<!tpu.dma_semaphore, #tpu.memory_space<semaphore_mem>>) src(%dma_wait3A_2489 : memref<128xf32, #tpu.memory_space<hbm>>) dst(%dma_wait3A_2488 : memref<128xf32, #tpu.memory_space<vmem>>)
      tpu.yield
    }) : () -> ()
    %add3A_11 = arith.constant 16384 : i32
    %add3A_12 = arith.addi %add3A_11, %mul3A_2 : i32
    "tpu.region"() ({
      %run_scoped3A = tpu.sem_alloc : memref<!tpu.dma_semaphore, #tpu.memory_space<semaphore_mem>>
      %dma_start3A = arith.constant 512 : i32
      %dma_start3A_2480 = tpu.memref_slice %arg4[%dma_start3A] : memref<1024xf32, #tpu.memory_space<vmem>> -> memref<128xf32, #tpu.memory_space<vmem>>
      %dma_start3A_2481 = tpu.memref_slice %arg2[%add3A_12] : memref<32768xf32, #tpu.memory_space<hbm>> -> memref<128xf32, #tpu.memory_space<hbm>>
      %dma_start3A_2482 = arith.constant 512 : i32
      %dma_start3A_2483 = tpu.memref_slice %arg4[%dma_start3A_2482] : memref<1024xf32, #tpu.memory_space<vmem>> -> memref<128xf32, #tpu.memory_space<vmem>>
      %dma_start3A_2484 = tpu.memref_slice %arg2[%add3A_12] : memref<32768xf32, #tpu.memory_space<hbm>> -> memref<128xf32, #tpu.memory_space<hbm>>
      tpu.enqueue_dma source(%dma_start3A_2484 : memref<128xf32, #tpu.memory_space<hbm>>) target(%dma_start3A_2483 : memref<128xf32, #tpu.memory_space<vmem>>) target_semaphore(%run_scoped3A : memref<!tpu.dma_semaphore, #tpu.memory_space<semaphore_mem>>)
      %dma_wait3A = arith.constant 512 : i32
      %dma_wait3A_2485 = tpu.memref_slice %arg4[%dma_wait3A] : memref<1024xf32, #tpu.memory_space<vmem>> -> memref<128xf32, #tpu.memory_space<vmem>>
      %dma_wait3A_2486 = tpu.memref_slice %arg2[%add3A_12] : memref<32768xf32, #tpu.memory_space<hbm>> -> memref<128xf32, #tpu.memory_space<hbm>>
      %dma_wait3A_2487 = arith.constant 512 : i32
      %dma_wait3A_2488 = tpu.memref_slice %arg4[%dma_wait3A_2487] : memref<1024xf32, #tpu.memory_space<vmem>> -> memref<128xf32, #tpu.memory_space<vmem>>
      %dma_wait3A_2489 = tpu.memref_slice %arg2[%add3A_12] : memref<32768xf32, #tpu.memory_space<hbm>> -> memref<128xf32, #tpu.memory_space<hbm>>
      tpu.wait_dma2 semaphore(%run_scoped3A : memref<!tpu.dma_semaphore, #tpu.memory_space<semaphore_mem>>) src(%dma_wait3A_2489 : memref<128xf32, #tpu.memory_space<hbm>>) dst(%dma_wait3A_2488 : memref<128xf32, #tpu.memory_space<vmem>>)
      tpu.yield
    }) : () -> ()
    %add3A_13 = arith.constant 20480 : i32
    %add3A_14 = arith.addi %add3A_13, %mul3A_2 : i32
    "tpu.region"() ({
      %run_scoped3A = tpu.sem_alloc : memref<!tpu.dma_semaphore, #tpu.memory_space<semaphore_mem>>
      %dma_start3A = arith.constant 640 : i32
      %dma_start3A_2480 = tpu.memref_slice %arg4[%dma_start3A] : memref<1024xf32, #tpu.memory_space<vmem>> -> memref<128xf32, #tpu.memory_space<vmem>>
      %dma_start3A_2481 = tpu.memref_slice %arg2[%add3A_14] : memref<32768xf32, #tpu.memory_space<hbm>> -> memref<128xf32, #tpu.memory_space<hbm>>
      %dma_start3A_2482 = arith.constant 640 : i32
      %dma_start3A_2483 = tpu.memref_slice %arg4[%dma_start3A_2482] : memref<1024xf32, #tpu.memory_space<vmem>> -> memref<128xf32, #tpu.memory_space<vmem>>
      %dma_start3A_2484 = tpu.memref_slice %arg2[%add3A_14] : memref<32768xf32, #tpu.memory_space<hbm>> -> memref<128xf32, #tpu.memory_space<hbm>>
      tpu.enqueue_dma source(%dma_start3A_2484 : memref<128xf32, #tpu.memory_space<hbm>>) target(%dma_start3A_2483 : memref<128xf32, #tpu.memory_space<vmem>>) target_semaphore(%run_scoped3A : memref<!tpu.dma_semaphore, #tpu.memory_space<semaphore_mem>>)
      %dma_wait3A = arith.constant 640 : i32
      %dma_wait3A_2485 = tpu.memref_slice %arg4[%dma_wait3A] : memref<1024xf32, #tpu.memory_space<vmem>> -> memref<128xf32, #tpu.memory_space<vmem>>
      %dma_wait3A_2486 = tpu.memref_slice %arg2[%add3A_14] : memref<32768xf32, #tpu.memory_space<hbm>> -> memref<128xf32, #tpu.memory_space<hbm>>
      %dma_wait3A_2487 = arith.constant 640 : i32
      %dma_wait3A_2488 = tpu.memref_slice %arg4[%dma_wait3A_2487] : memref<1024xf32, #tpu.memory_space<vmem>> -> memref<128xf32, #tpu.memory_space<vmem>>
      %dma_wait3A_2489 = tpu.memref_slice %arg2[%add3A_14] : memref<32768xf32, #tpu.memory_space<hbm>> -> memref<128xf32, #tpu.memory_space<hbm>>
      tpu.wait_dma2 semaphore(%run_scoped3A : memref<!tpu.dma_semaphore, #tpu.memory_space<semaphore_mem>>) src(%dma_wait3A_2489 : memref<128xf32, #tpu.memory_space<hbm>>) dst(%dma_wait3A_2488 : memref<128xf32, #tpu.memory_space<vmem>>)
      tpu.yield
    }) : () -> ()
    %add3A_15 = arith.constant 24576 : i32
    %add3A_16 = arith.addi %add3A_15, %mul3A_2 : i32
    "tpu.region"() ({
      %run_scoped3A = tpu.sem_alloc : memref<!tpu.dma_semaphore, #tpu.memory_space<semaphore_mem>>
      %dma_start3A = arith.constant 768 : i32
      %dma_start3A_2480 = tpu.memref_slice %arg4[%dma_start3A] : memref<1024xf32, #tpu.memory_space<vmem>> -> memref<128xf32, #tpu.memory_space<vmem>>
      %dma_start3A_2481 = tpu.memref_slice %arg2[%add3A_16] : memref<32768xf32, #tpu.memory_space<hbm>> -> memref<128xf32, #tpu.memory_space<hbm>>
      %dma_start3A_2482 = arith.constant 768 : i32
      %dma_start3A_2483 = tpu.memref_slice %arg4[%dma_start3A_2482] : memref<1024xf32, #tpu.memory_space<vmem>> -> memref<128xf32, #tpu.memory_space<vmem>>
      %dma_start3A_2484 = tpu.memref_slice %arg2[%add3A_16] : memref<32768xf32, #tpu.memory_space<hbm>> -> memref<128xf32, #tpu.memory_space<hbm>>
      tpu.enqueue_dma source(%dma_start3A_2484 : memref<128xf32, #tpu.memory_space<hbm>>) target(%dma_start3A_2483 : memref<128xf32, #tpu.memory_space<vmem>>) target_semaphore(%run_scoped3A : memref<!tpu.dma_semaphore, #tpu.memory_space<semaphore_mem>>)
      %dma_wait3A = arith.constant 768 : i32
      %dma_wait3A_2485 = tpu.memref_slice %arg4[%dma_wait3A] : memref<1024xf32, #tpu.memory_space<vmem>> -> memref<128xf32, #tpu.memory_space<vmem>>
      %dma_wait3A_2486 = tpu.memref_slice %arg2[%add3A_16] : memref<32768xf32, #tpu.memory_space<hbm>> -> memref<128xf32, #tpu.memory_space<hbm>>
      %dma_wait3A_2487 = arith.constant 768 : i32
      %dma_wait3A_2488 = tpu.memref_slice %arg4[%dma_wait3A_2487] : memref<1024xf32, #tpu.memory_space<vmem>> -> memref<128xf32, #tpu.memory_space<vmem>>
      %dma_wait3A_2489 = tpu.memref_slice %arg2[%add3A_16] : memref<32768xf32, #tpu.memory_space<hbm>> -> memref<128xf32, #tpu.memory_space<hbm>>
      tpu.wait_dma2 semaphore(%run_scoped3A : memref<!tpu.dma_semaphore, #tpu.memory_space<semaphore_mem>>) src(%dma_wait3A_2489 : memref<128xf32, #tpu.memory_space<hbm>>) dst(%dma_wait3A_2488 : memref<128xf32, #tpu.memory_space<vmem>>)
      tpu.yield
    }) : () -> ()
    %add3A_17 = arith.constant 28672 : i32
    %add3A_18 = arith.addi %add3A_17, %mul3A_2 : i32
    "tpu.region"() ({
      %run_scoped3A = tpu.sem_alloc : memref<!tpu.dma_semaphore, #tpu.memory_space<semaphore_mem>>
      %dma_start3A = arith.constant 896 : i32
      %dma_start3A_2480 = tpu.memref_slice %arg4[%dma_start3A] : memref<1024xf32, #tpu.memory_space<vmem>> -> memref<128xf32, #tpu.memory_space<vmem>>
      %dma_start3A_2481 = tpu.memref_slice %arg2[%add3A_18] : memref<32768xf32, #tpu.memory_space<hbm>> -> memref<128xf32, #tpu.memory_space<hbm>>
      %dma_start3A_2482 = arith.constant 896 : i32
      %dma_start3A_2483 = tpu.memref_slice %arg4[%dma_start3A_2482] : memref<1024xf32, #tpu.memory_space<vmem>> -> memref<128xf32, #tpu.memory_space<vmem>>
      %dma_start3A_2484 = tpu.memref_slice %arg2[%add3A_18] : memref<32768xf32, #tpu.memory_space<hbm>> -> memref<128xf32, #tpu.memory_space<hbm>>
      tpu.enqueue_dma source(%dma_start3A_2484 : memref<128xf32, #tpu.memory_space<hbm>>) target(%dma_start3A_2483 : memref<128xf32, #tpu.memory_space<vmem>>) target_semaphore(%run_scoped3A : memref<!tpu.dma_semaphore, #tpu.memory_space<semaphore_mem>>)
      %dma_wait3A = arith.constant 896 : i32
      %dma_wait3A_2485 = tpu.memref_slice %arg4[%dma_wait3A] : memref<1024xf32, #tpu.memory_space<vmem>> -> memref<128xf32, #tpu.memory_space<vmem>>
      %dma_wait3A_2486 = tpu.memref_slice %arg2[%add3A_18] : memref<32768xf32, #tpu.memory_space<hbm>> -> memref<128xf32, #tpu.memory_space<hbm>>
      %dma_wait3A_2487 = arith.constant 896 : i32
      %dma_wait3A_2488 = tpu.memref_slice %arg4[%dma_wait3A_2487] : memref<1024xf32, #tpu.memory_space<vmem>> -> memref<128xf32, #tpu.memory_space<vmem>>
      %dma_wait3A_2489 = tpu.memref_slice %arg2[%add3A_18] : memref<32768xf32, #tpu.memory_space<hbm>> -> memref<128xf32, #tpu.memory_space<hbm>>
      tpu.wait_dma2 semaphore(%run_scoped3A : memref<!tpu.dma_semaphore, #tpu.memory_space<semaphore_mem>>) src(%dma_wait3A_2489 : memref<128xf32, #tpu.memory_space<hbm>>) dst(%dma_wait3A_2488 : memref<128xf32, #tpu.memory_space<vmem>>)
      tpu.yield
    }) : () -> ()
    %get3A = arith.constant 0 : index
    %get3A_19 = tpu.vector_load %arg4[%get3A] {strides = array<i32>} : memref<1024xf32, #tpu.memory_space<vmem>>, vector<16xf32>,
    %get3A_20 = vector.shape_cast %get3A_19 : vector<16xf32> to vector<16xf32>
    %get3A_21 = arith.constant 128 : index
    %get3A_22 = tpu.vector_load %arg4[%get3A_21] {strides = array<i32>} : memref<1024xf32, #tpu.memory_space<vmem>>, vector<16xf32>,
    %get3A_23 = vector.shape_cast %get3A_22 : vector<16xf32> to vector<16xf32>
    %get3A_24 = arith.constant 256 : index
    %get3A_25 = tpu.vector_load %arg4[%get3A_24] {strides = array<i32>} : memref<1024xf32, #tpu.memory_space<vmem>>, vector<16xf32>,
    %get3A_26 = vector.shape_cast %get3A_25 : vector<16xf32> to vector<16xf32>
    %get3A_27 = arith.constant 384 : index
    %get3A_28 = tpu.vector_load %arg4[%get3A_27] {strides = array<i32>} : memref<1024xf32, #tpu.memory_space<vmem>>, vector<16xf32>,
    %get3A_29 = vector.shape_cast %get3A_28 : vector<16xf32> to vector<16xf32>
    %get3A_30 = arith.constant 512 : index
    %get3A_31 = tpu.vector_load %arg4[%get3A_30] {strides = array<i32>} : memref<1024xf32, #tpu.memory_space<vmem>>, vector<16xf32>,
    %get3A_32 = vector.shape_cast %get3A_31 : vector<16xf32> to vector<16xf32>
    %get3A_33 = arith.constant 640 : index
    %get3A_34 = tpu.vector_load %arg4[%get3A_33] {strides = array<i32>} : memref<1024xf32, #tpu.memory_space<vmem>>, vector<16xf32>,
    %get3A_35 = vector.shape_cast %get3A_34 : vector<16xf32> to vector<16xf32>
    %get3A_36 = arith.constant 768 : index
    %get3A_37 = tpu.vector_load %arg4[%get3A_36] {strides = array<i32>} : memref<1024xf32, #tpu.memory_space<vmem>>, vector<16xf32>,
    %get3A_38 = vector.shape_cast %get3A_37 : vector<16xf32> to vector<16xf32>
    %get3A_39 = arith.constant 896 : index
    %get3A_40 = tpu.vector_load %arg4[%get3A_39] {strides = array<i32>} : memref<1024xf32, #tpu.memory_space<vmem>>, vector<16xf32>,
    %get3A_41 = vector.shape_cast %get3A_40 : vector<16xf32> to vector<16xf32>
    %max3A = arith.maximumf %get3A_20, %get3A_23 : vector<16xf32>
    %max3A_42 = arith.maximumf %max3A, %get3A_26 : vector<16xf32>
    %max3A_43 = arith.maximumf %max3A_42, %get3A_29 : vector<16xf32>
    %max3A_44 = arith.maximumf %max3A_43, %get3A_32 : vector<16xf32>
    %max3A_45 = arith.maximumf %max3A_44, %get3A_35 : vector<16xf32>
    %max3A_46 = arith.maximumf %max3A_45, %get3A_38 : vector<16xf32>
    %max3A_47 = arith.maximumf %max3A_46, %get3A_41 : vector<16xf32>
    %sub3A = arith.subf %get3A_20, %max3A_47 : vector<16xf32>
    %exp3A = math.exp %sub3A : vector<16xf32>
    %sub3A_48 = arith.subf %get3A_23, %max3A_47 : vector<16xf32>
    %exp3A_49 = math.exp %sub3A_48 : vector<16xf32>
    %sub3A_50 = arith.subf %get3A_26, %max3A_47 : vector<16xf32>
    %exp3A_51 = math.exp %sub3A_50 : vector<16xf32>
    %sub3A_52 = arith.subf %get3A_29, %max3A_47 : vector<16xf32>
    %exp3A_53 = math.exp %sub3A_52 : vector<16xf32>
    %sub3A_54 = arith.subf %get3A_32, %max3A_47 : vector<16xf32>
    %exp3A_55 = math.exp %sub3A_54 : vector<16xf32>
    %sub3A_56 = arith.subf %get3A_35, %max3A_47 : vector<16xf32>
    %exp3A_57 = math.exp %sub3A_56 : vector<16xf32>
    %sub3A_58 = arith.subf %get3A_38, %max3A_47 : vector<16xf32>
    %exp3A_59 = math.exp %sub3A_58 : vector<16xf32>
    %sub3A_60 = arith.subf %get3A_41, %max3A_47 : vector<16xf32>
    %exp3A_61 = math.exp %sub3A_60 : vector<16xf32>
    %max3A_62 = arith.maximumf %exp3A, %exp3A_49 : vector<16xf32>
    %max3A_63 = arith.maximumf %max3A_62, %exp3A_51 : vector<16xf32>
    %max3A_64 = arith.maximumf %max3A_63, %exp3A_53 : vector<16xf32>
    %max3A_65 = arith.maximumf %max3A_64, %exp3A_55 : vector<16xf32>
    %max3A_66 = arith.maximumf %max3A_65, %exp3A_57 : vector<16xf32>
    %max3A_67 = arith.maximumf %max3A_66, %exp3A_59 : vector<16xf32>
    %max3A_68 = arith.maximumf %max3A_67, %exp3A_61 : vector<16xf32>
    %broadcast_in_dim3A = arith.constant 0 : i32
    %broadcast_in_dim3A_69 = vector.broadcast %broadcast_in_dim3A : i32 to vector<16xi32>
    %eq3A = arith.cmpf oeq, %exp3A_61, %max3A_68 : vector<16xf32>
    %jit3A = arith.constant 7 : i32
    %broadcast_in_dim3A_70 = vector.broadcast %jit3A : i32 to vector<16xi32>
    %select_n3A = arith.select %eq3A, %broadcast_in_dim3A_70, %broadcast_in_dim3A_69 : vector<16xi1>, vector<16xi32>
    %eq3A_71 = arith.cmpf oeq, %exp3A_59, %max3A_68 : vector<16xf32>
    %jit3A_72 = arith.constant 6 : i32
    %broadcast_in_dim3A_73 = vector.broadcast %jit3A_72 : i32 to vector<16xi32>
    %select_n3A_74 = arith.select %eq3A_71, %broadcast_in_dim3A_73, %select_n3A : vector<16xi1>, vector<16xi32>
    %eq3A_75 = arith.cmpf oeq, %exp3A_57, %max3A_68 : vector<16xf32>
    %jit3A_76 = arith.constant 5 : i32
    %broadcast_in_dim3A_77 = vector.broadcast %jit3A_76 : i32 to vector<16xi32>
    %select_n3A_78 = arith.select %eq3A_75, %broadcast_in_dim3A_77, %select_n3A_74 : vector<16xi1>, vector<16xi32>
    %eq3A_79 = arith.cmpf oeq, %exp3A_55, %max3A_68 : vector<16xf32>
    %jit3A_80 = arith.constant 4 : i32
    %broadcast_in_dim3A_81 = vector.broadcast %jit3A_80 : i32 to vector<16xi32>
    %select_n3A_82 = arith.select %eq3A_79, %broadcast_in_dim3A_81, %select_n3A_78 : vector<16xi1>, vector<16xi32>
    %eq3A_83 = arith.cmpf oeq, %exp3A_53, %max3A_68 : vector<16xf32>
    %jit3A_84 = arith.constant 3 : i32
    %broadcast_in_dim3A_85 = vector.broadcast %jit3A_84 : i32 to vector<16xi32>
    %select_n3A_86 = arith.select %eq3A_83, %broadcast_in_dim3A_85, %select_n3A_82 : vector<16xi1>, vector<16xi32>
    %eq3A_87 = arith.cmpf oeq, %exp3A_51, %max3A_68 : vector<16xf32>
    %jit3A_88 = arith.constant 2 : i32
    %broadcast_in_dim3A_89 = vector.broadcast %jit3A_88 : i32 to vector<16xi32>
    %select_n3A_90 = arith.select %eq3A_87, %broadcast_in_dim3A_89, %select_n3A_86 : vector<16xi1>, vector<16xi32>
    %eq3A_91 = arith.cmpf oeq, %exp3A_49, %max3A_68 : vector<16xf32>
    %jit3A_92 = arith.constant 1 : i32
    %broadcast_in_dim3A_93 = vector.broadcast %jit3A_92 : i32 to vector<16xi32>
    %select_n3A_94 = arith.select %eq3A_91, %broadcast_in_dim3A_93, %select_n3A_90 : vector<16xi1>, vector<16xi32>
    %eq3A_95 = arith.cmpf oeq, %exp3A, %max3A_68 : vector<16xf32>
    %jit3A_96 = arith.constant 0 : i32
    %broadcast_in_dim3A_97 = vector.broadcast %jit3A_96 : i32 to vector<16xi32>
    %select_n3A_98 = arith.select %eq3A_95, %broadcast_in_dim3A_97, %select_n3A_94 : vector<16xi1>, vector<16xi32>
    %eq3A_99 = arith.constant 0 : i32
    %eq3A_100 = vector.broadcast %eq3A_99 : i32 to vector<16xi32>
    %eq3A_101 = arith.cmpi eq, %select_n3A_98, %eq3A_100 : vector<16xi32>
    %jit3A_102 = arith.constant -1.000000e+00 : f32
    %broadcast_in_dim3A_103 = vector.broadcast %jit3A_102 : f32 to vector<16xf32>
    %select_n3A_104 = arith.select %eq3A_101, %broadcast_in_dim3A_103, %exp3A : vector<16xi1>, vector<16xf32>
    %eq3A_105 = arith.constant 1 : i32
    %eq3A_106 = vector.broadcast %eq3A_105 : i32 to vector<16xi32>
    %eq3A_107 = arith.cmpi eq, %select_n3A_98, %eq3A_106 : vector<16xi32>
    %jit3A_108 = arith.constant -1.000000e+00 : f32
    %broadcast_in_dim3A_109 = vector.broadcast %jit3A_108 : f32 to vector<16xf32>
    %select_n3A_110 = arith.select %eq3A_107, %broadcast_in_dim3A_109, %exp3A_49 : vector<16xi1>, vector<16xf32>
    %eq3A_111 = arith.constant 2 : i32
    %eq3A_112 = vector.broadcast %eq3A_111 : i32 to vector<16xi32>
    %eq3A_113 = arith.cmpi eq, %select_n3A_98, %eq3A_112 : vector<16xi32>
    %jit3A_114 = arith.constant -1.000000e+00 : f32
    %broadcast_in_dim3A_115 = vector.broadcast %jit3A_114 : f32 to vector<16xf32>
    %select_n3A_116 = arith.select %eq3A_113, %broadcast_in_dim3A_115, %exp3A_51 : vector<16xi1>, vector<16xf32>
    %eq3A_117 = arith.constant 3 : i32
    %eq3A_118 = vector.broadcast %eq3A_117 : i32 to vector<16xi32>
    %eq3A_119 = arith.cmpi eq, %select_n3A_98, %eq3A_118 : vector<16xi32>
    %jit3A_120 = arith.constant -1.000000e+00 : f32
    %broadcast_in_dim3A_121 = vector.broadcast %jit3A_120 : f32 to vector<16xf32>
    %select_n3A_122 = arith.select %eq3A_119, %broadcast_in_dim3A_121, %exp3A_53 : vector<16xi1>, vector<16xf32>
    %eq3A_123 = arith.constant 4 : i32
    %eq3A_124 = vector.broadcast %eq3A_123 : i32 to vector<16xi32>
    %eq3A_125 = arith.cmpi eq, %select_n3A_98, %eq3A_124 : vector<16xi32>
    %jit3A_126 = arith.constant -1.000000e+00 : f32
    %broadcast_in_dim3A_127 = vector.broadcast %jit3A_126 : f32 to vector<16xf32>
    %select_n3A_128 = arith.select %eq3A_125, %broadcast_in_dim3A_127, %exp3A_55 : vector<16xi1>, vector<16xf32>
    %eq3A_129 = arith.constant 5 : i32
    %eq3A_130 = vector.broadcast %eq3A_129 : i32 to vector<16xi32>
    %eq3A_131 = arith.cmpi eq, %select_n3A_98, %eq3A_130 : vector<16xi32>
    %jit3A_132 = arith.constant -1.000000e+00 : f32
    %broadcast_in_dim3A_133 = vector.broadcast %jit3A_132 : f32 to vector<16xf32>
    %select_n3A_134 = arith.select %eq3A_131, %broadcast_in_dim3A_133, %exp3A_57 : vector<16xi1>, vector<16xf32>
    %eq3A_135 = arith.constant 6 : i32
    %eq3A_136 = vector.broadcast %eq3A_135 : i32 to vector<16xi32>
    %eq3A_137 = arith.cmpi eq, %select_n3A_98, %eq3A_136 : vector<16xi32>
    %jit3A_138 = arith.constant -1.000000e+00 : f32
    %broadcast_in_dim3A_139 = vector.broadcast %jit3A_138 : f32 to vector<16xf32>
    %select_n3A_140 = arith.select %eq3A_137, %broadcast_in_dim3A_139, %exp3A_59 : vector<16xi1>, vector<16xf32>
    %eq3A_141 = arith.constant 7 : i32
    %eq3A_142 = vector.broadcast %eq3A_141 : i32 to vector<16xi32>
    %eq3A_143 = arith.cmpi eq, %select_n3A_98, %eq3A_142 : vector<16xi32>
    %jit3A_144 = arith.constant -1.000000e+00 : f32
    %broadcast_in_dim3A_145 = vector.broadcast %jit3A_144 : f32 to vector<16xf32>
    %select_n3A_146 = arith.select %eq3A_143, %broadcast_in_dim3A_145, %exp3A_61 : vector<16xi1>, vector<16xf32>
    %max3A_147 = arith.maximumf %select_n3A_104, %select_n3A_110 : vector<16xf32>
    %max3A_148 = arith.maximumf %max3A_147, %select_n3A_116 : vector<16xf32>
    %max3A_149 = arith.maximumf %max3A_148, %select_n3A_122 : vector<16xf32>
    %max3A_150 = arith.maximumf %max3A_149, %select_n3A_128 : vector<16xf32>
    %max3A_151 = arith.maximumf %max3A_150, %select_n3A_134 : vector<16xf32>
    %max3A_152 = arith.maximumf %max3A_151, %select_n3A_140 : vector<16xf32>
    %max3A_153 = arith.maximumf %max3A_152, %select_n3A_146 : vector<16xf32>
    %broadcast_in_dim3A_154 = arith.constant 0 : i32
    %broadcast_in_dim3A_155 = vector.broadcast %broadcast_in_dim3A_154 : i32 to vector<16xi32>
    %eq3A_156 = arith.cmpf oeq, %select_n3A_146, %max3A_153 : vector<16xf32>
    %jit3A_157 = arith.constant 7 : i32
    %broadcast_in_dim3A_158 = vector.broadcast %jit3A_157 : i32 to vector<16xi32>
    %select_n3A_159 = arith.select %eq3A_156, %broadcast_in_dim3A_158, %broadcast_in_dim3A_155 : vector<16xi1>, vector<16xi32>
    %eq3A_160 = arith.cmpf oeq, %select_n3A_140, %max3A_153 : vector<16xf32>
    %jit3A_161 = arith.constant 6 : i32
    %broadcast_in_dim3A_162 = vector.broadcast %jit3A_161 : i32 to vector<16xi32>
    %select_n3A_163 = arith.select %eq3A_160, %broadcast_in_dim3A_162, %select_n3A_159 : vector<16xi1>, vector<16xi32>
    %eq3A_164 = arith.cmpf oeq, %select_n3A_134, %max3A_153 : vector<16xf32>
    %jit3A_165 = arith.constant 5 : i32
    %broadcast_in_dim3A_166 = vector.broadcast %jit3A_165 : i32 to vector<16xi32>
    %select_n3A_167 = arith.select %eq3A_164, %broadcast_in_dim3A_166, %select_n3A_163 : vector<16xi1>, vector<16xi32>
    %eq3A_168 = arith.cmpf oeq, %select_n3A_128, %max3A_153 : vector<16xf32>
    %jit3A_169 = arith.constant 4 : i32
    %broadcast_in_dim3A_170 = vector.broadcast %jit3A_169 : i32 to vector<16xi32>
    %select_n3A_171 = arith.select %eq3A_168, %broadcast_in_dim3A_170, %select_n3A_167 : vector<16xi1>, vector<16xi32>
    %eq3A_172 = arith.cmpf oeq, %select_n3A_122, %max3A_153 : vector<16xf32>
    %jit3A_173 = arith.constant 3 : i32
    %broadcast_in_dim3A_174 = vector.broadcast %jit3A_173 : i32 to vector<16xi32>
    %select_n3A_175 = arith.select %eq3A_172, %broadcast_in_dim3A_174, %select_n3A_171 : vector<16xi1>, vector<16xi32>
    %eq3A_176 = arith.cmpf oeq, %select_n3A_116, %max3A_153 : vector<16xf32>
    %jit3A_177 = arith.constant 2 : i32
    %broadcast_in_dim3A_178 = vector.broadcast %jit3A_177 : i32 to vector<16xi32>
    %select_n3A_179 = arith.select %eq3A_176, %broadcast_in_dim3A_178, %select_n3A_175 : vector<16xi1>, vector<16xi32>
    %eq3A_180 = arith.cmpf oeq, %select_n3A_110, %max3A_153 : vector<16xf32>
    %jit3A_181 = arith.constant 1 : i32
    %broadcast_in_dim3A_182 = vector.broadcast %jit3A_181 : i32 to vector<16xi32>
    %select_n3A_183 = arith.select %eq3A_180, %broadcast_in_dim3A_182, %select_n3A_179 : vector<16xi1>, vector<16xi32>
    %eq3A_184 = arith.cmpf oeq, %select_n3A_104, %max3A_153 : vector<16xf32>
    %jit3A_185 = arith.constant 0 : i32
    %broadcast_in_dim3A_186 = vector.broadcast %jit3A_185 : i32 to vector<16xi32>
    %select_n3A_187 = arith.select %eq3A_184, %broadcast_in_dim3A_186, %select_n3A_183 : vector<16xi1>, vector<16xi32>
    %eq3A_188 = arith.constant 0 : i32
    %eq3A_189 = vector.broadcast %eq3A_188 : i32 to vector<16xi32>
    %eq3A_190 = arith.cmpi eq, %select_n3A_98, %eq3A_189 : vector<16xi32>
    %eq3A_191 = arith.constant 0 : i32
    %eq3A_192 = vector.broadcast %eq3A_191 : i32 to vector<16xi32>
    %eq3A_193 = arith.cmpi eq, %select_n3A_187, %eq3A_192 : vector<16xi32>
    %or3A = arith.ori %eq3A_190, %eq3A_193 : vector<16xi1>
    %jit3A_194 = arith.constant 0.000000e+00 : f32
    %broadcast_in_dim3A_195 = vector.broadcast %jit3A_194 : f32 to vector<16xf32>
    %select_n3A_196 = arith.select %or3A, %exp3A, %broadcast_in_dim3A_195 : vector<16xi1>, vector<16xf32>
    %eq3A_197 = arith.constant 1 : i32
    %eq3A_198 = vector.broadcast %eq3A_197 : i32 to vector<16xi32>
    %eq3A_199 = arith.cmpi eq, %select_n3A_98, %eq3A_198 : vector<16xi32>
    %eq3A_200 = arith.constant 1 : i32
    %eq3A_201 = vector.broadcast %eq3A_200 : i32 to vector<16xi32>
    %eq3A_202 = arith.cmpi eq, %select_n3A_187, %eq3A_201 : vector<16xi32>
    %or3A_203 = arith.ori %eq3A_199, %eq3A_202 : vector<16xi1>
    %jit3A_204 = arith.constant 0.000000e+00 : f32
    %broadcast_in_dim3A_205 = vector.broadcast %jit3A_204 : f32 to vector<16xf32>
    %select_n3A_206 = arith.select %or3A_203, %exp3A_49, %broadcast_in_dim3A_205 : vector<16xi1>, vector<16xf32>
    %eq3A_207 = arith.constant 2 : i32
    %eq3A_208 = vector.broadcast %eq3A_207 : i32 to vector<16xi32>
    %eq3A_209 = arith.cmpi eq, %select_n3A_98, %eq3A_208 : vector<16xi32>
    %eq3A_210 = arith.constant 2 : i32
    %eq3A_211 = vector.broadcast %eq3A_210 : i32 to vector<16xi32>
    %eq3A_212 = arith.cmpi eq, %select_n3A_187, %eq3A_211 : vector<16xi32>
    %or3A_213 = arith.ori %eq3A_209, %eq3A_212 : vector<16xi1>
    %jit3A_214 = arith.constant 0.000000e+00 : f32
    %broadcast_in_dim3A_215 = vector.broadcast %jit3A_214 : f32 to vector<16xf32>
    %select_n3A_216 = arith.select %or3A_213, %exp3A_51, %broadcast_in_dim3A_215 : vector<16xi1>, vector<16xf32>
    %eq3A_217 = arith.constant 3 : i32
    %eq3A_218 = vector.broadcast %eq3A_217 : i32 to vector<16xi32>
    %eq3A_219 = arith.cmpi eq, %select_n3A_98, %eq3A_218 : vector<16xi32>
    %eq3A_220 = arith.constant 3 : i32
    %eq3A_221 = vector.broadcast %eq3A_220 : i32 to vector<16xi32>
    %eq3A_222 = arith.cmpi eq, %select_n3A_187, %eq3A_221 : vector<16xi32>
    %or3A_223 = arith.ori %eq3A_219, %eq3A_222 : vector<16xi1>
    %jit3A_224 = arith.constant 0.000000e+00 : f32
    %broadcast_in_dim3A_225 = vector.broadcast %jit3A_224 : f32 to vector<16xf32>
    %select_n3A_226 = arith.select %or3A_223, %exp3A_53, %broadcast_in_dim3A_225 : vector<16xi1>, vector<16xf32>
    %eq3A_227 = arith.constant 4 : i32
    %eq3A_228 = vector.broadcast %eq3A_227 : i32 to vector<16xi32>
    %eq3A_229 = arith.cmpi eq, %select_n3A_98, %eq3A_228 : vector<16xi32>
    %eq3A_230 = arith.constant 4 : i32
    %eq3A_231 = vector.broadcast %eq3A_230 : i32 to vector<16xi32>
    %eq3A_232 = arith.cmpi eq, %select_n3A_187, %eq3A_231 : vector<16xi32>
    %or3A_233 = arith.ori %eq3A_229, %eq3A_232 : vector<16xi1>
    %jit3A_234 = arith.constant 0.000000e+00 : f32
    %broadcast_in_dim3A_235 = vector.broadcast %jit3A_234 : f32 to vector<16xf32>
    %select_n3A_236 = arith.select %or3A_233, %exp3A_55, %broadcast_in_dim3A_235 : vector<16xi1>, vector<16xf32>
    %eq3A_237 = arith.constant 5 : i32
    %eq3A_238 = vector.broadcast %eq3A_237 : i32 to vector<16xi32>
    %eq3A_239 = arith.cmpi eq, %select_n3A_98, %eq3A_238 : vector<16xi32>
    %eq3A_240 = arith.constant 5 : i32
    %eq3A_241 = vector.broadcast %eq3A_240 : i32 to vector<16xi32>
    %eq3A_242 = arith.cmpi eq, %select_n3A_187, %eq3A_241 : vector<16xi32>
    %or3A_243 = arith.ori %eq3A_239, %eq3A_242 : vector<16xi1>
    %jit3A_244 = arith.constant 0.000000e+00 : f32
    %broadcast_in_dim3A_245 = vector.broadcast %jit3A_244 : f32 to vector<16xf32>
    %select_n3A_246 = arith.select %or3A_243, %exp3A_57, %broadcast_in_dim3A_245 : vector<16xi1>, vector<16xf32>
    %eq3A_247 = arith.constant 6 : i32
    %eq3A_248 = vector.broadcast %eq3A_247 : i32 to vector<16xi32>
    %eq3A_249 = arith.cmpi eq, %select_n3A_98, %eq3A_248 : vector<16xi32>
    %eq3A_250 = arith.constant 6 : i32
    %eq3A_251 = vector.broadcast %eq3A_250 : i32 to vector<16xi32>
    %eq3A_252 = arith.cmpi eq, %select_n3A_187, %eq3A_251 : vector<16xi32>
    %or3A_253 = arith.ori %eq3A_249, %eq3A_252 : vector<16xi1>
    %jit3A_254 = arith.constant 0.000000e+00 : f32
    %broadcast_in_dim3A_255 = vector.broadcast %jit3A_254 : f32 to vector<16xf32>
    %select_n3A_256 = arith.select %or3A_253, %exp3A_59, %broadcast_in_dim3A_255 : vector<16xi1>, vector<16xf32>
    %eq3A_257 = arith.constant 7 : i32
    %eq3A_258 = vector.broadcast %eq3A_257 : i32 to vector<16xi32>
    %eq3A_259 = arith.cmpi eq, %select_n3A_98, %eq3A_258 : vector<16xi32>
    %eq3A_260 = arith.constant 7 : i32
    %eq3A_261 = vector.broadcast %eq3A_260 : i32 to vector<16xi32>
    %eq3A_262 = arith.cmpi eq, %select_n3A_187, %eq3A_261 : vector<16xi32>
    %or3A_263 = arith.ori %eq3A_259, %eq3A_262 : vector<16xi1>
    %jit3A_264 = arith.constant 0.000000e+00 : f32
    %broadcast_in_dim3A_265 = vector.broadcast %jit3A_264 : f32 to vector<16xf32>
    %select_n3A_266 = arith.select %or3A_263, %exp3A_61, %broadcast_in_dim3A_265 : vector<16xi1>, vector<16xf32>
    %add3A_267 = arith.addf %select_n3A_196, %select_n3A_206 : vector<16xf32>
    %add3A_268 = arith.addf %add3A_267, %select_n3A_216 : vector<16xf32>
    %add3A_269 = arith.addf %add3A_268, %select_n3A_226 : vector<16xf32>
    %add3A_270 = arith.addf %add3A_269, %select_n3A_236 : vector<16xf32>
    %add3A_271 = arith.addf %add3A_270, %select_n3A_246 : vector<16xf32>
    %add3A_272 = arith.addf %add3A_271, %select_n3A_256 : vector<16xf32>
    %add3A_273 = arith.addf %add3A_272, %select_n3A_266 : vector<16xf32>
    %div3A = arith.constant 1.000000e+00 : f32
    %div3A_274 = vector.broadcast %div3A : f32 to vector<16xf32>
    %div3A_275 = arith.divf %div3A_274, %add3A_273 : vector<16xf32>
    %mul3A_276 = arith.mulf %select_n3A_196, %div3A_275 : vector<16xf32>
    %swap3A = arith.constant 0 : index
    %swap3A_277 = tpu.vector_load %arg5[%swap3A] {strides = array<i32>} : memref<1024xf32, #tpu.memory_space<vmem>>, vector<16xf32>,
    %swap3A_278 = vector.shape_cast %swap3A_277 : vector<16xf32> to vector<16xf32>
    %swap3A_279 = vector.shape_cast %mul3A_276 : vector<16xf32> to vector<16xf32>
    tpu.vector_store %arg5[%swap3A], %swap3A_279 {strides = array<i32>} : memref<1024xf32, #tpu.memory_space<vmem>>, vector<16xf32>,
    %mul3A_280 = arith.mulf %select_n3A_206, %div3A_275 : vector<16xf32>
    %swap3A_281 = arith.constant 128 : index
    %swap3A_282 = tpu.vector_load %arg5[%swap3A_281] {strides = array<i32>} : memref<1024xf32, #tpu.memory_space<vmem>>, vector<16xf32>,
    %swap3A_283 = vector.shape_cast %swap3A_282 : vector<16xf32> to vector<16xf32>
    %swap3A_284 = vector.shape_cast %mul3A_280 : vector<16xf32> to vector<16xf32>
    tpu.vector_store %arg5[%swap3A_281], %swap3A_284 {strides = array<i32>} : memref<1024xf32, #tpu.memory_space<vmem>>, vector<16xf32>,
    %mul3A_285 = arith.mulf %select_n3A_216, %div3A_275 : vector<16xf32>
    %swap3A_286 = arith.constant 256 : index
    %swap3A_287 = tpu.vector_load %arg5[%swap3A_286] {strides = array<i32>} : memref<1024xf32, #tpu.memory_space<vmem>>, vector<16xf32>,
    %swap3A_288 = vector.shape_cast %swap3A_287 : vector<16xf32> to vector<16xf32>
    %swap3A_289 = vector.shape_cast %mul3A_285 : vector<16xf32> to vector<16xf32>
    tpu.vector_store %arg5[%swap3A_286], %swap3A_289 {strides = array<i32>} : memref<1024xf32, #tpu.memory_space<vmem>>, vector<16xf32>,
    %mul3A_290 = arith.mulf %select_n3A_226, %div3A_275 : vector<16xf32>
    %swap3A_291 = arith.constant 384 : index
    %swap3A_292 = tpu.vector_load %arg5[%swap3A_291] {strides = array<i32>} : memref<1024xf32, #tpu.memory_space<vmem>>, vector<16xf32>,
    %swap3A_293 = vector.shape_cast %swap3A_292 : vector<16xf32> to vector<16xf32>
    %swap3A_294 = vector.shape_cast %mul3A_290 : vector<16xf32> to vector<16xf32>
    tpu.vector_store %arg5[%swap3A_291], %swap3A_294 {strides = array<i32>} : memref<1024xf32, #tpu.memory_space<vmem>>, vector<16xf32>,
    %mul3A_295 = arith.mulf %select_n3A_236, %div3A_275 : vector<16xf32>
    %swap3A_296 = arith.constant 512 : index
    %swap3A_297 = tpu.vector_load %arg5[%swap3A_296] {strides = array<i32>} : memref<1024xf32, #tpu.memory_space<vmem>>, vector<16xf32>,
    %swap3A_298 = vector.shape_cast %swap3A_297 : vector<16xf32> to vector<16xf32>
    %swap3A_299 = vector.shape_cast %mul3A_295 : vector<16xf32> to vector<16xf32>
    tpu.vector_store %arg5[%swap3A_296], %swap3A_299 {strides = array<i32>} : memref<1024xf32, #tpu.memory_space<vmem>>, vector<16xf32>,
    %mul3A_300 = arith.mulf %select_n3A_246, %div3A_275 : vector<16xf32>
    %swap3A_301 = arith.constant 640 : index
    %swap3A_302 = tpu.vector_load %arg5[%swap3A_301] {strides = array<i32>} : memref<1024xf32, #tpu.memory_space<vmem>>, vector<16xf32>,
    %swap3A_303 = vector.shape_cast %swap3A_302 : vector<16xf32> to vector<16xf32>
    %swap3A_304 = vector.shape_cast %mul3A_300 : vector<16xf32> to vector<16xf32>
    tpu.vector_store %arg5[%swap3A_301], %swap3A_304 {strides = array<i32>} : memref<1024xf32, #tpu.memory_space<vmem>>, vector<16xf32>,
    %mul3A_305 = arith.mulf %select_n3A_256, %div3A_275 : vector<16xf32>
    %swap3A_306 = arith.constant 768 : index
    %swap3A_307 = tpu.vector_load %arg5[%swap3A_306] {strides = array<i32>} : memref<1024xf32, #tpu.memory_space<vmem>>, vector<16xf32>,
    %swap3A_308 = vector.shape_cast %swap3A_307 : vector<16xf32> to vector<16xf32>
    %swap3A_309 = vector.shape_cast %mul3A_305 : vector<16xf32> to vector<16xf32>
    tpu.vector_store %arg5[%swap3A_306], %swap3A_309 {strides = array<i32>} : memref<1024xf32, #tpu.memory_space<vmem>>, vector<16xf32>,
    %mul3A_310 = arith.mulf %select_n3A_266, %div3A_275 : vector<16xf32>
    %swap3A_311 = arith.constant 896 : index
    %swap3A_312 = tpu.vector_load %arg5[%swap3A_311] {strides = array<i32>} : memref<1024xf32, #tpu.memory_space<vmem>>, vector<16xf32>,
    %swap3A_313 = vector.shape_cast %swap3A_312 : vector<16xf32> to vector<16xf32>
    %swap3A_314 = vector.shape_cast %mul3A_310 : vector<16xf32> to vector<16xf32>
    tpu.vector_store %arg5[%swap3A_311], %swap3A_314 {strides = array<i32>} : memref<1024xf32, #tpu.memory_space<vmem>>, vector<16xf32>,
    %get3A_315 = arith.constant 16 : index
    %get3A_316 = tpu.vector_load %arg4[%get3A_315] {strides = array<i32>} : memref<1024xf32, #tpu.memory_space<vmem>>, vector<16xf32>,
    %get3A_317 = vector.shape_cast %get3A_316 : vector<16xf32> to vector<16xf32>
    %get3A_318 = arith.constant 144 : index
    %get3A_319 = tpu.vector_load %arg4[%get3A_318] {strides = array<i32>} : memref<1024xf32, #tpu.memory_space<vmem>>, vector<16xf32>,
    %get3A_320 = vector.shape_cast %get3A_319 : vector<16xf32> to vector<16xf32>
    %get3A_321 = arith.constant 272 : index
    %get3A_322 = tpu.vector_load %arg4[%get3A_321] {strides = array<i32>} : memref<1024xf32, #tpu.memory_space<vmem>>, vector<16xf32>,
    %get3A_323 = vector.shape_cast %get3A_322 : vector<16xf32> to vector<16xf32>
    %get3A_324 = arith.constant 400 : index
    %get3A_325 = tpu.vector_load %arg4[%get3A_324] {strides = array<i32>} : memref<1024xf32, #tpu.memory_space<vmem>>, vector<16xf32>,
    %get3A_326 = vector.shape_cast %get3A_325 : vector<16xf32> to vector<16xf32>
    %get3A_327 = arith.constant 528 : index
    %get3A_328 = tpu.vector_load %arg4[%get3A_327] {strides = array<i32>} : memref<1024xf32, #tpu.memory_space<vmem>>, vector<16xf32>,
    %get3A_329 = vector.shape_cast %get3A_328 : vector<16xf32> to vector<16xf32>
    %get3A_330 = arith.constant 656 : index
    %get3A_331 = tpu.vector_load %arg4[%get3A_330] {strides = array<i32>} : memref<1024xf32, #tpu.memory_space<vmem>>, vector<16xf32>,
    %get3A_332 = vector.shape_cast %get3A_331 : vector<16xf32> to vector<16xf32>
    %get3A_333 = arith.constant 784 : index
    %get3A_334 = tpu.vector_load %arg4[%get3A_333] {strides = array<i32>} : memref<1024xf32, #tpu.memory_space<vmem>>, vector<16xf32>,
    %get3A_335 = vector.shape_cast %get3A_334 : vector<16xf32> to vector<16xf32>
    %get3A_336 = arith.constant 912 : index
    %get3A_337 = tpu.vector_load %arg4[%get3A_336] {strides = array<i32>} : memref<1024xf32, #tpu.memory_space<vmem>>, vector<16xf32>,
    %get3A_338 = vector.shape_cast %get3A_337 : vector<16xf32> to vector<16xf32>
    %max3A_339 = arith.maximumf %get3A_317, %get3A_320 : vector<16xf32>
    %max3A_340 = arith.maximumf %max3A_339, %get3A_323 : vector<16xf32>
    %max3A_341 = arith.maximumf %max3A_340, %get3A_326 : vector<16xf32>
    %max3A_342 = arith.maximumf %max3A_341, %get3A_329 : vector<16xf32>
    %max3A_343 = arith.maximumf %max3A_342, %get3A_332 : vector<16xf32>
    %max3A_344 = arith.maximumf %max3A_343, %get3A_335 : vector<16xf32>
    %max3A_345 = arith.maximumf %max3A_344, %get3A_338 : vector<16xf32>
    %sub3A_346 = arith.subf %get3A_317, %max3A_345 : vector<16xf32>
    %exp3A_347 = math.exp %sub3A_346 : vector<16xf32>
    %sub3A_348 = arith.subf %get3A_320, %max3A_345 : vector<16xf32>
    %exp3A_349 = math.exp %sub3A_348 : vector<16xf32>
    %sub3A_350 = arith.subf %get3A_323, %max3A_345 : vector<16xf32>
    %exp3A_351 = math.exp %sub3A_350 : vector<16xf32>
    %sub3A_352 = arith.subf %get3A_326, %max3A_345 : vector<16xf32>
    %exp3A_353 = math.exp %sub3A_352 : vector<16xf32>
    %sub3A_354 = arith.subf %get3A_329, %max3A_345 : vector<16xf32>
    %exp3A_355 = math.exp %sub3A_354 : vector<16xf32>
    %sub3A_356 = arith.subf %get3A_332, %max3A_345 : vector<16xf32>
    %exp3A_357 = math.exp %sub3A_356 : vector<16xf32>
    %sub3A_358 = arith.subf %get3A_335, %max3A_345 : vector<16xf32>
    %exp3A_359 = math.exp %sub3A_358 : vector<16xf32>
    %sub3A_360 = arith.subf %get3A_338, %max3A_345 : vector<16xf32>
    %exp3A_361 = math.exp %sub3A_360 : vector<16xf32>
    %max3A_362 = arith.maximumf %exp3A_347, %exp3A_349 : vector<16xf32>
    %max3A_363 = arith.maximumf %max3A_362, %exp3A_351 : vector<16xf32>
    %max3A_364 = arith.maximumf %max3A_363, %exp3A_353 : vector<16xf32>
    %max3A_365 = arith.maximumf %max3A_364, %exp3A_355 : vector<16xf32>
    %max3A_366 = arith.maximumf %max3A_365, %exp3A_357 : vector<16xf32>
    %max3A_367 = arith.maximumf %max3A_366, %exp3A_359 : vector<16xf32>
    %max3A_368 = arith.maximumf %max3A_367, %exp3A_361 : vector<16xf32>
    %broadcast_in_dim3A_369 = arith.constant 0 : i32
    %broadcast_in_dim3A_370 = vector.broadcast %broadcast_in_dim3A_369 : i32 to vector<16xi32>
    %eq3A_371 = arith.cmpf oeq, %exp3A_361, %max3A_368 : vector<16xf32>
    %jit3A_372 = arith.constant 7 : i32
    %broadcast_in_dim3A_373 = vector.broadcast %jit3A_372 : i32 to vector<16xi32>
    %select_n3A_374 = arith.select %eq3A_371, %broadcast_in_dim3A_373, %broadcast_in_dim3A_370 : vector<16xi1>, vector<16xi32>
    %eq3A_375 = arith.cmpf oeq, %exp3A_359, %max3A_368 : vector<16xf32>
    %jit3A_376 = arith.constant 6 : i32
    %broadcast_in_dim3A_377 = vector.broadcast %jit3A_376 : i32 to vector<16xi32>
    %select_n3A_378 = arith.select %eq3A_375, %broadcast_in_dim3A_377, %select_n3A_374 : vector<16xi1>, vector<16xi32>
    %eq3A_379 = arith.cmpf oeq, %exp3A_357, %max3A_368 : vector<16xf32>
    %jit3A_380 = arith.constant 5 : i32
    %broadcast_in_dim3A_381 = vector.broadcast %jit3A_380 : i32 to vector<16xi32>
    %select_n3A_382 = arith.select %eq3A_379, %broadcast_in_dim3A_381, %select_n3A_378 : vector<16xi1>, vector<16xi32>
    %eq3A_383 = arith.cmpf oeq, %exp3A_355, %max3A_368 : vector<16xf32>
    %jit3A_384 = arith.constant 4 : i32
    %broadcast_in_dim3A_385 = vector.broadcast %jit3A_384 : i32 to vector<16xi32>
    %select_n3A_386 = arith.select %eq3A_383, %broadcast_in_dim3A_385, %select_n3A_382 : vector<16xi1>, vector<16xi32>
    %eq3A_387 = arith.cmpf oeq, %exp3A_353, %max3A_368 : vector<16xf32>
    %jit3A_388 = arith.constant 3 : i32
    %broadcast_in_dim3A_389 = vector.broadcast %jit3A_388 : i32 to vector<16xi32>
    %select_n3A_390 = arith.select %eq3A_387, %broadcast_in_dim3A_389, %select_n3A_386 : vector<16xi1>, vector<16xi32>
    %eq3A_391 = arith.cmpf oeq, %exp3A_351, %max3A_368 : vector<16xf32>
    %jit3A_392 = arith.constant 2 : i32
    %broadcast_in_dim3A_393 = vector.broadcast %jit3A_392 : i32 to vector<16xi32>
    %select_n3A_394 = arith.select %eq3A_391, %broadcast_in_dim3A_393, %select_n3A_390 : vector<16xi1>, vector<16xi32>
    %eq3A_395 = arith.cmpf oeq, %exp3A_349, %max3A_368 : vector<16xf32>
    %jit3A_396 = arith.constant 1 : i32
    %broadcast_in_dim3A_397 = vector.broadcast %jit3A_396 : i32 to vector<16xi32>
    %select_n3A_398 = arith.select %eq3A_395, %broadcast_in_dim3A_397, %select_n3A_394 : vector<16xi1>, vector<16xi32>
    %eq3A_399 = arith.cmpf oeq, %exp3A_347, %max3A_368 : vector<16xf32>
    %jit3A_400 = arith.constant 0 : i32
    %broadcast_in_dim3A_401 = vector.broadcast %jit3A_400 : i32 to vector<16xi32>
    %select_n3A_402 = arith.select %eq3A_399, %broadcast_in_dim3A_401, %select_n3A_398 : vector<16xi1>, vector<16xi32>
    %eq3A_403 = arith.constant 0 : i32
    %eq3A_404 = vector.broadcast %eq3A_403 : i32 to vector<16xi32>
    %eq3A_405 = arith.cmpi eq, %select_n3A_402, %eq3A_404 : vector<16xi32>
    %jit3A_406 = arith.constant -1.000000e+00 : f32
    %broadcast_in_dim3A_407 = vector.broadcast %jit3A_406 : f32 to vector<16xf32>
    %select_n3A_408 = arith.select %eq3A_405, %broadcast_in_dim3A_407, %exp3A_347 : vector<16xi1>, vector<16xf32>
    %eq3A_409 = arith.constant 1 : i32
    %eq3A_410 = vector.broadcast %eq3A_409 : i32 to vector<16xi32>
    %eq3A_411 = arith.cmpi eq, %select_n3A_402, %eq3A_410 : vector<16xi32>
    %jit3A_412 = arith.constant -1.000000e+00 : f32
    %broadcast_in_dim3A_413 = vector.broadcast %jit3A_412 : f32 to vector<16xf32>
    %select_n3A_414 = arith.select %eq3A_411, %broadcast_in_dim3A_413, %exp3A_349 : vector<16xi1>, vector<16xf32>
    %eq3A_415 = arith.constant 2 : i32
    %eq3A_416 = vector.broadcast %eq3A_415 : i32 to vector<16xi32>
    %eq3A_417 = arith.cmpi eq, %select_n3A_402, %eq3A_416 : vector<16xi32>
    %jit3A_418 = arith.constant -1.000000e+00 : f32
    %broadcast_in_dim3A_419 = vector.broadcast %jit3A_418 : f32 to vector<16xf32>
    %select_n3A_420 = arith.select %eq3A_417, %broadcast_in_dim3A_419, %exp3A_351 : vector<16xi1>, vector<16xf32>
    %eq3A_421 = arith.constant 3 : i32
    %eq3A_422 = vector.broadcast %eq3A_421 : i32 to vector<16xi32>
    %eq3A_423 = arith.cmpi eq, %select_n3A_402, %eq3A_422 : vector<16xi32>
    %jit3A_424 = arith.constant -1.000000e+00 : f32
    %broadcast_in_dim3A_425 = vector.broadcast %jit3A_424 : f32 to vector<16xf32>
    %select_n3A_426 = arith.select %eq3A_423, %broadcast_in_dim3A_425, %exp3A_353 : vector<16xi1>, vector<16xf32>
    %eq3A_427 = arith.constant 4 : i32
    %eq3A_428 = vector.broadcast %eq3A_427 : i32 to vector<16xi32>
    %eq3A_429 = arith.cmpi eq, %select_n3A_402, %eq3A_428 : vector<16xi32>
    %jit3A_430 = arith.constant -1.000000e+00 : f32
    %broadcast_in_dim3A_431 = vector.broadcast %jit3A_430 : f32 to vector<16xf32>
    %select_n3A_432 = arith.select %eq3A_429, %broadcast_in_dim3A_431, %exp3A_355 : vector<16xi1>, vector<16xf32>
    %eq3A_433 = arith.constant 5 : i32
    %eq3A_434 = vector.broadcast %eq3A_433 : i32 to vector<16xi32>
    %eq3A_435 = arith.cmpi eq, %select_n3A_402, %eq3A_434 : vector<16xi32>
    %jit3A_436 = arith.constant -1.000000e+00 : f32
    %broadcast_in_dim3A_437 = vector.broadcast %jit3A_436 : f32 to vector<16xf32>
    %select_n3A_438 = arith.select %eq3A_435, %broadcast_in_dim3A_437, %exp3A_357 : vector<16xi1>, vector<16xf32>
    %eq3A_439 = arith.constant 6 : i32
    %eq3A_440 = vector.broadcast %eq3A_439 : i32 to vector<16xi32>
    %eq3A_441 = arith.cmpi eq, %select_n3A_402, %eq3A_440 : vector<16xi32>
    %jit3A_442 = arith.constant -1.000000e+00 : f32
    %broadcast_in_dim3A_443 = vector.broadcast %jit3A_442 : f32 to vector<16xf32>
    %select_n3A_444 = arith.select %eq3A_441, %broadcast_in_dim3A_443, %exp3A_359 : vector<16xi1>, vector<16xf32>
    %eq3A_445 = arith.constant 7 : i32
    %eq3A_446 = vector.broadcast %eq3A_445 : i32 to vector<16xi32>
    %eq3A_447 = arith.cmpi eq, %select_n3A_402, %eq3A_446 : vector<16xi32>
    %jit3A_448 = arith.constant -1.000000e+00 : f32
    %broadcast_in_dim3A_449 = vector.broadcast %jit3A_448 : f32 to vector<16xf32>
    %select_n3A_450 = arith.select %eq3A_447, %broadcast_in_dim3A_449, %exp3A_361 : vector<16xi1>, vector<16xf32>
    %max3A_451 = arith.maximumf %select_n3A_408, %select_n3A_414 : vector<16xf32>
    %max3A_452 = arith.maximumf %max3A_451, %select_n3A_420 : vector<16xf32>
    %max3A_453 = arith.maximumf %max3A_452, %select_n3A_426 : vector<16xf32>
    %max3A_454 = arith.maximumf %max3A_453, %select_n3A_432 : vector<16xf32>
    %max3A_455 = arith.maximumf %max3A_454, %select_n3A_438 : vector<16xf32>
    %max3A_456 = arith.maximumf %max3A_455, %select_n3A_444 : vector<16xf32>
    %max3A_457 = arith.maximumf %max3A_456, %select_n3A_450 : vector<16xf32>
    %broadcast_in_dim3A_458 = arith.constant 0 : i32
    %broadcast_in_dim3A_459 = vector.broadcast %broadcast_in_dim3A_458 : i32 to vector<16xi32>
    %eq3A_460 = arith.cmpf oeq, %select_n3A_450, %max3A_457 : vector<16xf32>
    %jit3A_461 = arith.constant 7 : i32
    %broadcast_in_dim3A_462 = vector.broadcast %jit3A_461 : i32 to vector<16xi32>
    %select_n3A_463 = arith.select %eq3A_460, %broadcast_in_dim3A_462, %broadcast_in_dim3A_459 : vector<16xi1>, vector<16xi32>
    %eq3A_464 = arith.cmpf oeq, %select_n3A_444, %max3A_457 : vector<16xf32>
    %jit3A_465 = arith.constant 6 : i32
    %broadcast_in_dim3A_466 = vector.broadcast %jit3A_465 : i32 to vector<16xi32>
    %select_n3A_467 = arith.select %eq3A_464, %broadcast_in_dim3A_466, %select_n3A_463 : vector<16xi1>, vector<16xi32>
    %eq3A_468 = arith.cmpf oeq, %select_n3A_438, %max3A_457 : vector<16xf32>
    %jit3A_469 = arith.constant 5 : i32
    %broadcast_in_dim3A_470 = vector.broadcast %jit3A_469 : i32 to vector<16xi32>
    %select_n3A_471 = arith.select %eq3A_468, %broadcast_in_dim3A_470, %select_n3A_467 : vector<16xi1>, vector<16xi32>
    %eq3A_472 = arith.cmpf oeq, %select_n3A_432, %max3A_457 : vector<16xf32>
    %jit3A_473 = arith.constant 4 : i32
    %broadcast_in_dim3A_474 = vector.broadcast %jit3A_473 : i32 to vector<16xi32>
    %select_n3A_475 = arith.select %eq3A_472, %broadcast_in_dim3A_474, %select_n3A_471 : vector<16xi1>, vector<16xi32>
    %eq3A_476 = arith.cmpf oeq, %select_n3A_426, %max3A_457 : vector<16xf32>
    %jit3A_477 = arith.constant 3 : i32
    %broadcast_in_dim3A_478 = vector.broadcast %jit3A_477 : i32 to vector<16xi32>
    %select_n3A_479 = arith.select %eq3A_476, %broadcast_in_dim3A_478, %select_n3A_475 : vector<16xi1>, vector<16xi32>
    %eq3A_480 = arith.cmpf oeq, %select_n3A_420, %max3A_457 : vector<16xf32>
    %jit3A_481 = arith.constant 2 : i32
    %broadcast_in_dim3A_482 = vector.broadcast %jit3A_481 : i32 to vector<16xi32>
    %select_n3A_483 = arith.select %eq3A_480, %broadcast_in_dim3A_482, %select_n3A_479 : vector<16xi1>, vector<16xi32>
    %eq3A_484 = arith.cmpf oeq, %select_n3A_414, %max3A_457 : vector<16xf32>
    %jit3A_485 = arith.constant 1 : i32
    %broadcast_in_dim3A_486 = vector.broadcast %jit3A_485 : i32 to vector<16xi32>
    %select_n3A_487 = arith.select %eq3A_484, %broadcast_in_dim3A_486, %select_n3A_483 : vector<16xi1>, vector<16xi32>
    %eq3A_488 = arith.cmpf oeq, %select_n3A_408, %max3A_457 : vector<16xf32>
    %jit3A_489 = arith.constant 0 : i32
    %broadcast_in_dim3A_490 = vector.broadcast %jit3A_489 : i32 to vector<16xi32>
    %select_n3A_491 = arith.select %eq3A_488, %broadcast_in_dim3A_490, %select_n3A_487 : vector<16xi1>, vector<16xi32>
    %eq3A_492 = arith.constant 0 : i32
    %eq3A_493 = vector.broadcast %eq3A_492 : i32 to vector<16xi32>
    %eq3A_494 = arith.cmpi eq, %select_n3A_402, %eq3A_493 : vector<16xi32>
    %eq3A_495 = arith.constant 0 : i32
    %eq3A_496 = vector.broadcast %eq3A_495 : i32 to vector<16xi32>
    %eq3A_497 = arith.cmpi eq, %select_n3A_491, %eq3A_496 : vector<16xi32>
    %or3A_498 = arith.ori %eq3A_494, %eq3A_497 : vector<16xi1>
    %jit3A_499 = arith.constant 0.000000e+00 : f32
    %broadcast_in_dim3A_500 = vector.broadcast %jit3A_499 : f32 to vector<16xf32>
    %select_n3A_501 = arith.select %or3A_498, %exp3A_347, %broadcast_in_dim3A_500 : vector<16xi1>, vector<16xf32>
    %eq3A_502 = arith.constant 1 : i32
    %eq3A_503 = vector.broadcast %eq3A_502 : i32 to vector<16xi32>
    %eq3A_504 = arith.cmpi eq, %select_n3A_402, %eq3A_503 : vector<16xi32>
    %eq3A_505 = arith.constant 1 : i32
    %eq3A_506 = vector.broadcast %eq3A_505 : i32 to vector<16xi32>
    %eq3A_507 = arith.cmpi eq, %select_n3A_491, %eq3A_506 : vector<16xi32>
    %or3A_508 = arith.ori %eq3A_504, %eq3A_507 : vector<16xi1>
    %jit3A_509 = arith.constant 0.000000e+00 : f32
    %broadcast_in_dim3A_510 = vector.broadcast %jit3A_509 : f32 to vector<16xf32>
    %select_n3A_511 = arith.select %or3A_508, %exp3A_349, %broadcast_in_dim3A_510 : vector<16xi1>, vector<16xf32>
    %eq3A_512 = arith.constant 2 : i32
    %eq3A_513 = vector.broadcast %eq3A_512 : i32 to vector<16xi32>
    %eq3A_514 = arith.cmpi eq, %select_n3A_402, %eq3A_513 : vector<16xi32>
    %eq3A_515 = arith.constant 2 : i32
    %eq3A_516 = vector.broadcast %eq3A_515 : i32 to vector<16xi32>
    %eq3A_517 = arith.cmpi eq, %select_n3A_491, %eq3A_516 : vector<16xi32>
    %or3A_518 = arith.ori %eq3A_514, %eq3A_517 : vector<16xi1>
    %jit3A_519 = arith.constant 0.000000e+00 : f32
    %broadcast_in_dim3A_520 = vector.broadcast %jit3A_519 : f32 to vector<16xf32>
    %select_n3A_521 = arith.select %or3A_518, %exp3A_351, %broadcast_in_dim3A_520 : vector<16xi1>, vector<16xf32>
    %eq3A_522 = arith.constant 3 : i32
    %eq3A_523 = vector.broadcast %eq3A_522 : i32 to vector<16xi32>
    %eq3A_524 = arith.cmpi eq, %select_n3A_402, %eq3A_523 : vector<16xi32>
    %eq3A_525 = arith.constant 3 : i32
    %eq3A_526 = vector.broadcast %eq3A_525 : i32 to vector<16xi32>
    %eq3A_527 = arith.cmpi eq, %select_n3A_491, %eq3A_526 : vector<16xi32>
    %or3A_528 = arith.ori %eq3A_524, %eq3A_527 : vector<16xi1>
    %jit3A_529 = arith.constant 0.000000e+00 : f32
    %broadcast_in_dim3A_530 = vector.broadcast %jit3A_529 : f32 to vector<16xf32>
    %select_n3A_531 = arith.select %or3A_528, %exp3A_353, %broadcast_in_dim3A_530 : vector<16xi1>, vector<16xf32>
    %eq3A_532 = arith.constant 4 : i32
    %eq3A_533 = vector.broadcast %eq3A_532 : i32 to vector<16xi32>
    %eq3A_534 = arith.cmpi eq, %select_n3A_402, %eq3A_533 : vector<16xi32>
    %eq3A_535 = arith.constant 4 : i32
    %eq3A_536 = vector.broadcast %eq3A_535 : i32 to vector<16xi32>
    %eq3A_537 = arith.cmpi eq, %select_n3A_491, %eq3A_536 : vector<16xi32>
    %or3A_538 = arith.ori %eq3A_534, %eq3A_537 : vector<16xi1>
    %jit3A_539 = arith.constant 0.000000e+00 : f32
    %broadcast_in_dim3A_540 = vector.broadcast %jit3A_539 : f32 to vector<16xf32>
    %select_n3A_541 = arith.select %or3A_538, %exp3A_355, %broadcast_in_dim3A_540 : vector<16xi1>, vector<16xf32>
    %eq3A_542 = arith.constant 5 : i32
    %eq3A_543 = vector.broadcast %eq3A_542 : i32 to vector<16xi32>
    %eq3A_544 = arith.cmpi eq, %select_n3A_402, %eq3A_543 : vector<16xi32>
    %eq3A_545 = arith.constant 5 : i32
    %eq3A_546 = vector.broadcast %eq3A_545 : i32 to vector<16xi32>
    %eq3A_547 = arith.cmpi eq, %select_n3A_491, %eq3A_546 : vector<16xi32>
    %or3A_548 = arith.ori %eq3A_544, %eq3A_547 : vector<16xi1>
    %jit3A_549 = arith.constant 0.000000e+00 : f32
    %broadcast_in_dim3A_550 = vector.broadcast %jit3A_549 : f32 to vector<16xf32>
    %select_n3A_551 = arith.select %or3A_548, %exp3A_357, %broadcast_in_dim3A_550 : vector<16xi1>, vector<16xf32>
    %eq3A_552 = arith.constant 6 : i32
    %eq3A_553 = vector.broadcast %eq3A_552 : i32 to vector<16xi32>
    %eq3A_554 = arith.cmpi eq, %select_n3A_402, %eq3A_553 : vector<16xi32>
    %eq3A_555 = arith.constant 6 : i32
    %eq3A_556 = vector.broadcast %eq3A_555 : i32 to vector<16xi32>
    %eq3A_557 = arith.cmpi eq, %select_n3A_491, %eq3A_556 : vector<16xi32>
    %or3A_558 = arith.ori %eq3A_554, %eq3A_557 : vector<16xi1>
    %jit3A_559 = arith.constant 0.000000e+00 : f32
    %broadcast_in_dim3A_560 = vector.broadcast %jit3A_559 : f32 to vector<16xf32>
    %select_n3A_561 = arith.select %or3A_558, %exp3A_359, %broadcast_in_dim3A_560 : vector<16xi1>, vector<16xf32>
    %eq3A_562 = arith.constant 7 : i32
    %eq3A_563 = vector.broadcast %eq3A_562 : i32 to vector<16xi32>
    %eq3A_564 = arith.cmpi eq, %select_n3A_402, %eq3A_563 : vector<16xi32>
    %eq3A_565 = arith.constant 7 : i32
    %eq3A_566 = vector.broadcast %eq3A_565 : i32 to vector<16xi32>
    %eq3A_567 = arith.cmpi eq, %select_n3A_491, %eq3A_566 : vector<16xi32>
    %or3A_568 = arith.ori %eq3A_564, %eq3A_567 : vector<16xi1>
    %jit3A_569 = arith.constant 0.000000e+00 : f32
    %broadcast_in_dim3A_570 = vector.broadcast %jit3A_569 : f32 to vector<16xf32>
    %select_n3A_571 = arith.select %or3A_568, %exp3A_361, %broadcast_in_dim3A_570 : vector<16xi1>, vector<16xf32>
    %add3A_572 = arith.addf %select_n3A_501, %select_n3A_511 : vector<16xf32>
    %add3A_573 = arith.addf %add3A_572, %select_n3A_521 : vector<16xf32>
    %add3A_574 = arith.addf %add3A_573, %select_n3A_531 : vector<16xf32>
    %add3A_575 = arith.addf %add3A_574, %select_n3A_541 : vector<16xf32>
    %add3A_576 = arith.addf %add3A_575, %select_n3A_551 : vector<16xf32>
    %add3A_577 = arith.addf %add3A_576, %select_n3A_561 : vector<16xf32>
    %add3A_578 = arith.addf %add3A_577, %select_n3A_571 : vector<16xf32>
    %div3A_579 = arith.constant 1.000000e+00 : f32
    %div3A_580 = vector.broadcast %div3A_579 : f32 to vector<16xf32>
    %div3A_581 = arith.divf %div3A_580, %add3A_578 : vector<16xf32>
    %mul3A_582 = arith.mulf %select_n3A_501, %div3A_581 : vector<16xf32>
    %swap3A_583 = arith.constant 16 : index
    %swap3A_584 = tpu.vector_load %arg5[%swap3A_583] {strides = array<i32>} : memref<1024xf32, #tpu.memory_space<vmem>>, vector<16xf32>,
    %swap3A_585 = vector.shape_cast %swap3A_584 : vector<16xf32> to vector<16xf32>
    %swap3A_586 = vector.shape_cast %mul3A_582 : vector<16xf32> to vector<16xf32>
    tpu.vector_store %arg5[%swap3A_583], %swap3A_586 {strides = array<i32>} : memref<1024xf32, #tpu.memory_space<vmem>>, vector<16xf32>,
    %mul3A_587 = arith.mulf %select_n3A_511, %div3A_581 : vector<16xf32>
    %swap3A_588 = arith.constant 144 : index
    %swap3A_589 = tpu.vector_load %arg5[%swap3A_588] {strides = array<i32>} : memref<1024xf32, #tpu.memory_space<vmem>>, vector<16xf32>,
    %swap3A_590 = vector.shape_cast %swap3A_589 : vector<16xf32> to vector<16xf32>
    %swap3A_591 = vector.shape_cast %mul3A_587 : vector<16xf32> to vector<16xf32>
    tpu.vector_store %arg5[%swap3A_588], %swap3A_591 {strides = array<i32>} : memref<1024xf32, #tpu.memory_space<vmem>>, vector<16xf32>,
    %mul3A_592 = arith.mulf %select_n3A_521, %div3A_581 : vector<16xf32>
    %swap3A_593 = arith.constant 272 : index
    %swap3A_594 = tpu.vector_load %arg5[%swap3A_593] {strides = array<i32>} : memref<1024xf32, #tpu.memory_space<vmem>>, vector<16xf32>,
    %swap3A_595 = vector.shape_cast %swap3A_594 : vector<16xf32> to vector<16xf32>
    %swap3A_596 = vector.shape_cast %mul3A_592 : vector<16xf32> to vector<16xf32>
    tpu.vector_store %arg5[%swap3A_593], %swap3A_596 {strides = array<i32>} : memref<1024xf32, #tpu.memory_space<vmem>>, vector<16xf32>,
    %mul3A_597 = arith.mulf %select_n3A_531, %div3A_581 : vector<16xf32>
    %swap3A_598 = arith.constant 400 : index
    %swap3A_599 = tpu.vector_load %arg5[%swap3A_598] {strides = array<i32>} : memref<1024xf32, #tpu.memory_space<vmem>>, vector<16xf32>,
    %swap3A_600 = vector.shape_cast %swap3A_599 : vector<16xf32> to vector<16xf32>
    %swap3A_601 = vector.shape_cast %mul3A_597 : vector<16xf32> to vector<16xf32>
    tpu.vector_store %arg5[%swap3A_598], %swap3A_601 {strides = array<i32>} : memref<1024xf32, #tpu.memory_space<vmem>>, vector<16xf32>,
    %mul3A_602 = arith.mulf %select_n3A_541, %div3A_581 : vector<16xf32>
    %swap3A_603 = arith.constant 528 : index
    %swap3A_604 = tpu.vector_load %arg5[%swap3A_603] {strides = array<i32>} : memref<1024xf32, #tpu.memory_space<vmem>>, vector<16xf32>,
    %swap3A_605 = vector.shape_cast %swap3A_604 : vector<16xf32> to vector<16xf32>
    %swap3A_606 = vector.shape_cast %mul3A_602 : vector<16xf32> to vector<16xf32>
    tpu.vector_store %arg5[%swap3A_603], %swap3A_606 {strides = array<i32>} : memref<1024xf32, #tpu.memory_space<vmem>>, vector<16xf32>,
    %mul3A_607 = arith.mulf %select_n3A_551, %div3A_581 : vector<16xf32>
    %swap3A_608 = arith.constant 656 : index
    %swap3A_609 = tpu.vector_load %arg5[%swap3A_608] {strides = array<i32>} : memref<1024xf32, #tpu.memory_space<vmem>>, vector<16xf32>,
    %swap3A_610 = vector.shape_cast %swap3A_609 : vector<16xf32> to vector<16xf32>
    %swap3A_611 = vector.shape_cast %mul3A_607 : vector<16xf32> to vector<16xf32>
    tpu.vector_store %arg5[%swap3A_608], %swap3A_611 {strides = array<i32>} : memref<1024xf32, #tpu.memory_space<vmem>>, vector<16xf32>,
    %mul3A_612 = arith.mulf %select_n3A_561, %div3A_581 : vector<16xf32>
    %swap3A_613 = arith.constant 784 : index
    %swap3A_614 = tpu.vector_load %arg5[%swap3A_613] {strides = array<i32>} : memref<1024xf32, #tpu.memory_space<vmem>>, vector<16xf32>,
    %swap3A_615 = vector.shape_cast %swap3A_614 : vector<16xf32> to vector<16xf32>
    %swap3A_616 = vector.shape_cast %mul3A_612 : vector<16xf32> to vector<16xf32>
    tpu.vector_store %arg5[%swap3A_613], %swap3A_616 {strides = array<i32>} : memref<1024xf32, #tpu.memory_space<vmem>>, vector<16xf32>,
    %mul3A_617 = arith.mulf %select_n3A_571, %div3A_581 : vector<16xf32>
    %swap3A_618 = arith.constant 912 : index
    %swap3A_619 = tpu.vector_load %arg5[%swap3A_618] {strides = array<i32>} : memref<1024xf32, #tpu.memory_space<vmem>>, vector<16xf32>,
    %swap3A_620 = vector.shape_cast %swap3A_619 : vector<16xf32> to vector<16xf32>
    %swap3A_621 = vector.shape_cast %mul3A_617 : vector<16xf32> to vector<16xf32>
    tpu.vector_store %arg5[%swap3A_618], %swap3A_621 {strides = array<i32>} : memref<1024xf32, #tpu.memory_space<vmem>>, vector<16xf32>,
    %get3A_622 = arith.constant 32 : index
    %get3A_623 = tpu.vector_load %arg4[%get3A_622] {strides = array<i32>} : memref<1024xf32, #tpu.memory_space<vmem>>, vector<16xf32>,
    %get3A_624 = vector.shape_cast %get3A_623 : vector<16xf32> to vector<16xf32>
    %get3A_625 = arith.constant 160 : index
    %get3A_626 = tpu.vector_load %arg4[%get3A_625] {strides = array<i32>} : memref<1024xf32, #tpu.memory_space<vmem>>, vector<16xf32>,
    %get3A_627 = vector.shape_cast %get3A_626 : vector<16xf32> to vector<16xf32>
    %get3A_628 = arith.constant 288 : index
    %get3A_629 = tpu.vector_load %arg4[%get3A_628] {strides = array<i32>} : memref<1024xf32, #tpu.memory_space<vmem>>, vector<16xf32>,
    %get3A_630 = vector.shape_cast %get3A_629 : vector<16xf32> to vector<16xf32>
    %get3A_631 = arith.constant 416 : index
    %get3A_632 = tpu.vector_load %arg4[%get3A_631] {strides = array<i32>} : memref<1024xf32, #tpu.memory_space<vmem>>, vector<16xf32>,
    %get3A_633 = vector.shape_cast %get3A_632 : vector<16xf32> to vector<16xf32>
    %get3A_634 = arith.constant 544 : index
    %get3A_635 = tpu.vector_load %arg4[%get3A_634] {strides = array<i32>} : memref<1024xf32, #tpu.memory_space<vmem>>, vector<16xf32>,
    %get3A_636 = vector.shape_cast %get3A_635 : vector<16xf32> to vector<16xf32>
    %get3A_637 = arith.constant 672 : index
    %get3A_638 = tpu.vector_load %arg4[%get3A_637] {strides = array<i32>} : memref<1024xf32, #tpu.memory_space<vmem>>, vector<16xf32>,
    %get3A_639 = vector.shape_cast %get3A_638 : vector<16xf32> to vector<16xf32>
    %get3A_640 = arith.constant 800 : index
    %get3A_641 = tpu.vector_load %arg4[%get3A_640] {strides = array<i32>} : memref<1024xf32, #tpu.memory_space<vmem>>, vector<16xf32>,
    %get3A_642 = vector.shape_cast %get3A_641 : vector<16xf32> to vector<16xf32>
    %get3A_643 = arith.constant 928 : index
    %get3A_644 = tpu.vector_load %arg4[%get3A_643] {strides = array<i32>} : memref<1024xf32, #tpu.memory_space<vmem>>, vector<16xf32>,
    %get3A_645 = vector.shape_cast %get3A_644 : vector<16xf32> to vector<16xf32>
    %max3A_646 = arith.maximumf %get3A_624, %get3A_627 : vector<16xf32>
    %max3A_647 = arith.maximumf %max3A_646, %get3A_630 : vector<16xf32>
    %max3A_648 = arith.maximumf %max3A_647, %get3A_633 : vector<16xf32>
    %max3A_649 = arith.maximumf %max3A_648, %get3A_636 : vector<16xf32>
    %max3A_650 = arith.maximumf %max3A_649, %get3A_639 : vector<16xf32>
    %max3A_651 = arith.maximumf %max3A_650, %get3A_642 : vector<16xf32>
    %max3A_652 = arith.maximumf %max3A_651, %get3A_645 : vector<16xf32>
    %sub3A_653 = arith.subf %get3A_624, %max3A_652 : vector<16xf32>
    %exp3A_654 = math.exp %sub3A_653 : vector<16xf32>
    %sub3A_655 = arith.subf %get3A_627, %max3A_652 : vector<16xf32>
    %exp3A_656 = math.exp %sub3A_655 : vector<16xf32>
    %sub3A_657 = arith.subf %get3A_630, %max3A_652 : vector<16xf32>
    %exp3A_658 = math.exp %sub3A_657 : vector<16xf32>
    %sub3A_659 = arith.subf %get3A_633, %max3A_652 : vector<16xf32>
    %exp3A_660 = math.exp %sub3A_659 : vector<16xf32>
    %sub3A_661 = arith.subf %get3A_636, %max3A_652 : vector<16xf32>
    %exp3A_662 = math.exp %sub3A_661 : vector<16xf32>
    %sub3A_663 = arith.subf %get3A_639, %max3A_652 : vector<16xf32>
    %exp3A_664 = math.exp %sub3A_663 : vector<16xf32>
    %sub3A_665 = arith.subf %get3A_642, %max3A_652 : vector<16xf32>
    %exp3A_666 = math.exp %sub3A_665 : vector<16xf32>
    %sub3A_667 = arith.subf %get3A_645, %max3A_652 : vector<16xf32>
    %exp3A_668 = math.exp %sub3A_667 : vector<16xf32>
    %max3A_669 = arith.maximumf %exp3A_654, %exp3A_656 : vector<16xf32>
    %max3A_670 = arith.maximumf %max3A_669, %exp3A_658 : vector<16xf32>
    %max3A_671 = arith.maximumf %max3A_670, %exp3A_660 : vector<16xf32>
    %max3A_672 = arith.maximumf %max3A_671, %exp3A_662 : vector<16xf32>
    %max3A_673 = arith.maximumf %max3A_672, %exp3A_664 : vector<16xf32>
    %max3A_674 = arith.maximumf %max3A_673, %exp3A_666 : vector<16xf32>
    %max3A_675 = arith.maximumf %max3A_674, %exp3A_668 : vector<16xf32>
    %broadcast_in_dim3A_676 = arith.constant 0 : i32
    %broadcast_in_dim3A_677 = vector.broadcast %broadcast_in_dim3A_676 : i32 to vector<16xi32>
    %eq3A_678 = arith.cmpf oeq, %exp3A_668, %max3A_675 : vector<16xf32>
    %jit3A_679 = arith.constant 7 : i32
    %broadcast_in_dim3A_680 = vector.broadcast %jit3A_679 : i32 to vector<16xi32>
    %select_n3A_681 = arith.select %eq3A_678, %broadcast_in_dim3A_680, %broadcast_in_dim3A_677 : vector<16xi1>, vector<16xi32>
    %eq3A_682 = arith.cmpf oeq, %exp3A_666, %max3A_675 : vector<16xf32>
    %jit3A_683 = arith.constant 6 : i32
    %broadcast_in_dim3A_684 = vector.broadcast %jit3A_683 : i32 to vector<16xi32>
    %select_n3A_685 = arith.select %eq3A_682, %broadcast_in_dim3A_684, %select_n3A_681 : vector<16xi1>, vector<16xi32>
    %eq3A_686 = arith.cmpf oeq, %exp3A_664, %max3A_675 : vector<16xf32>
    %jit3A_687 = arith.constant 5 : i32
    %broadcast_in_dim3A_688 = vector.broadcast %jit3A_687 : i32 to vector<16xi32>
    %select_n3A_689 = arith.select %eq3A_686, %broadcast_in_dim3A_688, %select_n3A_685 : vector<16xi1>, vector<16xi32>
    %eq3A_690 = arith.cmpf oeq, %exp3A_662, %max3A_675 : vector<16xf32>
    %jit3A_691 = arith.constant 4 : i32
    %broadcast_in_dim3A_692 = vector.broadcast %jit3A_691 : i32 to vector<16xi32>
    %select_n3A_693 = arith.select %eq3A_690, %broadcast_in_dim3A_692, %select_n3A_689 : vector<16xi1>, vector<16xi32>
    %eq3A_694 = arith.cmpf oeq, %exp3A_660, %max3A_675 : vector<16xf32>
    %jit3A_695 = arith.constant 3 : i32
    %broadcast_in_dim3A_696 = vector.broadcast %jit3A_695 : i32 to vector<16xi32>
    %select_n3A_697 = arith.select %eq3A_694, %broadcast_in_dim3A_696, %select_n3A_693 : vector<16xi1>, vector<16xi32>
    %eq3A_698 = arith.cmpf oeq, %exp3A_658, %max3A_675 : vector<16xf32>
    %jit3A_699 = arith.constant 2 : i32
    %broadcast_in_dim3A_700 = vector.broadcast %jit3A_699 : i32 to vector<16xi32>
    %select_n3A_701 = arith.select %eq3A_698, %broadcast_in_dim3A_700, %select_n3A_697 : vector<16xi1>, vector<16xi32>
    %eq3A_702 = arith.cmpf oeq, %exp3A_656, %max3A_675 : vector<16xf32>
    %jit3A_703 = arith.constant 1 : i32
    %broadcast_in_dim3A_704 = vector.broadcast %jit3A_703 : i32 to vector<16xi32>
    %select_n3A_705 = arith.select %eq3A_702, %broadcast_in_dim3A_704, %select_n3A_701 : vector<16xi1>, vector<16xi32>
    %eq3A_706 = arith.cmpf oeq, %exp3A_654, %max3A_675 : vector<16xf32>
    %jit3A_707 = arith.constant 0 : i32
    %broadcast_in_dim3A_708 = vector.broadcast %jit3A_707 : i32 to vector<16xi32>
    %select_n3A_709 = arith.select %eq3A_706, %broadcast_in_dim3A_708, %select_n3A_705 : vector<16xi1>, vector<16xi32>
    %eq3A_710 = arith.constant 0 : i32
    %eq3A_711 = vector.broadcast %eq3A_710 : i32 to vector<16xi32>
    %eq3A_712 = arith.cmpi eq, %select_n3A_709, %eq3A_711 : vector<16xi32>
    %jit3A_713 = arith.constant -1.000000e+00 : f32
    %broadcast_in_dim3A_714 = vector.broadcast %jit3A_713 : f32 to vector<16xf32>
    %select_n3A_715 = arith.select %eq3A_712, %broadcast_in_dim3A_714, %exp3A_654 : vector<16xi1>, vector<16xf32>
    %eq3A_716 = arith.constant 1 : i32
    %eq3A_717 = vector.broadcast %eq3A_716 : i32 to vector<16xi32>
    %eq3A_718 = arith.cmpi eq, %select_n3A_709, %eq3A_717 : vector<16xi32>
    %jit3A_719 = arith.constant -1.000000e+00 : f32
    %broadcast_in_dim3A_720 = vector.broadcast %jit3A_719 : f32 to vector<16xf32>
    %select_n3A_721 = arith.select %eq3A_718, %broadcast_in_dim3A_720, %exp3A_656 : vector<16xi1>, vector<16xf32>
    %eq3A_722 = arith.constant 2 : i32
    %eq3A_723 = vector.broadcast %eq3A_722 : i32 to vector<16xi32>
    %eq3A_724 = arith.cmpi eq, %select_n3A_709, %eq3A_723 : vector<16xi32>
    %jit3A_725 = arith.constant -1.000000e+00 : f32
    %broadcast_in_dim3A_726 = vector.broadcast %jit3A_725 : f32 to vector<16xf32>
    %select_n3A_727 = arith.select %eq3A_724, %broadcast_in_dim3A_726, %exp3A_658 : vector<16xi1>, vector<16xf32>
    %eq3A_728 = arith.constant 3 : i32
    %eq3A_729 = vector.broadcast %eq3A_728 : i32 to vector<16xi32>
    %eq3A_730 = arith.cmpi eq, %select_n3A_709, %eq3A_729 : vector<16xi32>
    %jit3A_731 = arith.constant -1.000000e+00 : f32
    %broadcast_in_dim3A_732 = vector.broadcast %jit3A_731 : f32 to vector<16xf32>
    %select_n3A_733 = arith.select %eq3A_730, %broadcast_in_dim3A_732, %exp3A_660 : vector<16xi1>, vector<16xf32>
    %eq3A_734 = arith.constant 4 : i32
    %eq3A_735 = vector.broadcast %eq3A_734 : i32 to vector<16xi32>
    %eq3A_736 = arith.cmpi eq, %select_n3A_709, %eq3A_735 : vector<16xi32>
    %jit3A_737 = arith.constant -1.000000e+00 : f32
    %broadcast_in_dim3A_738 = vector.broadcast %jit3A_737 : f32 to vector<16xf32>
    %select_n3A_739 = arith.select %eq3A_736, %broadcast_in_dim3A_738, %exp3A_662 : vector<16xi1>, vector<16xf32>
    %eq3A_740 = arith.constant 5 : i32
    %eq3A_741 = vector.broadcast %eq3A_740 : i32 to vector<16xi32>
    %eq3A_742 = arith.cmpi eq, %select_n3A_709, %eq3A_741 : vector<16xi32>
    %jit3A_743 = arith.constant -1.000000e+00 : f32
    %broadcast_in_dim3A_744 = vector.broadcast %jit3A_743 : f32 to vector<16xf32>
    %select_n3A_745 = arith.select %eq3A_742, %broadcast_in_dim3A_744, %exp3A_664 : vector<16xi1>, vector<16xf32>
    %eq3A_746 = arith.constant 6 : i32
    %eq3A_747 = vector.broadcast %eq3A_746 : i32 to vector<16xi32>
    %eq3A_748 = arith.cmpi eq, %select_n3A_709, %eq3A_747 : vector<16xi32>
    %jit3A_749 = arith.constant -1.000000e+00 : f32
    %broadcast_in_dim3A_750 = vector.broadcast %jit3A_749 : f32 to vector<16xf32>
    %select_n3A_751 = arith.select %eq3A_748, %broadcast_in_dim3A_750, %exp3A_666 : vector<16xi1>, vector<16xf32>
    %eq3A_752 = arith.constant 7 : i32
    %eq3A_753 = vector.broadcast %eq3A_752 : i32 to vector<16xi32>
    %eq3A_754 = arith.cmpi eq, %select_n3A_709, %eq3A_753 : vector<16xi32>
    %jit3A_755 = arith.constant -1.000000e+00 : f32
    %broadcast_in_dim3A_756 = vector.broadcast %jit3A_755 : f32 to vector<16xf32>
    %select_n3A_757 = arith.select %eq3A_754, %broadcast_in_dim3A_756, %exp3A_668 : vector<16xi1>, vector<16xf32>
    %max3A_758 = arith.maximumf %select_n3A_715, %select_n3A_721 : vector<16xf32>
    %max3A_759 = arith.maximumf %max3A_758, %select_n3A_727 : vector<16xf32>
    %max3A_760 = arith.maximumf %max3A_759, %select_n3A_733 : vector<16xf32>
    %max3A_761 = arith.maximumf %max3A_760, %select_n3A_739 : vector<16xf32>
    %max3A_762 = arith.maximumf %max3A_761, %select_n3A_745 : vector<16xf32>
    %max3A_763 = arith.maximumf %max3A_762, %select_n3A_751 : vector<16xf32>
    %max3A_764 = arith.maximumf %max3A_763, %select_n3A_757 : vector<16xf32>
    %broadcast_in_dim3A_765 = arith.constant 0 : i32
    %broadcast_in_dim3A_766 = vector.broadcast %broadcast_in_dim3A_765 : i32 to vector<16xi32>
    %eq3A_767 = arith.cmpf oeq, %select_n3A_757, %max3A_764 : vector<16xf32>
    %jit3A_768 = arith.constant 7 : i32
    %broadcast_in_dim3A_769 = vector.broadcast %jit3A_768 : i32 to vector<16xi32>
    %select_n3A_770 = arith.select %eq3A_767, %broadcast_in_dim3A_769, %broadcast_in_dim3A_766 : vector<16xi1>, vector<16xi32>
    %eq3A_771 = arith.cmpf oeq, %select_n3A_751, %max3A_764 : vector<16xf32>
    %jit3A_772 = arith.constant 6 : i32
    %broadcast_in_dim3A_773 = vector.broadcast %jit3A_772 : i32 to vector<16xi32>
    %select_n3A_774 = arith.select %eq3A_771, %broadcast_in_dim3A_773, %select_n3A_770 : vector<16xi1>, vector<16xi32>
    %eq3A_775 = arith.cmpf oeq, %select_n3A_745, %max3A_764 : vector<16xf32>
    %jit3A_776 = arith.constant 5 : i32
    %broadcast_in_dim3A_777 = vector.broadcast %jit3A_776 : i32 to vector<16xi32>
    %select_n3A_778 = arith.select %eq3A_775, %broadcast_in_dim3A_777, %select_n3A_774 : vector<16xi1>, vector<16xi32>
    %eq3A_779 = arith.cmpf oeq, %select_n3A_739, %max3A_764 : vector<16xf32>
    %jit3A_780 = arith.constant 4 : i32
    %broadcast_in_dim3A_781 = vector.broadcast %jit3A_780 : i32 to vector<16xi32>
    %select_n3A_782 = arith.select %eq3A_779, %broadcast_in_dim3A_781, %select_n3A_778 : vector<16xi1>, vector<16xi32>
    %eq3A_783 = arith.cmpf oeq, %select_n3A_733, %max3A_764 : vector<16xf32>
    %jit3A_784 = arith.constant 3 : i32
    %broadcast_in_dim3A_785 = vector.broadcast %jit3A_784 : i32 to vector<16xi32>
    %select_n3A_786 = arith.select %eq3A_783, %broadcast_in_dim3A_785, %select_n3A_782 : vector<16xi1>, vector<16xi32>
    %eq3A_787 = arith.cmpf oeq, %select_n3A_727, %max3A_764 : vector<16xf32>
    %jit3A_788 = arith.constant 2 : i32
    %broadcast_in_dim3A_789 = vector.broadcast %jit3A_788 : i32 to vector<16xi32>
    %select_n3A_790 = arith.select %eq3A_787, %broadcast_in_dim3A_789, %select_n3A_786 : vector<16xi1>, vector<16xi32>
    %eq3A_791 = arith.cmpf oeq, %select_n3A_721, %max3A_764 : vector<16xf32>
    %jit3A_792 = arith.constant 1 : i32
    %broadcast_in_dim3A_793 = vector.broadcast %jit3A_792 : i32 to vector<16xi32>
    %select_n3A_794 = arith.select %eq3A_791, %broadcast_in_dim3A_793, %select_n3A_790 : vector<16xi1>, vector<16xi32>
    %eq3A_795 = arith.cmpf oeq, %select_n3A_715, %max3A_764 : vector<16xf32>
    %jit3A_796 = arith.constant 0 : i32
    %broadcast_in_dim3A_797 = vector.broadcast %jit3A_796 : i32 to vector<16xi32>
    %select_n3A_798 = arith.select %eq3A_795, %broadcast_in_dim3A_797, %select_n3A_794 : vector<16xi1>, vector<16xi32>
    %eq3A_799 = arith.constant 0 : i32
    %eq3A_800 = vector.broadcast %eq3A_799 : i32 to vector<16xi32>
    %eq3A_801 = arith.cmpi eq, %select_n3A_709, %eq3A_800 : vector<16xi32>
    %eq3A_802 = arith.constant 0 : i32
    %eq3A_803 = vector.broadcast %eq3A_802 : i32 to vector<16xi32>
    %eq3A_804 = arith.cmpi eq, %select_n3A_798, %eq3A_803 : vector<16xi32>
    %or3A_805 = arith.ori %eq3A_801, %eq3A_804 : vector<16xi1>
    %jit3A_806 = arith.constant 0.000000e+00 : f32
    %broadcast_in_dim3A_807 = vector.broadcast %jit3A_806 : f32 to vector<16xf32>
    %select_n3A_808 = arith.select %or3A_805, %exp3A_654, %broadcast_in_dim3A_807 : vector<16xi1>, vector<16xf32>
    %eq3A_809 = arith.constant 1 : i32
    %eq3A_810 = vector.broadcast %eq3A_809 : i32 to vector<16xi32>
    %eq3A_811 = arith.cmpi eq, %select_n3A_709, %eq3A_810 : vector<16xi32>
    %eq3A_812 = arith.constant 1 : i32
    %eq3A_813 = vector.broadcast %eq3A_812 : i32 to vector<16xi32>
    %eq3A_814 = arith.cmpi eq, %select_n3A_798, %eq3A_813 : vector<16xi32>
    %or3A_815 = arith.ori %eq3A_811, %eq3A_814 : vector<16xi1>
    %jit3A_816 = arith.constant 0.000000e+00 : f32
    %broadcast_in_dim3A_817 = vector.broadcast %jit3A_816 : f32 to vector<16xf32>
    %select_n3A_818 = arith.select %or3A_815, %exp3A_656, %broadcast_in_dim3A_817 : vector<16xi1>, vector<16xf32>
    %eq3A_819 = arith.constant 2 : i32
    %eq3A_820 = vector.broadcast %eq3A_819 : i32 to vector<16xi32>
    %eq3A_821 = arith.cmpi eq, %select_n3A_709, %eq3A_820 : vector<16xi32>
    %eq3A_822 = arith.constant 2 : i32
    %eq3A_823 = vector.broadcast %eq3A_822 : i32 to vector<16xi32>
    %eq3A_824 = arith.cmpi eq, %select_n3A_798, %eq3A_823 : vector<16xi32>
    %or3A_825 = arith.ori %eq3A_821, %eq3A_824 : vector<16xi1>
    %jit3A_826 = arith.constant 0.000000e+00 : f32
    %broadcast_in_dim3A_827 = vector.broadcast %jit3A_826 : f32 to vector<16xf32>
    %select_n3A_828 = arith.select %or3A_825, %exp3A_658, %broadcast_in_dim3A_827 : vector<16xi1>, vector<16xf32>
    %eq3A_829 = arith.constant 3 : i32
    %eq3A_830 = vector.broadcast %eq3A_829 : i32 to vector<16xi32>
    %eq3A_831 = arith.cmpi eq, %select_n3A_709, %eq3A_830 : vector<16xi32>
    %eq3A_832 = arith.constant 3 : i32
    %eq3A_833 = vector.broadcast %eq3A_832 : i32 to vector<16xi32>
    %eq3A_834 = arith.cmpi eq, %select_n3A_798, %eq3A_833 : vector<16xi32>
    %or3A_835 = arith.ori %eq3A_831, %eq3A_834 : vector<16xi1>
    %jit3A_836 = arith.constant 0.000000e+00 : f32
    %broadcast_in_dim3A_837 = vector.broadcast %jit3A_836 : f32 to vector<16xf32>
    %select_n3A_838 = arith.select %or3A_835, %exp3A_660, %broadcast_in_dim3A_837 : vector<16xi1>, vector<16xf32>
    %eq3A_839 = arith.constant 4 : i32
    %eq3A_840 = vector.broadcast %eq3A_839 : i32 to vector<16xi32>
    %eq3A_841 = arith.cmpi eq, %select_n3A_709, %eq3A_840 : vector<16xi32>
    %eq3A_842 = arith.constant 4 : i32
    %eq3A_843 = vector.broadcast %eq3A_842 : i32 to vector<16xi32>
    %eq3A_844 = arith.cmpi eq, %select_n3A_798, %eq3A_843 : vector<16xi32>
    %or3A_845 = arith.ori %eq3A_841, %eq3A_844 : vector<16xi1>
    %jit3A_846 = arith.constant 0.000000e+00 : f32
    %broadcast_in_dim3A_847 = vector.broadcast %jit3A_846 : f32 to vector<16xf32>
    %select_n3A_848 = arith.select %or3A_845, %exp3A_662, %broadcast_in_dim3A_847 : vector<16xi1>, vector<16xf32>
    %eq3A_849 = arith.constant 5 : i32
    %eq3A_850 = vector.broadcast %eq3A_849 : i32 to vector<16xi32>
    %eq3A_851 = arith.cmpi eq, %select_n3A_709, %eq3A_850 : vector<16xi32>
    %eq3A_852 = arith.constant 5 : i32
    %eq3A_853 = vector.broadcast %eq3A_852 : i32 to vector<16xi32>
    %eq3A_854 = arith.cmpi eq, %select_n3A_798, %eq3A_853 : vector<16xi32>
    %or3A_855 = arith.ori %eq3A_851, %eq3A_854 : vector<16xi1>
    %jit3A_856 = arith.constant 0.000000e+00 : f32
    %broadcast_in_dim3A_857 = vector.broadcast %jit3A_856 : f32 to vector<16xf32>
    %select_n3A_858 = arith.select %or3A_855, %exp3A_664, %broadcast_in_dim3A_857 : vector<16xi1>, vector<16xf32>
    %eq3A_859 = arith.constant 6 : i32
    %eq3A_860 = vector.broadcast %eq3A_859 : i32 to vector<16xi32>
    %eq3A_861 = arith.cmpi eq, %select_n3A_709, %eq3A_860 : vector<16xi32>
    %eq3A_862 = arith.constant 6 : i32
    %eq3A_863 = vector.broadcast %eq3A_862 : i32 to vector<16xi32>
    %eq3A_864 = arith.cmpi eq, %select_n3A_798, %eq3A_863 : vector<16xi32>
    %or3A_865 = arith.ori %eq3A_861, %eq3A_864 : vector<16xi1>
    %jit3A_866 = arith.constant 0.000000e+00 : f32
    %broadcast_in_dim3A_867 = vector.broadcast %jit3A_866 : f32 to vector<16xf32>
    %select_n3A_868 = arith.select %or3A_865, %exp3A_666, %broadcast_in_dim3A_867 : vector<16xi1>, vector<16xf32>
    %eq3A_869 = arith.constant 7 : i32
    %eq3A_870 = vector.broadcast %eq3A_869 : i32 to vector<16xi32>
    %eq3A_871 = arith.cmpi eq, %select_n3A_709, %eq3A_870 : vector<16xi32>
    %eq3A_872 = arith.constant 7 : i32
    %eq3A_873 = vector.broadcast %eq3A_872 : i32 to vector<16xi32>
    %eq3A_874 = arith.cmpi eq, %select_n3A_798, %eq3A_873 : vector<16xi32>
    %or3A_875 = arith.ori %eq3A_871, %eq3A_874 : vector<16xi1>
    %jit3A_876 = arith.constant 0.000000e+00 : f32
    %broadcast_in_dim3A_877 = vector.broadcast %jit3A_876 : f32 to vector<16xf32>
    %select_n3A_878 = arith.select %or3A_875, %exp3A_668, %broadcast_in_dim3A_877 : vector<16xi1>, vector<16xf32>
    %add3A_879 = arith.addf %select_n3A_808, %select_n3A_818 : vector<16xf32>
    %add3A_880 = arith.addf %add3A_879, %select_n3A_828 : vector<16xf32>
    %add3A_881 = arith.addf %add3A_880, %select_n3A_838 : vector<16xf32>
    %add3A_882 = arith.addf %add3A_881, %select_n3A_848 : vector<16xf32>
    %add3A_883 = arith.addf %add3A_882, %select_n3A_858 : vector<16xf32>
    %add3A_884 = arith.addf %add3A_883, %select_n3A_868 : vector<16xf32>
    %add3A_885 = arith.addf %add3A_884, %select_n3A_878 : vector<16xf32>
    %div3A_886 = arith.constant 1.000000e+00 : f32
    %div3A_887 = vector.broadcast %div3A_886 : f32 to vector<16xf32>
    %div3A_888 = arith.divf %div3A_887, %add3A_885 : vector<16xf32>
    %mul3A_889 = arith.mulf %select_n3A_808, %div3A_888 : vector<16xf32>
    %swap3A_890 = arith.constant 32 : index
    %swap3A_891 = tpu.vector_load %arg5[%swap3A_890] {strides = array<i32>} : memref<1024xf32, #tpu.memory_space<vmem>>, vector<16xf32>,
    %swap3A_892 = vector.shape_cast %swap3A_891 : vector<16xf32> to vector<16xf32>
    %swap3A_893 = vector.shape_cast %mul3A_889 : vector<16xf32> to vector<16xf32>
    tpu.vector_store %arg5[%swap3A_890], %swap3A_893 {strides = array<i32>} : memref<1024xf32, #tpu.memory_space<vmem>>, vector<16xf32>,
    %mul3A_894 = arith.mulf %select_n3A_818, %div3A_888 : vector<16xf32>
    %swap3A_895 = arith.constant 160 : index
    %swap3A_896 = tpu.vector_load %arg5[%swap3A_895] {strides = array<i32>} : memref<1024xf32, #tpu.memory_space<vmem>>, vector<16xf32>,
    %swap3A_897 = vector.shape_cast %swap3A_896 : vector<16xf32> to vector<16xf32>
    %swap3A_898 = vector.shape_cast %mul3A_894 : vector<16xf32> to vector<16xf32>
    tpu.vector_store %arg5[%swap3A_895], %swap3A_898 {strides = array<i32>} : memref<1024xf32, #tpu.memory_space<vmem>>, vector<16xf32>,
    %mul3A_899 = arith.mulf %select_n3A_828, %div3A_888 : vector<16xf32>
    %swap3A_900 = arith.constant 288 : index
    %swap3A_901 = tpu.vector_load %arg5[%swap3A_900] {strides = array<i32>} : memref<1024xf32, #tpu.memory_space<vmem>>, vector<16xf32>,
    %swap3A_902 = vector.shape_cast %swap3A_901 : vector<16xf32> to vector<16xf32>
    %swap3A_903 = vector.shape_cast %mul3A_899 : vector<16xf32> to vector<16xf32>
    tpu.vector_store %arg5[%swap3A_900], %swap3A_903 {strides = array<i32>} : memref<1024xf32, #tpu.memory_space<vmem>>, vector<16xf32>,
    %mul3A_904 = arith.mulf %select_n3A_838, %div3A_888 : vector<16xf32>
    %swap3A_905 = arith.constant 416 : index
    %swap3A_906 = tpu.vector_load %arg5[%swap3A_905] {strides = array<i32>} : memref<1024xf32, #tpu.memory_space<vmem>>, vector<16xf32>,
    %swap3A_907 = vector.shape_cast %swap3A_906 : vector<16xf32> to vector<16xf32>
    %swap3A_908 = vector.shape_cast %mul3A_904 : vector<16xf32> to vector<16xf32>
    tpu.vector_store %arg5[%swap3A_905], %swap3A_908 {strides = array<i32>} : memref<1024xf32, #tpu.memory_space<vmem>>, vector<16xf32>,
    %mul3A_909 = arith.mulf %select_n3A_848, %div3A_888 : vector<16xf32>
    %swap3A_910 = arith.constant 544 : index
    %swap3A_911 = tpu.vector_load %arg5[%swap3A_910] {strides = array<i32>} : memref<1024xf32, #tpu.memory_space<vmem>>, vector<16xf32>,
    %swap3A_912 = vector.shape_cast %swap3A_911 : vector<16xf32> to vector<16xf32>
    %swap3A_913 = vector.shape_cast %mul3A_909 : vector<16xf32> to vector<16xf32>
    tpu.vector_store %arg5[%swap3A_910], %swap3A_913 {strides = array<i32>} : memref<1024xf32, #tpu.memory_space<vmem>>, vector<16xf32>,
    %mul3A_914 = arith.mulf %select_n3A_858, %div3A_888 : vector<16xf32>
    %swap3A_915 = arith.constant 672 : index
    %swap3A_916 = tpu.vector_load %arg5[%swap3A_915] {strides = array<i32>} : memref<1024xf32, #tpu.memory_space<vmem>>, vector<16xf32>,
    %swap3A_917 = vector.shape_cast %swap3A_916 : vector<16xf32> to vector<16xf32>
    %swap3A_918 = vector.shape_cast %mul3A_914 : vector<16xf32> to vector<16xf32>
    tpu.vector_store %arg5[%swap3A_915], %swap3A_918 {strides = array<i32>} : memref<1024xf32, #tpu.memory_space<vmem>>, vector<16xf32>,
    %mul3A_919 = arith.mulf %select_n3A_868, %div3A_888 : vector<16xf32>
    %swap3A_920 = arith.constant 800 : index
    %swap3A_921 = tpu.vector_load %arg5[%swap3A_920] {strides = array<i32>} : memref<1024xf32, #tpu.memory_space<vmem>>, vector<16xf32>,
    %swap3A_922 = vector.shape_cast %swap3A_921 : vector<16xf32> to vector<16xf32>
    %swap3A_923 = vector.shape_cast %mul3A_919 : vector<16xf32> to vector<16xf32>
    tpu.vector_store %arg5[%swap3A_920], %swap3A_923 {strides = array<i32>} : memref<1024xf32, #tpu.memory_space<vmem>>, vector<16xf32>,
    %mul3A_924 = arith.mulf %select_n3A_878, %div3A_888 : vector<16xf32>
    %swap3A_925 = arith.constant 928 : index
    %swap3A_926 = tpu.vector_load %arg5[%swap3A_925] {strides = array<i32>} : memref<1024xf32, #tpu.memory_space<vmem>>, vector<16xf32>,
    %swap3A_927 = vector.shape_cast %swap3A_926 : vector<16xf32> to vector<16xf32>
    %swap3A_928 = vector.shape_cast %mul3A_924 : vector<16xf32> to vector<16xf32>
    tpu.vector_store %arg5[%swap3A_925], %swap3A_928 {strides = array<i32>} : memref<1024xf32, #tpu.memory_space<vmem>>, vector<16xf32>,
    %get3A_929 = arith.constant 48 : index
    %get3A_930 = tpu.vector_load %arg4[%get3A_929] {strides = array<i32>} : memref<1024xf32, #tpu.memory_space<vmem>>, vector<16xf32>,
    %get3A_931 = vector.shape_cast %get3A_930 : vector<16xf32> to vector<16xf32>
    %get3A_932 = arith.constant 176 : index
    %get3A_933 = tpu.vector_load %arg4[%get3A_932] {strides = array<i32>} : memref<1024xf32, #tpu.memory_space<vmem>>, vector<16xf32>,
    %get3A_934 = vector.shape_cast %get3A_933 : vector<16xf32> to vector<16xf32>
    %get3A_935 = arith.constant 304 : index
    %get3A_936 = tpu.vector_load %arg4[%get3A_935] {strides = array<i32>} : memref<1024xf32, #tpu.memory_space<vmem>>, vector<16xf32>,
    %get3A_937 = vector.shape_cast %get3A_936 : vector<16xf32> to vector<16xf32>
    %get3A_938 = arith.constant 432 : index
    %get3A_939 = tpu.vector_load %arg4[%get3A_938] {strides = array<i32>} : memref<1024xf32, #tpu.memory_space<vmem>>, vector<16xf32>,
    %get3A_940 = vector.shape_cast %get3A_939 : vector<16xf32> to vector<16xf32>
    %get3A_941 = arith.constant 560 : index
    %get3A_942 = tpu.vector_load %arg4[%get3A_941] {strides = array<i32>} : memref<1024xf32, #tpu.memory_space<vmem>>, vector<16xf32>,
    %get3A_943 = vector.shape_cast %get3A_942 : vector<16xf32> to vector<16xf32>
    %get3A_944 = arith.constant 688 : index
    %get3A_945 = tpu.vector_load %arg4[%get3A_944] {strides = array<i32>} : memref<1024xf32, #tpu.memory_space<vmem>>, vector<16xf32>,
    %get3A_946 = vector.shape_cast %get3A_945 : vector<16xf32> to vector<16xf32>
    %get3A_947 = arith.constant 816 : index
    %get3A_948 = tpu.vector_load %arg4[%get3A_947] {strides = array<i32>} : memref<1024xf32, #tpu.memory_space<vmem>>, vector<16xf32>,
    %get3A_949 = vector.shape_cast %get3A_948 : vector<16xf32> to vector<16xf32>
    %get3A_950 = arith.constant 944 : index
    %get3A_951 = tpu.vector_load %arg4[%get3A_950] {strides = array<i32>} : memref<1024xf32, #tpu.memory_space<vmem>>, vector<16xf32>,
    %get3A_952 = vector.shape_cast %get3A_951 : vector<16xf32> to vector<16xf32>
    %max3A_953 = arith.maximumf %get3A_931, %get3A_934 : vector<16xf32>
    %max3A_954 = arith.maximumf %max3A_953, %get3A_937 : vector<16xf32>
    %max3A_955 = arith.maximumf %max3A_954, %get3A_940 : vector<16xf32>
    %max3A_956 = arith.maximumf %max3A_955, %get3A_943 : vector<16xf32>
    %max3A_957 = arith.maximumf %max3A_956, %get3A_946 : vector<16xf32>
    %max3A_958 = arith.maximumf %max3A_957, %get3A_949 : vector<16xf32>
    %max3A_959 = arith.maximumf %max3A_958, %get3A_952 : vector<16xf32>
    %sub3A_960 = arith.subf %get3A_931, %max3A_959 : vector<16xf32>
    %exp3A_961 = math.exp %sub3A_960 : vector<16xf32>
    %sub3A_962 = arith.subf %get3A_934, %max3A_959 : vector<16xf32>
    %exp3A_963 = math.exp %sub3A_962 : vector<16xf32>
    %sub3A_964 = arith.subf %get3A_937, %max3A_959 : vector<16xf32>
    %exp3A_965 = math.exp %sub3A_964 : vector<16xf32>
    %sub3A_966 = arith.subf %get3A_940, %max3A_959 : vector<16xf32>
    %exp3A_967 = math.exp %sub3A_966 : vector<16xf32>
    %sub3A_968 = arith.subf %get3A_943, %max3A_959 : vector<16xf32>
    %exp3A_969 = math.exp %sub3A_968 : vector<16xf32>
    %sub3A_970 = arith.subf %get3A_946, %max3A_959 : vector<16xf32>
    %exp3A_971 = math.exp %sub3A_970 : vector<16xf32>
    %sub3A_972 = arith.subf %get3A_949, %max3A_959 : vector<16xf32>
    %exp3A_973 = math.exp %sub3A_972 : vector<16xf32>
    %sub3A_974 = arith.subf %get3A_952, %max3A_959 : vector<16xf32>
    %exp3A_975 = math.exp %sub3A_974 : vector<16xf32>
    %max3A_976 = arith.maximumf %exp3A_961, %exp3A_963 : vector<16xf32>
    %max3A_977 = arith.maximumf %max3A_976, %exp3A_965 : vector<16xf32>
    %max3A_978 = arith.maximumf %max3A_977, %exp3A_967 : vector<16xf32>
    %max3A_979 = arith.maximumf %max3A_978, %exp3A_969 : vector<16xf32>
    %max3A_980 = arith.maximumf %max3A_979, %exp3A_971 : vector<16xf32>
    %max3A_981 = arith.maximumf %max3A_980, %exp3A_973 : vector<16xf32>
    %max3A_982 = arith.maximumf %max3A_981, %exp3A_975 : vector<16xf32>
    %broadcast_in_dim3A_983 = arith.constant 0 : i32
    %broadcast_in_dim3A_984 = vector.broadcast %broadcast_in_dim3A_983 : i32 to vector<16xi32>
    %eq3A_985 = arith.cmpf oeq, %exp3A_975, %max3A_982 : vector<16xf32>
    %jit3A_986 = arith.constant 7 : i32
    %broadcast_in_dim3A_987 = vector.broadcast %jit3A_986 : i32 to vector<16xi32>
    %select_n3A_988 = arith.select %eq3A_985, %broadcast_in_dim3A_987, %broadcast_in_dim3A_984 : vector<16xi1>, vector<16xi32>
    %eq3A_989 = arith.cmpf oeq, %exp3A_973, %max3A_982 : vector<16xf32>
    %jit3A_990 = arith.constant 6 : i32
    %broadcast_in_dim3A_991 = vector.broadcast %jit3A_990 : i32 to vector<16xi32>
    %select_n3A_992 = arith.select %eq3A_989, %broadcast_in_dim3A_991, %select_n3A_988 : vector<16xi1>, vector<16xi32>
    %eq3A_993 = arith.cmpf oeq, %exp3A_971, %max3A_982 : vector<16xf32>
    %jit3A_994 = arith.constant 5 : i32
    %broadcast_in_dim3A_995 = vector.broadcast %jit3A_994 : i32 to vector<16xi32>
    %select_n3A_996 = arith.select %eq3A_993, %broadcast_in_dim3A_995, %select_n3A_992 : vector<16xi1>, vector<16xi32>
    %eq3A_997 = arith.cmpf oeq, %exp3A_969, %max3A_982 : vector<16xf32>
    %jit3A_998 = arith.constant 4 : i32
    %broadcast_in_dim3A_999 = vector.broadcast %jit3A_998 : i32 to vector<16xi32>
    %select_n3A_1000 = arith.select %eq3A_997, %broadcast_in_dim3A_999, %select_n3A_996 : vector<16xi1>, vector<16xi32>
    %eq3A_1001 = arith.cmpf oeq, %exp3A_967, %max3A_982 : vector<16xf32>
    %jit3A_1002 = arith.constant 3 : i32
    %broadcast_in_dim3A_1003 = vector.broadcast %jit3A_1002 : i32 to vector<16xi32>
    %select_n3A_1004 = arith.select %eq3A_1001, %broadcast_in_dim3A_1003, %select_n3A_1000 : vector<16xi1>, vector<16xi32>
    %eq3A_1005 = arith.cmpf oeq, %exp3A_965, %max3A_982 : vector<16xf32>
    %jit3A_1006 = arith.constant 2 : i32
    %broadcast_in_dim3A_1007 = vector.broadcast %jit3A_1006 : i32 to vector<16xi32>
    %select_n3A_1008 = arith.select %eq3A_1005, %broadcast_in_dim3A_1007, %select_n3A_1004 : vector<16xi1>, vector<16xi32>
    %eq3A_1009 = arith.cmpf oeq, %exp3A_963, %max3A_982 : vector<16xf32>
    %jit3A_1010 = arith.constant 1 : i32
    %broadcast_in_dim3A_1011 = vector.broadcast %jit3A_1010 : i32 to vector<16xi32>
    %select_n3A_1012 = arith.select %eq3A_1009, %broadcast_in_dim3A_1011, %select_n3A_1008 : vector<16xi1>, vector<16xi32>
    %eq3A_1013 = arith.cmpf oeq, %exp3A_961, %max3A_982 : vector<16xf32>
    %jit3A_1014 = arith.constant 0 : i32
    %broadcast_in_dim3A_1015 = vector.broadcast %jit3A_1014 : i32 to vector<16xi32>
    %select_n3A_1016 = arith.select %eq3A_1013, %broadcast_in_dim3A_1015, %select_n3A_1012 : vector<16xi1>, vector<16xi32>
    %eq3A_1017 = arith.constant 0 : i32
    %eq3A_1018 = vector.broadcast %eq3A_1017 : i32 to vector<16xi32>
    %eq3A_1019 = arith.cmpi eq, %select_n3A_1016, %eq3A_1018 : vector<16xi32>
    %jit3A_1020 = arith.constant -1.000000e+00 : f32
    %broadcast_in_dim3A_1021 = vector.broadcast %jit3A_1020 : f32 to vector<16xf32>
    %select_n3A_1022 = arith.select %eq3A_1019, %broadcast_in_dim3A_1021, %exp3A_961 : vector<16xi1>, vector<16xf32>
    %eq3A_1023 = arith.constant 1 : i32
    %eq3A_1024 = vector.broadcast %eq3A_1023 : i32 to vector<16xi32>
    %eq3A_1025 = arith.cmpi eq, %select_n3A_1016, %eq3A_1024 : vector<16xi32>
    %jit3A_1026 = arith.constant -1.000000e+00 : f32
    %broadcast_in_dim3A_1027 = vector.broadcast %jit3A_1026 : f32 to vector<16xf32>
    %select_n3A_1028 = arith.select %eq3A_1025, %broadcast_in_dim3A_1027, %exp3A_963 : vector<16xi1>, vector<16xf32>
    %eq3A_1029 = arith.constant 2 : i32
    %eq3A_1030 = vector.broadcast %eq3A_1029 : i32 to vector<16xi32>
    %eq3A_1031 = arith.cmpi eq, %select_n3A_1016, %eq3A_1030 : vector<16xi32>
    %jit3A_1032 = arith.constant -1.000000e+00 : f32
    %broadcast_in_dim3A_1033 = vector.broadcast %jit3A_1032 : f32 to vector<16xf32>
    %select_n3A_1034 = arith.select %eq3A_1031, %broadcast_in_dim3A_1033, %exp3A_965 : vector<16xi1>, vector<16xf32>
    %eq3A_1035 = arith.constant 3 : i32
    %eq3A_1036 = vector.broadcast %eq3A_1035 : i32 to vector<16xi32>
    %eq3A_1037 = arith.cmpi eq, %select_n3A_1016, %eq3A_1036 : vector<16xi32>
    %jit3A_1038 = arith.constant -1.000000e+00 : f32
    %broadcast_in_dim3A_1039 = vector.broadcast %jit3A_1038 : f32 to vector<16xf32>
    %select_n3A_1040 = arith.select %eq3A_1037, %broadcast_in_dim3A_1039, %exp3A_967 : vector<16xi1>, vector<16xf32>
    %eq3A_1041 = arith.constant 4 : i32
    %eq3A_1042 = vector.broadcast %eq3A_1041 : i32 to vector<16xi32>
    %eq3A_1043 = arith.cmpi eq, %select_n3A_1016, %eq3A_1042 : vector<16xi32>
    %jit3A_1044 = arith.constant -1.000000e+00 : f32
    %broadcast_in_dim3A_1045 = vector.broadcast %jit3A_1044 : f32 to vector<16xf32>
    %select_n3A_1046 = arith.select %eq3A_1043, %broadcast_in_dim3A_1045, %exp3A_969 : vector<16xi1>, vector<16xf32>
    %eq3A_1047 = arith.constant 5 : i32
    %eq3A_1048 = vector.broadcast %eq3A_1047 : i32 to vector<16xi32>
    %eq3A_1049 = arith.cmpi eq, %select_n3A_1016, %eq3A_1048 : vector<16xi32>
    %jit3A_1050 = arith.constant -1.000000e+00 : f32
    %broadcast_in_dim3A_1051 = vector.broadcast %jit3A_1050 : f32 to vector<16xf32>
    %select_n3A_1052 = arith.select %eq3A_1049, %broadcast_in_dim3A_1051, %exp3A_971 : vector<16xi1>, vector<16xf32>
    %eq3A_1053 = arith.constant 6 : i32
    %eq3A_1054 = vector.broadcast %eq3A_1053 : i32 to vector<16xi32>
    %eq3A_1055 = arith.cmpi eq, %select_n3A_1016, %eq3A_1054 : vector<16xi32>
    %jit3A_1056 = arith.constant -1.000000e+00 : f32
    %broadcast_in_dim3A_1057 = vector.broadcast %jit3A_1056 : f32 to vector<16xf32>
    %select_n3A_1058 = arith.select %eq3A_1055, %broadcast_in_dim3A_1057, %exp3A_973 : vector<16xi1>, vector<16xf32>
    %eq3A_1059 = arith.constant 7 : i32
    %eq3A_1060 = vector.broadcast %eq3A_1059 : i32 to vector<16xi32>
    %eq3A_1061 = arith.cmpi eq, %select_n3A_1016, %eq3A_1060 : vector<16xi32>
    %jit3A_1062 = arith.constant -1.000000e+00 : f32
    %broadcast_in_dim3A_1063 = vector.broadcast %jit3A_1062 : f32 to vector<16xf32>
    %select_n3A_1064 = arith.select %eq3A_1061, %broadcast_in_dim3A_1063, %exp3A_975 : vector<16xi1>, vector<16xf32>
    %max3A_1065 = arith.maximumf %select_n3A_1022, %select_n3A_1028 : vector<16xf32>
    %max3A_1066 = arith.maximumf %max3A_1065, %select_n3A_1034 : vector<16xf32>
    %max3A_1067 = arith.maximumf %max3A_1066, %select_n3A_1040 : vector<16xf32>
    %max3A_1068 = arith.maximumf %max3A_1067, %select_n3A_1046 : vector<16xf32>
    %max3A_1069 = arith.maximumf %max3A_1068, %select_n3A_1052 : vector<16xf32>
    %max3A_1070 = arith.maximumf %max3A_1069, %select_n3A_1058 : vector<16xf32>
    %max3A_1071 = arith.maximumf %max3A_1070, %select_n3A_1064 : vector<16xf32>
    %broadcast_in_dim3A_1072 = arith.constant 0 : i32
    %broadcast_in_dim3A_1073 = vector.broadcast %broadcast_in_dim3A_1072 : i32 to vector<16xi32>
    %eq3A_1074 = arith.cmpf oeq, %select_n3A_1064, %max3A_1071 : vector<16xf32>
    %jit3A_1075 = arith.constant 7 : i32
    %broadcast_in_dim3A_1076 = vector.broadcast %jit3A_1075 : i32 to vector<16xi32>
    %select_n3A_1077 = arith.select %eq3A_1074, %broadcast_in_dim3A_1076, %broadcast_in_dim3A_1073 : vector<16xi1>, vector<16xi32>
    %eq3A_1078 = arith.cmpf oeq, %select_n3A_1058, %max3A_1071 : vector<16xf32>
    %jit3A_1079 = arith.constant 6 : i32
    %broadcast_in_dim3A_1080 = vector.broadcast %jit3A_1079 : i32 to vector<16xi32>
    %select_n3A_1081 = arith.select %eq3A_1078, %broadcast_in_dim3A_1080, %select_n3A_1077 : vector<16xi1>, vector<16xi32>
    %eq3A_1082 = arith.cmpf oeq, %select_n3A_1052, %max3A_1071 : vector<16xf32>
    %jit3A_1083 = arith.constant 5 : i32
    %broadcast_in_dim3A_1084 = vector.broadcast %jit3A_1083 : i32 to vector<16xi32>
    %select_n3A_1085 = arith.select %eq3A_1082, %broadcast_in_dim3A_1084, %select_n3A_1081 : vector<16xi1>, vector<16xi32>
    %eq3A_1086 = arith.cmpf oeq, %select_n3A_1046, %max3A_1071 : vector<16xf32>
    %jit3A_1087 = arith.constant 4 : i32
    %broadcast_in_dim3A_1088 = vector.broadcast %jit3A_1087 : i32 to vector<16xi32>
    %select_n3A_1089 = arith.select %eq3A_1086, %broadcast_in_dim3A_1088, %select_n3A_1085 : vector<16xi1>, vector<16xi32>
    %eq3A_1090 = arith.cmpf oeq, %select_n3A_1040, %max3A_1071 : vector<16xf32>
    %jit3A_1091 = arith.constant 3 : i32
    %broadcast_in_dim3A_1092 = vector.broadcast %jit3A_1091 : i32 to vector<16xi32>
    %select_n3A_1093 = arith.select %eq3A_1090, %broadcast_in_dim3A_1092, %select_n3A_1089 : vector<16xi1>, vector<16xi32>
    %eq3A_1094 = arith.cmpf oeq, %select_n3A_1034, %max3A_1071 : vector<16xf32>
    %jit3A_1095 = arith.constant 2 : i32
    %broadcast_in_dim3A_1096 = vector.broadcast %jit3A_1095 : i32 to vector<16xi32>
    %select_n3A_1097 = arith.select %eq3A_1094, %broadcast_in_dim3A_1096, %select_n3A_1093 : vector<16xi1>, vector<16xi32>
    %eq3A_1098 = arith.cmpf oeq, %select_n3A_1028, %max3A_1071 : vector<16xf32>
    %jit3A_1099 = arith.constant 1 : i32
    %broadcast_in_dim3A_1100 = vector.broadcast %jit3A_1099 : i32 to vector<16xi32>
    %select_n3A_1101 = arith.select %eq3A_1098, %broadcast_in_dim3A_1100, %select_n3A_1097 : vector<16xi1>, vector<16xi32>
    %eq3A_1102 = arith.cmpf oeq, %select_n3A_1022, %max3A_1071 : vector<16xf32>
    %jit3A_1103 = arith.constant 0 : i32
    %broadcast_in_dim3A_1104 = vector.broadcast %jit3A_1103 : i32 to vector<16xi32>
    %select_n3A_1105 = arith.select %eq3A_1102, %broadcast_in_dim3A_1104, %select_n3A_1101 : vector<16xi1>, vector<16xi32>
    %eq3A_1106 = arith.constant 0 : i32
    %eq3A_1107 = vector.broadcast %eq3A_1106 : i32 to vector<16xi32>
    %eq3A_1108 = arith.cmpi eq, %select_n3A_1016, %eq3A_1107 : vector<16xi32>
    %eq3A_1109 = arith.constant 0 : i32
    %eq3A_1110 = vector.broadcast %eq3A_1109 : i32 to vector<16xi32>
    %eq3A_1111 = arith.cmpi eq, %select_n3A_1105, %eq3A_1110 : vector<16xi32>
    %or3A_1112 = arith.ori %eq3A_1108, %eq3A_1111 : vector<16xi1>
    %jit3A_1113 = arith.constant 0.000000e+00 : f32
    %broadcast_in_dim3A_1114 = vector.broadcast %jit3A_1113 : f32 to vector<16xf32>
    %select_n3A_1115 = arith.select %or3A_1112, %exp3A_961, %broadcast_in_dim3A_1114 : vector<16xi1>, vector<16xf32>
    %eq3A_1116 = arith.constant 1 : i32
    %eq3A_1117 = vector.broadcast %eq3A_1116 : i32 to vector<16xi32>
    %eq3A_1118 = arith.cmpi eq, %select_n3A_1016, %eq3A_1117 : vector<16xi32>
    %eq3A_1119 = arith.constant 1 : i32
    %eq3A_1120 = vector.broadcast %eq3A_1119 : i32 to vector<16xi32>
    %eq3A_1121 = arith.cmpi eq, %select_n3A_1105, %eq3A_1120 : vector<16xi32>
    %or3A_1122 = arith.ori %eq3A_1118, %eq3A_1121 : vector<16xi1>
    %jit3A_1123 = arith.constant 0.000000e+00 : f32
    %broadcast_in_dim3A_1124 = vector.broadcast %jit3A_1123 : f32 to vector<16xf32>
    %select_n3A_1125 = arith.select %or3A_1122, %exp3A_963, %broadcast_in_dim3A_1124 : vector<16xi1>, vector<16xf32>
    %eq3A_1126 = arith.constant 2 : i32
    %eq3A_1127 = vector.broadcast %eq3A_1126 : i32 to vector<16xi32>
    %eq3A_1128 = arith.cmpi eq, %select_n3A_1016, %eq3A_1127 : vector<16xi32>
    %eq3A_1129 = arith.constant 2 : i32
    %eq3A_1130 = vector.broadcast %eq3A_1129 : i32 to vector<16xi32>
    %eq3A_1131 = arith.cmpi eq, %select_n3A_1105, %eq3A_1130 : vector<16xi32>
    %or3A_1132 = arith.ori %eq3A_1128, %eq3A_1131 : vector<16xi1>
    %jit3A_1133 = arith.constant 0.000000e+00 : f32
    %broadcast_in_dim3A_1134 = vector.broadcast %jit3A_1133 : f32 to vector<16xf32>
    %select_n3A_1135 = arith.select %or3A_1132, %exp3A_965, %broadcast_in_dim3A_1134 : vector<16xi1>, vector<16xf32>
    %eq3A_1136 = arith.constant 3 : i32
    %eq3A_1137 = vector.broadcast %eq3A_1136 : i32 to vector<16xi32>
    %eq3A_1138 = arith.cmpi eq, %select_n3A_1016, %eq3A_1137 : vector<16xi32>
    %eq3A_1139 = arith.constant 3 : i32
    %eq3A_1140 = vector.broadcast %eq3A_1139 : i32 to vector<16xi32>
    %eq3A_1141 = arith.cmpi eq, %select_n3A_1105, %eq3A_1140 : vector<16xi32>
    %or3A_1142 = arith.ori %eq3A_1138, %eq3A_1141 : vector<16xi1>
    %jit3A_1143 = arith.constant 0.000000e+00 : f32
    %broadcast_in_dim3A_1144 = vector.broadcast %jit3A_1143 : f32 to vector<16xf32>
    %select_n3A_1145 = arith.select %or3A_1142, %exp3A_967, %broadcast_in_dim3A_1144 : vector<16xi1>, vector<16xf32>
    %eq3A_1146 = arith.constant 4 : i32
    %eq3A_1147 = vector.broadcast %eq3A_1146 : i32 to vector<16xi32>
    %eq3A_1148 = arith.cmpi eq, %select_n3A_1016, %eq3A_1147 : vector<16xi32>
    %eq3A_1149 = arith.constant 4 : i32
    %eq3A_1150 = vector.broadcast %eq3A_1149 : i32 to vector<16xi32>
    %eq3A_1151 = arith.cmpi eq, %select_n3A_1105, %eq3A_1150 : vector<16xi32>
    %or3A_1152 = arith.ori %eq3A_1148, %eq3A_1151 : vector<16xi1>
    %jit3A_1153 = arith.constant 0.000000e+00 : f32
    %broadcast_in_dim3A_1154 = vector.broadcast %jit3A_1153 : f32 to vector<16xf32>
    %select_n3A_1155 = arith.select %or3A_1152, %exp3A_969, %broadcast_in_dim3A_1154 : vector<16xi1>, vector<16xf32>
    %eq3A_1156 = arith.constant 5 : i32
    %eq3A_1157 = vector.broadcast %eq3A_1156 : i32 to vector<16xi32>
    %eq3A_1158 = arith.cmpi eq, %select_n3A_1016, %eq3A_1157 : vector<16xi32>
    %eq3A_1159 = arith.constant 5 : i32
    %eq3A_1160 = vector.broadcast %eq3A_1159 : i32 to vector<16xi32>
    %eq3A_1161 = arith.cmpi eq, %select_n3A_1105, %eq3A_1160 : vector<16xi32>
    %or3A_1162 = arith.ori %eq3A_1158, %eq3A_1161 : vector<16xi1>
    %jit3A_1163 = arith.constant 0.000000e+00 : f32
    %broadcast_in_dim3A_1164 = vector.broadcast %jit3A_1163 : f32 to vector<16xf32>
    %select_n3A_1165 = arith.select %or3A_1162, %exp3A_971, %broadcast_in_dim3A_1164 : vector<16xi1>, vector<16xf32>
    %eq3A_1166 = arith.constant 6 : i32
    %eq3A_1167 = vector.broadcast %eq3A_1166 : i32 to vector<16xi32>
    %eq3A_1168 = arith.cmpi eq, %select_n3A_1016, %eq3A_1167 : vector<16xi32>
    %eq3A_1169 = arith.constant 6 : i32
    %eq3A_1170 = vector.broadcast %eq3A_1169 : i32 to vector<16xi32>
    %eq3A_1171 = arith.cmpi eq, %select_n3A_1105, %eq3A_1170 : vector<16xi32>
    %or3A_1172 = arith.ori %eq3A_1168, %eq3A_1171 : vector<16xi1>
    %jit3A_1173 = arith.constant 0.000000e+00 : f32
    %broadcast_in_dim3A_1174 = vector.broadcast %jit3A_1173 : f32 to vector<16xf32>
    %select_n3A_1175 = arith.select %or3A_1172, %exp3A_973, %broadcast_in_dim3A_1174 : vector<16xi1>, vector<16xf32>
    %eq3A_1176 = arith.constant 7 : i32
    %eq3A_1177 = vector.broadcast %eq3A_1176 : i32 to vector<16xi32>
    %eq3A_1178 = arith.cmpi eq, %select_n3A_1016, %eq3A_1177 : vector<16xi32>
    %eq3A_1179 = arith.constant 7 : i32
    %eq3A_1180 = vector.broadcast %eq3A_1179 : i32 to vector<16xi32>
    %eq3A_1181 = arith.cmpi eq, %select_n3A_1105, %eq3A_1180 : vector<16xi32>
    %or3A_1182 = arith.ori %eq3A_1178, %eq3A_1181 : vector<16xi1>
    %jit3A_1183 = arith.constant 0.000000e+00 : f32
    %broadcast_in_dim3A_1184 = vector.broadcast %jit3A_1183 : f32 to vector<16xf32>
    %select_n3A_1185 = arith.select %or3A_1182, %exp3A_975, %broadcast_in_dim3A_1184 : vector<16xi1>, vector<16xf32>
    %add3A_1186 = arith.addf %select_n3A_1115, %select_n3A_1125 : vector<16xf32>
    %add3A_1187 = arith.addf %add3A_1186, %select_n3A_1135 : vector<16xf32>
    %add3A_1188 = arith.addf %add3A_1187, %select_n3A_1145 : vector<16xf32>
    %add3A_1189 = arith.addf %add3A_1188, %select_n3A_1155 : vector<16xf32>
    %add3A_1190 = arith.addf %add3A_1189, %select_n3A_1165 : vector<16xf32>
    %add3A_1191 = arith.addf %add3A_1190, %select_n3A_1175 : vector<16xf32>
    %add3A_1192 = arith.addf %add3A_1191, %select_n3A_1185 : vector<16xf32>
    %div3A_1193 = arith.constant 1.000000e+00 : f32
    %div3A_1194 = vector.broadcast %div3A_1193 : f32 to vector<16xf32>
    %div3A_1195 = arith.divf %div3A_1194, %add3A_1192 : vector<16xf32>
    %mul3A_1196 = arith.mulf %select_n3A_1115, %div3A_1195 : vector<16xf32>
    %swap3A_1197 = arith.constant 48 : index
    %swap3A_1198 = tpu.vector_load %arg5[%swap3A_1197] {strides = array<i32>} : memref<1024xf32, #tpu.memory_space<vmem>>, vector<16xf32>,
    %swap3A_1199 = vector.shape_cast %swap3A_1198 : vector<16xf32> to vector<16xf32>
    %swap3A_1200 = vector.shape_cast %mul3A_1196 : vector<16xf32> to vector<16xf32>
    tpu.vector_store %arg5[%swap3A_1197], %swap3A_1200 {strides = array<i32>} : memref<1024xf32, #tpu.memory_space<vmem>>, vector<16xf32>,
    %mul3A_1201 = arith.mulf %select_n3A_1125, %div3A_1195 : vector<16xf32>
    %swap3A_1202 = arith.constant 176 : index
    %swap3A_1203 = tpu.vector_load %arg5[%swap3A_1202] {strides = array<i32>} : memref<1024xf32, #tpu.memory_space<vmem>>, vector<16xf32>,
    %swap3A_1204 = vector.shape_cast %swap3A_1203 : vector<16xf32> to vector<16xf32>
    %swap3A_1205 = vector.shape_cast %mul3A_1201 : vector<16xf32> to vector<16xf32>
    tpu.vector_store %arg5[%swap3A_1202], %swap3A_1205 {strides = array<i32>} : memref<1024xf32, #tpu.memory_space<vmem>>, vector<16xf32>,
    %mul3A_1206 = arith.mulf %select_n3A_1135, %div3A_1195 : vector<16xf32>
    %swap3A_1207 = arith.constant 304 : index
    %swap3A_1208 = tpu.vector_load %arg5[%swap3A_1207] {strides = array<i32>} : memref<1024xf32, #tpu.memory_space<vmem>>, vector<16xf32>,
    %swap3A_1209 = vector.shape_cast %swap3A_1208 : vector<16xf32> to vector<16xf32>
    %swap3A_1210 = vector.shape_cast %mul3A_1206 : vector<16xf32> to vector<16xf32>
    tpu.vector_store %arg5[%swap3A_1207], %swap3A_1210 {strides = array<i32>} : memref<1024xf32, #tpu.memory_space<vmem>>, vector<16xf32>,
    %mul3A_1211 = arith.mulf %select_n3A_1145, %div3A_1195 : vector<16xf32>
    %swap3A_1212 = arith.constant 432 : index
    %swap3A_1213 = tpu.vector_load %arg5[%swap3A_1212] {strides = array<i32>} : memref<1024xf32, #tpu.memory_space<vmem>>, vector<16xf32>,
    %swap3A_1214 = vector.shape_cast %swap3A_1213 : vector<16xf32> to vector<16xf32>
    %swap3A_1215 = vector.shape_cast %mul3A_1211 : vector<16xf32> to vector<16xf32>
    tpu.vector_store %arg5[%swap3A_1212], %swap3A_1215 {strides = array<i32>} : memref<1024xf32, #tpu.memory_space<vmem>>, vector<16xf32>,
    %mul3A_1216 = arith.mulf %select_n3A_1155, %div3A_1195 : vector<16xf32>
    %swap3A_1217 = arith.constant 560 : index
    %swap3A_1218 = tpu.vector_load %arg5[%swap3A_1217] {strides = array<i32>} : memref<1024xf32, #tpu.memory_space<vmem>>, vector<16xf32>,
    %swap3A_1219 = vector.shape_cast %swap3A_1218 : vector<16xf32> to vector<16xf32>
    %swap3A_1220 = vector.shape_cast %mul3A_1216 : vector<16xf32> to vector<16xf32>
    tpu.vector_store %arg5[%swap3A_1217], %swap3A_1220 {strides = array<i32>} : memref<1024xf32, #tpu.memory_space<vmem>>, vector<16xf32>,
    %mul3A_1221 = arith.mulf %select_n3A_1165, %div3A_1195 : vector<16xf32>
    %swap3A_1222 = arith.constant 688 : index
    %swap3A_1223 = tpu.vector_load %arg5[%swap3A_1222] {strides = array<i32>} : memref<1024xf32, #tpu.memory_space<vmem>>, vector<16xf32>,
    %swap3A_1224 = vector.shape_cast %swap3A_1223 : vector<16xf32> to vector<16xf32>
    %swap3A_1225 = vector.shape_cast %mul3A_1221 : vector<16xf32> to vector<16xf32>
    tpu.vector_store %arg5[%swap3A_1222], %swap3A_1225 {strides = array<i32>} : memref<1024xf32, #tpu.memory_space<vmem>>, vector<16xf32>,
    %mul3A_1226 = arith.mulf %select_n3A_1175, %div3A_1195 : vector<16xf32>
    %swap3A_1227 = arith.constant 816 : index
    %swap3A_1228 = tpu.vector_load %arg5[%swap3A_1227] {strides = array<i32>} : memref<1024xf32, #tpu.memory_space<vmem>>, vector<16xf32>,
    %swap3A_1229 = vector.shape_cast %swap3A_1228 : vector<16xf32> to vector<16xf32>
    %swap3A_1230 = vector.shape_cast %mul3A_1226 : vector<16xf32> to vector<16xf32>
    tpu.vector_store %arg5[%swap3A_1227], %swap3A_1230 {strides = array<i32>} : memref<1024xf32, #tpu.memory_space<vmem>>, vector<16xf32>,
    %mul3A_1231 = arith.mulf %select_n3A_1185, %div3A_1195 : vector<16xf32>
    %swap3A_1232 = arith.constant 944 : index
    %swap3A_1233 = tpu.vector_load %arg5[%swap3A_1232] {strides = array<i32>} : memref<1024xf32, #tpu.memory_space<vmem>>, vector<16xf32>,
    %swap3A_1234 = vector.shape_cast %swap3A_1233 : vector<16xf32> to vector<16xf32>
    %swap3A_1235 = vector.shape_cast %mul3A_1231 : vector<16xf32> to vector<16xf32>
    tpu.vector_store %arg5[%swap3A_1232], %swap3A_1235 {strides = array<i32>} : memref<1024xf32, #tpu.memory_space<vmem>>, vector<16xf32>,
    %get3A_1236 = arith.constant 64 : index
    %get3A_1237 = tpu.vector_load %arg4[%get3A_1236] {strides = array<i32>} : memref<1024xf32, #tpu.memory_space<vmem>>, vector<16xf32>,
    %get3A_1238 = vector.shape_cast %get3A_1237 : vector<16xf32> to vector<16xf32>
    %get3A_1239 = arith.constant 192 : index
    %get3A_1240 = tpu.vector_load %arg4[%get3A_1239] {strides = array<i32>} : memref<1024xf32, #tpu.memory_space<vmem>>, vector<16xf32>,
    %get3A_1241 = vector.shape_cast %get3A_1240 : vector<16xf32> to vector<16xf32>
    %get3A_1242 = arith.constant 320 : index
    %get3A_1243 = tpu.vector_load %arg4[%get3A_1242] {strides = array<i32>} : memref<1024xf32, #tpu.memory_space<vmem>>, vector<16xf32>,
    %get3A_1244 = vector.shape_cast %get3A_1243 : vector<16xf32> to vector<16xf32>
    %get3A_1245 = arith.constant 448 : index
    %get3A_1246 = tpu.vector_load %arg4[%get3A_1245] {strides = array<i32>} : memref<1024xf32, #tpu.memory_space<vmem>>, vector<16xf32>,
    %get3A_1247 = vector.shape_cast %get3A_1246 : vector<16xf32> to vector<16xf32>
    %get3A_1248 = arith.constant 576 : index
    %get3A_1249 = tpu.vector_load %arg4[%get3A_1248] {strides = array<i32>} : memref<1024xf32, #tpu.memory_space<vmem>>, vector<16xf32>,
    %get3A_1250 = vector.shape_cast %get3A_1249 : vector<16xf32> to vector<16xf32>
    %get3A_1251 = arith.constant 704 : index
    %get3A_1252 = tpu.vector_load %arg4[%get3A_1251] {strides = array<i32>} : memref<1024xf32, #tpu.memory_space<vmem>>, vector<16xf32>,
    %get3A_1253 = vector.shape_cast %get3A_1252 : vector<16xf32> to vector<16xf32>
    %get3A_1254 = arith.constant 832 : index
    %get3A_1255 = tpu.vector_load %arg4[%get3A_1254] {strides = array<i32>} : memref<1024xf32, #tpu.memory_space<vmem>>, vector<16xf32>,
    %get3A_1256 = vector.shape_cast %get3A_1255 : vector<16xf32> to vector<16xf32>
    %get3A_1257 = arith.constant 960 : index
    %get3A_1258 = tpu.vector_load %arg4[%get3A_1257] {strides = array<i32>} : memref<1024xf32, #tpu.memory_space<vmem>>, vector<16xf32>,
    %get3A_1259 = vector.shape_cast %get3A_1258 : vector<16xf32> to vector<16xf32>
    %max3A_1260 = arith.maximumf %get3A_1238, %get3A_1241 : vector<16xf32>
    %max3A_1261 = arith.maximumf %max3A_1260, %get3A_1244 : vector<16xf32>
    %max3A_1262 = arith.maximumf %max3A_1261, %get3A_1247 : vector<16xf32>
    %max3A_1263 = arith.maximumf %max3A_1262, %get3A_1250 : vector<16xf32>
    %max3A_1264 = arith.maximumf %max3A_1263, %get3A_1253 : vector<16xf32>
    %max3A_1265 = arith.maximumf %max3A_1264, %get3A_1256 : vector<16xf32>
    %max3A_1266 = arith.maximumf %max3A_1265, %get3A_1259 : vector<16xf32>
    %sub3A_1267 = arith.subf %get3A_1238, %max3A_1266 : vector<16xf32>
    %exp3A_1268 = math.exp %sub3A_1267 : vector<16xf32>
    %sub3A_1269 = arith.subf %get3A_1241, %max3A_1266 : vector<16xf32>
    %exp3A_1270 = math.exp %sub3A_1269 : vector<16xf32>
    %sub3A_1271 = arith.subf %get3A_1244, %max3A_1266 : vector<16xf32>
    %exp3A_1272 = math.exp %sub3A_1271 : vector<16xf32>
    %sub3A_1273 = arith.subf %get3A_1247, %max3A_1266 : vector<16xf32>
    %exp3A_1274 = math.exp %sub3A_1273 : vector<16xf32>
    %sub3A_1275 = arith.subf %get3A_1250, %max3A_1266 : vector<16xf32>
    %exp3A_1276 = math.exp %sub3A_1275 : vector<16xf32>
    %sub3A_1277 = arith.subf %get3A_1253, %max3A_1266 : vector<16xf32>
    %exp3A_1278 = math.exp %sub3A_1277 : vector<16xf32>
    %sub3A_1279 = arith.subf %get3A_1256, %max3A_1266 : vector<16xf32>
    %exp3A_1280 = math.exp %sub3A_1279 : vector<16xf32>
    %sub3A_1281 = arith.subf %get3A_1259, %max3A_1266 : vector<16xf32>
    %exp3A_1282 = math.exp %sub3A_1281 : vector<16xf32>
    %max3A_1283 = arith.maximumf %exp3A_1268, %exp3A_1270 : vector<16xf32>
    %max3A_1284 = arith.maximumf %max3A_1283, %exp3A_1272 : vector<16xf32>
    %max3A_1285 = arith.maximumf %max3A_1284, %exp3A_1274 : vector<16xf32>
    %max3A_1286 = arith.maximumf %max3A_1285, %exp3A_1276 : vector<16xf32>
    %max3A_1287 = arith.maximumf %max3A_1286, %exp3A_1278 : vector<16xf32>
    %max3A_1288 = arith.maximumf %max3A_1287, %exp3A_1280 : vector<16xf32>
    %max3A_1289 = arith.maximumf %max3A_1288, %exp3A_1282 : vector<16xf32>
    %broadcast_in_dim3A_1290 = arith.constant 0 : i32
    %broadcast_in_dim3A_1291 = vector.broadcast %broadcast_in_dim3A_1290 : i32 to vector<16xi32>
    %eq3A_1292 = arith.cmpf oeq, %exp3A_1282, %max3A_1289 : vector<16xf32>
    %jit3A_1293 = arith.constant 7 : i32
    %broadcast_in_dim3A_1294 = vector.broadcast %jit3A_1293 : i32 to vector<16xi32>
    %select_n3A_1295 = arith.select %eq3A_1292, %broadcast_in_dim3A_1294, %broadcast_in_dim3A_1291 : vector<16xi1>, vector<16xi32>
    %eq3A_1296 = arith.cmpf oeq, %exp3A_1280, %max3A_1289 : vector<16xf32>
    %jit3A_1297 = arith.constant 6 : i32
    %broadcast_in_dim3A_1298 = vector.broadcast %jit3A_1297 : i32 to vector<16xi32>
    %select_n3A_1299 = arith.select %eq3A_1296, %broadcast_in_dim3A_1298, %select_n3A_1295 : vector<16xi1>, vector<16xi32>
    %eq3A_1300 = arith.cmpf oeq, %exp3A_1278, %max3A_1289 : vector<16xf32>
    %jit3A_1301 = arith.constant 5 : i32
    %broadcast_in_dim3A_1302 = vector.broadcast %jit3A_1301 : i32 to vector<16xi32>
    %select_n3A_1303 = arith.select %eq3A_1300, %broadcast_in_dim3A_1302, %select_n3A_1299 : vector<16xi1>, vector<16xi32>
    %eq3A_1304 = arith.cmpf oeq, %exp3A_1276, %max3A_1289 : vector<16xf32>
    %jit3A_1305 = arith.constant 4 : i32
    %broadcast_in_dim3A_1306 = vector.broadcast %jit3A_1305 : i32 to vector<16xi32>
    %select_n3A_1307 = arith.select %eq3A_1304, %broadcast_in_dim3A_1306, %select_n3A_1303 : vector<16xi1>, vector<16xi32>
    %eq3A_1308 = arith.cmpf oeq, %exp3A_1274, %max3A_1289 : vector<16xf32>
    %jit3A_1309 = arith.constant 3 : i32
    %broadcast_in_dim3A_1310 = vector.broadcast %jit3A_1309 : i32 to vector<16xi32>
    %select_n3A_1311 = arith.select %eq3A_1308, %broadcast_in_dim3A_1310, %select_n3A_1307 : vector<16xi1>, vector<16xi32>
    %eq3A_1312 = arith.cmpf oeq, %exp3A_1272, %max3A_1289 : vector<16xf32>
    %jit3A_1313 = arith.constant 2 : i32
    %broadcast_in_dim3A_1314 = vector.broadcast %jit3A_1313 : i32 to vector<16xi32>
    %select_n3A_1315 = arith.select %eq3A_1312, %broadcast_in_dim3A_1314, %select_n3A_1311 : vector<16xi1>, vector<16xi32>
    %eq3A_1316 = arith.cmpf oeq, %exp3A_1270, %max3A_1289 : vector<16xf32>
    %jit3A_1317 = arith.constant 1 : i32
    %broadcast_in_dim3A_1318 = vector.broadcast %jit3A_1317 : i32 to vector<16xi32>
    %select_n3A_1319 = arith.select %eq3A_1316, %broadcast_in_dim3A_1318, %select_n3A_1315 : vector<16xi1>, vector<16xi32>
    %eq3A_1320 = arith.cmpf oeq, %exp3A_1268, %max3A_1289 : vector<16xf32>
    %jit3A_1321 = arith.constant 0 : i32
    %broadcast_in_dim3A_1322 = vector.broadcast %jit3A_1321 : i32 to vector<16xi32>
    %select_n3A_1323 = arith.select %eq3A_1320, %broadcast_in_dim3A_1322, %select_n3A_1319 : vector<16xi1>, vector<16xi32>
    %eq3A_1324 = arith.constant 0 : i32
    %eq3A_1325 = vector.broadcast %eq3A_1324 : i32 to vector<16xi32>
    %eq3A_1326 = arith.cmpi eq, %select_n3A_1323, %eq3A_1325 : vector<16xi32>
    %jit3A_1327 = arith.constant -1.000000e+00 : f32
    %broadcast_in_dim3A_1328 = vector.broadcast %jit3A_1327 : f32 to vector<16xf32>
    %select_n3A_1329 = arith.select %eq3A_1326, %broadcast_in_dim3A_1328, %exp3A_1268 : vector<16xi1>, vector<16xf32>
    %eq3A_1330 = arith.constant 1 : i32
    %eq3A_1331 = vector.broadcast %eq3A_1330 : i32 to vector<16xi32>
    %eq3A_1332 = arith.cmpi eq, %select_n3A_1323, %eq3A_1331 : vector<16xi32>
    %jit3A_1333 = arith.constant -1.000000e+00 : f32
    %broadcast_in_dim3A_1334 = vector.broadcast %jit3A_1333 : f32 to vector<16xf32>
    %select_n3A_1335 = arith.select %eq3A_1332, %broadcast_in_dim3A_1334, %exp3A_1270 : vector<16xi1>, vector<16xf32>
    %eq3A_1336 = arith.constant 2 : i32
    %eq3A_1337 = vector.broadcast %eq3A_1336 : i32 to vector<16xi32>
    %eq3A_1338 = arith.cmpi eq, %select_n3A_1323, %eq3A_1337 : vector<16xi32>
    %jit3A_1339 = arith.constant -1.000000e+00 : f32
    %broadcast_in_dim3A_1340 = vector.broadcast %jit3A_1339 : f32 to vector<16xf32>
    %select_n3A_1341 = arith.select %eq3A_1338, %broadcast_in_dim3A_1340, %exp3A_1272 : vector<16xi1>, vector<16xf32>
    %eq3A_1342 = arith.constant 3 : i32
    %eq3A_1343 = vector.broadcast %eq3A_1342 : i32 to vector<16xi32>
    %eq3A_1344 = arith.cmpi eq, %select_n3A_1323, %eq3A_1343 : vector<16xi32>
    %jit3A_1345 = arith.constant -1.000000e+00 : f32
    %broadcast_in_dim3A_1346 = vector.broadcast %jit3A_1345 : f32 to vector<16xf32>
    %select_n3A_1347 = arith.select %eq3A_1344, %broadcast_in_dim3A_1346, %exp3A_1274 : vector<16xi1>, vector<16xf32>
    %eq3A_1348 = arith.constant 4 : i32
    %eq3A_1349 = vector.broadcast %eq3A_1348 : i32 to vector<16xi32>
    %eq3A_1350 = arith.cmpi eq, %select_n3A_1323, %eq3A_1349 : vector<16xi32>
    %jit3A_1351 = arith.constant -1.000000e+00 : f32
    %broadcast_in_dim3A_1352 = vector.broadcast %jit3A_1351 : f32 to vector<16xf32>
    %select_n3A_1353 = arith.select %eq3A_1350, %broadcast_in_dim3A_1352, %exp3A_1276 : vector<16xi1>, vector<16xf32>
    %eq3A_1354 = arith.constant 5 : i32
    %eq3A_1355 = vector.broadcast %eq3A_1354 : i32 to vector<16xi32>
    %eq3A_1356 = arith.cmpi eq, %select_n3A_1323, %eq3A_1355 : vector<16xi32>
    %jit3A_1357 = arith.constant -1.000000e+00 : f32
    %broadcast_in_dim3A_1358 = vector.broadcast %jit3A_1357 : f32 to vector<16xf32>
    %select_n3A_1359 = arith.select %eq3A_1356, %broadcast_in_dim3A_1358, %exp3A_1278 : vector<16xi1>, vector<16xf32>
    %eq3A_1360 = arith.constant 6 : i32
    %eq3A_1361 = vector.broadcast %eq3A_1360 : i32 to vector<16xi32>
    %eq3A_1362 = arith.cmpi eq, %select_n3A_1323, %eq3A_1361 : vector<16xi32>
    %jit3A_1363 = arith.constant -1.000000e+00 : f32
    %broadcast_in_dim3A_1364 = vector.broadcast %jit3A_1363 : f32 to vector<16xf32>
    %select_n3A_1365 = arith.select %eq3A_1362, %broadcast_in_dim3A_1364, %exp3A_1280 : vector<16xi1>, vector<16xf32>
    %eq3A_1366 = arith.constant 7 : i32
    %eq3A_1367 = vector.broadcast %eq3A_1366 : i32 to vector<16xi32>
    %eq3A_1368 = arith.cmpi eq, %select_n3A_1323, %eq3A_1367 : vector<16xi32>
    %jit3A_1369 = arith.constant -1.000000e+00 : f32
    %broadcast_in_dim3A_1370 = vector.broadcast %jit3A_1369 : f32 to vector<16xf32>
    %select_n3A_1371 = arith.select %eq3A_1368, %broadcast_in_dim3A_1370, %exp3A_1282 : vector<16xi1>, vector<16xf32>
    %max3A_1372 = arith.maximumf %select_n3A_1329, %select_n3A_1335 : vector<16xf32>
    %max3A_1373 = arith.maximumf %max3A_1372, %select_n3A_1341 : vector<16xf32>
    %max3A_1374 = arith.maximumf %max3A_1373, %select_n3A_1347 : vector<16xf32>
    %max3A_1375 = arith.maximumf %max3A_1374, %select_n3A_1353 : vector<16xf32>
    %max3A_1376 = arith.maximumf %max3A_1375, %select_n3A_1359 : vector<16xf32>
    %max3A_1377 = arith.maximumf %max3A_1376, %select_n3A_1365 : vector<16xf32>
    %max3A_1378 = arith.maximumf %max3A_1377, %select_n3A_1371 : vector<16xf32>
    %broadcast_in_dim3A_1379 = arith.constant 0 : i32
    %broadcast_in_dim3A_1380 = vector.broadcast %broadcast_in_dim3A_1379 : i32 to vector<16xi32>
    %eq3A_1381 = arith.cmpf oeq, %select_n3A_1371, %max3A_1378 : vector<16xf32>
    %jit3A_1382 = arith.constant 7 : i32
    %broadcast_in_dim3A_1383 = vector.broadcast %jit3A_1382 : i32 to vector<16xi32>
    %select_n3A_1384 = arith.select %eq3A_1381, %broadcast_in_dim3A_1383, %broadcast_in_dim3A_1380 : vector<16xi1>, vector<16xi32>
    %eq3A_1385 = arith.cmpf oeq, %select_n3A_1365, %max3A_1378 : vector<16xf32>
    %jit3A_1386 = arith.constant 6 : i32
    %broadcast_in_dim3A_1387 = vector.broadcast %jit3A_1386 : i32 to vector<16xi32>
    %select_n3A_1388 = arith.select %eq3A_1385, %broadcast_in_dim3A_1387, %select_n3A_1384 : vector<16xi1>, vector<16xi32>
    %eq3A_1389 = arith.cmpf oeq, %select_n3A_1359, %max3A_1378 : vector<16xf32>
    %jit3A_1390 = arith.constant 5 : i32
    %broadcast_in_dim3A_1391 = vector.broadcast %jit3A_1390 : i32 to vector<16xi32>
    %select_n3A_1392 = arith.select %eq3A_1389, %broadcast_in_dim3A_1391, %select_n3A_1388 : vector<16xi1>, vector<16xi32>
    %eq3A_1393 = arith.cmpf oeq, %select_n3A_1353, %max3A_1378 : vector<16xf32>
    %jit3A_1394 = arith.constant 4 : i32
    %broadcast_in_dim3A_1395 = vector.broadcast %jit3A_1394 : i32 to vector<16xi32>
    %select_n3A_1396 = arith.select %eq3A_1393, %broadcast_in_dim3A_1395, %select_n3A_1392 : vector<16xi1>, vector<16xi32>
    %eq3A_1397 = arith.cmpf oeq, %select_n3A_1347, %max3A_1378 : vector<16xf32>
    %jit3A_1398 = arith.constant 3 : i32
    %broadcast_in_dim3A_1399 = vector.broadcast %jit3A_1398 : i32 to vector<16xi32>
    %select_n3A_1400 = arith.select %eq3A_1397, %broadcast_in_dim3A_1399, %select_n3A_1396 : vector<16xi1>, vector<16xi32>
    %eq3A_1401 = arith.cmpf oeq, %select_n3A_1341, %max3A_1378 : vector<16xf32>
    %jit3A_1402 = arith.constant 2 : i32
    %broadcast_in_dim3A_1403 = vector.broadcast %jit3A_1402 : i32 to vector<16xi32>
    %select_n3A_1404 = arith.select %eq3A_1401, %broadcast_in_dim3A_1403, %select_n3A_1400 : vector<16xi1>, vector<16xi32>
    %eq3A_1405 = arith.cmpf oeq, %select_n3A_1335, %max3A_1378 : vector<16xf32>
    %jit3A_1406 = arith.constant 1 : i32
    %broadcast_in_dim3A_1407 = vector.broadcast %jit3A_1406 : i32 to vector<16xi32>
    %select_n3A_1408 = arith.select %eq3A_1405, %broadcast_in_dim3A_1407, %select_n3A_1404 : vector<16xi1>, vector<16xi32>
    %eq3A_1409 = arith.cmpf oeq, %select_n3A_1329, %max3A_1378 : vector<16xf32>
    %jit3A_1410 = arith.constant 0 : i32
    %broadcast_in_dim3A_1411 = vector.broadcast %jit3A_1410 : i32 to vector<16xi32>
    %select_n3A_1412 = arith.select %eq3A_1409, %broadcast_in_dim3A_1411, %select_n3A_1408 : vector<16xi1>, vector<16xi32>
    %eq3A_1413 = arith.constant 0 : i32
    %eq3A_1414 = vector.broadcast %eq3A_1413 : i32 to vector<16xi32>
    %eq3A_1415 = arith.cmpi eq, %select_n3A_1323, %eq3A_1414 : vector<16xi32>
    %eq3A_1416 = arith.constant 0 : i32
    %eq3A_1417 = vector.broadcast %eq3A_1416 : i32 to vector<16xi32>
    %eq3A_1418 = arith.cmpi eq, %select_n3A_1412, %eq3A_1417 : vector<16xi32>
    %or3A_1419 = arith.ori %eq3A_1415, %eq3A_1418 : vector<16xi1>
    %jit3A_1420 = arith.constant 0.000000e+00 : f32
    %broadcast_in_dim3A_1421 = vector.broadcast %jit3A_1420 : f32 to vector<16xf32>
    %select_n3A_1422 = arith.select %or3A_1419, %exp3A_1268, %broadcast_in_dim3A_1421 : vector<16xi1>, vector<16xf32>
    %eq3A_1423 = arith.constant 1 : i32
    %eq3A_1424 = vector.broadcast %eq3A_1423 : i32 to vector<16xi32>
    %eq3A_1425 = arith.cmpi eq, %select_n3A_1323, %eq3A_1424 : vector<16xi32>
    %eq3A_1426 = arith.constant 1 : i32
    %eq3A_1427 = vector.broadcast %eq3A_1426 : i32 to vector<16xi32>
    %eq3A_1428 = arith.cmpi eq, %select_n3A_1412, %eq3A_1427 : vector<16xi32>
    %or3A_1429 = arith.ori %eq3A_1425, %eq3A_1428 : vector<16xi1>
    %jit3A_1430 = arith.constant 0.000000e+00 : f32
    %broadcast_in_dim3A_1431 = vector.broadcast %jit3A_1430 : f32 to vector<16xf32>
    %select_n3A_1432 = arith.select %or3A_1429, %exp3A_1270, %broadcast_in_dim3A_1431 : vector<16xi1>, vector<16xf32>
    %eq3A_1433 = arith.constant 2 : i32
    %eq3A_1434 = vector.broadcast %eq3A_1433 : i32 to vector<16xi32>
    %eq3A_1435 = arith.cmpi eq, %select_n3A_1323, %eq3A_1434 : vector<16xi32>
    %eq3A_1436 = arith.constant 2 : i32
    %eq3A_1437 = vector.broadcast %eq3A_1436 : i32 to vector<16xi32>
    %eq3A_1438 = arith.cmpi eq, %select_n3A_1412, %eq3A_1437 : vector<16xi32>
    %or3A_1439 = arith.ori %eq3A_1435, %eq3A_1438 : vector<16xi1>
    %jit3A_1440 = arith.constant 0.000000e+00 : f32
    %broadcast_in_dim3A_1441 = vector.broadcast %jit3A_1440 : f32 to vector<16xf32>
    %select_n3A_1442 = arith.select %or3A_1439, %exp3A_1272, %broadcast_in_dim3A_1441 : vector<16xi1>, vector<16xf32>
    %eq3A_1443 = arith.constant 3 : i32
    %eq3A_1444 = vector.broadcast %eq3A_1443 : i32 to vector<16xi32>
    %eq3A_1445 = arith.cmpi eq, %select_n3A_1323, %eq3A_1444 : vector<16xi32>
    %eq3A_1446 = arith.constant 3 : i32
    %eq3A_1447 = vector.broadcast %eq3A_1446 : i32 to vector<16xi32>
    %eq3A_1448 = arith.cmpi eq, %select_n3A_1412, %eq3A_1447 : vector<16xi32>
    %or3A_1449 = arith.ori %eq3A_1445, %eq3A_1448 : vector<16xi1>
    %jit3A_1450 = arith.constant 0.000000e+00 : f32
    %broadcast_in_dim3A_1451 = vector.broadcast %jit3A_1450 : f32 to vector<16xf32>
    %select_n3A_1452 = arith.select %or3A_1449, %exp3A_1274, %broadcast_in_dim3A_1451 : vector<16xi1>, vector<16xf32>
    %eq3A_1453 = arith.constant 4 : i32
    %eq3A_1454 = vector.broadcast %eq3A_1453 : i32 to vector<16xi32>
    %eq3A_1455 = arith.cmpi eq, %select_n3A_1323, %eq3A_1454 : vector<16xi32>
    %eq3A_1456 = arith.constant 4 : i32
    %eq3A_1457 = vector.broadcast %eq3A_1456 : i32 to vector<16xi32>
    %eq3A_1458 = arith.cmpi eq, %select_n3A_1412, %eq3A_1457 : vector<16xi32>
    %or3A_1459 = arith.ori %eq3A_1455, %eq3A_1458 : vector<16xi1>
    %jit3A_1460 = arith.constant 0.000000e+00 : f32
    %broadcast_in_dim3A_1461 = vector.broadcast %jit3A_1460 : f32 to vector<16xf32>
    %select_n3A_1462 = arith.select %or3A_1459, %exp3A_1276, %broadcast_in_dim3A_1461 : vector<16xi1>, vector<16xf32>
    %eq3A_1463 = arith.constant 5 : i32
    %eq3A_1464 = vector.broadcast %eq3A_1463 : i32 to vector<16xi32>
    %eq3A_1465 = arith.cmpi eq, %select_n3A_1323, %eq3A_1464 : vector<16xi32>
    %eq3A_1466 = arith.constant 5 : i32
    %eq3A_1467 = vector.broadcast %eq3A_1466 : i32 to vector<16xi32>
    %eq3A_1468 = arith.cmpi eq, %select_n3A_1412, %eq3A_1467 : vector<16xi32>
    %or3A_1469 = arith.ori %eq3A_1465, %eq3A_1468 : vector<16xi1>
    %jit3A_1470 = arith.constant 0.000000e+00 : f32
    %broadcast_in_dim3A_1471 = vector.broadcast %jit3A_1470 : f32 to vector<16xf32>
    %select_n3A_1472 = arith.select %or3A_1469, %exp3A_1278, %broadcast_in_dim3A_1471 : vector<16xi1>, vector<16xf32>
    %eq3A_1473 = arith.constant 6 : i32
    %eq3A_1474 = vector.broadcast %eq3A_1473 : i32 to vector<16xi32>
    %eq3A_1475 = arith.cmpi eq, %select_n3A_1323, %eq3A_1474 : vector<16xi32>
    %eq3A_1476 = arith.constant 6 : i32
    %eq3A_1477 = vector.broadcast %eq3A_1476 : i32 to vector<16xi32>
    %eq3A_1478 = arith.cmpi eq, %select_n3A_1412, %eq3A_1477 : vector<16xi32>
    %or3A_1479 = arith.ori %eq3A_1475, %eq3A_1478 : vector<16xi1>
    %jit3A_1480 = arith.constant 0.000000e+00 : f32
    %broadcast_in_dim3A_1481 = vector.broadcast %jit3A_1480 : f32 to vector<16xf32>
    %select_n3A_1482 = arith.select %or3A_1479, %exp3A_1280, %broadcast_in_dim3A_1481 : vector<16xi1>, vector<16xf32>
    %eq3A_1483 = arith.constant 7 : i32
    %eq3A_1484 = vector.broadcast %eq3A_1483 : i32 to vector<16xi32>
    %eq3A_1485 = arith.cmpi eq, %select_n3A_1323, %eq3A_1484 : vector<16xi32>
    %eq3A_1486 = arith.constant 7 : i32
    %eq3A_1487 = vector.broadcast %eq3A_1486 : i32 to vector<16xi32>
    %eq3A_1488 = arith.cmpi eq, %select_n3A_1412, %eq3A_1487 : vector<16xi32>
    %or3A_1489 = arith.ori %eq3A_1485, %eq3A_1488 : vector<16xi1>
    %jit3A_1490 = arith.constant 0.000000e+00 : f32
    %broadcast_in_dim3A_1491 = vector.broadcast %jit3A_1490 : f32 to vector<16xf32>
    %select_n3A_1492 = arith.select %or3A_1489, %exp3A_1282, %broadcast_in_dim3A_1491 : vector<16xi1>, vector<16xf32>
    %add3A_1493 = arith.addf %select_n3A_1422, %select_n3A_1432 : vector<16xf32>
    %add3A_1494 = arith.addf %add3A_1493, %select_n3A_1442 : vector<16xf32>
    %add3A_1495 = arith.addf %add3A_1494, %select_n3A_1452 : vector<16xf32>
    %add3A_1496 = arith.addf %add3A_1495, %select_n3A_1462 : vector<16xf32>
    %add3A_1497 = arith.addf %add3A_1496, %select_n3A_1472 : vector<16xf32>
    %add3A_1498 = arith.addf %add3A_1497, %select_n3A_1482 : vector<16xf32>
    %add3A_1499 = arith.addf %add3A_1498, %select_n3A_1492 : vector<16xf32>
    %div3A_1500 = arith.constant 1.000000e+00 : f32
    %div3A_1501 = vector.broadcast %div3A_1500 : f32 to vector<16xf32>
    %div3A_1502 = arith.divf %div3A_1501, %add3A_1499 : vector<16xf32>
    %mul3A_1503 = arith.mulf %select_n3A_1422, %div3A_1502 : vector<16xf32>
    %swap3A_1504 = arith.constant 64 : index
    %swap3A_1505 = tpu.vector_load %arg5[%swap3A_1504] {strides = array<i32>} : memref<1024xf32, #tpu.memory_space<vmem>>, vector<16xf32>,
    %swap3A_1506 = vector.shape_cast %swap3A_1505 : vector<16xf32> to vector<16xf32>
    %swap3A_1507 = vector.shape_cast %mul3A_1503 : vector<16xf32> to vector<16xf32>
    tpu.vector_store %arg5[%swap3A_1504], %swap3A_1507 {strides = array<i32>} : memref<1024xf32, #tpu.memory_space<vmem>>, vector<16xf32>,
    %mul3A_1508 = arith.mulf %select_n3A_1432, %div3A_1502 : vector<16xf32>
    %swap3A_1509 = arith.constant 192 : index
    %swap3A_1510 = tpu.vector_load %arg5[%swap3A_1509] {strides = array<i32>} : memref<1024xf32, #tpu.memory_space<vmem>>, vector<16xf32>,
    %swap3A_1511 = vector.shape_cast %swap3A_1510 : vector<16xf32> to vector<16xf32>
    %swap3A_1512 = vector.shape_cast %mul3A_1508 : vector<16xf32> to vector<16xf32>
    tpu.vector_store %arg5[%swap3A_1509], %swap3A_1512 {strides = array<i32>} : memref<1024xf32, #tpu.memory_space<vmem>>, vector<16xf32>,
    %mul3A_1513 = arith.mulf %select_n3A_1442, %div3A_1502 : vector<16xf32>
    %swap3A_1514 = arith.constant 320 : index
    %swap3A_1515 = tpu.vector_load %arg5[%swap3A_1514] {strides = array<i32>} : memref<1024xf32, #tpu.memory_space<vmem>>, vector<16xf32>,
    %swap3A_1516 = vector.shape_cast %swap3A_1515 : vector<16xf32> to vector<16xf32>
    %swap3A_1517 = vector.shape_cast %mul3A_1513 : vector<16xf32> to vector<16xf32>
    tpu.vector_store %arg5[%swap3A_1514], %swap3A_1517 {strides = array<i32>} : memref<1024xf32, #tpu.memory_space<vmem>>, vector<16xf32>,
    %mul3A_1518 = arith.mulf %select_n3A_1452, %div3A_1502 : vector<16xf32>
    %swap3A_1519 = arith.constant 448 : index
    %swap3A_1520 = tpu.vector_load %arg5[%swap3A_1519] {strides = array<i32>} : memref<1024xf32, #tpu.memory_space<vmem>>, vector<16xf32>,
    %swap3A_1521 = vector.shape_cast %swap3A_1520 : vector<16xf32> to vector<16xf32>
    %swap3A_1522 = vector.shape_cast %mul3A_1518 : vector<16xf32> to vector<16xf32>
    tpu.vector_store %arg5[%swap3A_1519], %swap3A_1522 {strides = array<i32>} : memref<1024xf32, #tpu.memory_space<vmem>>, vector<16xf32>,
    %mul3A_1523 = arith.mulf %select_n3A_1462, %div3A_1502 : vector<16xf32>
    %swap3A_1524 = arith.constant 576 : index
    %swap3A_1525 = tpu.vector_load %arg5[%swap3A_1524] {strides = array<i32>} : memref<1024xf32, #tpu.memory_space<vmem>>, vector<16xf32>,
    %swap3A_1526 = vector.shape_cast %swap3A_1525 : vector<16xf32> to vector<16xf32>
    %swap3A_1527 = vector.shape_cast %mul3A_1523 : vector<16xf32> to vector<16xf32>
    tpu.vector_store %arg5[%swap3A_1524], %swap3A_1527 {strides = array<i32>} : memref<1024xf32, #tpu.memory_space<vmem>>, vector<16xf32>,
    %mul3A_1528 = arith.mulf %select_n3A_1472, %div3A_1502 : vector<16xf32>
    %swap3A_1529 = arith.constant 704 : index
    %swap3A_1530 = tpu.vector_load %arg5[%swap3A_1529] {strides = array<i32>} : memref<1024xf32, #tpu.memory_space<vmem>>, vector<16xf32>,
    %swap3A_1531 = vector.shape_cast %swap3A_1530 : vector<16xf32> to vector<16xf32>
    %swap3A_1532 = vector.shape_cast %mul3A_1528 : vector<16xf32> to vector<16xf32>
    tpu.vector_store %arg5[%swap3A_1529], %swap3A_1532 {strides = array<i32>} : memref<1024xf32, #tpu.memory_space<vmem>>, vector<16xf32>,
    %mul3A_1533 = arith.mulf %select_n3A_1482, %div3A_1502 : vector<16xf32>
    %swap3A_1534 = arith.constant 832 : index
    %swap3A_1535 = tpu.vector_load %arg5[%swap3A_1534] {strides = array<i32>} : memref<1024xf32, #tpu.memory_space<vmem>>, vector<16xf32>,
    %swap3A_1536 = vector.shape_cast %swap3A_1535 : vector<16xf32> to vector<16xf32>
    %swap3A_1537 = vector.shape_cast %mul3A_1533 : vector<16xf32> to vector<16xf32>
    tpu.vector_store %arg5[%swap3A_1534], %swap3A_1537 {strides = array<i32>} : memref<1024xf32, #tpu.memory_space<vmem>>, vector<16xf32>,
    %mul3A_1538 = arith.mulf %select_n3A_1492, %div3A_1502 : vector<16xf32>
    %swap3A_1539 = arith.constant 960 : index
    %swap3A_1540 = tpu.vector_load %arg5[%swap3A_1539] {strides = array<i32>} : memref<1024xf32, #tpu.memory_space<vmem>>, vector<16xf32>,
    %swap3A_1541 = vector.shape_cast %swap3A_1540 : vector<16xf32> to vector<16xf32>
    %swap3A_1542 = vector.shape_cast %mul3A_1538 : vector<16xf32> to vector<16xf32>
    tpu.vector_store %arg5[%swap3A_1539], %swap3A_1542 {strides = array<i32>} : memref<1024xf32, #tpu.memory_space<vmem>>, vector<16xf32>,
    %get3A_1543 = arith.constant 80 : index
    %get3A_1544 = tpu.vector_load %arg4[%get3A_1543] {strides = array<i32>} : memref<1024xf32, #tpu.memory_space<vmem>>, vector<16xf32>,
    %get3A_1545 = vector.shape_cast %get3A_1544 : vector<16xf32> to vector<16xf32>
    %get3A_1546 = arith.constant 208 : index
    %get3A_1547 = tpu.vector_load %arg4[%get3A_1546] {strides = array<i32>} : memref<1024xf32, #tpu.memory_space<vmem>>, vector<16xf32>,
    %get3A_1548 = vector.shape_cast %get3A_1547 : vector<16xf32> to vector<16xf32>
    %get3A_1549 = arith.constant 336 : index
    %get3A_1550 = tpu.vector_load %arg4[%get3A_1549] {strides = array<i32>} : memref<1024xf32, #tpu.memory_space<vmem>>, vector<16xf32>,
    %get3A_1551 = vector.shape_cast %get3A_1550 : vector<16xf32> to vector<16xf32>
    %get3A_1552 = arith.constant 464 : index
    %get3A_1553 = tpu.vector_load %arg4[%get3A_1552] {strides = array<i32>} : memref<1024xf32, #tpu.memory_space<vmem>>, vector<16xf32>,
    %get3A_1554 = vector.shape_cast %get3A_1553 : vector<16xf32> to vector<16xf32>
    %get3A_1555 = arith.constant 592 : index
    %get3A_1556 = tpu.vector_load %arg4[%get3A_1555] {strides = array<i32>} : memref<1024xf32, #tpu.memory_space<vmem>>, vector<16xf32>,
    %get3A_1557 = vector.shape_cast %get3A_1556 : vector<16xf32> to vector<16xf32>
    %get3A_1558 = arith.constant 720 : index
    %get3A_1559 = tpu.vector_load %arg4[%get3A_1558] {strides = array<i32>} : memref<1024xf32, #tpu.memory_space<vmem>>, vector<16xf32>,
    %get3A_1560 = vector.shape_cast %get3A_1559 : vector<16xf32> to vector<16xf32>
    %get3A_1561 = arith.constant 848 : index
    %get3A_1562 = tpu.vector_load %arg4[%get3A_1561] {strides = array<i32>} : memref<1024xf32, #tpu.memory_space<vmem>>, vector<16xf32>,
    %get3A_1563 = vector.shape_cast %get3A_1562 : vector<16xf32> to vector<16xf32>
    %get3A_1564 = arith.constant 976 : index
    %get3A_1565 = tpu.vector_load %arg4[%get3A_1564] {strides = array<i32>} : memref<1024xf32, #tpu.memory_space<vmem>>, vector<16xf32>,
    %get3A_1566 = vector.shape_cast %get3A_1565 : vector<16xf32> to vector<16xf32>
    %max3A_1567 = arith.maximumf %get3A_1545, %get3A_1548 : vector<16xf32>
    %max3A_1568 = arith.maximumf %max3A_1567, %get3A_1551 : vector<16xf32>
    %max3A_1569 = arith.maximumf %max3A_1568, %get3A_1554 : vector<16xf32>
    %max3A_1570 = arith.maximumf %max3A_1569, %get3A_1557 : vector<16xf32>
    %max3A_1571 = arith.maximumf %max3A_1570, %get3A_1560 : vector<16xf32>
    %max3A_1572 = arith.maximumf %max3A_1571, %get3A_1563 : vector<16xf32>
    %max3A_1573 = arith.maximumf %max3A_1572, %get3A_1566 : vector<16xf32>
    %sub3A_1574 = arith.subf %get3A_1545, %max3A_1573 : vector<16xf32>
    %exp3A_1575 = math.exp %sub3A_1574 : vector<16xf32>
    %sub3A_1576 = arith.subf %get3A_1548, %max3A_1573 : vector<16xf32>
    %exp3A_1577 = math.exp %sub3A_1576 : vector<16xf32>
    %sub3A_1578 = arith.subf %get3A_1551, %max3A_1573 : vector<16xf32>
    %exp3A_1579 = math.exp %sub3A_1578 : vector<16xf32>
    %sub3A_1580 = arith.subf %get3A_1554, %max3A_1573 : vector<16xf32>
    %exp3A_1581 = math.exp %sub3A_1580 : vector<16xf32>
    %sub3A_1582 = arith.subf %get3A_1557, %max3A_1573 : vector<16xf32>
    %exp3A_1583 = math.exp %sub3A_1582 : vector<16xf32>
    %sub3A_1584 = arith.subf %get3A_1560, %max3A_1573 : vector<16xf32>
    %exp3A_1585 = math.exp %sub3A_1584 : vector<16xf32>
    %sub3A_1586 = arith.subf %get3A_1563, %max3A_1573 : vector<16xf32>
    %exp3A_1587 = math.exp %sub3A_1586 : vector<16xf32>
    %sub3A_1588 = arith.subf %get3A_1566, %max3A_1573 : vector<16xf32>
    %exp3A_1589 = math.exp %sub3A_1588 : vector<16xf32>
    %max3A_1590 = arith.maximumf %exp3A_1575, %exp3A_1577 : vector<16xf32>
    %max3A_1591 = arith.maximumf %max3A_1590, %exp3A_1579 : vector<16xf32>
    %max3A_1592 = arith.maximumf %max3A_1591, %exp3A_1581 : vector<16xf32>
    %max3A_1593 = arith.maximumf %max3A_1592, %exp3A_1583 : vector<16xf32>
    %max3A_1594 = arith.maximumf %max3A_1593, %exp3A_1585 : vector<16xf32>
    %max3A_1595 = arith.maximumf %max3A_1594, %exp3A_1587 : vector<16xf32>
    %max3A_1596 = arith.maximumf %max3A_1595, %exp3A_1589 : vector<16xf32>
    %broadcast_in_dim3A_1597 = arith.constant 0 : i32
    %broadcast_in_dim3A_1598 = vector.broadcast %broadcast_in_dim3A_1597 : i32 to vector<16xi32>
    %eq3A_1599 = arith.cmpf oeq, %exp3A_1589, %max3A_1596 : vector<16xf32>
    %jit3A_1600 = arith.constant 7 : i32
    %broadcast_in_dim3A_1601 = vector.broadcast %jit3A_1600 : i32 to vector<16xi32>
    %select_n3A_1602 = arith.select %eq3A_1599, %broadcast_in_dim3A_1601, %broadcast_in_dim3A_1598 : vector<16xi1>, vector<16xi32>
    %eq3A_1603 = arith.cmpf oeq, %exp3A_1587, %max3A_1596 : vector<16xf32>
    %jit3A_1604 = arith.constant 6 : i32
    %broadcast_in_dim3A_1605 = vector.broadcast %jit3A_1604 : i32 to vector<16xi32>
    %select_n3A_1606 = arith.select %eq3A_1603, %broadcast_in_dim3A_1605, %select_n3A_1602 : vector<16xi1>, vector<16xi32>
    %eq3A_1607 = arith.cmpf oeq, %exp3A_1585, %max3A_1596 : vector<16xf32>
    %jit3A_1608 = arith.constant 5 : i32
    %broadcast_in_dim3A_1609 = vector.broadcast %jit3A_1608 : i32 to vector<16xi32>
    %select_n3A_1610 = arith.select %eq3A_1607, %broadcast_in_dim3A_1609, %select_n3A_1606 : vector<16xi1>, vector<16xi32>
    %eq3A_1611 = arith.cmpf oeq, %exp3A_1583, %max3A_1596 : vector<16xf32>
    %jit3A_1612 = arith.constant 4 : i32
    %broadcast_in_dim3A_1613 = vector.broadcast %jit3A_1612 : i32 to vector<16xi32>
    %select_n3A_1614 = arith.select %eq3A_1611, %broadcast_in_dim3A_1613, %select_n3A_1610 : vector<16xi1>, vector<16xi32>
    %eq3A_1615 = arith.cmpf oeq, %exp3A_1581, %max3A_1596 : vector<16xf32>
    %jit3A_1616 = arith.constant 3 : i32
    %broadcast_in_dim3A_1617 = vector.broadcast %jit3A_1616 : i32 to vector<16xi32>
    %select_n3A_1618 = arith.select %eq3A_1615, %broadcast_in_dim3A_1617, %select_n3A_1614 : vector<16xi1>, vector<16xi32>
    %eq3A_1619 = arith.cmpf oeq, %exp3A_1579, %max3A_1596 : vector<16xf32>
    %jit3A_1620 = arith.constant 2 : i32
    %broadcast_in_dim3A_1621 = vector.broadcast %jit3A_1620 : i32 to vector<16xi32>
    %select_n3A_1622 = arith.select %eq3A_1619, %broadcast_in_dim3A_1621, %select_n3A_1618 : vector<16xi1>, vector<16xi32>
    %eq3A_1623 = arith.cmpf oeq, %exp3A_1577, %max3A_1596 : vector<16xf32>
    %jit3A_1624 = arith.constant 1 : i32
    %broadcast_in_dim3A_1625 = vector.broadcast %jit3A_1624 : i32 to vector<16xi32>
    %select_n3A_1626 = arith.select %eq3A_1623, %broadcast_in_dim3A_1625, %select_n3A_1622 : vector<16xi1>, vector<16xi32>
    %eq3A_1627 = arith.cmpf oeq, %exp3A_1575, %max3A_1596 : vector<16xf32>
    %jit3A_1628 = arith.constant 0 : i32
    %broadcast_in_dim3A_1629 = vector.broadcast %jit3A_1628 : i32 to vector<16xi32>
    %select_n3A_1630 = arith.select %eq3A_1627, %broadcast_in_dim3A_1629, %select_n3A_1626 : vector<16xi1>, vector<16xi32>
    %eq3A_1631 = arith.constant 0 : i32
    %eq3A_1632 = vector.broadcast %eq3A_1631 : i32 to vector<16xi32>
    %eq3A_1633 = arith.cmpi eq, %select_n3A_1630, %eq3A_1632 : vector<16xi32>
    %jit3A_1634 = arith.constant -1.000000e+00 : f32
    %broadcast_in_dim3A_1635 = vector.broadcast %jit3A_1634 : f32 to vector<16xf32>
    %select_n3A_1636 = arith.select %eq3A_1633, %broadcast_in_dim3A_1635, %exp3A_1575 : vector<16xi1>, vector<16xf32>
    %eq3A_1637 = arith.constant 1 : i32
    %eq3A_1638 = vector.broadcast %eq3A_1637 : i32 to vector<16xi32>
    %eq3A_1639 = arith.cmpi eq, %select_n3A_1630, %eq3A_1638 : vector<16xi32>
    %jit3A_1640 = arith.constant -1.000000e+00 : f32
    %broadcast_in_dim3A_1641 = vector.broadcast %jit3A_1640 : f32 to vector<16xf32>
    %select_n3A_1642 = arith.select %eq3A_1639, %broadcast_in_dim3A_1641, %exp3A_1577 : vector<16xi1>, vector<16xf32>
    %eq3A_1643 = arith.constant 2 : i32
    %eq3A_1644 = vector.broadcast %eq3A_1643 : i32 to vector<16xi32>
    %eq3A_1645 = arith.cmpi eq, %select_n3A_1630, %eq3A_1644 : vector<16xi32>
    %jit3A_1646 = arith.constant -1.000000e+00 : f32
    %broadcast_in_dim3A_1647 = vector.broadcast %jit3A_1646 : f32 to vector<16xf32>
    %select_n3A_1648 = arith.select %eq3A_1645, %broadcast_in_dim3A_1647, %exp3A_1579 : vector<16xi1>, vector<16xf32>
    %eq3A_1649 = arith.constant 3 : i32
    %eq3A_1650 = vector.broadcast %eq3A_1649 : i32 to vector<16xi32>
    %eq3A_1651 = arith.cmpi eq, %select_n3A_1630, %eq3A_1650 : vector<16xi32>
    %jit3A_1652 = arith.constant -1.000000e+00 : f32
    %broadcast_in_dim3A_1653 = vector.broadcast %jit3A_1652 : f32 to vector<16xf32>
    %select_n3A_1654 = arith.select %eq3A_1651, %broadcast_in_dim3A_1653, %exp3A_1581 : vector<16xi1>, vector<16xf32>
    %eq3A_1655 = arith.constant 4 : i32
    %eq3A_1656 = vector.broadcast %eq3A_1655 : i32 to vector<16xi32>
    %eq3A_1657 = arith.cmpi eq, %select_n3A_1630, %eq3A_1656 : vector<16xi32>
    %jit3A_1658 = arith.constant -1.000000e+00 : f32
    %broadcast_in_dim3A_1659 = vector.broadcast %jit3A_1658 : f32 to vector<16xf32>
    %select_n3A_1660 = arith.select %eq3A_1657, %broadcast_in_dim3A_1659, %exp3A_1583 : vector<16xi1>, vector<16xf32>
    %eq3A_1661 = arith.constant 5 : i32
    %eq3A_1662 = vector.broadcast %eq3A_1661 : i32 to vector<16xi32>
    %eq3A_1663 = arith.cmpi eq, %select_n3A_1630, %eq3A_1662 : vector<16xi32>
    %jit3A_1664 = arith.constant -1.000000e+00 : f32
    %broadcast_in_dim3A_1665 = vector.broadcast %jit3A_1664 : f32 to vector<16xf32>
    %select_n3A_1666 = arith.select %eq3A_1663, %broadcast_in_dim3A_1665, %exp3A_1585 : vector<16xi1>, vector<16xf32>
    %eq3A_1667 = arith.constant 6 : i32
    %eq3A_1668 = vector.broadcast %eq3A_1667 : i32 to vector<16xi32>
    %eq3A_1669 = arith.cmpi eq, %select_n3A_1630, %eq3A_1668 : vector<16xi32>
    %jit3A_1670 = arith.constant -1.000000e+00 : f32
    %broadcast_in_dim3A_1671 = vector.broadcast %jit3A_1670 : f32 to vector<16xf32>
    %select_n3A_1672 = arith.select %eq3A_1669, %broadcast_in_dim3A_1671, %exp3A_1587 : vector<16xi1>, vector<16xf32>
    %eq3A_1673 = arith.constant 7 : i32
    %eq3A_1674 = vector.broadcast %eq3A_1673 : i32 to vector<16xi32>
    %eq3A_1675 = arith.cmpi eq, %select_n3A_1630, %eq3A_1674 : vector<16xi32>
    %jit3A_1676 = arith.constant -1.000000e+00 : f32
    %broadcast_in_dim3A_1677 = vector.broadcast %jit3A_1676 : f32 to vector<16xf32>
    %select_n3A_1678 = arith.select %eq3A_1675, %broadcast_in_dim3A_1677, %exp3A_1589 : vector<16xi1>, vector<16xf32>
    %max3A_1679 = arith.maximumf %select_n3A_1636, %select_n3A_1642 : vector<16xf32>
    %max3A_1680 = arith.maximumf %max3A_1679, %select_n3A_1648 : vector<16xf32>
    %max3A_1681 = arith.maximumf %max3A_1680, %select_n3A_1654 : vector<16xf32>
    %max3A_1682 = arith.maximumf %max3A_1681, %select_n3A_1660 : vector<16xf32>
    %max3A_1683 = arith.maximumf %max3A_1682, %select_n3A_1666 : vector<16xf32>
    %max3A_1684 = arith.maximumf %max3A_1683, %select_n3A_1672 : vector<16xf32>
    %max3A_1685 = arith.maximumf %max3A_1684, %select_n3A_1678 : vector<16xf32>
    %broadcast_in_dim3A_1686 = arith.constant 0 : i32
    %broadcast_in_dim3A_1687 = vector.broadcast %broadcast_in_dim3A_1686 : i32 to vector<16xi32>
    %eq3A_1688 = arith.cmpf oeq, %select_n3A_1678, %max3A_1685 : vector<16xf32>
    %jit3A_1689 = arith.constant 7 : i32
    %broadcast_in_dim3A_1690 = vector.broadcast %jit3A_1689 : i32 to vector<16xi32>
    %select_n3A_1691 = arith.select %eq3A_1688, %broadcast_in_dim3A_1690, %broadcast_in_dim3A_1687 : vector<16xi1>, vector<16xi32>
    %eq3A_1692 = arith.cmpf oeq, %select_n3A_1672, %max3A_1685 : vector<16xf32>
    %jit3A_1693 = arith.constant 6 : i32
    %broadcast_in_dim3A_1694 = vector.broadcast %jit3A_1693 : i32 to vector<16xi32>
    %select_n3A_1695 = arith.select %eq3A_1692, %broadcast_in_dim3A_1694, %select_n3A_1691 : vector<16xi1>, vector<16xi32>
    %eq3A_1696 = arith.cmpf oeq, %select_n3A_1666, %max3A_1685 : vector<16xf32>
    %jit3A_1697 = arith.constant 5 : i32
    %broadcast_in_dim3A_1698 = vector.broadcast %jit3A_1697 : i32 to vector<16xi32>
    %select_n3A_1699 = arith.select %eq3A_1696, %broadcast_in_dim3A_1698, %select_n3A_1695 : vector<16xi1>, vector<16xi32>
    %eq3A_1700 = arith.cmpf oeq, %select_n3A_1660, %max3A_1685 : vector<16xf32>
    %jit3A_1701 = arith.constant 4 : i32
    %broadcast_in_dim3A_1702 = vector.broadcast %jit3A_1701 : i32 to vector<16xi32>
    %select_n3A_1703 = arith.select %eq3A_1700, %broadcast_in_dim3A_1702, %select_n3A_1699 : vector<16xi1>, vector<16xi32>
    %eq3A_1704 = arith.cmpf oeq, %select_n3A_1654, %max3A_1685 : vector<16xf32>
    %jit3A_1705 = arith.constant 3 : i32
    %broadcast_in_dim3A_1706 = vector.broadcast %jit3A_1705 : i32 to vector<16xi32>
    %select_n3A_1707 = arith.select %eq3A_1704, %broadcast_in_dim3A_1706, %select_n3A_1703 : vector<16xi1>, vector<16xi32>
    %eq3A_1708 = arith.cmpf oeq, %select_n3A_1648, %max3A_1685 : vector<16xf32>
    %jit3A_1709 = arith.constant 2 : i32
    %broadcast_in_dim3A_1710 = vector.broadcast %jit3A_1709 : i32 to vector<16xi32>
    %select_n3A_1711 = arith.select %eq3A_1708, %broadcast_in_dim3A_1710, %select_n3A_1707 : vector<16xi1>, vector<16xi32>
    %eq3A_1712 = arith.cmpf oeq, %select_n3A_1642, %max3A_1685 : vector<16xf32>
    %jit3A_1713 = arith.constant 1 : i32
    %broadcast_in_dim3A_1714 = vector.broadcast %jit3A_1713 : i32 to vector<16xi32>
    %select_n3A_1715 = arith.select %eq3A_1712, %broadcast_in_dim3A_1714, %select_n3A_1711 : vector<16xi1>, vector<16xi32>
    %eq3A_1716 = arith.cmpf oeq, %select_n3A_1636, %max3A_1685 : vector<16xf32>
    %jit3A_1717 = arith.constant 0 : i32
    %broadcast_in_dim3A_1718 = vector.broadcast %jit3A_1717 : i32 to vector<16xi32>
    %select_n3A_1719 = arith.select %eq3A_1716, %broadcast_in_dim3A_1718, %select_n3A_1715 : vector<16xi1>, vector<16xi32>
    %eq3A_1720 = arith.constant 0 : i32
    %eq3A_1721 = vector.broadcast %eq3A_1720 : i32 to vector<16xi32>
    %eq3A_1722 = arith.cmpi eq, %select_n3A_1630, %eq3A_1721 : vector<16xi32>
    %eq3A_1723 = arith.constant 0 : i32
    %eq3A_1724 = vector.broadcast %eq3A_1723 : i32 to vector<16xi32>
    %eq3A_1725 = arith.cmpi eq, %select_n3A_1719, %eq3A_1724 : vector<16xi32>
    %or3A_1726 = arith.ori %eq3A_1722, %eq3A_1725 : vector<16xi1>
    %jit3A_1727 = arith.constant 0.000000e+00 : f32
    %broadcast_in_dim3A_1728 = vector.broadcast %jit3A_1727 : f32 to vector<16xf32>
    %select_n3A_1729 = arith.select %or3A_1726, %exp3A_1575, %broadcast_in_dim3A_1728 : vector<16xi1>, vector<16xf32>
    %eq3A_1730 = arith.constant 1 : i32
    %eq3A_1731 = vector.broadcast %eq3A_1730 : i32 to vector<16xi32>
    %eq3A_1732 = arith.cmpi eq, %select_n3A_1630, %eq3A_1731 : vector<16xi32>
    %eq3A_1733 = arith.constant 1 : i32
    %eq3A_1734 = vector.broadcast %eq3A_1733 : i32 to vector<16xi32>
    %eq3A_1735 = arith.cmpi eq, %select_n3A_1719, %eq3A_1734 : vector<16xi32>
    %or3A_1736 = arith.ori %eq3A_1732, %eq3A_1735 : vector<16xi1>
    %jit3A_1737 = arith.constant 0.000000e+00 : f32
    %broadcast_in_dim3A_1738 = vector.broadcast %jit3A_1737 : f32 to vector<16xf32>
    %select_n3A_1739 = arith.select %or3A_1736, %exp3A_1577, %broadcast_in_dim3A_1738 : vector<16xi1>, vector<16xf32>
    %eq3A_1740 = arith.constant 2 : i32
    %eq3A_1741 = vector.broadcast %eq3A_1740 : i32 to vector<16xi32>
    %eq3A_1742 = arith.cmpi eq, %select_n3A_1630, %eq3A_1741 : vector<16xi32>
    %eq3A_1743 = arith.constant 2 : i32
    %eq3A_1744 = vector.broadcast %eq3A_1743 : i32 to vector<16xi32>
    %eq3A_1745 = arith.cmpi eq, %select_n3A_1719, %eq3A_1744 : vector<16xi32>
    %or3A_1746 = arith.ori %eq3A_1742, %eq3A_1745 : vector<16xi1>
    %jit3A_1747 = arith.constant 0.000000e+00 : f32
    %broadcast_in_dim3A_1748 = vector.broadcast %jit3A_1747 : f32 to vector<16xf32>
    %select_n3A_1749 = arith.select %or3A_1746, %exp3A_1579, %broadcast_in_dim3A_1748 : vector<16xi1>, vector<16xf32>
    %eq3A_1750 = arith.constant 3 : i32
    %eq3A_1751 = vector.broadcast %eq3A_1750 : i32 to vector<16xi32>
    %eq3A_1752 = arith.cmpi eq, %select_n3A_1630, %eq3A_1751 : vector<16xi32>
    %eq3A_1753 = arith.constant 3 : i32
    %eq3A_1754 = vector.broadcast %eq3A_1753 : i32 to vector<16xi32>
    %eq3A_1755 = arith.cmpi eq, %select_n3A_1719, %eq3A_1754 : vector<16xi32>
    %or3A_1756 = arith.ori %eq3A_1752, %eq3A_1755 : vector<16xi1>
    %jit3A_1757 = arith.constant 0.000000e+00 : f32
    %broadcast_in_dim3A_1758 = vector.broadcast %jit3A_1757 : f32 to vector<16xf32>
    %select_n3A_1759 = arith.select %or3A_1756, %exp3A_1581, %broadcast_in_dim3A_1758 : vector<16xi1>, vector<16xf32>
    %eq3A_1760 = arith.constant 4 : i32
    %eq3A_1761 = vector.broadcast %eq3A_1760 : i32 to vector<16xi32>
    %eq3A_1762 = arith.cmpi eq, %select_n3A_1630, %eq3A_1761 : vector<16xi32>
    %eq3A_1763 = arith.constant 4 : i32
    %eq3A_1764 = vector.broadcast %eq3A_1763 : i32 to vector<16xi32>
    %eq3A_1765 = arith.cmpi eq, %select_n3A_1719, %eq3A_1764 : vector<16xi32>
    %or3A_1766 = arith.ori %eq3A_1762, %eq3A_1765 : vector<16xi1>
    %jit3A_1767 = arith.constant 0.000000e+00 : f32
    %broadcast_in_dim3A_1768 = vector.broadcast %jit3A_1767 : f32 to vector<16xf32>
    %select_n3A_1769 = arith.select %or3A_1766, %exp3A_1583, %broadcast_in_dim3A_1768 : vector<16xi1>, vector<16xf32>
    %eq3A_1770 = arith.constant 5 : i32
    %eq3A_1771 = vector.broadcast %eq3A_1770 : i32 to vector<16xi32>
    %eq3A_1772 = arith.cmpi eq, %select_n3A_1630, %eq3A_1771 : vector<16xi32>
    %eq3A_1773 = arith.constant 5 : i32
    %eq3A_1774 = vector.broadcast %eq3A_1773 : i32 to vector<16xi32>
    %eq3A_1775 = arith.cmpi eq, %select_n3A_1719, %eq3A_1774 : vector<16xi32>
    %or3A_1776 = arith.ori %eq3A_1772, %eq3A_1775 : vector<16xi1>
    %jit3A_1777 = arith.constant 0.000000e+00 : f32
    %broadcast_in_dim3A_1778 = vector.broadcast %jit3A_1777 : f32 to vector<16xf32>
    %select_n3A_1779 = arith.select %or3A_1776, %exp3A_1585, %broadcast_in_dim3A_1778 : vector<16xi1>, vector<16xf32>
    %eq3A_1780 = arith.constant 6 : i32
    %eq3A_1781 = vector.broadcast %eq3A_1780 : i32 to vector<16xi32>
    %eq3A_1782 = arith.cmpi eq, %select_n3A_1630, %eq3A_1781 : vector<16xi32>
    %eq3A_1783 = arith.constant 6 : i32
    %eq3A_1784 = vector.broadcast %eq3A_1783 : i32 to vector<16xi32>
    %eq3A_1785 = arith.cmpi eq, %select_n3A_1719, %eq3A_1784 : vector<16xi32>
    %or3A_1786 = arith.ori %eq3A_1782, %eq3A_1785 : vector<16xi1>
    %jit3A_1787 = arith.constant 0.000000e+00 : f32
    %broadcast_in_dim3A_1788 = vector.broadcast %jit3A_1787 : f32 to vector<16xf32>
    %select_n3A_1789 = arith.select %or3A_1786, %exp3A_1587, %broadcast_in_dim3A_1788 : vector<16xi1>, vector<16xf32>
    %eq3A_1790 = arith.constant 7 : i32
    %eq3A_1791 = vector.broadcast %eq3A_1790 : i32 to vector<16xi32>
    %eq3A_1792 = arith.cmpi eq, %select_n3A_1630, %eq3A_1791 : vector<16xi32>
    %eq3A_1793 = arith.constant 7 : i32
    %eq3A_1794 = vector.broadcast %eq3A_1793 : i32 to vector<16xi32>
    %eq3A_1795 = arith.cmpi eq, %select_n3A_1719, %eq3A_1794 : vector<16xi32>
    %or3A_1796 = arith.ori %eq3A_1792, %eq3A_1795 : vector<16xi1>
    %jit3A_1797 = arith.constant 0.000000e+00 : f32
    %broadcast_in_dim3A_1798 = vector.broadcast %jit3A_1797 : f32 to vector<16xf32>
    %select_n3A_1799 = arith.select %or3A_1796, %exp3A_1589, %broadcast_in_dim3A_1798 : vector<16xi1>, vector<16xf32>
    %add3A_1800 = arith.addf %select_n3A_1729, %select_n3A_1739 : vector<16xf32>
    %add3A_1801 = arith.addf %add3A_1800, %select_n3A_1749 : vector<16xf32>
    %add3A_1802 = arith.addf %add3A_1801, %select_n3A_1759 : vector<16xf32>
    %add3A_1803 = arith.addf %add3A_1802, %select_n3A_1769 : vector<16xf32>
    %add3A_1804 = arith.addf %add3A_1803, %select_n3A_1779 : vector<16xf32>
    %add3A_1805 = arith.addf %add3A_1804, %select_n3A_1789 : vector<16xf32>
    %add3A_1806 = arith.addf %add3A_1805, %select_n3A_1799 : vector<16xf32>
    %div3A_1807 = arith.constant 1.000000e+00 : f32
    %div3A_1808 = vector.broadcast %div3A_1807 : f32 to vector<16xf32>
    %div3A_1809 = arith.divf %div3A_1808, %add3A_1806 : vector<16xf32>
    %mul3A_1810 = arith.mulf %select_n3A_1729, %div3A_1809 : vector<16xf32>
    %swap3A_1811 = arith.constant 80 : index
    %swap3A_1812 = tpu.vector_load %arg5[%swap3A_1811] {strides = array<i32>} : memref<1024xf32, #tpu.memory_space<vmem>>, vector<16xf32>,
    %swap3A_1813 = vector.shape_cast %swap3A_1812 : vector<16xf32> to vector<16xf32>
    %swap3A_1814 = vector.shape_cast %mul3A_1810 : vector<16xf32> to vector<16xf32>
    tpu.vector_store %arg5[%swap3A_1811], %swap3A_1814 {strides = array<i32>} : memref<1024xf32, #tpu.memory_space<vmem>>, vector<16xf32>,
    %mul3A_1815 = arith.mulf %select_n3A_1739, %div3A_1809 : vector<16xf32>
    %swap3A_1816 = arith.constant 208 : index
    %swap3A_1817 = tpu.vector_load %arg5[%swap3A_1816] {strides = array<i32>} : memref<1024xf32, #tpu.memory_space<vmem>>, vector<16xf32>,
    %swap3A_1818 = vector.shape_cast %swap3A_1817 : vector<16xf32> to vector<16xf32>
    %swap3A_1819 = vector.shape_cast %mul3A_1815 : vector<16xf32> to vector<16xf32>
    tpu.vector_store %arg5[%swap3A_1816], %swap3A_1819 {strides = array<i32>} : memref<1024xf32, #tpu.memory_space<vmem>>, vector<16xf32>,
    %mul3A_1820 = arith.mulf %select_n3A_1749, %div3A_1809 : vector<16xf32>
    %swap3A_1821 = arith.constant 336 : index
    %swap3A_1822 = tpu.vector_load %arg5[%swap3A_1821] {strides = array<i32>} : memref<1024xf32, #tpu.memory_space<vmem>>, vector<16xf32>,
    %swap3A_1823 = vector.shape_cast %swap3A_1822 : vector<16xf32> to vector<16xf32>
    %swap3A_1824 = vector.shape_cast %mul3A_1820 : vector<16xf32> to vector<16xf32>
    tpu.vector_store %arg5[%swap3A_1821], %swap3A_1824 {strides = array<i32>} : memref<1024xf32, #tpu.memory_space<vmem>>, vector<16xf32>,
    %mul3A_1825 = arith.mulf %select_n3A_1759, %div3A_1809 : vector<16xf32>
    %swap3A_1826 = arith.constant 464 : index
    %swap3A_1827 = tpu.vector_load %arg5[%swap3A_1826] {strides = array<i32>} : memref<1024xf32, #tpu.memory_space<vmem>>, vector<16xf32>,
    %swap3A_1828 = vector.shape_cast %swap3A_1827 : vector<16xf32> to vector<16xf32>
    %swap3A_1829 = vector.shape_cast %mul3A_1825 : vector<16xf32> to vector<16xf32>
    tpu.vector_store %arg5[%swap3A_1826], %swap3A_1829 {strides = array<i32>} : memref<1024xf32, #tpu.memory_space<vmem>>, vector<16xf32>,
    %mul3A_1830 = arith.mulf %select_n3A_1769, %div3A_1809 : vector<16xf32>
    %swap3A_1831 = arith.constant 592 : index
    %swap3A_1832 = tpu.vector_load %arg5[%swap3A_1831] {strides = array<i32>} : memref<1024xf32, #tpu.memory_space<vmem>>, vector<16xf32>,
    %swap3A_1833 = vector.shape_cast %swap3A_1832 : vector<16xf32> to vector<16xf32>
    %swap3A_1834 = vector.shape_cast %mul3A_1830 : vector<16xf32> to vector<16xf32>
    tpu.vector_store %arg5[%swap3A_1831], %swap3A_1834 {strides = array<i32>} : memref<1024xf32, #tpu.memory_space<vmem>>, vector<16xf32>,
    %mul3A_1835 = arith.mulf %select_n3A_1779, %div3A_1809 : vector<16xf32>
    %swap3A_1836 = arith.constant 720 : index
    %swap3A_1837 = tpu.vector_load %arg5[%swap3A_1836] {strides = array<i32>} : memref<1024xf32, #tpu.memory_space<vmem>>, vector<16xf32>,
    %swap3A_1838 = vector.shape_cast %swap3A_1837 : vector<16xf32> to vector<16xf32>
    %swap3A_1839 = vector.shape_cast %mul3A_1835 : vector<16xf32> to vector<16xf32>
    tpu.vector_store %arg5[%swap3A_1836], %swap3A_1839 {strides = array<i32>} : memref<1024xf32, #tpu.memory_space<vmem>>, vector<16xf32>,
    %mul3A_1840 = arith.mulf %select_n3A_1789, %div3A_1809 : vector<16xf32>
    %swap3A_1841 = arith.constant 848 : index
    %swap3A_1842 = tpu.vector_load %arg5[%swap3A_1841] {strides = array<i32>} : memref<1024xf32, #tpu.memory_space<vmem>>, vector<16xf32>,
    %swap3A_1843 = vector.shape_cast %swap3A_1842 : vector<16xf32> to vector<16xf32>
    %swap3A_1844 = vector.shape_cast %mul3A_1840 : vector<16xf32> to vector<16xf32>
    tpu.vector_store %arg5[%swap3A_1841], %swap3A_1844 {strides = array<i32>} : memref<1024xf32, #tpu.memory_space<vmem>>, vector<16xf32>,
    %mul3A_1845 = arith.mulf %select_n3A_1799, %div3A_1809 : vector<16xf32>
    %swap3A_1846 = arith.constant 976 : index
    %swap3A_1847 = tpu.vector_load %arg5[%swap3A_1846] {strides = array<i32>} : memref<1024xf32, #tpu.memory_space<vmem>>, vector<16xf32>,
    %swap3A_1848 = vector.shape_cast %swap3A_1847 : vector<16xf32> to vector<16xf32>
    %swap3A_1849 = vector.shape_cast %mul3A_1845 : vector<16xf32> to vector<16xf32>
    tpu.vector_store %arg5[%swap3A_1846], %swap3A_1849 {strides = array<i32>} : memref<1024xf32, #tpu.memory_space<vmem>>, vector<16xf32>,
    %get3A_1850 = arith.constant 96 : index
    %get3A_1851 = tpu.vector_load %arg4[%get3A_1850] {strides = array<i32>} : memref<1024xf32, #tpu.memory_space<vmem>>, vector<16xf32>,
    %get3A_1852 = vector.shape_cast %get3A_1851 : vector<16xf32> to vector<16xf32>
    %get3A_1853 = arith.constant 224 : index
    %get3A_1854 = tpu.vector_load %arg4[%get3A_1853] {strides = array<i32>} : memref<1024xf32, #tpu.memory_space<vmem>>, vector<16xf32>,
    %get3A_1855 = vector.shape_cast %get3A_1854 : vector<16xf32> to vector<16xf32>
    %get3A_1856 = arith.constant 352 : index
    %get3A_1857 = tpu.vector_load %arg4[%get3A_1856] {strides = array<i32>} : memref<1024xf32, #tpu.memory_space<vmem>>, vector<16xf32>,
    %get3A_1858 = vector.shape_cast %get3A_1857 : vector<16xf32> to vector<16xf32>
    %get3A_1859 = arith.constant 480 : index
    %get3A_1860 = tpu.vector_load %arg4[%get3A_1859] {strides = array<i32>} : memref<1024xf32, #tpu.memory_space<vmem>>, vector<16xf32>,
    %get3A_1861 = vector.shape_cast %get3A_1860 : vector<16xf32> to vector<16xf32>
    %get3A_1862 = arith.constant 608 : index
    %get3A_1863 = tpu.vector_load %arg4[%get3A_1862] {strides = array<i32>} : memref<1024xf32, #tpu.memory_space<vmem>>, vector<16xf32>,
    %get3A_1864 = vector.shape_cast %get3A_1863 : vector<16xf32> to vector<16xf32>
    %get3A_1865 = arith.constant 736 : index
    %get3A_1866 = tpu.vector_load %arg4[%get3A_1865] {strides = array<i32>} : memref<1024xf32, #tpu.memory_space<vmem>>, vector<16xf32>,
    %get3A_1867 = vector.shape_cast %get3A_1866 : vector<16xf32> to vector<16xf32>
    %get3A_1868 = arith.constant 864 : index
    %get3A_1869 = tpu.vector_load %arg4[%get3A_1868] {strides = array<i32>} : memref<1024xf32, #tpu.memory_space<vmem>>, vector<16xf32>,
    %get3A_1870 = vector.shape_cast %get3A_1869 : vector<16xf32> to vector<16xf32>
    %get3A_1871 = arith.constant 992 : index
    %get3A_1872 = tpu.vector_load %arg4[%get3A_1871] {strides = array<i32>} : memref<1024xf32, #tpu.memory_space<vmem>>, vector<16xf32>,
    %get3A_1873 = vector.shape_cast %get3A_1872 : vector<16xf32> to vector<16xf32>
    %max3A_1874 = arith.maximumf %get3A_1852, %get3A_1855 : vector<16xf32>
    %max3A_1875 = arith.maximumf %max3A_1874, %get3A_1858 : vector<16xf32>
    %max3A_1876 = arith.maximumf %max3A_1875, %get3A_1861 : vector<16xf32>
    %max3A_1877 = arith.maximumf %max3A_1876, %get3A_1864 : vector<16xf32>
    %max3A_1878 = arith.maximumf %max3A_1877, %get3A_1867 : vector<16xf32>
    %max3A_1879 = arith.maximumf %max3A_1878, %get3A_1870 : vector<16xf32>
    %max3A_1880 = arith.maximumf %max3A_1879, %get3A_1873 : vector<16xf32>
    %sub3A_1881 = arith.subf %get3A_1852, %max3A_1880 : vector<16xf32>
    %exp3A_1882 = math.exp %sub3A_1881 : vector<16xf32>
    %sub3A_1883 = arith.subf %get3A_1855, %max3A_1880 : vector<16xf32>
    %exp3A_1884 = math.exp %sub3A_1883 : vector<16xf32>
    %sub3A_1885 = arith.subf %get3A_1858, %max3A_1880 : vector<16xf32>
    %exp3A_1886 = math.exp %sub3A_1885 : vector<16xf32>
    %sub3A_1887 = arith.subf %get3A_1861, %max3A_1880 : vector<16xf32>
    %exp3A_1888 = math.exp %sub3A_1887 : vector<16xf32>
    %sub3A_1889 = arith.subf %get3A_1864, %max3A_1880 : vector<16xf32>
    %exp3A_1890 = math.exp %sub3A_1889 : vector<16xf32>
    %sub3A_1891 = arith.subf %get3A_1867, %max3A_1880 : vector<16xf32>
    %exp3A_1892 = math.exp %sub3A_1891 : vector<16xf32>
    %sub3A_1893 = arith.subf %get3A_1870, %max3A_1880 : vector<16xf32>
    %exp3A_1894 = math.exp %sub3A_1893 : vector<16xf32>
    %sub3A_1895 = arith.subf %get3A_1873, %max3A_1880 : vector<16xf32>
    %exp3A_1896 = math.exp %sub3A_1895 : vector<16xf32>
    %max3A_1897 = arith.maximumf %exp3A_1882, %exp3A_1884 : vector<16xf32>
    %max3A_1898 = arith.maximumf %max3A_1897, %exp3A_1886 : vector<16xf32>
    %max3A_1899 = arith.maximumf %max3A_1898, %exp3A_1888 : vector<16xf32>
    %max3A_1900 = arith.maximumf %max3A_1899, %exp3A_1890 : vector<16xf32>
    %max3A_1901 = arith.maximumf %max3A_1900, %exp3A_1892 : vector<16xf32>
    %max3A_1902 = arith.maximumf %max3A_1901, %exp3A_1894 : vector<16xf32>
    %max3A_1903 = arith.maximumf %max3A_1902, %exp3A_1896 : vector<16xf32>
    %broadcast_in_dim3A_1904 = arith.constant 0 : i32
    %broadcast_in_dim3A_1905 = vector.broadcast %broadcast_in_dim3A_1904 : i32 to vector<16xi32>
    %eq3A_1906 = arith.cmpf oeq, %exp3A_1896, %max3A_1903 : vector<16xf32>
    %jit3A_1907 = arith.constant 7 : i32
    %broadcast_in_dim3A_1908 = vector.broadcast %jit3A_1907 : i32 to vector<16xi32>
    %select_n3A_1909 = arith.select %eq3A_1906, %broadcast_in_dim3A_1908, %broadcast_in_dim3A_1905 : vector<16xi1>, vector<16xi32>
    %eq3A_1910 = arith.cmpf oeq, %exp3A_1894, %max3A_1903 : vector<16xf32>
    %jit3A_1911 = arith.constant 6 : i32
    %broadcast_in_dim3A_1912 = vector.broadcast %jit3A_1911 : i32 to vector<16xi32>
    %select_n3A_1913 = arith.select %eq3A_1910, %broadcast_in_dim3A_1912, %select_n3A_1909 : vector<16xi1>, vector<16xi32>
    %eq3A_1914 = arith.cmpf oeq, %exp3A_1892, %max3A_1903 : vector<16xf32>
    %jit3A_1915 = arith.constant 5 : i32
    %broadcast_in_dim3A_1916 = vector.broadcast %jit3A_1915 : i32 to vector<16xi32>
    %select_n3A_1917 = arith.select %eq3A_1914, %broadcast_in_dim3A_1916, %select_n3A_1913 : vector<16xi1>, vector<16xi32>
    %eq3A_1918 = arith.cmpf oeq, %exp3A_1890, %max3A_1903 : vector<16xf32>
    %jit3A_1919 = arith.constant 4 : i32
    %broadcast_in_dim3A_1920 = vector.broadcast %jit3A_1919 : i32 to vector<16xi32>
    %select_n3A_1921 = arith.select %eq3A_1918, %broadcast_in_dim3A_1920, %select_n3A_1917 : vector<16xi1>, vector<16xi32>
    %eq3A_1922 = arith.cmpf oeq, %exp3A_1888, %max3A_1903 : vector<16xf32>
    %jit3A_1923 = arith.constant 3 : i32
    %broadcast_in_dim3A_1924 = vector.broadcast %jit3A_1923 : i32 to vector<16xi32>
    %select_n3A_1925 = arith.select %eq3A_1922, %broadcast_in_dim3A_1924, %select_n3A_1921 : vector<16xi1>, vector<16xi32>
    %eq3A_1926 = arith.cmpf oeq, %exp3A_1886, %max3A_1903 : vector<16xf32>
    %jit3A_1927 = arith.constant 2 : i32
    %broadcast_in_dim3A_1928 = vector.broadcast %jit3A_1927 : i32 to vector<16xi32>
    %select_n3A_1929 = arith.select %eq3A_1926, %broadcast_in_dim3A_1928, %select_n3A_1925 : vector<16xi1>, vector<16xi32>
    %eq3A_1930 = arith.cmpf oeq, %exp3A_1884, %max3A_1903 : vector<16xf32>
    %jit3A_1931 = arith.constant 1 : i32
    %broadcast_in_dim3A_1932 = vector.broadcast %jit3A_1931 : i32 to vector<16xi32>
    %select_n3A_1933 = arith.select %eq3A_1930, %broadcast_in_dim3A_1932, %select_n3A_1929 : vector<16xi1>, vector<16xi32>
    %eq3A_1934 = arith.cmpf oeq, %exp3A_1882, %max3A_1903 : vector<16xf32>
    %jit3A_1935 = arith.constant 0 : i32
    %broadcast_in_dim3A_1936 = vector.broadcast %jit3A_1935 : i32 to vector<16xi32>
    %select_n3A_1937 = arith.select %eq3A_1934, %broadcast_in_dim3A_1936, %select_n3A_1933 : vector<16xi1>, vector<16xi32>
    %eq3A_1938 = arith.constant 0 : i32
    %eq3A_1939 = vector.broadcast %eq3A_1938 : i32 to vector<16xi32>
    %eq3A_1940 = arith.cmpi eq, %select_n3A_1937, %eq3A_1939 : vector<16xi32>
    %jit3A_1941 = arith.constant -1.000000e+00 : f32
    %broadcast_in_dim3A_1942 = vector.broadcast %jit3A_1941 : f32 to vector<16xf32>
    %select_n3A_1943 = arith.select %eq3A_1940, %broadcast_in_dim3A_1942, %exp3A_1882 : vector<16xi1>, vector<16xf32>
    %eq3A_1944 = arith.constant 1 : i32
    %eq3A_1945 = vector.broadcast %eq3A_1944 : i32 to vector<16xi32>
    %eq3A_1946 = arith.cmpi eq, %select_n3A_1937, %eq3A_1945 : vector<16xi32>
    %jit3A_1947 = arith.constant -1.000000e+00 : f32
    %broadcast_in_dim3A_1948 = vector.broadcast %jit3A_1947 : f32 to vector<16xf32>
    %select_n3A_1949 = arith.select %eq3A_1946, %broadcast_in_dim3A_1948, %exp3A_1884 : vector<16xi1>, vector<16xf32>
    %eq3A_1950 = arith.constant 2 : i32
    %eq3A_1951 = vector.broadcast %eq3A_1950 : i32 to vector<16xi32>
    %eq3A_1952 = arith.cmpi eq, %select_n3A_1937, %eq3A_1951 : vector<16xi32>
    %jit3A_1953 = arith.constant -1.000000e+00 : f32
    %broadcast_in_dim3A_1954 = vector.broadcast %jit3A_1953 : f32 to vector<16xf32>
    %select_n3A_1955 = arith.select %eq3A_1952, %broadcast_in_dim3A_1954, %exp3A_1886 : vector<16xi1>, vector<16xf32>
    %eq3A_1956 = arith.constant 3 : i32
    %eq3A_1957 = vector.broadcast %eq3A_1956 : i32 to vector<16xi32>
    %eq3A_1958 = arith.cmpi eq, %select_n3A_1937, %eq3A_1957 : vector<16xi32>
    %jit3A_1959 = arith.constant -1.000000e+00 : f32
    %broadcast_in_dim3A_1960 = vector.broadcast %jit3A_1959 : f32 to vector<16xf32>
    %select_n3A_1961 = arith.select %eq3A_1958, %broadcast_in_dim3A_1960, %exp3A_1888 : vector<16xi1>, vector<16xf32>
    %eq3A_1962 = arith.constant 4 : i32
    %eq3A_1963 = vector.broadcast %eq3A_1962 : i32 to vector<16xi32>
    %eq3A_1964 = arith.cmpi eq, %select_n3A_1937, %eq3A_1963 : vector<16xi32>
    %jit3A_1965 = arith.constant -1.000000e+00 : f32
    %broadcast_in_dim3A_1966 = vector.broadcast %jit3A_1965 : f32 to vector<16xf32>
    %select_n3A_1967 = arith.select %eq3A_1964, %broadcast_in_dim3A_1966, %exp3A_1890 : vector<16xi1>, vector<16xf32>
    %eq3A_1968 = arith.constant 5 : i32
    %eq3A_1969 = vector.broadcast %eq3A_1968 : i32 to vector<16xi32>
    %eq3A_1970 = arith.cmpi eq, %select_n3A_1937, %eq3A_1969 : vector<16xi32>
    %jit3A_1971 = arith.constant -1.000000e+00 : f32
    %broadcast_in_dim3A_1972 = vector.broadcast %jit3A_1971 : f32 to vector<16xf32>
    %select_n3A_1973 = arith.select %eq3A_1970, %broadcast_in_dim3A_1972, %exp3A_1892 : vector<16xi1>, vector<16xf32>
    %eq3A_1974 = arith.constant 6 : i32
    %eq3A_1975 = vector.broadcast %eq3A_1974 : i32 to vector<16xi32>
    %eq3A_1976 = arith.cmpi eq, %select_n3A_1937, %eq3A_1975 : vector<16xi32>
    %jit3A_1977 = arith.constant -1.000000e+00 : f32
    %broadcast_in_dim3A_1978 = vector.broadcast %jit3A_1977 : f32 to vector<16xf32>
    %select_n3A_1979 = arith.select %eq3A_1976, %broadcast_in_dim3A_1978, %exp3A_1894 : vector<16xi1>, vector<16xf32>
    %eq3A_1980 = arith.constant 7 : i32
    %eq3A_1981 = vector.broadcast %eq3A_1980 : i32 to vector<16xi32>
    %eq3A_1982 = arith.cmpi eq, %select_n3A_1937, %eq3A_1981 : vector<16xi32>
    %jit3A_1983 = arith.constant -1.000000e+00 : f32
    %broadcast_in_dim3A_1984 = vector.broadcast %jit3A_1983 : f32 to vector<16xf32>
    %select_n3A_1985 = arith.select %eq3A_1982, %broadcast_in_dim3A_1984, %exp3A_1896 : vector<16xi1>, vector<16xf32>
    %max3A_1986 = arith.maximumf %select_n3A_1943, %select_n3A_1949 : vector<16xf32>
    %max3A_1987 = arith.maximumf %max3A_1986, %select_n3A_1955 : vector<16xf32>
    %max3A_1988 = arith.maximumf %max3A_1987, %select_n3A_1961 : vector<16xf32>
    %max3A_1989 = arith.maximumf %max3A_1988, %select_n3A_1967 : vector<16xf32>
    %max3A_1990 = arith.maximumf %max3A_1989, %select_n3A_1973 : vector<16xf32>
    %max3A_1991 = arith.maximumf %max3A_1990, %select_n3A_1979 : vector<16xf32>
    %max3A_1992 = arith.maximumf %max3A_1991, %select_n3A_1985 : vector<16xf32>
    %broadcast_in_dim3A_1993 = arith.constant 0 : i32
    %broadcast_in_dim3A_1994 = vector.broadcast %broadcast_in_dim3A_1993 : i32 to vector<16xi32>
    %eq3A_1995 = arith.cmpf oeq, %select_n3A_1985, %max3A_1992 : vector<16xf32>
    %jit3A_1996 = arith.constant 7 : i32
    %broadcast_in_dim3A_1997 = vector.broadcast %jit3A_1996 : i32 to vector<16xi32>
    %select_n3A_1998 = arith.select %eq3A_1995, %broadcast_in_dim3A_1997, %broadcast_in_dim3A_1994 : vector<16xi1>, vector<16xi32>
    %eq3A_1999 = arith.cmpf oeq, %select_n3A_1979, %max3A_1992 : vector<16xf32>
    %jit3A_2000 = arith.constant 6 : i32
    %broadcast_in_dim3A_2001 = vector.broadcast %jit3A_2000 : i32 to vector<16xi32>
    %select_n3A_2002 = arith.select %eq3A_1999, %broadcast_in_dim3A_2001, %select_n3A_1998 : vector<16xi1>, vector<16xi32>
    %eq3A_2003 = arith.cmpf oeq, %select_n3A_1973, %max3A_1992 : vector<16xf32>
    %jit3A_2004 = arith.constant 5 : i32
    %broadcast_in_dim3A_2005 = vector.broadcast %jit3A_2004 : i32 to vector<16xi32>
    %select_n3A_2006 = arith.select %eq3A_2003, %broadcast_in_dim3A_2005, %select_n3A_2002 : vector<16xi1>, vector<16xi32>
    %eq3A_2007 = arith.cmpf oeq, %select_n3A_1967, %max3A_1992 : vector<16xf32>
    %jit3A_2008 = arith.constant 4 : i32
    %broadcast_in_dim3A_2009 = vector.broadcast %jit3A_2008 : i32 to vector<16xi32>
    %select_n3A_2010 = arith.select %eq3A_2007, %broadcast_in_dim3A_2009, %select_n3A_2006 : vector<16xi1>, vector<16xi32>
    %eq3A_2011 = arith.cmpf oeq, %select_n3A_1961, %max3A_1992 : vector<16xf32>
    %jit3A_2012 = arith.constant 3 : i32
    %broadcast_in_dim3A_2013 = vector.broadcast %jit3A_2012 : i32 to vector<16xi32>
    %select_n3A_2014 = arith.select %eq3A_2011, %broadcast_in_dim3A_2013, %select_n3A_2010 : vector<16xi1>, vector<16xi32>
    %eq3A_2015 = arith.cmpf oeq, %select_n3A_1955, %max3A_1992 : vector<16xf32>
    %jit3A_2016 = arith.constant 2 : i32
    %broadcast_in_dim3A_2017 = vector.broadcast %jit3A_2016 : i32 to vector<16xi32>
    %select_n3A_2018 = arith.select %eq3A_2015, %broadcast_in_dim3A_2017, %select_n3A_2014 : vector<16xi1>, vector<16xi32>
    %eq3A_2019 = arith.cmpf oeq, %select_n3A_1949, %max3A_1992 : vector<16xf32>
    %jit3A_2020 = arith.constant 1 : i32
    %broadcast_in_dim3A_2021 = vector.broadcast %jit3A_2020 : i32 to vector<16xi32>
    %select_n3A_2022 = arith.select %eq3A_2019, %broadcast_in_dim3A_2021, %select_n3A_2018 : vector<16xi1>, vector<16xi32>
    %eq3A_2023 = arith.cmpf oeq, %select_n3A_1943, %max3A_1992 : vector<16xf32>
    %jit3A_2024 = arith.constant 0 : i32
    %broadcast_in_dim3A_2025 = vector.broadcast %jit3A_2024 : i32 to vector<16xi32>
    %select_n3A_2026 = arith.select %eq3A_2023, %broadcast_in_dim3A_2025, %select_n3A_2022 : vector<16xi1>, vector<16xi32>
    %eq3A_2027 = arith.constant 0 : i32
    %eq3A_2028 = vector.broadcast %eq3A_2027 : i32 to vector<16xi32>
    %eq3A_2029 = arith.cmpi eq, %select_n3A_1937, %eq3A_2028 : vector<16xi32>
    %eq3A_2030 = arith.constant 0 : i32
    %eq3A_2031 = vector.broadcast %eq3A_2030 : i32 to vector<16xi32>
    %eq3A_2032 = arith.cmpi eq, %select_n3A_2026, %eq3A_2031 : vector<16xi32>
    %or3A_2033 = arith.ori %eq3A_2029, %eq3A_2032 : vector<16xi1>
    %jit3A_2034 = arith.constant 0.000000e+00 : f32
    %broadcast_in_dim3A_2035 = vector.broadcast %jit3A_2034 : f32 to vector<16xf32>
    %select_n3A_2036 = arith.select %or3A_2033, %exp3A_1882, %broadcast_in_dim3A_2035 : vector<16xi1>, vector<16xf32>
    %eq3A_2037 = arith.constant 1 : i32
    %eq3A_2038 = vector.broadcast %eq3A_2037 : i32 to vector<16xi32>
    %eq3A_2039 = arith.cmpi eq, %select_n3A_1937, %eq3A_2038 : vector<16xi32>
    %eq3A_2040 = arith.constant 1 : i32
    %eq3A_2041 = vector.broadcast %eq3A_2040 : i32 to vector<16xi32>
    %eq3A_2042 = arith.cmpi eq, %select_n3A_2026, %eq3A_2041 : vector<16xi32>
    %or3A_2043 = arith.ori %eq3A_2039, %eq3A_2042 : vector<16xi1>
    %jit3A_2044 = arith.constant 0.000000e+00 : f32
    %broadcast_in_dim3A_2045 = vector.broadcast %jit3A_2044 : f32 to vector<16xf32>
    %select_n3A_2046 = arith.select %or3A_2043, %exp3A_1884, %broadcast_in_dim3A_2045 : vector<16xi1>, vector<16xf32>
    %eq3A_2047 = arith.constant 2 : i32
    %eq3A_2048 = vector.broadcast %eq3A_2047 : i32 to vector<16xi32>
    %eq3A_2049 = arith.cmpi eq, %select_n3A_1937, %eq3A_2048 : vector<16xi32>
    %eq3A_2050 = arith.constant 2 : i32
    %eq3A_2051 = vector.broadcast %eq3A_2050 : i32 to vector<16xi32>
    %eq3A_2052 = arith.cmpi eq, %select_n3A_2026, %eq3A_2051 : vector<16xi32>
    %or3A_2053 = arith.ori %eq3A_2049, %eq3A_2052 : vector<16xi1>
    %jit3A_2054 = arith.constant 0.000000e+00 : f32
    %broadcast_in_dim3A_2055 = vector.broadcast %jit3A_2054 : f32 to vector<16xf32>
    %select_n3A_2056 = arith.select %or3A_2053, %exp3A_1886, %broadcast_in_dim3A_2055 : vector<16xi1>, vector<16xf32>
    %eq3A_2057 = arith.constant 3 : i32
    %eq3A_2058 = vector.broadcast %eq3A_2057 : i32 to vector<16xi32>
    %eq3A_2059 = arith.cmpi eq, %select_n3A_1937, %eq3A_2058 : vector<16xi32>
    %eq3A_2060 = arith.constant 3 : i32
    %eq3A_2061 = vector.broadcast %eq3A_2060 : i32 to vector<16xi32>
    %eq3A_2062 = arith.cmpi eq, %select_n3A_2026, %eq3A_2061 : vector<16xi32>
    %or3A_2063 = arith.ori %eq3A_2059, %eq3A_2062 : vector<16xi1>
    %jit3A_2064 = arith.constant 0.000000e+00 : f32
    %broadcast_in_dim3A_2065 = vector.broadcast %jit3A_2064 : f32 to vector<16xf32>
    %select_n3A_2066 = arith.select %or3A_2063, %exp3A_1888, %broadcast_in_dim3A_2065 : vector<16xi1>, vector<16xf32>
    %eq3A_2067 = arith.constant 4 : i32
    %eq3A_2068 = vector.broadcast %eq3A_2067 : i32 to vector<16xi32>
    %eq3A_2069 = arith.cmpi eq, %select_n3A_1937, %eq3A_2068 : vector<16xi32>
    %eq3A_2070 = arith.constant 4 : i32
    %eq3A_2071 = vector.broadcast %eq3A_2070 : i32 to vector<16xi32>
    %eq3A_2072 = arith.cmpi eq, %select_n3A_2026, %eq3A_2071 : vector<16xi32>
    %or3A_2073 = arith.ori %eq3A_2069, %eq3A_2072 : vector<16xi1>
    %jit3A_2074 = arith.constant 0.000000e+00 : f32
    %broadcast_in_dim3A_2075 = vector.broadcast %jit3A_2074 : f32 to vector<16xf32>
    %select_n3A_2076 = arith.select %or3A_2073, %exp3A_1890, %broadcast_in_dim3A_2075 : vector<16xi1>, vector<16xf32>
    %eq3A_2077 = arith.constant 5 : i32
    %eq3A_2078 = vector.broadcast %eq3A_2077 : i32 to vector<16xi32>
    %eq3A_2079 = arith.cmpi eq, %select_n3A_1937, %eq3A_2078 : vector<16xi32>
    %eq3A_2080 = arith.constant 5 : i32
    %eq3A_2081 = vector.broadcast %eq3A_2080 : i32 to vector<16xi32>
    %eq3A_2082 = arith.cmpi eq, %select_n3A_2026, %eq3A_2081 : vector<16xi32>
    %or3A_2083 = arith.ori %eq3A_2079, %eq3A_2082 : vector<16xi1>
    %jit3A_2084 = arith.constant 0.000000e+00 : f32
    %broadcast_in_dim3A_2085 = vector.broadcast %jit3A_2084 : f32 to vector<16xf32>
    %select_n3A_2086 = arith.select %or3A_2083, %exp3A_1892, %broadcast_in_dim3A_2085 : vector<16xi1>, vector<16xf32>
    %eq3A_2087 = arith.constant 6 : i32
    %eq3A_2088 = vector.broadcast %eq3A_2087 : i32 to vector<16xi32>
    %eq3A_2089 = arith.cmpi eq, %select_n3A_1937, %eq3A_2088 : vector<16xi32>
    %eq3A_2090 = arith.constant 6 : i32
    %eq3A_2091 = vector.broadcast %eq3A_2090 : i32 to vector<16xi32>
    %eq3A_2092 = arith.cmpi eq, %select_n3A_2026, %eq3A_2091 : vector<16xi32>
    %or3A_2093 = arith.ori %eq3A_2089, %eq3A_2092 : vector<16xi1>
    %jit3A_2094 = arith.constant 0.000000e+00 : f32
    %broadcast_in_dim3A_2095 = vector.broadcast %jit3A_2094 : f32 to vector<16xf32>
    %select_n3A_2096 = arith.select %or3A_2093, %exp3A_1894, %broadcast_in_dim3A_2095 : vector<16xi1>, vector<16xf32>
    %eq3A_2097 = arith.constant 7 : i32
    %eq3A_2098 = vector.broadcast %eq3A_2097 : i32 to vector<16xi32>
    %eq3A_2099 = arith.cmpi eq, %select_n3A_1937, %eq3A_2098 : vector<16xi32>
    %eq3A_2100 = arith.constant 7 : i32
    %eq3A_2101 = vector.broadcast %eq3A_2100 : i32 to vector<16xi32>
    %eq3A_2102 = arith.cmpi eq, %select_n3A_2026, %eq3A_2101 : vector<16xi32>
    %or3A_2103 = arith.ori %eq3A_2099, %eq3A_2102 : vector<16xi1>
    %jit3A_2104 = arith.constant 0.000000e+00 : f32
    %broadcast_in_dim3A_2105 = vector.broadcast %jit3A_2104 : f32 to vector<16xf32>
    %select_n3A_2106 = arith.select %or3A_2103, %exp3A_1896, %broadcast_in_dim3A_2105 : vector<16xi1>, vector<16xf32>
    %add3A_2107 = arith.addf %select_n3A_2036, %select_n3A_2046 : vector<16xf32>
    %add3A_2108 = arith.addf %add3A_2107, %select_n3A_2056 : vector<16xf32>
    %add3A_2109 = arith.addf %add3A_2108, %select_n3A_2066 : vector<16xf32>
    %add3A_2110 = arith.addf %add3A_2109, %select_n3A_2076 : vector<16xf32>
    %add3A_2111 = arith.addf %add3A_2110, %select_n3A_2086 : vector<16xf32>
    %add3A_2112 = arith.addf %add3A_2111, %select_n3A_2096 : vector<16xf32>
    %add3A_2113 = arith.addf %add3A_2112, %select_n3A_2106 : vector<16xf32>
    %div3A_2114 = arith.constant 1.000000e+00 : f32
    %div3A_2115 = vector.broadcast %div3A_2114 : f32 to vector<16xf32>
    %div3A_2116 = arith.divf %div3A_2115, %add3A_2113 : vector<16xf32>
    %mul3A_2117 = arith.mulf %select_n3A_2036, %div3A_2116 : vector<16xf32>
    %swap3A_2118 = arith.constant 96 : index
    %swap3A_2119 = tpu.vector_load %arg5[%swap3A_2118] {strides = array<i32>} : memref<1024xf32, #tpu.memory_space<vmem>>, vector<16xf32>,
    %swap3A_2120 = vector.shape_cast %swap3A_2119 : vector<16xf32> to vector<16xf32>
    %swap3A_2121 = vector.shape_cast %mul3A_2117 : vector<16xf32> to vector<16xf32>
    tpu.vector_store %arg5[%swap3A_2118], %swap3A_2121 {strides = array<i32>} : memref<1024xf32, #tpu.memory_space<vmem>>, vector<16xf32>,
    %mul3A_2122 = arith.mulf %select_n3A_2046, %div3A_2116 : vector<16xf32>
    %swap3A_2123 = arith.constant 224 : index
    %swap3A_2124 = tpu.vector_load %arg5[%swap3A_2123] {strides = array<i32>} : memref<1024xf32, #tpu.memory_space<vmem>>, vector<16xf32>,
    %swap3A_2125 = vector.shape_cast %swap3A_2124 : vector<16xf32> to vector<16xf32>
    %swap3A_2126 = vector.shape_cast %mul3A_2122 : vector<16xf32> to vector<16xf32>
    tpu.vector_store %arg5[%swap3A_2123], %swap3A_2126 {strides = array<i32>} : memref<1024xf32, #tpu.memory_space<vmem>>, vector<16xf32>,
    %mul3A_2127 = arith.mulf %select_n3A_2056, %div3A_2116 : vector<16xf32>
    %swap3A_2128 = arith.constant 352 : index
    %swap3A_2129 = tpu.vector_load %arg5[%swap3A_2128] {strides = array<i32>} : memref<1024xf32, #tpu.memory_space<vmem>>, vector<16xf32>,
    %swap3A_2130 = vector.shape_cast %swap3A_2129 : vector<16xf32> to vector<16xf32>
    %swap3A_2131 = vector.shape_cast %mul3A_2127 : vector<16xf32> to vector<16xf32>
    tpu.vector_store %arg5[%swap3A_2128], %swap3A_2131 {strides = array<i32>} : memref<1024xf32, #tpu.memory_space<vmem>>, vector<16xf32>,
    %mul3A_2132 = arith.mulf %select_n3A_2066, %div3A_2116 : vector<16xf32>
    %swap3A_2133 = arith.constant 480 : index
    %swap3A_2134 = tpu.vector_load %arg5[%swap3A_2133] {strides = array<i32>} : memref<1024xf32, #tpu.memory_space<vmem>>, vector<16xf32>,
    %swap3A_2135 = vector.shape_cast %swap3A_2134 : vector<16xf32> to vector<16xf32>
    %swap3A_2136 = vector.shape_cast %mul3A_2132 : vector<16xf32> to vector<16xf32>
    tpu.vector_store %arg5[%swap3A_2133], %swap3A_2136 {strides = array<i32>} : memref<1024xf32, #tpu.memory_space<vmem>>, vector<16xf32>,
    %mul3A_2137 = arith.mulf %select_n3A_2076, %div3A_2116 : vector<16xf32>
    %swap3A_2138 = arith.constant 608 : index
    %swap3A_2139 = tpu.vector_load %arg5[%swap3A_2138] {strides = array<i32>} : memref<1024xf32, #tpu.memory_space<vmem>>, vector<16xf32>,
    %swap3A_2140 = vector.shape_cast %swap3A_2139 : vector<16xf32> to vector<16xf32>
    %swap3A_2141 = vector.shape_cast %mul3A_2137 : vector<16xf32> to vector<16xf32>
    tpu.vector_store %arg5[%swap3A_2138], %swap3A_2141 {strides = array<i32>} : memref<1024xf32, #tpu.memory_space<vmem>>, vector<16xf32>,
    %mul3A_2142 = arith.mulf %select_n3A_2086, %div3A_2116 : vector<16xf32>
    %swap3A_2143 = arith.constant 736 : index
    %swap3A_2144 = tpu.vector_load %arg5[%swap3A_2143] {strides = array<i32>} : memref<1024xf32, #tpu.memory_space<vmem>>, vector<16xf32>,
    %swap3A_2145 = vector.shape_cast %swap3A_2144 : vector<16xf32> to vector<16xf32>
    %swap3A_2146 = vector.shape_cast %mul3A_2142 : vector<16xf32> to vector<16xf32>
    tpu.vector_store %arg5[%swap3A_2143], %swap3A_2146 {strides = array<i32>} : memref<1024xf32, #tpu.memory_space<vmem>>, vector<16xf32>,
    %mul3A_2147 = arith.mulf %select_n3A_2096, %div3A_2116 : vector<16xf32>
    %swap3A_2148 = arith.constant 864 : index
    %swap3A_2149 = tpu.vector_load %arg5[%swap3A_2148] {strides = array<i32>} : memref<1024xf32, #tpu.memory_space<vmem>>, vector<16xf32>,
    %swap3A_2150 = vector.shape_cast %swap3A_2149 : vector<16xf32> to vector<16xf32>
    %swap3A_2151 = vector.shape_cast %mul3A_2147 : vector<16xf32> to vector<16xf32>
    tpu.vector_store %arg5[%swap3A_2148], %swap3A_2151 {strides = array<i32>} : memref<1024xf32, #tpu.memory_space<vmem>>, vector<16xf32>,
    %mul3A_2152 = arith.mulf %select_n3A_2106, %div3A_2116 : vector<16xf32>
    %swap3A_2153 = arith.constant 992 : index
    %swap3A_2154 = tpu.vector_load %arg5[%swap3A_2153] {strides = array<i32>} : memref<1024xf32, #tpu.memory_space<vmem>>, vector<16xf32>,
    %swap3A_2155 = vector.shape_cast %swap3A_2154 : vector<16xf32> to vector<16xf32>
    %swap3A_2156 = vector.shape_cast %mul3A_2152 : vector<16xf32> to vector<16xf32>
    tpu.vector_store %arg5[%swap3A_2153], %swap3A_2156 {strides = array<i32>} : memref<1024xf32, #tpu.memory_space<vmem>>, vector<16xf32>,
    %get3A_2157 = arith.constant 112 : index
    %get3A_2158 = tpu.vector_load %arg4[%get3A_2157] {strides = array<i32>} : memref<1024xf32, #tpu.memory_space<vmem>>, vector<16xf32>,
    %get3A_2159 = vector.shape_cast %get3A_2158 : vector<16xf32> to vector<16xf32>
    %get3A_2160 = arith.constant 240 : index
    %get3A_2161 = tpu.vector_load %arg4[%get3A_2160] {strides = array<i32>} : memref<1024xf32, #tpu.memory_space<vmem>>, vector<16xf32>,
    %get3A_2162 = vector.shape_cast %get3A_2161 : vector<16xf32> to vector<16xf32>
    %get3A_2163 = arith.constant 368 : index
    %get3A_2164 = tpu.vector_load %arg4[%get3A_2163] {strides = array<i32>} : memref<1024xf32, #tpu.memory_space<vmem>>, vector<16xf32>,
    %get3A_2165 = vector.shape_cast %get3A_2164 : vector<16xf32> to vector<16xf32>
    %get3A_2166 = arith.constant 496 : index
    %get3A_2167 = tpu.vector_load %arg4[%get3A_2166] {strides = array<i32>} : memref<1024xf32, #tpu.memory_space<vmem>>, vector<16xf32>,
    %get3A_2168 = vector.shape_cast %get3A_2167 : vector<16xf32> to vector<16xf32>
    %get3A_2169 = arith.constant 624 : index
    %get3A_2170 = tpu.vector_load %arg4[%get3A_2169] {strides = array<i32>} : memref<1024xf32, #tpu.memory_space<vmem>>, vector<16xf32>,
    %get3A_2171 = vector.shape_cast %get3A_2170 : vector<16xf32> to vector<16xf32>
    %get3A_2172 = arith.constant 752 : index
    %get3A_2173 = tpu.vector_load %arg4[%get3A_2172] {strides = array<i32>} : memref<1024xf32, #tpu.memory_space<vmem>>, vector<16xf32>,
    %get3A_2174 = vector.shape_cast %get3A_2173 : vector<16xf32> to vector<16xf32>
    %get3A_2175 = arith.constant 880 : index
    %get3A_2176 = tpu.vector_load %arg4[%get3A_2175] {strides = array<i32>} : memref<1024xf32, #tpu.memory_space<vmem>>, vector<16xf32>,
    %get3A_2177 = vector.shape_cast %get3A_2176 : vector<16xf32> to vector<16xf32>
    %get3A_2178 = arith.constant 1008 : index
    %get3A_2179 = tpu.vector_load %arg4[%get3A_2178] {strides = array<i32>} : memref<1024xf32, #tpu.memory_space<vmem>>, vector<16xf32>,
    %get3A_2180 = vector.shape_cast %get3A_2179 : vector<16xf32> to vector<16xf32>
    %max3A_2181 = arith.maximumf %get3A_2159, %get3A_2162 : vector<16xf32>
    %max3A_2182 = arith.maximumf %max3A_2181, %get3A_2165 : vector<16xf32>
    %max3A_2183 = arith.maximumf %max3A_2182, %get3A_2168 : vector<16xf32>
    %max3A_2184 = arith.maximumf %max3A_2183, %get3A_2171 : vector<16xf32>
    %max3A_2185 = arith.maximumf %max3A_2184, %get3A_2174 : vector<16xf32>
    %max3A_2186 = arith.maximumf %max3A_2185, %get3A_2177 : vector<16xf32>
    %max3A_2187 = arith.maximumf %max3A_2186, %get3A_2180 : vector<16xf32>
    %sub3A_2188 = arith.subf %get3A_2159, %max3A_2187 : vector<16xf32>
    %exp3A_2189 = math.exp %sub3A_2188 : vector<16xf32>
    %sub3A_2190 = arith.subf %get3A_2162, %max3A_2187 : vector<16xf32>
    %exp3A_2191 = math.exp %sub3A_2190 : vector<16xf32>
    %sub3A_2192 = arith.subf %get3A_2165, %max3A_2187 : vector<16xf32>
    %exp3A_2193 = math.exp %sub3A_2192 : vector<16xf32>
    %sub3A_2194 = arith.subf %get3A_2168, %max3A_2187 : vector<16xf32>
    %exp3A_2195 = math.exp %sub3A_2194 : vector<16xf32>
    %sub3A_2196 = arith.subf %get3A_2171, %max3A_2187 : vector<16xf32>
    %exp3A_2197 = math.exp %sub3A_2196 : vector<16xf32>
    %sub3A_2198 = arith.subf %get3A_2174, %max3A_2187 : vector<16xf32>
    %exp3A_2199 = math.exp %sub3A_2198 : vector<16xf32>
    %sub3A_2200 = arith.subf %get3A_2177, %max3A_2187 : vector<16xf32>
    %exp3A_2201 = math.exp %sub3A_2200 : vector<16xf32>
    %sub3A_2202 = arith.subf %get3A_2180, %max3A_2187 : vector<16xf32>
    %exp3A_2203 = math.exp %sub3A_2202 : vector<16xf32>
    %max3A_2204 = arith.maximumf %exp3A_2189, %exp3A_2191 : vector<16xf32>
    %max3A_2205 = arith.maximumf %max3A_2204, %exp3A_2193 : vector<16xf32>
    %max3A_2206 = arith.maximumf %max3A_2205, %exp3A_2195 : vector<16xf32>
    %max3A_2207 = arith.maximumf %max3A_2206, %exp3A_2197 : vector<16xf32>
    %max3A_2208 = arith.maximumf %max3A_2207, %exp3A_2199 : vector<16xf32>
    %max3A_2209 = arith.maximumf %max3A_2208, %exp3A_2201 : vector<16xf32>
    %max3A_2210 = arith.maximumf %max3A_2209, %exp3A_2203 : vector<16xf32>
    %broadcast_in_dim3A_2211 = arith.constant 0 : i32
    %broadcast_in_dim3A_2212 = vector.broadcast %broadcast_in_dim3A_2211 : i32 to vector<16xi32>
    %eq3A_2213 = arith.cmpf oeq, %exp3A_2203, %max3A_2210 : vector<16xf32>
    %jit3A_2214 = arith.constant 7 : i32
    %broadcast_in_dim3A_2215 = vector.broadcast %jit3A_2214 : i32 to vector<16xi32>
    %select_n3A_2216 = arith.select %eq3A_2213, %broadcast_in_dim3A_2215, %broadcast_in_dim3A_2212 : vector<16xi1>, vector<16xi32>
    %eq3A_2217 = arith.cmpf oeq, %exp3A_2201, %max3A_2210 : vector<16xf32>
    %jit3A_2218 = arith.constant 6 : i32
    %broadcast_in_dim3A_2219 = vector.broadcast %jit3A_2218 : i32 to vector<16xi32>
    %select_n3A_2220 = arith.select %eq3A_2217, %broadcast_in_dim3A_2219, %select_n3A_2216 : vector<16xi1>, vector<16xi32>
    %eq3A_2221 = arith.cmpf oeq, %exp3A_2199, %max3A_2210 : vector<16xf32>
    %jit3A_2222 = arith.constant 5 : i32
    %broadcast_in_dim3A_2223 = vector.broadcast %jit3A_2222 : i32 to vector<16xi32>
    %select_n3A_2224 = arith.select %eq3A_2221, %broadcast_in_dim3A_2223, %select_n3A_2220 : vector<16xi1>, vector<16xi32>
    %eq3A_2225 = arith.cmpf oeq, %exp3A_2197, %max3A_2210 : vector<16xf32>
    %jit3A_2226 = arith.constant 4 : i32
    %broadcast_in_dim3A_2227 = vector.broadcast %jit3A_2226 : i32 to vector<16xi32>
    %select_n3A_2228 = arith.select %eq3A_2225, %broadcast_in_dim3A_2227, %select_n3A_2224 : vector<16xi1>, vector<16xi32>
    %eq3A_2229 = arith.cmpf oeq, %exp3A_2195, %max3A_2210 : vector<16xf32>
    %jit3A_2230 = arith.constant 3 : i32
    %broadcast_in_dim3A_2231 = vector.broadcast %jit3A_2230 : i32 to vector<16xi32>
    %select_n3A_2232 = arith.select %eq3A_2229, %broadcast_in_dim3A_2231, %select_n3A_2228 : vector<16xi1>, vector<16xi32>
    %eq3A_2233 = arith.cmpf oeq, %exp3A_2193, %max3A_2210 : vector<16xf32>
    %jit3A_2234 = arith.constant 2 : i32
    %broadcast_in_dim3A_2235 = vector.broadcast %jit3A_2234 : i32 to vector<16xi32>
    %select_n3A_2236 = arith.select %eq3A_2233, %broadcast_in_dim3A_2235, %select_n3A_2232 : vector<16xi1>, vector<16xi32>
    %eq3A_2237 = arith.cmpf oeq, %exp3A_2191, %max3A_2210 : vector<16xf32>
    %jit3A_2238 = arith.constant 1 : i32
    %broadcast_in_dim3A_2239 = vector.broadcast %jit3A_2238 : i32 to vector<16xi32>
    %select_n3A_2240 = arith.select %eq3A_2237, %broadcast_in_dim3A_2239, %select_n3A_2236 : vector<16xi1>, vector<16xi32>
    %eq3A_2241 = arith.cmpf oeq, %exp3A_2189, %max3A_2210 : vector<16xf32>
    %jit3A_2242 = arith.constant 0 : i32
    %broadcast_in_dim3A_2243 = vector.broadcast %jit3A_2242 : i32 to vector<16xi32>
    %select_n3A_2244 = arith.select %eq3A_2241, %broadcast_in_dim3A_2243, %select_n3A_2240 : vector<16xi1>, vector<16xi32>
    %eq3A_2245 = arith.constant 0 : i32
    %eq3A_2246 = vector.broadcast %eq3A_2245 : i32 to vector<16xi32>
    %eq3A_2247 = arith.cmpi eq, %select_n3A_2244, %eq3A_2246 : vector<16xi32>
    %jit3A_2248 = arith.constant -1.000000e+00 : f32
    %broadcast_in_dim3A_2249 = vector.broadcast %jit3A_2248 : f32 to vector<16xf32>
    %select_n3A_2250 = arith.select %eq3A_2247, %broadcast_in_dim3A_2249, %exp3A_2189 : vector<16xi1>, vector<16xf32>
    %eq3A_2251 = arith.constant 1 : i32
    %eq3A_2252 = vector.broadcast %eq3A_2251 : i32 to vector<16xi32>
    %eq3A_2253 = arith.cmpi eq, %select_n3A_2244, %eq3A_2252 : vector<16xi32>
    %jit3A_2254 = arith.constant -1.000000e+00 : f32
    %broadcast_in_dim3A_2255 = vector.broadcast %jit3A_2254 : f32 to vector<16xf32>
    %select_n3A_2256 = arith.select %eq3A_2253, %broadcast_in_dim3A_2255, %exp3A_2191 : vector<16xi1>, vector<16xf32>
    %eq3A_2257 = arith.constant 2 : i32
    %eq3A_2258 = vector.broadcast %eq3A_2257 : i32 to vector<16xi32>
    %eq3A_2259 = arith.cmpi eq, %select_n3A_2244, %eq3A_2258 : vector<16xi32>
    %jit3A_2260 = arith.constant -1.000000e+00 : f32
    %broadcast_in_dim3A_2261 = vector.broadcast %jit3A_2260 : f32 to vector<16xf32>
    %select_n3A_2262 = arith.select %eq3A_2259, %broadcast_in_dim3A_2261, %exp3A_2193 : vector<16xi1>, vector<16xf32>
    %eq3A_2263 = arith.constant 3 : i32
    %eq3A_2264 = vector.broadcast %eq3A_2263 : i32 to vector<16xi32>
    %eq3A_2265 = arith.cmpi eq, %select_n3A_2244, %eq3A_2264 : vector<16xi32>
    %jit3A_2266 = arith.constant -1.000000e+00 : f32
    %broadcast_in_dim3A_2267 = vector.broadcast %jit3A_2266 : f32 to vector<16xf32>
    %select_n3A_2268 = arith.select %eq3A_2265, %broadcast_in_dim3A_2267, %exp3A_2195 : vector<16xi1>, vector<16xf32>
    %eq3A_2269 = arith.constant 4 : i32
    %eq3A_2270 = vector.broadcast %eq3A_2269 : i32 to vector<16xi32>
    %eq3A_2271 = arith.cmpi eq, %select_n3A_2244, %eq3A_2270 : vector<16xi32>
    %jit3A_2272 = arith.constant -1.000000e+00 : f32
    %broadcast_in_dim3A_2273 = vector.broadcast %jit3A_2272 : f32 to vector<16xf32>
    %select_n3A_2274 = arith.select %eq3A_2271, %broadcast_in_dim3A_2273, %exp3A_2197 : vector<16xi1>, vector<16xf32>
    %eq3A_2275 = arith.constant 5 : i32
    %eq3A_2276 = vector.broadcast %eq3A_2275 : i32 to vector<16xi32>
    %eq3A_2277 = arith.cmpi eq, %select_n3A_2244, %eq3A_2276 : vector<16xi32>
    %jit3A_2278 = arith.constant -1.000000e+00 : f32
    %broadcast_in_dim3A_2279 = vector.broadcast %jit3A_2278 : f32 to vector<16xf32>
    %select_n3A_2280 = arith.select %eq3A_2277, %broadcast_in_dim3A_2279, %exp3A_2199 : vector<16xi1>, vector<16xf32>
    %eq3A_2281 = arith.constant 6 : i32
    %eq3A_2282 = vector.broadcast %eq3A_2281 : i32 to vector<16xi32>
    %eq3A_2283 = arith.cmpi eq, %select_n3A_2244, %eq3A_2282 : vector<16xi32>
    %jit3A_2284 = arith.constant -1.000000e+00 : f32
    %broadcast_in_dim3A_2285 = vector.broadcast %jit3A_2284 : f32 to vector<16xf32>
    %select_n3A_2286 = arith.select %eq3A_2283, %broadcast_in_dim3A_2285, %exp3A_2201 : vector<16xi1>, vector<16xf32>
    %eq3A_2287 = arith.constant 7 : i32
    %eq3A_2288 = vector.broadcast %eq3A_2287 : i32 to vector<16xi32>
    %eq3A_2289 = arith.cmpi eq, %select_n3A_2244, %eq3A_2288 : vector<16xi32>
    %jit3A_2290 = arith.constant -1.000000e+00 : f32
    %broadcast_in_dim3A_2291 = vector.broadcast %jit3A_2290 : f32 to vector<16xf32>
    %select_n3A_2292 = arith.select %eq3A_2289, %broadcast_in_dim3A_2291, %exp3A_2203 : vector<16xi1>, vector<16xf32>
    %max3A_2293 = arith.maximumf %select_n3A_2250, %select_n3A_2256 : vector<16xf32>
    %max3A_2294 = arith.maximumf %max3A_2293, %select_n3A_2262 : vector<16xf32>
    %max3A_2295 = arith.maximumf %max3A_2294, %select_n3A_2268 : vector<16xf32>
    %max3A_2296 = arith.maximumf %max3A_2295, %select_n3A_2274 : vector<16xf32>
    %max3A_2297 = arith.maximumf %max3A_2296, %select_n3A_2280 : vector<16xf32>
    %max3A_2298 = arith.maximumf %max3A_2297, %select_n3A_2286 : vector<16xf32>
    %max3A_2299 = arith.maximumf %max3A_2298, %select_n3A_2292 : vector<16xf32>
    %broadcast_in_dim3A_2300 = arith.constant 0 : i32
    %broadcast_in_dim3A_2301 = vector.broadcast %broadcast_in_dim3A_2300 : i32 to vector<16xi32>
    %eq3A_2302 = arith.cmpf oeq, %select_n3A_2292, %max3A_2299 : vector<16xf32>
    %jit3A_2303 = arith.constant 7 : i32
    %broadcast_in_dim3A_2304 = vector.broadcast %jit3A_2303 : i32 to vector<16xi32>
    %select_n3A_2305 = arith.select %eq3A_2302, %broadcast_in_dim3A_2304, %broadcast_in_dim3A_2301 : vector<16xi1>, vector<16xi32>
    %eq3A_2306 = arith.cmpf oeq, %select_n3A_2286, %max3A_2299 : vector<16xf32>
    %jit3A_2307 = arith.constant 6 : i32
    %broadcast_in_dim3A_2308 = vector.broadcast %jit3A_2307 : i32 to vector<16xi32>
    %select_n3A_2309 = arith.select %eq3A_2306, %broadcast_in_dim3A_2308, %select_n3A_2305 : vector<16xi1>, vector<16xi32>
    %eq3A_2310 = arith.cmpf oeq, %select_n3A_2280, %max3A_2299 : vector<16xf32>
    %jit3A_2311 = arith.constant 5 : i32
    %broadcast_in_dim3A_2312 = vector.broadcast %jit3A_2311 : i32 to vector<16xi32>
    %select_n3A_2313 = arith.select %eq3A_2310, %broadcast_in_dim3A_2312, %select_n3A_2309 : vector<16xi1>, vector<16xi32>
    %eq3A_2314 = arith.cmpf oeq, %select_n3A_2274, %max3A_2299 : vector<16xf32>
    %jit3A_2315 = arith.constant 4 : i32
    %broadcast_in_dim3A_2316 = vector.broadcast %jit3A_2315 : i32 to vector<16xi32>
    %select_n3A_2317 = arith.select %eq3A_2314, %broadcast_in_dim3A_2316, %select_n3A_2313 : vector<16xi1>, vector<16xi32>
    %eq3A_2318 = arith.cmpf oeq, %select_n3A_2268, %max3A_2299 : vector<16xf32>
    %jit3A_2319 = arith.constant 3 : i32
    %broadcast_in_dim3A_2320 = vector.broadcast %jit3A_2319 : i32 to vector<16xi32>
    %select_n3A_2321 = arith.select %eq3A_2318, %broadcast_in_dim3A_2320, %select_n3A_2317 : vector<16xi1>, vector<16xi32>
    %eq3A_2322 = arith.cmpf oeq, %select_n3A_2262, %max3A_2299 : vector<16xf32>
    %jit3A_2323 = arith.constant 2 : i32
    %broadcast_in_dim3A_2324 = vector.broadcast %jit3A_2323 : i32 to vector<16xi32>
    %select_n3A_2325 = arith.select %eq3A_2322, %broadcast_in_dim3A_2324, %select_n3A_2321 : vector<16xi1>, vector<16xi32>
    %eq3A_2326 = arith.cmpf oeq, %select_n3A_2256, %max3A_2299 : vector<16xf32>
    %jit3A_2327 = arith.constant 1 : i32
    %broadcast_in_dim3A_2328 = vector.broadcast %jit3A_2327 : i32 to vector<16xi32>
    %select_n3A_2329 = arith.select %eq3A_2326, %broadcast_in_dim3A_2328, %select_n3A_2325 : vector<16xi1>, vector<16xi32>
    %eq3A_2330 = arith.cmpf oeq, %select_n3A_2250, %max3A_2299 : vector<16xf32>
    %jit3A_2331 = arith.constant 0 : i32
    %broadcast_in_dim3A_2332 = vector.broadcast %jit3A_2331 : i32 to vector<16xi32>
    %select_n3A_2333 = arith.select %eq3A_2330, %broadcast_in_dim3A_2332, %select_n3A_2329 : vector<16xi1>, vector<16xi32>
    %eq3A_2334 = arith.constant 0 : i32
    %eq3A_2335 = vector.broadcast %eq3A_2334 : i32 to vector<16xi32>
    %eq3A_2336 = arith.cmpi eq, %select_n3A_2244, %eq3A_2335 : vector<16xi32>
    %eq3A_2337 = arith.constant 0 : i32
    %eq3A_2338 = vector.broadcast %eq3A_2337 : i32 to vector<16xi32>
    %eq3A_2339 = arith.cmpi eq, %select_n3A_2333, %eq3A_2338 : vector<16xi32>
    %or3A_2340 = arith.ori %eq3A_2336, %eq3A_2339 : vector<16xi1>
    %jit3A_2341 = arith.constant 0.000000e+00 : f32
    %broadcast_in_dim3A_2342 = vector.broadcast %jit3A_2341 : f32 to vector<16xf32>
    %select_n3A_2343 = arith.select %or3A_2340, %exp3A_2189, %broadcast_in_dim3A_2342 : vector<16xi1>, vector<16xf32>
    %eq3A_2344 = arith.constant 1 : i32
    %eq3A_2345 = vector.broadcast %eq3A_2344 : i32 to vector<16xi32>
    %eq3A_2346 = arith.cmpi eq, %select_n3A_2244, %eq3A_2345 : vector<16xi32>
    %eq3A_2347 = arith.constant 1 : i32
    %eq3A_2348 = vector.broadcast %eq3A_2347 : i32 to vector<16xi32>
    %eq3A_2349 = arith.cmpi eq, %select_n3A_2333, %eq3A_2348 : vector<16xi32>
    %or3A_2350 = arith.ori %eq3A_2346, %eq3A_2349 : vector<16xi1>
    %jit3A_2351 = arith.constant 0.000000e+00 : f32
    %broadcast_in_dim3A_2352 = vector.broadcast %jit3A_2351 : f32 to vector<16xf32>
    %select_n3A_2353 = arith.select %or3A_2350, %exp3A_2191, %broadcast_in_dim3A_2352 : vector<16xi1>, vector<16xf32>
    %eq3A_2354 = arith.constant 2 : i32
    %eq3A_2355 = vector.broadcast %eq3A_2354 : i32 to vector<16xi32>
    %eq3A_2356 = arith.cmpi eq, %select_n3A_2244, %eq3A_2355 : vector<16xi32>
    %eq3A_2357 = arith.constant 2 : i32
    %eq3A_2358 = vector.broadcast %eq3A_2357 : i32 to vector<16xi32>
    %eq3A_2359 = arith.cmpi eq, %select_n3A_2333, %eq3A_2358 : vector<16xi32>
    %or3A_2360 = arith.ori %eq3A_2356, %eq3A_2359 : vector<16xi1>
    %jit3A_2361 = arith.constant 0.000000e+00 : f32
    %broadcast_in_dim3A_2362 = vector.broadcast %jit3A_2361 : f32 to vector<16xf32>
    %select_n3A_2363 = arith.select %or3A_2360, %exp3A_2193, %broadcast_in_dim3A_2362 : vector<16xi1>, vector<16xf32>
    %eq3A_2364 = arith.constant 3 : i32
    %eq3A_2365 = vector.broadcast %eq3A_2364 : i32 to vector<16xi32>
    %eq3A_2366 = arith.cmpi eq, %select_n3A_2244, %eq3A_2365 : vector<16xi32>
    %eq3A_2367 = arith.constant 3 : i32
    %eq3A_2368 = vector.broadcast %eq3A_2367 : i32 to vector<16xi32>
    %eq3A_2369 = arith.cmpi eq, %select_n3A_2333, %eq3A_2368 : vector<16xi32>
    %or3A_2370 = arith.ori %eq3A_2366, %eq3A_2369 : vector<16xi1>
    %jit3A_2371 = arith.constant 0.000000e+00 : f32
    %broadcast_in_dim3A_2372 = vector.broadcast %jit3A_2371 : f32 to vector<16xf32>
    %select_n3A_2373 = arith.select %or3A_2370, %exp3A_2195, %broadcast_in_dim3A_2372 : vector<16xi1>, vector<16xf32>
    %eq3A_2374 = arith.constant 4 : i32
    %eq3A_2375 = vector.broadcast %eq3A_2374 : i32 to vector<16xi32>
    %eq3A_2376 = arith.cmpi eq, %select_n3A_2244, %eq3A_2375 : vector<16xi32>
    %eq3A_2377 = arith.constant 4 : i32
    %eq3A_2378 = vector.broadcast %eq3A_2377 : i32 to vector<16xi32>
    %eq3A_2379 = arith.cmpi eq, %select_n3A_2333, %eq3A_2378 : vector<16xi32>
    %or3A_2380 = arith.ori %eq3A_2376, %eq3A_2379 : vector<16xi1>
    %jit3A_2381 = arith.constant 0.000000e+00 : f32
    %broadcast_in_dim3A_2382 = vector.broadcast %jit3A_2381 : f32 to vector<16xf32>
    %select_n3A_2383 = arith.select %or3A_2380, %exp3A_2197, %broadcast_in_dim3A_2382 : vector<16xi1>, vector<16xf32>
    %eq3A_2384 = arith.constant 5 : i32
    %eq3A_2385 = vector.broadcast %eq3A_2384 : i32 to vector<16xi32>
    %eq3A_2386 = arith.cmpi eq, %select_n3A_2244, %eq3A_2385 : vector<16xi32>
    %eq3A_2387 = arith.constant 5 : i32
    %eq3A_2388 = vector.broadcast %eq3A_2387 : i32 to vector<16xi32>
    %eq3A_2389 = arith.cmpi eq, %select_n3A_2333, %eq3A_2388 : vector<16xi32>
    %or3A_2390 = arith.ori %eq3A_2386, %eq3A_2389 : vector<16xi1>
    %jit3A_2391 = arith.constant 0.000000e+00 : f32
    %broadcast_in_dim3A_2392 = vector.broadcast %jit3A_2391 : f32 to vector<16xf32>
    %select_n3A_2393 = arith.select %or3A_2390, %exp3A_2199, %broadcast_in_dim3A_2392 : vector<16xi1>, vector<16xf32>
    %eq3A_2394 = arith.constant 6 : i32
    %eq3A_2395 = vector.broadcast %eq3A_2394 : i32 to vector<16xi32>
    %eq3A_2396 = arith.cmpi eq, %select_n3A_2244, %eq3A_2395 : vector<16xi32>
    %eq3A_2397 = arith.constant 6 : i32
    %eq3A_2398 = vector.broadcast %eq3A_2397 : i32 to vector<16xi32>
    %eq3A_2399 = arith.cmpi eq, %select_n3A_2333, %eq3A_2398 : vector<16xi32>
    %or3A_2400 = arith.ori %eq3A_2396, %eq3A_2399 : vector<16xi1>
    %jit3A_2401 = arith.constant 0.000000e+00 : f32
    %broadcast_in_dim3A_2402 = vector.broadcast %jit3A_2401 : f32 to vector<16xf32>
    %select_n3A_2403 = arith.select %or3A_2400, %exp3A_2201, %broadcast_in_dim3A_2402 : vector<16xi1>, vector<16xf32>
    %eq3A_2404 = arith.constant 7 : i32
    %eq3A_2405 = vector.broadcast %eq3A_2404 : i32 to vector<16xi32>
    %eq3A_2406 = arith.cmpi eq, %select_n3A_2244, %eq3A_2405 : vector<16xi32>
    %eq3A_2407 = arith.constant 7 : i32
    %eq3A_2408 = vector.broadcast %eq3A_2407 : i32 to vector<16xi32>
    %eq3A_2409 = arith.cmpi eq, %select_n3A_2333, %eq3A_2408 : vector<16xi32>
    %or3A_2410 = arith.ori %eq3A_2406, %eq3A_2409 : vector<16xi1>
    %jit3A_2411 = arith.constant 0.000000e+00 : f32
    %broadcast_in_dim3A_2412 = vector.broadcast %jit3A_2411 : f32 to vector<16xf32>
    %select_n3A_2413 = arith.select %or3A_2410, %exp3A_2203, %broadcast_in_dim3A_2412 : vector<16xi1>, vector<16xf32>
    %add3A_2414 = arith.addf %select_n3A_2343, %select_n3A_2353 : vector<16xf32>
    %add3A_2415 = arith.addf %add3A_2414, %select_n3A_2363 : vector<16xf32>
    %add3A_2416 = arith.addf %add3A_2415, %select_n3A_2373 : vector<16xf32>
    %add3A_2417 = arith.addf %add3A_2416, %select_n3A_2383 : vector<16xf32>
    %add3A_2418 = arith.addf %add3A_2417, %select_n3A_2393 : vector<16xf32>
    %add3A_2419 = arith.addf %add3A_2418, %select_n3A_2403 : vector<16xf32>
    %add3A_2420 = arith.addf %add3A_2419, %select_n3A_2413 : vector<16xf32>
    %div3A_2421 = arith.constant 1.000000e+00 : f32
    %div3A_2422 = vector.broadcast %div3A_2421 : f32 to vector<16xf32>
    %div3A_2423 = arith.divf %div3A_2422, %add3A_2420 : vector<16xf32>
    %mul3A_2424 = arith.mulf %select_n3A_2343, %div3A_2423 : vector<16xf32>
    %swap3A_2425 = arith.constant 112 : index
    %swap3A_2426 = tpu.vector_load %arg5[%swap3A_2425] {strides = array<i32>} : memref<1024xf32, #tpu.memory_space<vmem>>, vector<16xf32>,
    %swap3A_2427 = vector.shape_cast %swap3A_2426 : vector<16xf32> to vector<16xf32>
    %swap3A_2428 = vector.shape_cast %mul3A_2424 : vector<16xf32> to vector<16xf32>
    tpu.vector_store %arg5[%swap3A_2425], %swap3A_2428 {strides = array<i32>} : memref<1024xf32, #tpu.memory_space<vmem>>, vector<16xf32>,
    %mul3A_2429 = arith.mulf %select_n3A_2353, %div3A_2423 : vector<16xf32>
    %swap3A_2430 = arith.constant 240 : index
    %swap3A_2431 = tpu.vector_load %arg5[%swap3A_2430] {strides = array<i32>} : memref<1024xf32, #tpu.memory_space<vmem>>, vector<16xf32>,
    %swap3A_2432 = vector.shape_cast %swap3A_2431 : vector<16xf32> to vector<16xf32>
    %swap3A_2433 = vector.shape_cast %mul3A_2429 : vector<16xf32> to vector<16xf32>
    tpu.vector_store %arg5[%swap3A_2430], %swap3A_2433 {strides = array<i32>} : memref<1024xf32, #tpu.memory_space<vmem>>, vector<16xf32>,
    %mul3A_2434 = arith.mulf %select_n3A_2363, %div3A_2423 : vector<16xf32>
    %swap3A_2435 = arith.constant 368 : index
    %swap3A_2436 = tpu.vector_load %arg5[%swap3A_2435] {strides = array<i32>} : memref<1024xf32, #tpu.memory_space<vmem>>, vector<16xf32>,
    %swap3A_2437 = vector.shape_cast %swap3A_2436 : vector<16xf32> to vector<16xf32>
    %swap3A_2438 = vector.shape_cast %mul3A_2434 : vector<16xf32> to vector<16xf32>
    tpu.vector_store %arg5[%swap3A_2435], %swap3A_2438 {strides = array<i32>} : memref<1024xf32, #tpu.memory_space<vmem>>, vector<16xf32>,
    %mul3A_2439 = arith.mulf %select_n3A_2373, %div3A_2423 : vector<16xf32>
    %swap3A_2440 = arith.constant 496 : index
    %swap3A_2441 = tpu.vector_load %arg5[%swap3A_2440] {strides = array<i32>} : memref<1024xf32, #tpu.memory_space<vmem>>, vector<16xf32>,
    %swap3A_2442 = vector.shape_cast %swap3A_2441 : vector<16xf32> to vector<16xf32>
    %swap3A_2443 = vector.shape_cast %mul3A_2439 : vector<16xf32> to vector<16xf32>
    tpu.vector_store %arg5[%swap3A_2440], %swap3A_2443 {strides = array<i32>} : memref<1024xf32, #tpu.memory_space<vmem>>, vector<16xf32>,
    %mul3A_2444 = arith.mulf %select_n3A_2383, %div3A_2423 : vector<16xf32>
    %swap3A_2445 = arith.constant 624 : index
    %swap3A_2446 = tpu.vector_load %arg5[%swap3A_2445] {strides = array<i32>} : memref<1024xf32, #tpu.memory_space<vmem>>, vector<16xf32>,
    %swap3A_2447 = vector.shape_cast %swap3A_2446 : vector<16xf32> to vector<16xf32>
    %swap3A_2448 = vector.shape_cast %mul3A_2444 : vector<16xf32> to vector<16xf32>
    tpu.vector_store %arg5[%swap3A_2445], %swap3A_2448 {strides = array<i32>} : memref<1024xf32, #tpu.memory_space<vmem>>, vector<16xf32>,
    %mul3A_2449 = arith.mulf %select_n3A_2393, %div3A_2423 : vector<16xf32>
    %swap3A_2450 = arith.constant 752 : index
    %swap3A_2451 = tpu.vector_load %arg5[%swap3A_2450] {strides = array<i32>} : memref<1024xf32, #tpu.memory_space<vmem>>, vector<16xf32>,
    %swap3A_2452 = vector.shape_cast %swap3A_2451 : vector<16xf32> to vector<16xf32>
    %swap3A_2453 = vector.shape_cast %mul3A_2449 : vector<16xf32> to vector<16xf32>
    tpu.vector_store %arg5[%swap3A_2450], %swap3A_2453 {strides = array<i32>} : memref<1024xf32, #tpu.memory_space<vmem>>, vector<16xf32>,
    %mul3A_2454 = arith.mulf %select_n3A_2403, %div3A_2423 : vector<16xf32>
    %swap3A_2455 = arith.constant 880 : index
    %swap3A_2456 = tpu.vector_load %arg5[%swap3A_2455] {strides = array<i32>} : memref<1024xf32, #tpu.memory_space<vmem>>, vector<16xf32>,
    %swap3A_2457 = vector.shape_cast %swap3A_2456 : vector<16xf32> to vector<16xf32>
    %swap3A_2458 = vector.shape_cast %mul3A_2454 : vector<16xf32> to vector<16xf32>
    tpu.vector_store %arg5[%swap3A_2455], %swap3A_2458 {strides = array<i32>} : memref<1024xf32, #tpu.memory_space<vmem>>, vector<16xf32>,
    %mul3A_2459 = arith.mulf %select_n3A_2413, %div3A_2423 : vector<16xf32>
    %swap3A_2460 = arith.constant 1008 : index
    %swap3A_2461 = tpu.vector_load %arg5[%swap3A_2460] {strides = array<i32>} : memref<1024xf32, #tpu.memory_space<vmem>>, vector<16xf32>,
    %swap3A_2462 = vector.shape_cast %swap3A_2461 : vector<16xf32> to vector<16xf32>
    %swap3A_2463 = vector.shape_cast %mul3A_2459 : vector<16xf32> to vector<16xf32>
    tpu.vector_store %arg5[%swap3A_2460], %swap3A_2463 {strides = array<i32>} : memref<1024xf32, #tpu.memory_space<vmem>>, vector<16xf32>,
    %add3A_2464 = arith.constant 0 : i32
    %add3A_2465 = arith.addi %add3A_2464, %mul3A_2 : i32
    "tpu.region"() ({
      %run_scoped3A = tpu.sem_alloc : memref<!tpu.dma_semaphore, #tpu.memory_space<semaphore_mem>>
      %dma_start3A = arith.constant 0 : i32
      %dma_start3A_2480 = tpu.memref_slice %arg5[%dma_start3A] : memref<1024xf32, #tpu.memory_space<vmem>> -> memref<128xf32, #tpu.memory_space<vmem>>
      %dma_start3A_2481 = tpu.memref_slice %arg3[%add3A_2465] : memref<32768xf32, #tpu.memory_space<hbm>> -> memref<128xf32, #tpu.memory_space<hbm>>
      %dma_start3A_2482 = tpu.memref_slice %arg3[%add3A_2465] : memref<32768xf32, #tpu.memory_space<hbm>> -> memref<128xf32, #tpu.memory_space<hbm>>
      %dma_start3A_2483 = arith.constant 0 : i32
      %dma_start3A_2484 = tpu.memref_slice %arg5[%dma_start3A_2483] : memref<1024xf32, #tpu.memory_space<vmem>> -> memref<128xf32, #tpu.memory_space<vmem>>
      tpu.enqueue_dma source(%dma_start3A_2484 : memref<128xf32, #tpu.memory_space<vmem>>) target(%dma_start3A_2482 : memref<128xf32, #tpu.memory_space<hbm>>) target_semaphore(%run_scoped3A : memref<!tpu.dma_semaphore, #tpu.memory_space<semaphore_mem>>)
      %dma_wait3A = arith.constant 0 : i32
      %dma_wait3A_2485 = tpu.memref_slice %arg5[%dma_wait3A] : memref<1024xf32, #tpu.memory_space<vmem>> -> memref<128xf32, #tpu.memory_space<vmem>>
      %dma_wait3A_2486 = tpu.memref_slice %arg3[%add3A_2465] : memref<32768xf32, #tpu.memory_space<hbm>> -> memref<128xf32, #tpu.memory_space<hbm>>
      %dma_wait3A_2487 = tpu.memref_slice %arg3[%add3A_2465] : memref<32768xf32, #tpu.memory_space<hbm>> -> memref<128xf32, #tpu.memory_space<hbm>>
      %dma_wait3A_2488 = arith.constant 0 : i32
      %dma_wait3A_2489 = tpu.memref_slice %arg5[%dma_wait3A_2488] : memref<1024xf32, #tpu.memory_space<vmem>> -> memref<128xf32, #tpu.memory_space<vmem>>
      tpu.wait_dma2 semaphore(%run_scoped3A : memref<!tpu.dma_semaphore, #tpu.memory_space<semaphore_mem>>) src(%dma_wait3A_2489 : memref<128xf32, #tpu.memory_space<vmem>>) dst(%dma_wait3A_2487 : memref<128xf32, #tpu.memory_space<hbm>>)
      tpu.yield
    }) : () -> ()
    %add3A_2466 = arith.constant 4096 : i32
    %add3A_2467 = arith.addi %add3A_2466, %mul3A_2 : i32
    "tpu.region"() ({
      %run_scoped3A = tpu.sem_alloc : memref<!tpu.dma_semaphore, #tpu.memory_space<semaphore_mem>>
      %dma_start3A = arith.constant 128 : i32
      %dma_start3A_2480 = tpu.memref_slice %arg5[%dma_start3A] : memref<1024xf32, #tpu.memory_space<vmem>> -> memref<128xf32, #tpu.memory_space<vmem>>
      %dma_start3A_2481 = tpu.memref_slice %arg3[%add3A_2467] : memref<32768xf32, #tpu.memory_space<hbm>> -> memref<128xf32, #tpu.memory_space<hbm>>
      %dma_start3A_2482 = tpu.memref_slice %arg3[%add3A_2467] : memref<32768xf32, #tpu.memory_space<hbm>> -> memref<128xf32, #tpu.memory_space<hbm>>
      %dma_start3A_2483 = arith.constant 128 : i32
      %dma_start3A_2484 = tpu.memref_slice %arg5[%dma_start3A_2483] : memref<1024xf32, #tpu.memory_space<vmem>> -> memref<128xf32, #tpu.memory_space<vmem>>
      tpu.enqueue_dma source(%dma_start3A_2484 : memref<128xf32, #tpu.memory_space<vmem>>) target(%dma_start3A_2482 : memref<128xf32, #tpu.memory_space<hbm>>) target_semaphore(%run_scoped3A : memref<!tpu.dma_semaphore, #tpu.memory_space<semaphore_mem>>)
      %dma_wait3A = arith.constant 128 : i32
      %dma_wait3A_2485 = tpu.memref_slice %arg5[%dma_wait3A] : memref<1024xf32, #tpu.memory_space<vmem>> -> memref<128xf32, #tpu.memory_space<vmem>>
      %dma_wait3A_2486 = tpu.memref_slice %arg3[%add3A_2467] : memref<32768xf32, #tpu.memory_space<hbm>> -> memref<128xf32, #tpu.memory_space<hbm>>
      %dma_wait3A_2487 = tpu.memref_slice %arg3[%add3A_2467] : memref<32768xf32, #tpu.memory_space<hbm>> -> memref<128xf32, #tpu.memory_space<hbm>>
      %dma_wait3A_2488 = arith.constant 128 : i32
      %dma_wait3A_2489 = tpu.memref_slice %arg5[%dma_wait3A_2488] : memref<1024xf32, #tpu.memory_space<vmem>> -> memref<128xf32, #tpu.memory_space<vmem>>
      tpu.wait_dma2 semaphore(%run_scoped3A : memref<!tpu.dma_semaphore, #tpu.memory_space<semaphore_mem>>) src(%dma_wait3A_2489 : memref<128xf32, #tpu.memory_space<vmem>>) dst(%dma_wait3A_2487 : memref<128xf32, #tpu.memory_space<hbm>>)
      tpu.yield
    }) : () -> ()
    %add3A_2468 = arith.constant 8192 : i32
    %add3A_2469 = arith.addi %add3A_2468, %mul3A_2 : i32
    "tpu.region"() ({
      %run_scoped3A = tpu.sem_alloc : memref<!tpu.dma_semaphore, #tpu.memory_space<semaphore_mem>>
      %dma_start3A = arith.constant 256 : i32
      %dma_start3A_2480 = tpu.memref_slice %arg5[%dma_start3A] : memref<1024xf32, #tpu.memory_space<vmem>> -> memref<128xf32, #tpu.memory_space<vmem>>
      %dma_start3A_2481 = tpu.memref_slice %arg3[%add3A_2469] : memref<32768xf32, #tpu.memory_space<hbm>> -> memref<128xf32, #tpu.memory_space<hbm>>
      %dma_start3A_2482 = tpu.memref_slice %arg3[%add3A_2469] : memref<32768xf32, #tpu.memory_space<hbm>> -> memref<128xf32, #tpu.memory_space<hbm>>
      %dma_start3A_2483 = arith.constant 256 : i32
      %dma_start3A_2484 = tpu.memref_slice %arg5[%dma_start3A_2483] : memref<1024xf32, #tpu.memory_space<vmem>> -> memref<128xf32, #tpu.memory_space<vmem>>
      tpu.enqueue_dma source(%dma_start3A_2484 : memref<128xf32, #tpu.memory_space<vmem>>) target(%dma_start3A_2482 : memref<128xf32, #tpu.memory_space<hbm>>) target_semaphore(%run_scoped3A : memref<!tpu.dma_semaphore, #tpu.memory_space<semaphore_mem>>)
      %dma_wait3A = arith.constant 256 : i32
      %dma_wait3A_2485 = tpu.memref_slice %arg5[%dma_wait3A] : memref<1024xf32, #tpu.memory_space<vmem>> -> memref<128xf32, #tpu.memory_space<vmem>>
      %dma_wait3A_2486 = tpu.memref_slice %arg3[%add3A_2469] : memref<32768xf32, #tpu.memory_space<hbm>> -> memref<128xf32, #tpu.memory_space<hbm>>
      %dma_wait3A_2487 = tpu.memref_slice %arg3[%add3A_2469] : memref<32768xf32, #tpu.memory_space<hbm>> -> memref<128xf32, #tpu.memory_space<hbm>>
      %dma_wait3A_2488 = arith.constant 256 : i32
      %dma_wait3A_2489 = tpu.memref_slice %arg5[%dma_wait3A_2488] : memref<1024xf32, #tpu.memory_space<vmem>> -> memref<128xf32, #tpu.memory_space<vmem>>
      tpu.wait_dma2 semaphore(%run_scoped3A : memref<!tpu.dma_semaphore, #tpu.memory_space<semaphore_mem>>) src(%dma_wait3A_2489 : memref<128xf32, #tpu.memory_space<vmem>>) dst(%dma_wait3A_2487 : memref<128xf32, #tpu.memory_space<hbm>>)
      tpu.yield
    }) : () -> ()
    %add3A_2470 = arith.constant 12288 : i32
    %add3A_2471 = arith.addi %add3A_2470, %mul3A_2 : i32
    "tpu.region"() ({
      %run_scoped3A = tpu.sem_alloc : memref<!tpu.dma_semaphore, #tpu.memory_space<semaphore_mem>>
      %dma_start3A = arith.constant 384 : i32
      %dma_start3A_2480 = tpu.memref_slice %arg5[%dma_start3A] : memref<1024xf32, #tpu.memory_space<vmem>> -> memref<128xf32, #tpu.memory_space<vmem>>
      %dma_start3A_2481 = tpu.memref_slice %arg3[%add3A_2471] : memref<32768xf32, #tpu.memory_space<hbm>> -> memref<128xf32, #tpu.memory_space<hbm>>
      %dma_start3A_2482 = tpu.memref_slice %arg3[%add3A_2471] : memref<32768xf32, #tpu.memory_space<hbm>> -> memref<128xf32, #tpu.memory_space<hbm>>
      %dma_start3A_2483 = arith.constant 384 : i32
      %dma_start3A_2484 = tpu.memref_slice %arg5[%dma_start3A_2483] : memref<1024xf32, #tpu.memory_space<vmem>> -> memref<128xf32, #tpu.memory_space<vmem>>
      tpu.enqueue_dma source(%dma_start3A_2484 : memref<128xf32, #tpu.memory_space<vmem>>) target(%dma_start3A_2482 : memref<128xf32, #tpu.memory_space<hbm>>) target_semaphore(%run_scoped3A : memref<!tpu.dma_semaphore, #tpu.memory_space<semaphore_mem>>)
      %dma_wait3A = arith.constant 384 : i32
      %dma_wait3A_2485 = tpu.memref_slice %arg5[%dma_wait3A] : memref<1024xf32, #tpu.memory_space<vmem>> -> memref<128xf32, #tpu.memory_space<vmem>>
      %dma_wait3A_2486 = tpu.memref_slice %arg3[%add3A_2471] : memref<32768xf32, #tpu.memory_space<hbm>> -> memref<128xf32, #tpu.memory_space<hbm>>
      %dma_wait3A_2487 = tpu.memref_slice %arg3[%add3A_2471] : memref<32768xf32, #tpu.memory_space<hbm>> -> memref<128xf32, #tpu.memory_space<hbm>>
      %dma_wait3A_2488 = arith.constant 384 : i32
      %dma_wait3A_2489 = tpu.memref_slice %arg5[%dma_wait3A_2488] : memref<1024xf32, #tpu.memory_space<vmem>> -> memref<128xf32, #tpu.memory_space<vmem>>
      tpu.wait_dma2 semaphore(%run_scoped3A : memref<!tpu.dma_semaphore, #tpu.memory_space<semaphore_mem>>) src(%dma_wait3A_2489 : memref<128xf32, #tpu.memory_space<vmem>>) dst(%dma_wait3A_2487 : memref<128xf32, #tpu.memory_space<hbm>>)
      tpu.yield
    }) : () -> ()
    %add3A_2472 = arith.constant 16384 : i32
    %add3A_2473 = arith.addi %add3A_2472, %mul3A_2 : i32
    "tpu.region"() ({
      %run_scoped3A = tpu.sem_alloc : memref<!tpu.dma_semaphore, #tpu.memory_space<semaphore_mem>>
      %dma_start3A = arith.constant 512 : i32
      %dma_start3A_2480 = tpu.memref_slice %arg5[%dma_start3A] : memref<1024xf32, #tpu.memory_space<vmem>> -> memref<128xf32, #tpu.memory_space<vmem>>
      %dma_start3A_2481 = tpu.memref_slice %arg3[%add3A_2473] : memref<32768xf32, #tpu.memory_space<hbm>> -> memref<128xf32, #tpu.memory_space<hbm>>
      %dma_start3A_2482 = tpu.memref_slice %arg3[%add3A_2473] : memref<32768xf32, #tpu.memory_space<hbm>> -> memref<128xf32, #tpu.memory_space<hbm>>
      %dma_start3A_2483 = arith.constant 512 : i32
      %dma_start3A_2484 = tpu.memref_slice %arg5[%dma_start3A_2483] : memref<1024xf32, #tpu.memory_space<vmem>> -> memref<128xf32, #tpu.memory_space<vmem>>
      tpu.enqueue_dma source(%dma_start3A_2484 : memref<128xf32, #tpu.memory_space<vmem>>) target(%dma_start3A_2482 : memref<128xf32, #tpu.memory_space<hbm>>) target_semaphore(%run_scoped3A : memref<!tpu.dma_semaphore, #tpu.memory_space<semaphore_mem>>)
      %dma_wait3A = arith.constant 512 : i32
      %dma_wait3A_2485 = tpu.memref_slice %arg5[%dma_wait3A] : memref<1024xf32, #tpu.memory_space<vmem>> -> memref<128xf32, #tpu.memory_space<vmem>>
      %dma_wait3A_2486 = tpu.memref_slice %arg3[%add3A_2473] : memref<32768xf32, #tpu.memory_space<hbm>> -> memref<128xf32, #tpu.memory_space<hbm>>
      %dma_wait3A_2487 = tpu.memref_slice %arg3[%add3A_2473] : memref<32768xf32, #tpu.memory_space<hbm>> -> memref<128xf32, #tpu.memory_space<hbm>>
      %dma_wait3A_2488 = arith.constant 512 : i32
      %dma_wait3A_2489 = tpu.memref_slice %arg5[%dma_wait3A_2488] : memref<1024xf32, #tpu.memory_space<vmem>> -> memref<128xf32, #tpu.memory_space<vmem>>
      tpu.wait_dma2 semaphore(%run_scoped3A : memref<!tpu.dma_semaphore, #tpu.memory_space<semaphore_mem>>) src(%dma_wait3A_2489 : memref<128xf32, #tpu.memory_space<vmem>>) dst(%dma_wait3A_2487 : memref<128xf32, #tpu.memory_space<hbm>>)
      tpu.yield
    }) : () -> ()
    %add3A_2474 = arith.constant 20480 : i32
    %add3A_2475 = arith.addi %add3A_2474, %mul3A_2 : i32
    "tpu.region"() ({
      %run_scoped3A = tpu.sem_alloc : memref<!tpu.dma_semaphore, #tpu.memory_space<semaphore_mem>>
      %dma_start3A = arith.constant 640 : i32
      %dma_start3A_2480 = tpu.memref_slice %arg5[%dma_start3A] : memref<1024xf32, #tpu.memory_space<vmem>> -> memref<128xf32, #tpu.memory_space<vmem>>
      %dma_start3A_2481 = tpu.memref_slice %arg3[%add3A_2475] : memref<32768xf32, #tpu.memory_space<hbm>> -> memref<128xf32, #tpu.memory_space<hbm>>
      %dma_start3A_2482 = tpu.memref_slice %arg3[%add3A_2475] : memref<32768xf32, #tpu.memory_space<hbm>> -> memref<128xf32, #tpu.memory_space<hbm>>
      %dma_start3A_2483 = arith.constant 640 : i32
      %dma_start3A_2484 = tpu.memref_slice %arg5[%dma_start3A_2483] : memref<1024xf32, #tpu.memory_space<vmem>> -> memref<128xf32, #tpu.memory_space<vmem>>
      tpu.enqueue_dma source(%dma_start3A_2484 : memref<128xf32, #tpu.memory_space<vmem>>) target(%dma_start3A_2482 : memref<128xf32, #tpu.memory_space<hbm>>) target_semaphore(%run_scoped3A : memref<!tpu.dma_semaphore, #tpu.memory_space<semaphore_mem>>)
      %dma_wait3A = arith.constant 640 : i32
      %dma_wait3A_2485 = tpu.memref_slice %arg5[%dma_wait3A] : memref<1024xf32, #tpu.memory_space<vmem>> -> memref<128xf32, #tpu.memory_space<vmem>>
      %dma_wait3A_2486 = tpu.memref_slice %arg3[%add3A_2475] : memref<32768xf32, #tpu.memory_space<hbm>> -> memref<128xf32, #tpu.memory_space<hbm>>
      %dma_wait3A_2487 = tpu.memref_slice %arg3[%add3A_2475] : memref<32768xf32, #tpu.memory_space<hbm>> -> memref<128xf32, #tpu.memory_space<hbm>>
      %dma_wait3A_2488 = arith.constant 640 : i32
      %dma_wait3A_2489 = tpu.memref_slice %arg5[%dma_wait3A_2488] : memref<1024xf32, #tpu.memory_space<vmem>> -> memref<128xf32, #tpu.memory_space<vmem>>
      tpu.wait_dma2 semaphore(%run_scoped3A : memref<!tpu.dma_semaphore, #tpu.memory_space<semaphore_mem>>) src(%dma_wait3A_2489 : memref<128xf32, #tpu.memory_space<vmem>>) dst(%dma_wait3A_2487 : memref<128xf32, #tpu.memory_space<hbm>>)
      tpu.yield
    }) : () -> ()
    %add3A_2476 = arith.constant 24576 : i32
    %add3A_2477 = arith.addi %add3A_2476, %mul3A_2 : i32
    "tpu.region"() ({
      %run_scoped3A = tpu.sem_alloc : memref<!tpu.dma_semaphore, #tpu.memory_space<semaphore_mem>>
      %dma_start3A = arith.constant 768 : i32
      %dma_start3A_2480 = tpu.memref_slice %arg5[%dma_start3A] : memref<1024xf32, #tpu.memory_space<vmem>> -> memref<128xf32, #tpu.memory_space<vmem>>
      %dma_start3A_2481 = tpu.memref_slice %arg3[%add3A_2477] : memref<32768xf32, #tpu.memory_space<hbm>> -> memref<128xf32, #tpu.memory_space<hbm>>
      %dma_start3A_2482 = tpu.memref_slice %arg3[%add3A_2477] : memref<32768xf32, #tpu.memory_space<hbm>> -> memref<128xf32, #tpu.memory_space<hbm>>
      %dma_start3A_2483 = arith.constant 768 : i32
      %dma_start3A_2484 = tpu.memref_slice %arg5[%dma_start3A_2483] : memref<1024xf32, #tpu.memory_space<vmem>> -> memref<128xf32, #tpu.memory_space<vmem>>
      tpu.enqueue_dma source(%dma_start3A_2484 : memref<128xf32, #tpu.memory_space<vmem>>) target(%dma_start3A_2482 : memref<128xf32, #tpu.memory_space<hbm>>) target_semaphore(%run_scoped3A : memref<!tpu.dma_semaphore, #tpu.memory_space<semaphore_mem>>)
      %dma_wait3A = arith.constant 768 : i32
      %dma_wait3A_2485 = tpu.memref_slice %arg5[%dma_wait3A] : memref<1024xf32, #tpu.memory_space<vmem>> -> memref<128xf32, #tpu.memory_space<vmem>>
      %dma_wait3A_2486 = tpu.memref_slice %arg3[%add3A_2477] : memref<32768xf32, #tpu.memory_space<hbm>> -> memref<128xf32, #tpu.memory_space<hbm>>
      %dma_wait3A_2487 = tpu.memref_slice %arg3[%add3A_2477] : memref<32768xf32, #tpu.memory_space<hbm>> -> memref<128xf32, #tpu.memory_space<hbm>>
      %dma_wait3A_2488 = arith.constant 768 : i32
      %dma_wait3A_2489 = tpu.memref_slice %arg5[%dma_wait3A_2488] : memref<1024xf32, #tpu.memory_space<vmem>> -> memref<128xf32, #tpu.memory_space<vmem>>
      tpu.wait_dma2 semaphore(%run_scoped3A : memref<!tpu.dma_semaphore, #tpu.memory_space<semaphore_mem>>) src(%dma_wait3A_2489 : memref<128xf32, #tpu.memory_space<vmem>>) dst(%dma_wait3A_2487 : memref<128xf32, #tpu.memory_space<hbm>>)
      tpu.yield
    }) : () -> ()
    %add3A_2478 = arith.constant 28672 : i32
    %add3A_2479 = arith.addi %add3A_2478, %mul3A_2 : i32
    "tpu.region"() ({
      %run_scoped3A = tpu.sem_alloc : memref<!tpu.dma_semaphore, #tpu.memory_space<semaphore_mem>>
      %dma_start3A = arith.constant 896 : i32
      %dma_start3A_2480 = tpu.memref_slice %arg5[%dma_start3A] : memref<1024xf32, #tpu.memory_space<vmem>> -> memref<128xf32, #tpu.memory_space<vmem>>
      %dma_start3A_2481 = tpu.memref_slice %arg3[%add3A_2479] : memref<32768xf32, #tpu.memory_space<hbm>> -> memref<128xf32, #tpu.memory_space<hbm>>
      %dma_start3A_2482 = tpu.memref_slice %arg3[%add3A_2479] : memref<32768xf32, #tpu.memory_space<hbm>> -> memref<128xf32, #tpu.memory_space<hbm>>
      %dma_start3A_2483 = arith.constant 896 : i32
      %dma_start3A_2484 = tpu.memref_slice %arg5[%dma_start3A_2483] : memref<1024xf32, #tpu.memory_space<vmem>> -> memref<128xf32, #tpu.memory_space<vmem>>
      tpu.enqueue_dma source(%dma_start3A_2484 : memref<128xf32, #tpu.memory_space<vmem>>) target(%dma_start3A_2482 : memref<128xf32, #tpu.memory_space<hbm>>) target_semaphore(%run_scoped3A : memref<!tpu.dma_semaphore, #tpu.memory_space<semaphore_mem>>)
      %dma_wait3A = arith.constant 896 : i32
      %dma_wait3A_2485 = tpu.memref_slice %arg5[%dma_wait3A] : memref<1024xf32, #tpu.memory_space<vmem>> -> memref<128xf32, #tpu.memory_space<vmem>>
      %dma_wait3A_2486 = tpu.memref_slice %arg3[%add3A_2479] : memref<32768xf32, #tpu.memory_space<hbm>> -> memref<128xf32, #tpu.memory_space<hbm>>
      %dma_wait3A_2487 = tpu.memref_slice %arg3[%add3A_2479] : memref<32768xf32, #tpu.memory_space<hbm>> -> memref<128xf32, #tpu.memory_space<hbm>>
      %dma_wait3A_2488 = arith.constant 896 : i32
      %dma_wait3A_2489 = tpu.memref_slice %arg5[%dma_wait3A_2488] : memref<1024xf32, #tpu.memory_space<vmem>> -> memref<128xf32, #tpu.memory_space<vmem>>
      tpu.wait_dma2 semaphore(%run_scoped3A : memref<!tpu.dma_semaphore, #tpu.memory_space<semaphore_mem>>) src(%dma_wait3A_2489 : memref<128xf32, #tpu.memory_space<vmem>>) dst(%dma_wait3A_2487 : memref<128xf32, #tpu.memory_space<hbm>>)
      tpu.yield
    }) : () -> ()
    return
  }
}

module attributes {stable_mosaic.version = 14 : i64} {
  func.func @_gate_scores_kernel(%arg0: i32, %arg1: memref<1024x768xf32, #tpu.memory_space<vmem>>, %arg2: memref<768x8xf32, #tpu.memory_space<vmem>>, %arg3: memref<8x1024xf32, #tpu.memory_space<vmem>>) attributes {dimension_semantics = [#tpu.dimension_semantics<arbitrary>], iteration_bounds = array<i64: 4>, scalar_prefetch = 0 : i64, scratch_operands = 0 : i64, tpu.core_type = #tpu.core_type<tc>, window_params = [{transform_indices = @transform_0, window_bounds = array<i64: 1024, 768>}, {pipeline_mode = #tpu.pipeline_mode<synchronous>, transform_indices = @transform_1, window_bounds = array<i64: 768, 8>}, {transform_indices = @transform_2, window_bounds = array<i64: 8, 1024>}]} {
    %get3A = arith.constant 0 : index
    %get3A_0 = arith.constant 0 : index
    %get3A_1 = vector.load %arg1[%get3A, %get3A_0] : memref<1024x768xf32, #tpu.memory_space<vmem>>, vector<1024x768xf32>
    %get3A_2 = arith.constant 0 : index
    %get3A_3 = arith.constant 0 : index
    %get3A_4 = vector.load %arg2[%get3A_2, %get3A_3] : memref<768x8xf32, #tpu.memory_space<vmem>>, vector<768x8xf32>
    %dot_general3A = arith.constant dense<0.000000e+00> : vector<1024x8xf32>
    %dot_general3A_5 = tpu.matmul %get3A_1, %get3A_4, %dot_general3A {dimension_numbers = #tpu.dot_dimension_numbers<[1], [0], [0], [1], [0, 0, 1, 1], [], []>, transpose_lhs_hint = false} : vector<1024x768xf32>, vector<768x8xf32>, vector<1024x8xf32> -> vector<1024x8xf32>
    %transpose3A = tpu.transpose %dot_general3A_5, [1, 0] : vector<1024x8xf32> -> vector<8x1024xf32>
    %swap3A = arith.constant 0 : index
    %swap3A_6 = arith.constant 0 : index
    %swap3A_7 = vector.load %arg3[%swap3A, %swap3A_6] : memref<8x1024xf32, #tpu.memory_space<vmem>>, vector<8x1024xf32>
    tpu.vector_store %arg3[%swap3A, %swap3A_6], %transpose3A {strides = array<i32>} : memref<8x1024xf32, #tpu.memory_space<vmem>>, vector<8x1024xf32>,
    return
  }
  func.func @transform_0(%arg0: i32) -> (i32, i32) {
    %c0_i32 = arith.constant 0 : i32
    %c0_i32_0 = arith.constant 0 : i32
    return %arg0, %c0_i32 : i32, i32
  }
  func.func @transform_1(%arg0: i32) -> (i32, i32) {
    %c0_i32 = arith.constant 0 : i32
    %c0_i32_0 = arith.constant 0 : i32
    %c0_i32_1 = arith.constant 0 : i32
    return %c0_i32, %c0_i32_0 : i32, i32
  }
  func.func @transform_2(%arg0: i32) -> (i32, i32) {
    %c0_i32 = arith.constant 0 : i32
    %c0_i32_0 = arith.constant 0 : i32
    return %c0_i32, %arg0 : i32, i32
  }
}

module attributes {stable_mosaic.version = 14 : i64} {
  func.func @_moe_block_kernel(%arg0: i32, %arg1: memref<1024x768xf32, #tpu.memory_space<vmem>>, %arg2: memref<8x1024xf32, #tpu.memory_space<vmem>>, %arg3: memref<8x768x768xf32, #tpu.memory_space<vmem>>, %arg4: memref<8x768xf32, #tpu.memory_space<vmem>>, %arg5: memref<1024x768xf32, #tpu.memory_space<vmem>>) attributes {dimension_semantics = [#tpu.dimension_semantics<arbitrary>], iteration_bounds = array<i64: 4>, scalar_prefetch = 0 : i64, scratch_operands = 0 : i64, tpu.core_type = #tpu.core_type<tc>, window_params = [{transform_indices = @transform_0, window_bounds = array<i64: 1024, 768>}, {transform_indices = @transform_1, window_bounds = array<i64: 8, 1024>}, {pipeline_mode = #tpu.pipeline_mode<synchronous>, transform_indices = @transform_2, window_bounds = array<i64: 8, 768, 768>}, {pipeline_mode = #tpu.pipeline_mode<synchronous>, transform_indices = @transform_3, window_bounds = array<i64: 8, 768>}, {transform_indices = @transform_4, window_bounds = array<i64: 1024, 768>}]} {
    %get3A = arith.constant 0 : index
    %get3A_0 = arith.constant 0 : index
    %get3A_1 = vector.load %arg1[%get3A, %get3A_0] : memref<1024x768xf32, #tpu.memory_space<vmem>>, vector<1024x768xf32>
    %get3A_2 = arith.constant 0 : index
    %get3A_3 = arith.constant 0 : index
    %get3A_4 = vector.load %arg2[%get3A_2, %get3A_3] : memref<8x1024xf32, #tpu.memory_space<vmem>>, vector<8x1024xf32>
    %transpose3A = tpu.transpose %get3A_4, [1, 0] : vector<8x1024xf32> -> vector<1024x8xf32>
    %get3A_5 = arith.constant 0 : index
    %get3A_6 = arith.constant 0 : index
    %get3A_7 = vector.load %arg4[%get3A_5, %get3A_6] : memref<8x768xf32, #tpu.memory_space<vmem>>, vector<8x768xf32>
    %dot_general3A = arith.constant dense<0.000000e+00> : vector<1024x768xf32>
    %dot_general3A_8 = tpu.matmul %transpose3A, %get3A_7, %dot_general3A {dimension_numbers = #tpu.dot_dimension_numbers<[1], [0], [0], [1], [0, 0, 1, 1], [], []>, transpose_lhs_hint = false} : vector<1024x8xf32>, vector<8x768xf32>, vector<1024x768xf32> -> vector<1024x768xf32>
    %get3A_9 = arith.constant 0 : index
    %get3A_10 = arith.constant 0 : index
    %get3A_11 = arith.constant 0 : index
    %get3A_12 = vector.load %arg3[%get3A_9, %get3A_10, %get3A_11] : memref<8x768x768xf32, #tpu.memory_space<vmem>>, vector<1x768x768xf32>
    %get3A_13 = vector.shape_cast %get3A_12 : vector<1x768x768xf32> to vector<768x768xf32>
    %dot_general3A_14 = arith.constant dense<0.000000e+00> : vector<1024x768xf32>
    %dot_general3A_15 = tpu.matmul %get3A_1, %get3A_13, %dot_general3A_14 {dimension_numbers = #tpu.dot_dimension_numbers<[1], [0], [0], [1], [0, 0, 1, 1], [], []>, transpose_lhs_hint = false} : vector<1024x768xf32>, vector<768x768xf32>, vector<1024x768xf32> -> vector<1024x768xf32>
    %slice3A = vector.extract_strided_slice %transpose3A {offsets = [0, 0], sizes = [1024, 1], strides = [1, 1]} : vector<1024x8xf32> to vector<1024x1xf32>
    %mul3A = vector.broadcast %slice3A : vector<1024x1xf32> to vector<1024x768xf32>
    %mul3A_16 = arith.mulf %mul3A, %dot_general3A_15 : vector<1024x768xf32>
    %add3A = arith.addf %dot_general3A_8, %mul3A_16 : vector<1024x768xf32>
    %get3A_17 = arith.constant 1 : index
    %get3A_18 = arith.constant 0 : index
    %get3A_19 = arith.constant 0 : index
    %get3A_20 = vector.load %arg3[%get3A_17, %get3A_18, %get3A_19] : memref<8x768x768xf32, #tpu.memory_space<vmem>>, vector<1x768x768xf32>
    %get3A_21 = vector.shape_cast %get3A_20 : vector<1x768x768xf32> to vector<768x768xf32>
    %dot_general3A_22 = arith.constant dense<0.000000e+00> : vector<1024x768xf32>
    %dot_general3A_23 = tpu.matmul %get3A_1, %get3A_21, %dot_general3A_22 {dimension_numbers = #tpu.dot_dimension_numbers<[1], [0], [0], [1], [0, 0, 1, 1], [], []>, transpose_lhs_hint = false} : vector<1024x768xf32>, vector<768x768xf32>, vector<1024x768xf32> -> vector<1024x768xf32>
    %slice3A_24 = vector.extract_strided_slice %transpose3A {offsets = [0, 1], sizes = [1024, 1], strides = [1, 1]} : vector<1024x8xf32> to vector<1024x1xf32>
    %mul3A_25 = vector.broadcast %slice3A_24 : vector<1024x1xf32> to vector<1024x768xf32>
    %mul3A_26 = arith.mulf %mul3A_25, %dot_general3A_23 : vector<1024x768xf32>
    %add3A_27 = arith.addf %add3A, %mul3A_26 : vector<1024x768xf32>
    %get3A_28 = arith.constant 2 : index
    %get3A_29 = arith.constant 0 : index
    %get3A_30 = arith.constant 0 : index
    %get3A_31 = vector.load %arg3[%get3A_28, %get3A_29, %get3A_30] : memref<8x768x768xf32, #tpu.memory_space<vmem>>, vector<1x768x768xf32>
    %get3A_32 = vector.shape_cast %get3A_31 : vector<1x768x768xf32> to vector<768x768xf32>
    %dot_general3A_33 = arith.constant dense<0.000000e+00> : vector<1024x768xf32>
    %dot_general3A_34 = tpu.matmul %get3A_1, %get3A_32, %dot_general3A_33 {dimension_numbers = #tpu.dot_dimension_numbers<[1], [0], [0], [1], [0, 0, 1, 1], [], []>, transpose_lhs_hint = false} : vector<1024x768xf32>, vector<768x768xf32>, vector<1024x768xf32> -> vector<1024x768xf32>
    %slice3A_35 = vector.extract_strided_slice %transpose3A {offsets = [0, 2], sizes = [1024, 1], strides = [1, 1]} : vector<1024x8xf32> to vector<1024x1xf32>
    %mul3A_36 = vector.broadcast %slice3A_35 : vector<1024x1xf32> to vector<1024x768xf32>
    %mul3A_37 = arith.mulf %mul3A_36, %dot_general3A_34 : vector<1024x768xf32>
    %add3A_38 = arith.addf %add3A_27, %mul3A_37 : vector<1024x768xf32>
    %get3A_39 = arith.constant 3 : index
    %get3A_40 = arith.constant 0 : index
    %get3A_41 = arith.constant 0 : index
    %get3A_42 = vector.load %arg3[%get3A_39, %get3A_40, %get3A_41] : memref<8x768x768xf32, #tpu.memory_space<vmem>>, vector<1x768x768xf32>
    %get3A_43 = vector.shape_cast %get3A_42 : vector<1x768x768xf32> to vector<768x768xf32>
    %dot_general3A_44 = arith.constant dense<0.000000e+00> : vector<1024x768xf32>
    %dot_general3A_45 = tpu.matmul %get3A_1, %get3A_43, %dot_general3A_44 {dimension_numbers = #tpu.dot_dimension_numbers<[1], [0], [0], [1], [0, 0, 1, 1], [], []>, transpose_lhs_hint = false} : vector<1024x768xf32>, vector<768x768xf32>, vector<1024x768xf32> -> vector<1024x768xf32>
    %slice3A_46 = vector.extract_strided_slice %transpose3A {offsets = [0, 3], sizes = [1024, 1], strides = [1, 1]} : vector<1024x8xf32> to vector<1024x1xf32>
    %mul3A_47 = vector.broadcast %slice3A_46 : vector<1024x1xf32> to vector<1024x768xf32>
    %mul3A_48 = arith.mulf %mul3A_47, %dot_general3A_45 : vector<1024x768xf32>
    %add3A_49 = arith.addf %add3A_38, %mul3A_48 : vector<1024x768xf32>
    %get3A_50 = arith.constant 4 : index
    %get3A_51 = arith.constant 0 : index
    %get3A_52 = arith.constant 0 : index
    %get3A_53 = vector.load %arg3[%get3A_50, %get3A_51, %get3A_52] : memref<8x768x768xf32, #tpu.memory_space<vmem>>, vector<1x768x768xf32>
    %get3A_54 = vector.shape_cast %get3A_53 : vector<1x768x768xf32> to vector<768x768xf32>
    %dot_general3A_55 = arith.constant dense<0.000000e+00> : vector<1024x768xf32>
    %dot_general3A_56 = tpu.matmul %get3A_1, %get3A_54, %dot_general3A_55 {dimension_numbers = #tpu.dot_dimension_numbers<[1], [0], [0], [1], [0, 0, 1, 1], [], []>, transpose_lhs_hint = false} : vector<1024x768xf32>, vector<768x768xf32>, vector<1024x768xf32> -> vector<1024x768xf32>
    %slice3A_57 = vector.extract_strided_slice %transpose3A {offsets = [0, 4], sizes = [1024, 1], strides = [1, 1]} : vector<1024x8xf32> to vector<1024x1xf32>
    %mul3A_58 = vector.broadcast %slice3A_57 : vector<1024x1xf32> to vector<1024x768xf32>
    %mul3A_59 = arith.mulf %mul3A_58, %dot_general3A_56 : vector<1024x768xf32>
    %add3A_60 = arith.addf %add3A_49, %mul3A_59 : vector<1024x768xf32>
    %get3A_61 = arith.constant 5 : index
    %get3A_62 = arith.constant 0 : index
    %get3A_63 = arith.constant 0 : index
    %get3A_64 = vector.load %arg3[%get3A_61, %get3A_62, %get3A_63] : memref<8x768x768xf32, #tpu.memory_space<vmem>>, vector<1x768x768xf32>
    %get3A_65 = vector.shape_cast %get3A_64 : vector<1x768x768xf32> to vector<768x768xf32>
    %dot_general3A_66 = arith.constant dense<0.000000e+00> : vector<1024x768xf32>
    %dot_general3A_67 = tpu.matmul %get3A_1, %get3A_65, %dot_general3A_66 {dimension_numbers = #tpu.dot_dimension_numbers<[1], [0], [0], [1], [0, 0, 1, 1], [], []>, transpose_lhs_hint = false} : vector<1024x768xf32>, vector<768x768xf32>, vector<1024x768xf32> -> vector<1024x768xf32>
    %slice3A_68 = vector.extract_strided_slice %transpose3A {offsets = [0, 5], sizes = [1024, 1], strides = [1, 1]} : vector<1024x8xf32> to vector<1024x1xf32>
    %mul3A_69 = vector.broadcast %slice3A_68 : vector<1024x1xf32> to vector<1024x768xf32>
    %mul3A_70 = arith.mulf %mul3A_69, %dot_general3A_67 : vector<1024x768xf32>
    %add3A_71 = arith.addf %add3A_60, %mul3A_70 : vector<1024x768xf32>
    %get3A_72 = arith.constant 6 : index
    %get3A_73 = arith.constant 0 : index
    %get3A_74 = arith.constant 0 : index
    %get3A_75 = vector.load %arg3[%get3A_72, %get3A_73, %get3A_74] : memref<8x768x768xf32, #tpu.memory_space<vmem>>, vector<1x768x768xf32>
    %get3A_76 = vector.shape_cast %get3A_75 : vector<1x768x768xf32> to vector<768x768xf32>
    %dot_general3A_77 = arith.constant dense<0.000000e+00> : vector<1024x768xf32>
    %dot_general3A_78 = tpu.matmul %get3A_1, %get3A_76, %dot_general3A_77 {dimension_numbers = #tpu.dot_dimension_numbers<[1], [0], [0], [1], [0, 0, 1, 1], [], []>, transpose_lhs_hint = false} : vector<1024x768xf32>, vector<768x768xf32>, vector<1024x768xf32> -> vector<1024x768xf32>
    %slice3A_79 = vector.extract_strided_slice %transpose3A {offsets = [0, 6], sizes = [1024, 1], strides = [1, 1]} : vector<1024x8xf32> to vector<1024x1xf32>
    %mul3A_80 = vector.broadcast %slice3A_79 : vector<1024x1xf32> to vector<1024x768xf32>
    %mul3A_81 = arith.mulf %mul3A_80, %dot_general3A_78 : vector<1024x768xf32>
    %add3A_82 = arith.addf %add3A_71, %mul3A_81 : vector<1024x768xf32>
    %get3A_83 = arith.constant 7 : index
    %get3A_84 = arith.constant 0 : index
    %get3A_85 = arith.constant 0 : index
    %get3A_86 = vector.load %arg3[%get3A_83, %get3A_84, %get3A_85] : memref<8x768x768xf32, #tpu.memory_space<vmem>>, vector<1x768x768xf32>
    %get3A_87 = vector.shape_cast %get3A_86 : vector<1x768x768xf32> to vector<768x768xf32>
    %dot_general3A_88 = arith.constant dense<0.000000e+00> : vector<1024x768xf32>
    %dot_general3A_89 = tpu.matmul %get3A_1, %get3A_87, %dot_general3A_88 {dimension_numbers = #tpu.dot_dimension_numbers<[1], [0], [0], [1], [0, 0, 1, 1], [], []>, transpose_lhs_hint = false} : vector<1024x768xf32>, vector<768x768xf32>, vector<1024x768xf32> -> vector<1024x768xf32>
    %slice3A_90 = vector.extract_strided_slice %transpose3A {offsets = [0, 7], sizes = [1024, 1], strides = [1, 1]} : vector<1024x8xf32> to vector<1024x1xf32>
    %mul3A_91 = vector.broadcast %slice3A_90 : vector<1024x1xf32> to vector<1024x768xf32>
    %mul3A_92 = arith.mulf %mul3A_91, %dot_general3A_89 : vector<1024x768xf32>
    %add3A_93 = arith.addf %add3A_82, %mul3A_92 : vector<1024x768xf32>
    %swap3A = arith.constant 0 : index
    %swap3A_94 = arith.constant 0 : index
    %swap3A_95 = vector.load %arg5[%swap3A, %swap3A_94] : memref<1024x768xf32, #tpu.memory_space<vmem>>, vector<1024x768xf32>
    tpu.vector_store %arg5[%swap3A, %swap3A_94], %add3A_93 {strides = array<i32>} : memref<1024x768xf32, #tpu.memory_space<vmem>>, vector<1024x768xf32>,
    return
  }
  func.func @transform_0(%arg0: i32) -> (i32, i32) {
    %c0_i32 = arith.constant 0 : i32
    %c0_i32_0 = arith.constant 0 : i32
    return %arg0, %c0_i32 : i32, i32
  }
  func.func @transform_1(%arg0: i32) -> (i32, i32) {
    %c0_i32 = arith.constant 0 : i32
    %c0_i32_0 = arith.constant 0 : i32
    return %c0_i32, %arg0 : i32, i32
  }
  func.func @transform_2(%arg0: i32) -> (i32, i32, i32) {
    %c0_i32 = arith.constant 0 : i32
    %c0_i32_0 = arith.constant 0 : i32
    %c0_i32_1 = arith.constant 0 : i32
    %c0_i32_2 = arith.constant 0 : i32
    return %c0_i32, %c0_i32_0, %c0_i32_1 : i32, i32, i32
  }
  func.func @transform_3(%arg0: i32) -> (i32, i32) {
    %c0_i32 = arith.constant 0 : i32
    %c0_i32_0 = arith.constant 0 : i32
    %c0_i32_1 = arith.constant 0 : i32
    return %c0_i32, %c0_i32_0 : i32, i32
  }
  func.func @transform_4(%arg0: i32) -> (i32, i32) {
    %c0_i32 = arith.constant 0 : i32
    %c0_i32_0 = arith.constant 0 : i32
    return %arg0, %c0_i32 : i32, i32
  }
}

</mosaic_0001>

<sc_bundles>
// kernel: kernel.5.cloned.1.call-start
scs
__scs_entry_jumppad:
0x0: {  	(pc) =	sbr.rel $0x88, $3  }
0x1: {  	(tag) =	ssettag $0x0;
	lr =	simm.s32 $0x1  }
0x2: {  	[smem:$0x3F9D] =	sst lr;
	_ =	strace $0xD0000000  }
0x3: {  	_ = 	snop  }
0x4: {  	_ = 	snop  }
0x5: {  	_ = 	snop  }
0x6: {  	_ = 	snop  }
0x7: {  	_ = 	snop  }
__scs_overlays_trampoline_lowered:
0x8: {  	[smem:$0x3FAC] =	sst s0  }
0x9: {  	[smem:$0x3FAD] =	sst s1  }
0xa: {  	[smem:$0x3FAE] =	sst s2  }
0xb: {  	[smem:$0x3FAF] =	sst s3  }
0xc: {  	[smem:$0x3FB0] =	sst s4  }
0xd: {  	[smem:$0x3FB1] =	sst s5  }
0xe: {  	[smem:$0x3FB2] =	sst s6  }
0xf: {  	[smem:$0x3FB3] =	sst s7  }
0x10: {  	[smem:$0x3FB4] =	sst s8  }
0x11: {  	[smem:$0x3FB5] =	sst s9;
	s0 =	simm.s32 @!p0 $0x0  }
0x12: {  	s1 =	sld [smem:$0x3F9B];
	s0 =	simm.s32 @p0 $0x1  }
0x13: {  	[smem:$0x3FB6] =	sst s0;
	s0 =	simm.s32 @!p1 $0x0  }
0x14: {  	s2 =	sld [smem:$0x3F9A];
	s0 =	simm.s32 @p1 $0x1  }
0x15: {  	[smem:$0x3FB7] =	sst s0;
	s0 =	simm.s32 @!p2 $0x0  }
0x16: {  	s3 =	sld [smem:$0x3FDB];
	s0 =	simm.s32 @p2 $0x1  }
0x17: {  	s4 =	simm.s32 $0x1BF5;
	[smem:$0x3FB9] =	sst s0  }
0x18: {  	s0 =	sld [smem:$0x3F9C];
	_ =	swait.ge [sflag:s4], $0x0  }
0x19: {  	s7 =	sld [smem:$0x3F9D]  }
0x1a: {  	s8 =	sadd.s32 $0xFFFFE003, lr  }
0x1b: {  	s9 =	sadd.s32 $0xFFFFFEF7, lr;
	s5 =	simm.s32 $0xFFFFFFFF;
	p2 =	slt.u32 s8, $0xFFFFF086  }
0x1c: {  	p1 =	slt.u32 s9, $0xF7A;
	s5 =	simm.s32 @!p2 $0x0  }
0x1d: {  	s5 =	simm.s32 @p1 $0x1;
	p0 =	seq.s32 s7, s2  }
0x1e: {  	s7 =	smul.u32 @!p0 $0xF7A, s2;
	p2 =	seq.s32 @!p0 s5, $0x0  }
0x1f: {  	s9 =	smul.u32 $0xF7A, s1;
	s8 =	simm.s32 @!p0 $0x1BF5;
	p2 =	por !p2, p0  }
0x20: {  	[sflag:s8] =	ssyncset.s32 @!p0 $0xFFFFF086;
	s6 =	sadd.s32 @!p0 s3, s7;
	s7 =	simm.s32 @!p0 $0x108  }
0x21: {  	s3 =	sadd.s32 s3, s9;
	s6 =	sadd.s32 @!p0 $0x88, s6;
	s7 =	simm.s32 @p2 $0x1082  }
0x22: {  	[simem:s7], [sflag:s8] =	dma.local @!p0 [hbm:s6], $0xF7A  }
0x23: {  	s9 =	sor.u32 $0xD0000000, s2;
	s6 =	simm.s32 $0x108;
	_ =	swait.ge @!p0 [sflag:s8], $0x0  }
0x24: {  	s3 =	sadd.s32 $0x88, s3;
	s6 =	simm.s32 @!p1 $0x1082;
	[sflag:s4] =	ssyncset.s32 $0xFFFFF086  }
0x25: {  	[simem:s6], [sflag:s4] =	dma.local [hbm:s3], $0xF7A  }
0x26: {  	[smem:$0x3F9D] =	sst s1;
	(tag) =	ssettag s2;
	_ =	strace s9  }
0x27: {  	s1 =	sld [smem:$0x3FAD]  }
0x28: {  	s2 =	sld [smem:$0x3FAE]  }
0x29: {  	s4 =	sld [smem:$0x3FB0]  }
0x2a: {  	p0 =	seq.s32 s5, $0x0;
	s5 =	sld [smem:$0x3FB1]  }
0x2b: {  	s6 =	sld [smem:$0x3FB2]  }
0x2c: {  	s7 =	sld [smem:$0x3FB3]  }
0x2d: {  	s3 =	simm.s32 $0x108;
	s8 =	sld [smem:$0x3FB4]  }
0x2e: {  	s3 =	simm.s32 @!p0 $0x1082;
	s9 =	sld [smem:$0x3FB5]  }
0x2f: {  	lr =	sadd.s32 s0, s3;
	s0 =	sld [smem:$0x3FAC]  }
0x30: {  	s3 =	sld [smem:$0x3FAF]  }
0x31: {  	[smem:$0x3FB8] =	sst s10  }
0x32: {  	s10 =	sld [smem:$0x3FB6];
	_ =	sdelay $0x3  }
0x33: {  	p0 =	seq.s32 s10, $0x1;
	s10 =	sld [smem:$0x3FB8];
	_ =	sdelay $0x3  }
0x34: {  	[smem:$0x3FB8] =	sst s10  }
0x35: {  	s10 =	sld [smem:$0x3FB7];
	_ =	sdelay $0x3  }
0x36: {  	p1 =	seq.s32 s10, $0x1;
	s10 =	sld [smem:$0x3FB8];
	_ =	sdelay $0x3  }
0x37: {  	[smem:$0x3FB8] =	sst s10  }
0x38: {  	s10 =	sld [smem:$0x3FB9]  }
0x39: {  	_ = 	snop;
	(pc) =	sbr.ind lr, $3  }
0x3a: {  	_ = 	snop  }
0x3b: {  	_ = 	snop  }
0x3c: {  	p2 =	seq.s32 s10, $0x1;
	s10 =	sld [smem:$0x3FB8]  }
0x3d: {  	_ =	shalt  }
0x3e: {  	_ =	shalt  }
0x3f: {  	_ =	shalt  }
0x40: {  	_ =	shalt  }
0x41: {  	_ =	shalt  }
0x42: {  	_ =	shalt  }
0x43: {  	_ =	shalt  }
0x44: {  	_ =	shalt  }
0x45: {  	_ =	shalt  }
0x46: {  	_ =	shalt  }
0x47: {  	_ =	shalt  }
0x48: {  	_ =	shalt  }
0x49: {  	_ =	shalt  }
0x4a: {  	_ =	shalt  }
0x4b: {  	_ =	shalt  }
0x4c: {  	_ =	shalt  }
0x4d: {  	_ =	shalt  }
0x4e: {  	_ =	shalt  }
0x4f: {  	_ =	shalt  }
0x50: {  	_ =	shalt  }
0x51: {  	_ =	shalt  }
0x52: {  	_ =	shalt  }
0x53: {  	_ =	shalt  }
0x54: {  	_ =	shalt  }
0x55: {  	_ =	shalt  }
0x56: {  	_ =	shalt  }
0x57: {  	_ =	shalt  }
0x58: {  	_ =	shalt  }
0x59: {  	_ =	shalt  }
0x5a: {  	_ =	shalt  }
0x5b: {  	_ =	shalt  }
0x5c: {  	_ =	shalt  }
0x5d: {  	_ =	shalt  }
0x5e: {  	_ =	shalt  }
0x5f: {  	_ =	shalt  }
0x60: {  	_ =	shalt  }
0x61: {  	_ =	shalt  }
0x62: {  	_ =	shalt  }
0x63: {  	_ =	shalt  }
0x64: {  	_ =	shalt  }
0x65: {  	_ =	shalt  }
0x66: {  	_ =	shalt  }
0x67: {  	_ =	shalt  }
0x68: {  	_ =	shalt  }
0x69: {  	_ =	shalt  }
0x6a: {  	_ =	shalt  }
0x6b: {  	_ =	shalt  }
0x6c: {  	_ =	shalt  }
0x6d: {  	_ =	shalt  }
0x6e: {  	_ =	shalt  }
0x6f: {  	_ =	shalt  }
0x70: {  	_ =	shalt  }
0x71: {  	_ =	shalt  }
0x72: {  	_ =	shalt  }
0x73: {  	_ =	shalt  }
0x74: {  	_ =	shalt  }
0x75: {  	_ =	shalt  }
0x76: {  	_ =	shalt  }
0x77: {  	_ =	shalt  }
0x78: {  	_ =	shalt  }
0x79: {  	_ =	shalt  }
0x7a: {  	_ =	shalt  }
0x7b: {  	_ =	shalt  }
0x7c: {  	_ =	shalt  }
0x7d: {  	_ =	shalt  }
0x7e: {  	_ =	shalt  }
0x7f: {  	_ =	shalt  }
0x80: {  	_ =	shalt  }
0x81: {  	_ =	shalt  }
0x82: {  	_ =	shalt  }
0x83: {  	_ =	shalt  }
0x84: {  	_ =	shalt  }
0x85: {  	_ =	shalt  }
0x86: {  	_ =	shalt  }
0x87: {  	_ =	shalt  }
.Lfunc_end0:
.L_simem_size_0:
called_computation_lowered:
.L_overlay_start_0:
0x88: {  	s2 =	sld [smem:$0x3FD9]  }
0x89: {  	s3 =	sld [smem:$0x3FFE];
	_ =	sdelay $0x1  }
0x8a: {  	s1 =	srdreg.scid  }
0x8b: {  	s0 =	sand.u32 $0x1, s1  }
0x8c: {  	s17 =	sshll.u32 s0, $0xA;
	s2 =	sadd.s32 s3, s2  }
0x8d: {  	s2 =	sadd.s32 s2, s17  }
0x8e: {  	[smem:$0x3FC4] =	sst s2  }
0x8f: {  	_ = 	snop  }
0x90: {  	s2 =	sld [smem:$0x3FD0];
	(tm) =	ssettm $0x1  }
0x91: {  	s18 =	sld [smem:$0x3FFB];
	_ =	sdelay $0x3  }
0x92: {  	_ =	strace s18  }
0x93: {  	s3 =	sld [smem:$0x3FFC];
	_ =	sdelay $0x3  }
0x94: {  	_ =	strace s3  }
0x95: {  	s3 =	sld [smem:$0x3FFD];
	_ =	sdelay $0x3  }
0x96: {  	_ =	strace s3  }
0x97: {  	_ =	strace $0x8FFFFFFF  }
0x98: {  	s19 =	sld [smem:$0x3FDB];
	_ =	sdelay $0x1  }
0x99: {  	s4 =	simm.s32 $_scs_section_size  }
0x9a: {  	s5 =	simm.s32 $_size__tile_overlayer_lowered;
	s6 =	simm.s32 $_tile_overlayer_lowered  }
0x9b: {  	s22 =	simm.s32 $0x1BFF;
	s21 =	sshll.u32 s6, $0x1;
	s3 =	sadd.s32 s4, s19  }
0x9c: {  	s7 =	simm.s32 $0x0;
	s20 =	sshll.u32 s5, $0x1;
	s5 =	sadd.s32 s21, s3  }
0x9d: {  	[timem:s7], [sflag:s22] =	dma.local [hbm:s5], s20  }
0x9e: {  	_ =	swait.ge [sflag:s22], s20  }
0x9f: {  	s4 =	ssub.s32 $0x0, s20;
	[sflag:s22] =	ssyncset.done $0x0  }
0xa0: {  	[sflag:s22] =	ssyncadd.s32 s4;
	_ =	sdelay $0x1  }
0xa1: {  	s23 =	simm.s32 $0x1B8B  }
0xa2: {  	_ =	swait.ge [sflag:s23], $0x1  }
0xa3: {  	[sflag:s23] =	ssyncset.done $0x0  }
0xa4: {  	s25 =	simm.s32 $0x1B8E;
	s24 =	sld [smem:$0x3FFE];
	[sflag:s23] =	ssyncadd.s32 $0xFFFFFFFF  }
0xa5: {  	s26 =	simm.s32 $execute0_lowered;
	[smem:$0x3FD2] =	sst s25  }
0xa6: {  	s5 =	sshll.u32 s26, $0x1;
	_ =	strace $0x80000046;
	[dreg:$0x1] =	wrdreg $0xFFFFFFFF  }
0xa7: {  	s28 =	simm.s32 $_size_execute0_lowered;
	s3 =	sadd.s32 s3, s5;
	[dreg:$0x0] =	wrdreg $0x0  }
0xa8: {  	s5 =	sshll.u32 s28, $0x1;
	[dreg:$0x2] =	wrdreg s3  }
0xa9: {  	[dreg:$0x3] =	wrdreg s5  }
0xaa: {  	[dreg:$0x4] =	wrdreg $0xC0  }
0xab: {  	_ =	task [dreg:s7], $0x5FFFF  }
0xac: {  	[dreg:$0x1] =	wrdreg $0xFFFFFFFF  }
0xad: {  	[dreg:$0x0] =	wrdreg $0x60  }
0xae: {  	[dreg:$0x2] =	wrdreg s2  }
0xaf: {  	[dreg:$0x3] =	wrdreg s24  }
0xb0: {  	[dreg:$0x4] =	wrdreg $0x9  }
0xb1: {  	_ =	task.clear_ibuf [dreg:s7], $0x5FFFF;
	_ =	strace $0x90000046  }
0xb2: {  	s29 =	simm.s32 $0x9;
	_ =	strace $0x80000048  }
0xb3: {  	_ =	swait.ge [sflag:s29], $0x1  }
0xb4: {  	[sflag:s29] =	ssyncadd.s32 $0xFFFFFFFF  }
0xb5: {  	_ =	strace $0x90000048  }
0xb6: {  	_ =	sfence  }
0xb7: {  	s30 =	sld [smem:$0x0];
	_ =	sdelay $0x2  }
0xb8: {  	s31 =	sshll.u32 s1, $0xD;
	s1 =	sshrl.u32 s1, $0x2  }
0xb9: {  	s3 =	sand.u32 $0x4000, s31;
	s1 =	sadd.s32 s1, s30  }
0xba: {  	s0 =	sor.u32 s3, s0;
	s1 =	sshll.u32 s1, $0x11  }
0xbb: {  	s0 =	sor.u32 s1, s0  }
0xbc: {  	s0 =	sadd.s32 $0x8F2B, s0  }
0xbd: {  	[sflag:s0] =	ssyncadd.remote.s32 $0x1  }
0xbe: {  	_ =	sfence.sel $0xFFFF  }
0xbf: {  	[dreg:$0x0] =	wrdreg $0xFFFFFFFF;
	(pc) =	sbr.abs _section_cstart, $3  }
0xc0: {  	[dreg:$0x1] =	wrdreg $0xFFFFFFFF  }
0xc1: {  	_ =	task.clear_ibuf [dreg:s7], $0x2FFFF;
	_ =	strace $0x9FFFFFFF  }
0xc2: {  	(tm) =	ssettm $0x7FFFFFFF  }
0xc3: {  	_ =	shalt  }
tec
execute0_lowered:
.L_overlay_start_1:
0x0: {  	(tag) =	ssettag $0x1  }
0x1: {  	s0 =	rddreg [dreg:$0x0]  }
0x2: {  	s3 =	rddreg [dreg:$0x1]  }
0x3: {  	s2 =	simm.s32 $0x0;
	s4 =	srdreg.scid;
	s1 =	stileid.u32  }
0x4: {  	s17 =	simm.s32 $0x80;
	s18 =	simm.s32 $0x100;
	s19 =	simm.s32 $0x180  }
0x5: {  	s20 =	simm.s32 $0x200;
	s21 =	simm.s32 $0x280;
	s28 =	simm.s32 $0x580  }
0x6: {  	s29 =	simm.s32 $0x600;
	s30 =	simm.s32 $0x680;
	s31 =	simm.s32 $0x700  }
0x7: {  	[smem:$0x7FF] =	sst s2;
	s4 =	sand.u32 $0x1, s4;
	s6 =	sshll.u32 s1, $0x5  }
0x8: {  	s14 =	sadd.s32 $0x800, s3;
	s5 =	ssub.s32 $0x2, s4;
	s4 =	sshll.u32 s4, $0x4  }
0x9: {  	_ =	strace $0x80000047;
	s22 =	sshrl.u32 s5, $0x1;
	s7 =	sor.u32 s4, s6  }
0xa: {  	s15 =	ssub.s32 s5, s22;
	s23 =	sadd.s32 s0, s7;
	s8 =	sor.u32 $0x200, s7  }
0xb: {  	s9 =	sor.u32 $0x400, s7;
	s10 =	sor.u32 $0x600, s7;
	s11 =	sor.u32 $0x800, s7  }
0xc: {  	s12 =	sor.u32 $0xA00, s7;
	s13 =	sor.u32 $0xC00, s7;
	s16 =	sor.u32 $0xE00, s7  }
0xd: {  	s7 =	sadd.s32 s14, s7;
	s22 =	simm.s32 $0x300;
	[dreg:$0x3] =	wrdreg s23  }
0xe: {  	s24 =	sadd.s32 s0, s8;
	s25 =	sadd.s32 s0, s9;
	s26 =	sadd.s32 s0, s10  }
0xf: {  	s3 =	sadd.s32 s0, s11;
	s4 =	sadd.s32 s0, s12;
	s5 =	sadd.s32 s0, s13  }
0x10: {  	s6 =	sadd.s32 s0, s16;
	s8 =	sadd.s32 s14, s8;
	s9 =	sadd.s32 s14, s9  }
0x11: {  	s10 =	sadd.s32 s14, s10;
	s11 =	sadd.s32 s14, s11;
	s12 =	sadd.s32 s14, s12  }
0x12: {  	s13 =	sadd.s32 s14, s13;
	s14 =	sadd.s32 s14, s16;
	[dreg:$0x4] =	wrdreg s24  }
0x13: {  	s15 =	smax.u32 s15, $0x1;
	s16 =	simm.s32 $0x1;
	[dreg:$0x5] =	wrdreg s25  }
0x14: {  	s23 =	simm.s32 $0x380;
	s0 =	simm.s32 $0x780;
	[dreg:$0x6] =	wrdreg s26  }
0x15: {  	s24 =	simm.s32 $0x400;
	s25 =	simm.s32 $0x480;
	s26 =	simm.s32 $0x500  }
.LBB2_1:
0x16: {  	s1 =	rddreg [dreg:$0x3]  }
0x17: {  	[tilespmem:s2], [sflag:$0x1] =	stream.linear.gather [hbm4b:s1+s2], $0x80, $0x38;
	[tilespmem:$0x800] =	vst v63  }
0x18: {  	_ =	swait.ge [sflag:s16], $0x80  }
0x19: {  	[sflag:s16] =	ssyncset.done $0x0  }
0x1a: {  	s1 =	rddreg [dreg:$0x4];
	[sflag:s16] =	ssyncadd.s32 $0xFFFFFF80  }
0x1b: {  	[tilespmem:s17], [sflag:$0x1] =	stream.linear.gather [hbm4b:s1+s2], $0x80, $0x38;
	[tilespmem:$0x800] =	vst v63  }
0x1c: {  	_ =	swait.ge [sflag:s16], $0x80  }
0x1d: {  	[sflag:s16] =	ssyncset.done $0x0  }
0x1e: {  	s1 =	rddreg [dreg:$0x5];
	[sflag:s16] =	ssyncadd.s32 $0xFFFFFF80  }
0x1f: {  	[tilespmem:s18], [sflag:$0x1] =	stream.linear.gather [hbm4b:s1+s2], $0x80, $0x38;
	[tilespmem:$0x800] =	vst v63  }
0x20: {  	_ =	swait.ge [sflag:s16], $0x80  }
0x21: {  	[sflag:s16] =	ssyncset.done $0x0  }
0x22: {  	s1 =	rddreg [dreg:$0x6];
	[sflag:s16] =	ssyncadd.s32 $0xFFFFFF80  }
0x23: {  	[tilespmem:s19], [sflag:$0x1] =	stream.linear.gather [hbm4b:s1+s2], $0x80, $0x38;
	[tilespmem:$0x800] =	vst v63  }
0x24: {  	_ =	swait.ge [sflag:s16], $0x80  }
0x25: {  	[sflag:s16] =	ssyncset.done $0x0  }
0x26: {  	[sflag:s16] =	ssyncadd.s32 $0xFFFFFF80  }
0x27: {  	[tilespmem:s20], [sflag:$0x1] =	stream.linear.gather [hbm4b:s3+s2], $0x80, $0x38;
	[tilespmem:$0x800] =	vst v63  }
0x28: {  	_ =	swait.ge [sflag:s16], $0x80  }
0x29: {  	[sflag:s16] =	ssyncset.done $0x0  }
0x2a: {  	[sflag:s16] =	ssyncadd.s32 $0xFFFFFF80  }
0x2b: {  	[tilespmem:s21], [sflag:$0x1] =	stream.linear.gather [hbm4b:s4+s2], $0x80, $0x38;
	[tilespmem:$0x800] =	vst v63  }
0x2c: {  	_ =	swait.ge [sflag:s16], $0x80  }
0x2d: {  	[sflag:s16] =	ssyncset.done $0x0  }
0x2e: {  	[sflag:s16] =	ssyncadd.s32 $0xFFFFFF80  }
0x2f: {  	[tilespmem:s22], [sflag:$0x1] =	stream.linear.gather [hbm4b:s5+s2], $0x80, $0x38;
	[tilespmem:$0x800] =	vst v63  }
0x30: {  	_ =	swait.ge [sflag:s16], $0x80  }
0x31: {  	[sflag:s16] =	ssyncset.done $0x0  }
0x32: {  	[sflag:s16] =	ssyncadd.s32 $0xFFFFFF80  }
0x33: {  	[tilespmem:s23], [sflag:$0x1] =	stream.linear.gather [hbm4b:s6+s2], $0x80, $0x38;
	[tilespmem:$0x800] =	vst v63  }
0x34: {  	_ =	swait.ge [sflag:s16], $0x80  }
0x35: {  	[sflag:s16] =	ssyncset.done $0x0  }
0x36: {  	[sflag:s16] =	ssyncadd.s32 $0xFFFFFF80  }
0x37: {  	v0 =	vld [tilespmem:$0x0]  }
0x38: {  	v1 =	vld [tilespmem:$0x80]  }
0x39: {  	v2 =	vld [tilespmem:$0x100]  }
0x3a: {  	v3 =	vld [tilespmem:$0x180]  }
0x3b: {  	v4 =	vld [tilespmem:$0x200]  }
0x3c: {  	v5 =	vld [tilespmem:$0x280]  }
0x3d: {  	v6 =	vld [tilespmem:$0x300];
	v7 =	vmax.f32 v0, v1  }
0x3e: {  	v9 =	vld [tilespmem:$0x380];
	v7 =	vmax.f32 v7, v2  }
0x3f: {  	v7 =	vmax.f32 v7, v3  }
0x40: {  	v7 =	vmax.f32 v7, v4  }
0x41: {  	v7 =	vmax.f32 v7, v5  }
0x42: {  	v7 =	vmax.f32 v7, v6  }
0x43: {  	v7 =	vmax.f32 v7, v9  }
0x44: {  	v0 =	vsub.f32 v0, v7  }
0x45: {  	v1 =	vsub.f32 v1, v7  }
0x46: {  	v2 =	vsub.f32 v2, v7;
	v0 =	vmul.f32 $1.442695020e+00, v0  }
0x47: {  	v3 =	vsub.f32 v3, v7;
	v1 =	vmul.f32 $1.442695020e+00, v1  }
0x48: {  	v39 =	vsub.f32 v4, v7;
	v38 =	vmul.f32 $1.442695020e+00, v2;
	(erf) = vpow2.f32 v0  }
0x49: {  	v41 =	vsub.f32 v5, v7;
	v40 =	vmul.f32 $1.442695020e+00, v3;
	(erf) = vpow2.f32 v1  }
0x4a: {  	v43 =	vsub.f32 v6, v7;
	v42 =	vmul.f32 $1.442695020e+00, v39;
	(erf) = vpow2.f32 v38  }
0x4b: {  	v45 =	vsub.f32 v9, v7;
	v44 =	vmul.f32 $1.442695020e+00, v41;
	(erf) = vpow2.f32 v40  }
0x4c: {  	v46 =	vmul.f32 $1.442695020e+00, v43;
	(erf) = vpow2.f32 v42  }
0x4d: {  	v47 =	vmul.f32 $1.442695020e+00, v45;
	(erf) = vpow2.f32 v44  }
0x4e: {  	(erf) = vpow2.f32 v46  }
0x4f: {  	(erf) = vpow2.f32 v47;
	_ =	sdelay $0x1  }
0x50: {  	v48 =	vpop (erf)  }
0x51: {  	v49 =	vpop (erf)  }
0x52: {  	v50 =	vpop (erf);
	v51 =	vmax.f32 v48, v49  }
0x53: {  	v52 =	vpop (erf);
	v2 =	vmax.f32 v51, v50  }
0x54: {  	v53 =	vpop (erf);
	v2 =	vmax.f32 v2, v52  }
0x55: {  	v54 =	vpop (erf);
	v2 =	vmax.f32 v2, v53  }
0x56: {  	v55 =	vpop (erf);
	v2 =	vmax.f32 v2, v54  }
0x57: {  	v56 =	vpop (erf);
	v2 =	vmax.f32 v2, v55  }
0x58: {  	v2 =	vmax.f32 v2, v56  }
0x59: {  	v8 =	vimm.s32 $0x0;
	vm0 =	veq.f32 v56, v2  }
0x5a: {  	vm8 =	veq.f32 v55, v2;
	v10 =	vsel vm0, $0x7, v8  }
0x5b: {  	vm9 =	veq.f32 v54, v2;
	v10 =	vsel vm8, $0x6, v10  }
0x5c: {  	vm10 =	veq.f32 v53, v2;
	v10 =	vsel vm9, $0x5, v10  }
0x5d: {  	vm11 =	veq.f32 v52, v2;
	v10 =	vsel vm10, $0x4, v10  }
0x5e: {  	vm12 =	veq.f32 v50, v2;
	v10 =	vsel vm11, $0x3, v10  }
0x5f: {  	vm13 =	veq.f32 v49, v2;
	v10 =	vsel vm12, $0x2, v10  }
0x60: {  	vm1 =	vne.f32 v48, v2;
	v10 =	vsel vm13, $0x1, v10  }
0x61: {  	v2 =	vnsel vm1, $0x0, v10  }
0x62: {  	vm7 =	vmand vm1, vm13;
	vm6 =	veq.s32 v2, $0x0  }
0x63: {  	v11 =	vsel vm7, $0xBF800000, v49;
	vm5 =	veq.s32 v2, $0x2;
	v57 =	vsel vm6, $0xBF800000, v48  }
0x64: {  	vm4 =	veq.s32 v2, $0x3;
	v12 =	vsel vm5, $0xBF800000, v50;
	v13 =	vmax.f32 v57, v11  }
0x65: {  	vm3 =	veq.s32 v2, $0x4;
	v14 =	vsel vm4, $0xBF800000, v52;
	v13 =	vmax.f32 v13, v12  }
0x66: {  	vm2 =	veq.s32 v2, $0x5;
	v15 =	vsel vm3, $0xBF800000, v53;
	v13 =	vmax.f32 v13, v14  }
0x67: {  	vm1 =	veq.s32 v2, $0x6;
	v16 =	vsel vm2, $0xBF800000, v54;
	v13 =	vmax.f32 v13, v15  }
0x68: {  	vm0 =	veq.s32 v2, $0x7;
	v17 =	vsel vm1, $0xBF800000, v55;
	v58 =	vmax.f32 v13, v16  }
0x69: {  	v59 =	vsel vm0, $0xBF800000, v56;
	v2 =	vmax.f32 v58, v17  }
0x6a: {  	v2 =	vmax.f32 v2, v59  }
0x6b: {  	v8 =	vimm.s32 $0x0;
	vm8 =	veq.f32 v59, v2  }
0x6c: {  	vm14 =	veq.f32 v17, v2;
	v13 =	vsel vm8, $0x7, v8  }
0x6d: {  	vm15 =	veq.f32 v16, v2;
	v13 =	vsel vm14, $0x6, v13  }
0x6e: {  	vm12 =	veq.f32 v15, v2;
	v13 =	vsel vm15, $0x5, v13  }
0x6f: {  	vm13 =	veq.f32 v14, v2;
	v13 =	vsel vm12, $0x4, v13  }
0x70: {  	vm14 =	veq.f32 v12, v2;
	v13 =	vsel vm13, $0x3, v13  }
0x71: {  	vm15 =	veq.f32 v11, v2;
	v12 =	vsel vm14, $0x2, v13  }
0x72: {  	vm9 =	vne.f32 v57, v2;
	v11 =	vsel vm15, $0x1, v12  }
0x73: {  	v10 =	vnsel vm9, $0x0, v11  }
0x74: {  	vm8 =	vmand vm9, vm15;
	vm10 =	veq.s32 v10, $0x0  }
0x75: {  	v60 =	vld [tilespmem:$0x10];
	vm7 =	vmor vm7, vm8;
	vm6 =	vmor vm6, vm10  }
0x76: {  	v62 =	vld [tilespmem:$0x90];
	v1 =	vnsel vm7, $0x0, v49;
	vm12 =	veq.s32 v10, $0x2;
	v61 =	vnsel vm6, $0x0, v48  }
0x77: {  	v63 =	vld [tilespmem:$0x110];
	[tilespmem:$0x1FF10] =	vst v1;
	vm5 =	vmor vm5, vm12;
	v1 =	vadd.f32 v61, v1  }
0x78: {  	v19 =	vld [tilespmem:$0x190];
	vm13 =	veq.s32 v10, $0x3;
	v18 =	vnsel vm5, $0x0, v50  }
0x79: {  	v20 =	vld [tilespmem:$0x210];
	vm4 =	vmor vm4, vm13;
	v1 =	vadd.f32 v1, v18  }
0x7a: {  	v22 =	vld [tilespmem:$0x290];
	vm14 =	veq.s32 v10, $0x4;
	v21 =	vnsel vm4, $0x0, v52  }
0x7b: {  	v23 =	vld [tilespmem:$0x310];
	v24 =	vmax.f32 v60, v62;
	vm3 =	vmor vm3, vm14;
	v1 =	vadd.f32 v1, v21  }
0x7c: {  	v26 =	vld [tilespmem:$0x390];
	v15 =	vmax.f32 v24, v63;
	vm15 =	veq.s32 v10, $0x5;
	v25 =	vnsel vm3, $0x0, v53  }
0x7d: {  	v15 =	vmax.f32 v15, v19;
	vm2 =	vmor vm2, vm15;
	v1 =	vadd.f32 v1, v25  }
0x7e: {  	v28 =	vmax.f32 v15, v20;
	v27 =	vnsel vm2, $0x0, v54;
	vm5 =	veq.s32 v10, $0x6  }
0x7f: {  	v6 =	vmax.f32 v28, v22;
	vm1 =	vmor vm1, vm5;
	v1 =	vadd.f32 v1, v27  }
0x80: {  	v6 =	vmax.f32 v6, v23;
	vm6 =	veq.s32 v10, $0x7;
	v29 =	vnsel vm1, $0x0, v55  }
0x81: {  	v6 =	vmax.f32 v6, v26;
	vm0 =	vmor vm0, vm6;
	v1 =	vadd.f32 v1, v29  }
0x82: {  	v31 =	vsub.f32 v60, v6;
	v30 =	vnsel vm0, $0x0, v56  }
0x83: {  	v0 =	vsub.f32 v62, v6;
	v1 =	vadd.f32 v1, v30  }
0x84: {  	v32 =	vsub.f32 v63, v6;
	v7 =	vmul.f32 $1.442695020e+00, v31  }
0x85: {  	v33 =	vsub.f32 v19, v6;
	v0 =	vmul.f32 $1.442695020e+00, v0;
	(erf) = vrcp.f32 v1  }
0x86: {  	v35 =	vsub.f32 v20, v6;
	v34 =	vmul.f32 $1.442695020e+00, v32;
	(erf) = vpow2.f32 v7  }
0x87: {  	v37 =	vsub.f32 v22, v6;
	v36 =	vmul.f32 $1.442695020e+00, v33;
	(erf) = vpow2.f32 v0  }
0x88: {  	v39 =	vsub.f32 v23, v6;
	v38 =	vmul.f32 $1.442695020e+00, v35;
	(erf) = vpow2.f32 v34  }
0x89: {  	v41 =	vsub.f32 v26, v6;
	v40 =	vmul.f32 $1.442695020e+00, v37;
	(erf) = vpow2.f32 v36  }
0x8a: {  	v42 =	vmul.f32 $1.442695020e+00, v39;
	(erf) = vpow2.f32 v38  }
0x8b: {  	v43 =	vmul.f32 $1.442695020e+00, v41;
	(erf) = vpow2.f32 v40  }
0x8c: {  	(erf) = vpow2.f32 v42  }
0x8d: {  	(erf) = vpow2.f32 v43  }
0x8e: {  	v44 =	vpop (erf)  }
0x8f: {  	v45 =	vpop (erf)  }
0x90: {  	v46 =	vpop (erf)  }
0x91: {  	v47 =	vpop (erf);
	v48 =	vmax.f32 v45, v46  }
0x92: {  	v49 =	vpop (erf);
	v4 =	vmax.f32 v48, v47  }
0x93: {  	v50 =	vpop (erf);
	v4 =	vmax.f32 v4, v49  }
0x94: {  	v51 =	vpop (erf);
	v4 =	vmax.f32 v4, v50  }
0x95: {  	v52 =	vpop (erf);
	v4 =	vmax.f32 v4, v51  }
0x96: {  	v53 =	vpop (erf);
	v4 =	vmax.f32 v4, v52  }
0x97: {  	v4 =	vmax.f32 v4, v53  }
0x98: {  	vm7 =	veq.f32 v53, v4  }
0x99: {  	vm8 =	veq.f32 v52, v4;
	v54 =	vsel vm7, $0x7, v8  }
0x9a: {  	vm9 =	veq.f32 v51, v4;
	v10 =	vsel vm8, $0x6, v54  }
0x9b: {  	vm10 =	veq.f32 v50, v4;
	v10 =	vsel vm9, $0x5, v10  }
0x9c: {  	vm11 =	veq.f32 v49, v4;
	v10 =	vsel vm10, $0x4, v10  }
0x9d: {  	vm12 =	veq.f32 v47, v4;
	v10 =	vsel vm11, $0x3, v10  }
0x9e: {  	vm13 =	veq.f32 v46, v4;
	v10 =	vsel vm12, $0x2, v10  }
0x9f: {  	vm14 =	vne.f32 v45, v4;
	v10 =	vsel vm13, $0x1, v10  }
0xa0: {  	v4 =	vnsel vm14, $0x0, v10  }
0xa1: {  	vm7 =	vmand vm14, vm13;
	vm6 =	veq.s32 v4, $0x0  }
0xa2: {  	v56 =	vsel vm7, $0xBF800000, v46;
	vm5 =	veq.s32 v4, $0x2;
	v55 =	vsel vm6, $0xBF800000, v45  }
0xa3: {  	vm4 =	veq.s32 v4, $0x3;
	v57 =	vsel vm5, $0xBF800000, v47;
	v58 =	vmax.f32 v55, v56  }
0xa4: {  	vm3 =	veq.s32 v4, $0x4;
	v59 =	vsel vm4, $0xBF800000, v49;
	v13 =	vmax.f32 v58, v57  }
0xa5: {  	vm2 =	veq.s32 v4, $0x5;
	v60 =	vsel vm3, $0xBF800000, v50;
	v13 =	vmax.f32 v13, v59  }
0xa6: {  	[tilespmem:$0x1FF20] =	vst v18;
	vm1 =	veq.s32 v4, $0x6;
	v18 =	vsel vm2, $0xBF800000, v51;
	v13 =	vmax.f32 v13, v60  }
0xa7: {  	[tilespmem:$0x1FEF0] =	vst v61;
	vm0 =	veq.s32 v4, $0x7;
	v19 =	vsel vm1, $0xBF800000, v52;
	v61 =	vmax.f32 v13, v18  }
0xa8: {  	v62 =	vsel vm0, $0xBF800000, v53;
	v4 =	vmax.f32 v61, v19  }
0xa9: {  	v4 =	vmax.f32 v4, v62  }
0xaa: {  	vm15 =	veq.f32 v62, v4  }
0xab: {  	vm12 =	veq.f32 v19, v4;
	v13 =	vsel vm15, $0x7, v8  }
0xac: {  	vm13 =	veq.f32 v18, v4;
	v13 =	vsel vm12, $0x6, v13  }
0xad: {  	vm14 =	veq.f32 v60, v4;
	v13 =	vsel vm13, $0x5, v13  }
0xae: {  	vm15 =	veq.f32 v59, v4;
	v13 =	vsel vm14, $0x4, v13  }
0xaf: {  	vm12 =	veq.f32 v57, v4;
	v13 =	vsel vm15, $0x3, v13  }
0xb0: {  	vm13 =	veq.f32 v56, v4;
	v12 =	vsel vm12, $0x2, v13  }
0xb1: {  	vm14 =	vne.f32 v55, v4;
	v11 =	vsel vm13, $0x1, v12  }
0xb2: {  	v4 =	vnsel vm14, $0x0, v11  }
0xb3: {  	vm8 =	vmand vm14, vm13;
	vm15 =	veq.s32 v4, $0x0  }
0xb4: {  	v63 =	vld [tilespmem:$0x20];
	vm7 =	vmor vm7, vm8;
	vm6 =	vmor vm6, vm15  }
0xb5: {  	v10 =	vld [tilespmem:$0xA0];
	v1 =	vnsel vm7, $0x0, v46;
	vm12 =	veq.s32 v4, $0x2;
	v9 =	vnsel vm6, $0x0, v45  }
0xb6: {  	[tilespmem:$0x1FF90] =	vst v1;
	v11 =	vld [tilespmem:$0x120];
	vm5 =	vmor vm5, vm12;
	v1 =	vadd.f32 v9, v1  }
0xb7: {  	[tilespmem:$0x1FF40] =	vst v25;
	v25 =	vld [tilespmem:$0x1A0];
	vm13 =	veq.s32 v4, $0x3;
	v24 =	vnsel vm5, $0x0, v47  }
0xb8: {  	v20 =	vld [tilespmem:$0x220];
	[tilespmem:$0x1FF30] =	vst v21;
	vm4 =	vmor vm4, vm13;
	v1 =	vadd.f32 v1, v24  }
0xb9: {  	[tilespmem:$0x1FF50] =	vst v27;
	v27 =	vld [tilespmem:$0x2A0];
	vm14 =	veq.s32 v4, $0x4;
	v26 =	vnsel vm4, $0x0, v49  }
0xba: {  	[tilespmem:$0x1FF60] =	vst v29;
	v21 =	vld [tilespmem:$0x320];
	v28 =	vmax.f32 v63, v10;
	vm3 =	vmor vm3, vm14;
	v1 =	vadd.f32 v1, v26  }
0xbb: {  	[tilespmem:$0x1FF70] =	vst v30;
	v30 =	vld [tilespmem:$0x3A0];
	vm15 =	veq.s32 v4, $0x5;
	v29 =	vnsel vm3, $0x0, v50;
	v15 =	vmax.f32 v28, v11  }
0xbc: {  	vm2 =	vmor vm2, vm15;
	v22 =	vmax.f32 v15, v25;
	v1 =	vadd.f32 v1, v29  }
0xbd: {  	vm5 =	veq.s32 v4, $0x6;
	v15 =	vnsel vm2, $0x0, v51;
	v31 =	vmax.f32 v22, v20  }
0xbe: {  	vm1 =	vmor vm1, vm5;
	v7 =	vmax.f32 v31, v27;
	v1 =	vadd.f32 v1, v15  }
0xbf: {  	vm6 =	veq.s32 v4, $0x7;
	v16 =	vnsel vm1, $0x0, v52;
	v32 =	vmax.f32 v7, v21  }
0xc0: {  	vm0 =	vmor vm0, vm6;
	v4 =	vmax.f32 v32, v30;
	v1 =	vadd.f32 v1, v16  }
0xc1: {  	v17 =	vnsel vm0, $0x0, v53;
	v33 =	vsub.f32 v63, v4  }
0xc2: {  	v0 =	vsub.f32 v10, v4;
	v1 =	vadd.f32 v1, v17  }
0xc3: {  	v34 =	vsub.f32 v11, v4;
	v7 =	vmul.f32 $1.442695020e+00, v33  }
0xc4: {  	v35 =	vsub.f32 v25, v4;
	v0 =	vmul.f32 $1.442695020e+00, v0;
	(erf) = vrcp.f32 v1  }
0xc5: {  	v37 =	vsub.f32 v20, v4;
	v36 =	vmul.f32 $1.442695020e+00, v34;
	(erf) = vpow2.f32 v7  }
0xc6: {  	v39 =	vsub.f32 v27, v4;
	v38 =	vmul.f32 $1.442695020e+00, v35;
	(erf) = vpow2.f32 v0  }
0xc7: {  	v41 =	vsub.f32 v21, v4;
	v40 =	vmul.f32 $1.442695020e+00, v37;
	(erf) = vpow2.f32 v36  }
0xc8: {  	v43 =	vsub.f32 v30, v4;
	v42 =	vmul.f32 $1.442695020e+00, v39;
	(erf) = vpow2.f32 v38  }
0xc9: {  	[tilespmem:$0x1FF00] =	vst v44;
	v44 =	vmul.f32 $1.442695020e+00, v41;
	(erf) = vpow2.f32 v40  }
0xca: {  	v45 =	vmul.f32 $1.442695020e+00, v43;
	(erf) = vpow2.f32 v42  }
0xcb: {  	(erf) = vpow2.f32 v44  }
0xcc: {  	(erf) = vpow2.f32 v45  }
0xcd: {  	v18 =	vpop (erf)  }
0xce: {  	v46 =	vpop (erf)  }
0xcf: {  	v47 =	vpop (erf)  }
0xd0: {  	v48 =	vpop (erf);
	v49 =	vmax.f32 v46, v47  }
0xd1: {  	v50 =	vpop (erf);
	v4 =	vmax.f32 v49, v48  }
0xd2: {  	v51 =	vpop (erf);
	v4 =	vmax.f32 v4, v50  }
0xd3: {  	v52 =	vpop (erf);
	v4 =	vmax.f32 v4, v51  }
0xd4: {  	v23 =	vpop (erf);
	v4 =	vmax.f32 v4, v52  }
0xd5: {  	[tilespmem:$0x1FFA0] =	vst v24;
	v24 =	vpop (erf);
	v4 =	vmax.f32 v4, v23  }
0xd6: {  	v4 =	vmax.f32 v4, v24  }
0xd7: {  	v53 =	vimm.s32 $0x0;
	vm7 =	veq.f32 v24, v4  }
0xd8: {  	vm8 =	veq.f32 v23, v4;
	v54 =	vsel vm7, $0x7, v53  }
0xd9: {  	vm9 =	veq.f32 v52, v4;
	v19 =	vsel vm8, $0x6, v54  }
0xda: {  	vm10 =	veq.f32 v51, v4;
	v19 =	vsel vm9, $0x5, v19  }
0xdb: {  	vm11 =	veq.f32 v50, v4;
	v19 =	vsel vm10, $0x4, v19  }
0xdc: {  	vm12 =	veq.f32 v48, v4;
	v19 =	vsel vm11, $0x3, v19  }
0xdd: {  	vm13 =	veq.f32 v47, v4;
	v19 =	vsel vm12, $0x2, v19  }
0xde: {  	vm14 =	vne.f32 v46, v4;
	v19 =	vsel vm13, $0x1, v19  }
0xdf: {  	v4 =	vnsel vm14, $0x0, v19  }
0xe0: {  	vm7 =	vmand vm14, vm13;
	vm6 =	veq.s32 v4, $0x0  }
0xe1: {  	v56 =	vsel vm7, $0xBF800000, v47;
	vm5 =	veq.s32 v4, $0x2;
	v55 =	vsel vm6, $0xBF800000, v46  }
0xe2: {  	vm4 =	veq.s32 v4, $0x3;
	v57 =	vsel vm5, $0xBF800000, v48;
	v58 =	vmax.f32 v55, v56  }
0xe3: {  	vm3 =	veq.s32 v4, $0x4;
	v25 =	vsel vm4, $0xBF800000, v50;
	v22 =	vmax.f32 v58, v57  }
0xe4: {  	[tilespmem:$0x1FFB0] =	vst v26;
	vm2 =	veq.s32 v4, $0x5;
	v26 =	vsel vm3, $0xBF800000, v51;
	v22 =	vmax.f32 v22, v25  }
0xe5: {  	vm1 =	veq.s32 v4, $0x6;
	v27 =	vsel vm2, $0xBF800000, v52;
	v22 =	vmax.f32 v22, v26  }
0xe6: {  	vm0 =	veq.s32 v4, $0x7;
	v28 =	vsel vm1, $0xBF800000, v23;
	v59 =	vmax.f32 v22, v27  }
0xe7: {  	v60 =	vsel vm0, $0xBF800000, v24;
	v4 =	vmax.f32 v59, v28  }
0xe8: {  	v4 =	vmax.f32 v4, v60  }
0xe9: {  	vm15 =	veq.f32 v60, v4  }
0xea: {  	vm12 =	veq.f32 v28, v4;
	v22 =	vsel vm15, $0x7, v53  }
0xeb: {  	vm13 =	veq.f32 v27, v4;
	v22 =	vsel vm12, $0x6, v22  }
0xec: {  	vm14 =	veq.f32 v26, v4;
	v22 =	vsel vm13, $0x5, v22  }
0xed: {  	vm15 =	veq.f32 v25, v4;
	v22 =	vsel vm14, $0x4, v22  }
0xee: {  	vm12 =	veq.f32 v57, v4;
	v22 =	vsel vm15, $0x3, v22  }
0xef: {  	vm13 =	veq.f32 v56, v4;
	v21 =	vsel vm12, $0x2, v22  }
0xf0: {  	vm14 =	vne.f32 v55, v4;
	v20 =	vsel vm13, $0x1, v21  }
0xf1: {  	v4 =	vnsel vm14, $0x0, v20  }
0xf2: {  	vm8 =	vmand vm14, vm13;
	vm15 =	veq.s32 v4, $0x0  }
0xf3: {  	v61 =	vld [tilespmem:$0x30];
	vm7 =	vmor vm7, vm8;
	vm6 =	vmor vm6, vm15  }
0xf4: {  	v62 =	vld [tilespmem:$0xB0];
	v25 =	vnsel vm7, $0x0, v47;
	vm12 =	veq.s32 v4, $0x2;
	v26 =	vnsel vm6, $0x0, v46  }
0xf5: {  	v63 =	vld [tilespmem:$0x130];
	vm5 =	vmor vm5, vm12;
	v1 =	vadd.f32 v26, v25  }
0xf6: {  	[tilespmem:$0x1FF80] =	vst v9;
	v10 =	vld [tilespmem:$0x1B0];
	vm13 =	veq.s32 v4, $0x3;
	v9 =	vnsel vm5, $0x0, v48  }
0xf7: {  	[tilespmem:$0x1FFC0] =	vst v29;
	v29 =	vld [tilespmem:$0x230];
	vm4 =	vmor vm4, vm13;
	v1 =	vadd.f32 v1, v9  }
0xf8: {  	v12 =	vld [tilespmem:$0x2B0];
	vm14 =	veq.s32 v4, $0x4;
	v11 =	vnsel vm4, $0x0, v50  }
0xf9: {  	v13 =	vmax.f32 v61, v62;
	v30 =	vld [tilespmem:$0x330];
	vm3 =	vmor vm3, vm14;
	v1 =	vadd.f32 v1, v11  }
0xfa: {  	v19 =	vld [tilespmem:$0x3B0];
	v22 =	vmax.f32 v13, v63;
	vm15 =	veq.s32 v4, $0x5;
	v14 =	vnsel vm3, $0x0, v51  }
0xfb: {  	v31 =	vmax.f32 v22, v10;
	vm2 =	vmor vm2, vm15;
	v1 =	vadd.f32 v1, v14  }
0xfc: {  	v21 =	vmax.f32 v31, v29;
	vm5 =	veq.s32 v4, $0x6;
	v22 =	vnsel vm2, $0x0, v52  }
0xfd: {  	v7 =	vmax.f32 v21, v12;
	vm1 =	vmor vm1, vm5;
	v1 =	vadd.f32 v1, v22  }
0xfe: {  	v31 =	vmax.f32 v7, v30;
	vm6 =	veq.s32 v4, $0x7;
	v23 =	vnsel vm1, $0x0, v23  }
0xff: {  	v4 =	vmax.f32 v31, v19;
	vm0 =	vmor vm0, vm6;
	v1 =	vadd.f32 v1, v23  }
0x100: {  	v32 =	vsub.f32 v61, v4;
	v24 =	vnsel vm0, $0x0, v24  }
0x101: {  	v0 =	vsub.f32 v62, v4;
	v1 =	vadd.f32 v1, v24  }
0x102: {  	v33 =	vsub.f32 v63, v4;
	v7 =	vmul.f32 $1.442695020e+00, v32  }
0x103: {  	v34 =	vsub.f32 v10, v4;
	v0 =	vmul.f32 $1.442695020e+00, v0;
	(erf) = vrcp.f32 v1  }
0x104: {  	v36 =	vsub.f32 v29, v4;
	v35 =	vmul.f32 $1.442695020e+00, v33;
	(erf) = vpow2.f32 v7  }
0x105: {  	v38 =	vsub.f32 v12, v4;
	v37 =	vmul.f32 $1.442695020e+00, v34;
	(erf) = vpow2.f32 v0  }
0x106: {  	v40 =	vsub.f32 v30, v4;
	v39 =	vmul.f32 $1.442695020e+00, v36;
	(erf) = vpow2.f32 v35  }
0x107: {  	v42 =	vsub.f32 v19, v4;
	v41 =	vmul.f32 $1.442695020e+00, v38;
	(erf) = vpow2.f32 v37  }
0x108: {  	v43 =	vmul.f32 $1.442695020e+00, v40;
	(erf) = vpow2.f32 v39  }
0x109: {  	v44 =	vmul.f32 $1.442695020e+00, v42;
	(erf) = vpow2.f32 v41  }
0x10a: {  	(erf) = vpow2.f32 v43  }
0x10b: {  	(erf) = vpow2.f32 v44  }
0x10c: {  	v27 =	vpop (erf)  }
0x10d: {  	v45 =	vpop (erf)  }
0x10e: {  	v46 =	vpop (erf)  }
0x10f: {  	v47 =	vpop (erf);
	v48 =	vmax.f32 v45, v46  }
0x110: {  	v49 =	vpop (erf);
	v4 =	vmax.f32 v48, v47  }
0x111: {  	v50 =	vpop (erf);
	v4 =	vmax.f32 v4, v49  }
0x112: {  	v51 =	vpop (erf);
	v4 =	vmax.f32 v4, v50  }
0x113: {  	v34 =	vpop (erf);
	v4 =	vmax.f32 v4, v51  }
0x114: {  	v35 =	vpop (erf);
	v4 =	vmax.f32 v4, v34  }
0x115: {  	v4 =	vmax.f32 v4, v35  }
0x116: {  	v52 =	vimm.s32 $0x0;
	vm7 =	veq.f32 v35, v4  }
0x117: {  	vm8 =	veq.f32 v34, v4;
	v53 =	vsel vm7, $0x7, v52  }
0x118: {  	vm9 =	veq.f32 v51, v4;
	v28 =	vsel vm8, $0x6, v53  }
0x119: {  	vm10 =	veq.f32 v50, v4;
	v28 =	vsel vm9, $0x5, v28  }
0x11a: {  	vm11 =	veq.f32 v49, v4;
	v28 =	vsel vm10, $0x4, v28  }
0x11b: {  	vm12 =	veq.f32 v47, v4;
	v28 =	vsel vm11, $0x3, v28  }
0x11c: {  	vm13 =	veq.f32 v46, v4;
	v28 =	vsel vm12, $0x2, v28  }
0x11d: {  	vm14 =	vne.f32 v45, v4;
	v28 =	vsel vm13, $0x1, v28  }
0x11e: {  	v4 =	vnsel vm14, $0x0, v28  }
0x11f: {  	vm7 =	vmand vm14, vm13;
	vm6 =	veq.s32 v4, $0x0  }
0x120: {  	v55 =	vsel vm7, $0xBF800000, v46;
	vm5 =	veq.s32 v4, $0x2;
	v54 =	vsel vm6, $0xBF800000, v45  }
0x121: {  	vm4 =	veq.s32 v4, $0x3;
	v56 =	vsel vm5, $0xBF800000, v47;
	v57 =	vmax.f32 v54, v55  }
0x122: {  	vm3 =	veq.s32 v4, $0x4;
	v32 =	vsel vm4, $0xBF800000, v49;
	v31 =	vmax.f32 v57, v56  }
0x123: {  	vm2 =	veq.s32 v4, $0x5;
	v33 =	vsel vm3, $0xBF800000, v50;
	v31 =	vmax.f32 v31, v32  }
0x124: {  	vm1 =	veq.s32 v4, $0x6;
	v36 =	vsel vm2, $0xBF800000, v51;
	v31 =	vmax.f32 v31, v33  }
0x125: {  	vm0 =	veq.s32 v4, $0x7;
	v37 =	vsel vm1, $0xBF800000, v34;
	v58 =	vmax.f32 v31, v36  }
0x126: {  	v59 =	vsel vm0, $0xBF800000, v35;
	v4 =	vmax.f32 v58, v37  }
0x127: {  	v4 =	vmax.f32 v4, v59  }
0x128: {  	vm15 =	veq.f32 v59, v4  }
0x129: {  	vm12 =	veq.f32 v37, v4;
	v31 =	vsel vm15, $0x7, v52  }
0x12a: {  	vm13 =	veq.f32 v36, v4;
	v31 =	vsel vm12, $0x6, v31  }
0x12b: {  	vm14 =	veq.f32 v33, v4;
	v31 =	vsel vm13, $0x5, v31  }
0x12c: {  	vm15 =	veq.f32 v32, v4;
	v31 =	vsel vm14, $0x4, v31  }
0x12d: {  	vm12 =	veq.f32 v56, v4;
	v31 =	vsel vm15, $0x3, v31  }
0x12e: {  	vm13 =	veq.f32 v55, v4;
	v30 =	vsel vm12, $0x2, v31  }
0x12f: {  	vm14 =	vne.f32 v54, v4;
	v29 =	vsel vm13, $0x1, v30  }
0x130: {  	v4 =	vnsel vm14, $0x0, v29  }
0x131: {  	vm8 =	vmand vm14, vm13;
	vm15 =	veq.s32 v4, $0x0  }
0x132: {  	v60 =	vld [tilespmem:$0x40];
	vm7 =	vmor vm7, vm8;
	vm6 =	vmor vm6, vm15  }
0x133: {  	v61 =	vld [tilespmem:$0xC0];
	v28 =	vnsel vm7, $0x0, v46;
	vm12 =	veq.s32 v4, $0x2;
	v30 =	vnsel vm6, $0x0, v45  }
0x134: {  	v62 =	vld [tilespmem:$0x140];
	vm5 =	vmor vm5, vm12;
	v1 =	vadd.f32 v30, v28  }
0x135: {  	v63 =	vld [tilespmem:$0x1C0];
	vm13 =	veq.s32 v4, $0x3;
	v29 =	vnsel vm5, $0x0, v47  }
0x136: {  	v38 =	vld [tilespmem:$0x240];
	vm4 =	vmor vm4, vm13;
	v1 =	vadd.f32 v1, v29  }
0x137: {  	[tilespmem:$0x1FFD0] =	vst v9;
	v9 =	vld [tilespmem:$0x2C0];
	vm14 =	veq.s32 v4, $0x4;
	v31 =	vnsel vm4, $0x0, v49  }
0x138: {  	v10 =	vmax.f32 v60, v61;
	v39 =	vld [tilespmem:$0x340];
	vm3 =	vmor vm3, vm14;
	v1 =	vadd.f32 v1, v31  }
0x139: {  	[tilespmem:$0x1FFE0] =	vst v11;
	v11 =	vld [tilespmem:$0x3C0];
	v33 =	vmax.f32 v10, v62;
	vm15 =	veq.s32 v4, $0x5;
	v32 =	vnsel vm3, $0x0, v50  }
0x13a: {  	v40 =	vmax.f32 v33, v63;
	vm2 =	vmor vm2, vm15;
	v1 =	vadd.f32 v1, v32  }
0x13b: {  	v12 =	vmax.f32 v40, v38;
	vm5 =	veq.s32 v4, $0x6;
	v33 =	vnsel vm2, $0x0, v51  }
0x13c: {  	v7 =	vmax.f32 v12, v9;
	vm1 =	vmor vm1, vm5;
	v1 =	vadd.f32 v1, v33  }
0x13d: {  	v13 =	vmax.f32 v7, v39;
	vm6 =	veq.s32 v4, $0x7;
	v34 =	vnsel vm1, $0x0, v34  }
0x13e: {  	v4 =	vmax.f32 v13, v11;
	vm0 =	vmor vm0, vm6;
	v1 =	vadd.f32 v1, v34  }
0x13f: {  	[tilespmem:$0x1FFF0] =	vst v14;
	v14 =	vsub.f32 v60, v4;
	v35 =	vnsel vm0, $0x0, v35  }
0x140: {  	v0 =	vsub.f32 v61, v4;
	v1 =	vadd.f32 v1, v35  }
0x141: {  	v19 =	vsub.f32 v62, v4;
	v7 =	vmul.f32 $1.442695020e+00, v14  }
0x142: {  	v20 =	vsub.f32 v63, v4;
	v0 =	vmul.f32 $1.442695020e+00, v0;
	(erf) = vrcp.f32 v1  }
0x143: {  	v40 =	vsub.f32 v38, v4;
	v37 =	vmul.f32 $1.442695020e+00, v19;
	(erf) = vpow2.f32 v7  }
0x144: {  	v42 =	vsub.f32 v9, v4;
	v41 =	vmul.f32 $1.442695020e+00, v20;
	(erf) = vpow2.f32 v0  }
0x145: {  	v44 =	vsub.f32 v39, v4;
	v43 =	vmul.f32 $1.442695020e+00, v40;
	(erf) = vpow2.f32 v37  }
0x146: {  	v46 =	vsub.f32 v11, v4;
	v45 =	vmul.f32 $1.442695020e+00, v42;
	(erf) = vpow2.f32 v41  }
0x147: {  	v47 =	vmul.f32 $1.442695020e+00, v44;
	(erf) = vpow2.f32 v43  }
0x148: {  	v48 =	vmul.f32 $1.442695020e+00, v46;
	(erf) = vpow2.f32 v45  }
0x149: {  	(erf) = vpow2.f32 v47  }
0x14a: {  	(erf) = vpow2.f32 v48  }
0x14b: {  	v36 =	vpop (erf)  }
0x14c: {  	v49 =	vpop (erf)  }
0x14d: {  	v50 =	vpop (erf)  }
0x14e: {  	v51 =	vpop (erf);
	v52 =	vmax.f32 v49, v50  }
0x14f: {  	v53 =	vpop (erf);
	v4 =	vmax.f32 v52, v51  }
0x150: {  	v54 =	vpop (erf);
	v4 =	vmax.f32 v4, v53  }
0x151: {  	v55 =	vpop (erf);
	v4 =	vmax.f32 v4, v54  }
0x152: {  	v43 =	vpop (erf);
	v4 =	vmax.f32 v4, v55  }
0x153: {  	v44 =	vpop (erf);
	v4 =	vmax.f32 v4, v43  }
0x154: {  	v4 =	vmax.f32 v4, v44  }
0x155: {  	v21 =	vimm.s32 $0x0;
	vm7 =	veq.f32 v44, v4  }
0x156: {  	vm8 =	veq.f32 v43, v4;
	v56 =	vsel vm7, $0x7, v21  }
0x157: {  	vm9 =	veq.f32 v55, v4;
	v37 =	vsel vm8, $0x6, v56  }
0x158: {  	vm10 =	veq.f32 v54, v4;
	v37 =	vsel vm9, $0x5, v37  }
0x159: {  	vm11 =	veq.f32 v53, v4;
	v37 =	vsel vm10, $0x4, v37  }
0x15a: {  	vm12 =	veq.f32 v51, v4;
	v37 =	vsel vm11, $0x3, v37  }
0x15b: {  	vm13 =	veq.f32 v50, v4;
	v37 =	vsel vm12, $0x2, v37  }
0x15c: {  	vm14 =	vne.f32 v49, v4;
	v37 =	vsel vm13, $0x1, v37  }
0x15d: {  	v4 =	vnsel vm14, $0x0, v37  }
0x15e: {  	vm7 =	vmand vm14, vm13;
	vm6 =	veq.s32 v4, $0x0  }
0x15f: {  	v58 =	vsel vm7, $0xBF800000, v50;
	vm5 =	veq.s32 v4, $0x2;
	v57 =	vsel vm6, $0xBF800000, v49  }
0x160: {  	vm4 =	veq.s32 v4, $0x3;
	v59 =	vsel vm5, $0xBF800000, v51;
	v60 =	vmax.f32 v57, v58  }
0x161: {  	vm3 =	veq.s32 v4, $0x4;
	v41 =	vsel vm4, $0xBF800000, v53;
	v40 =	vmax.f32 v60, v59  }
0x162: {  	vm2 =	veq.s32 v4, $0x5;
	v42 =	vsel vm3, $0xBF800000, v54;
	v40 =	vmax.f32 v40, v41  }
0x163: {  	vm1 =	veq.s32 v4, $0x6;
	v45 =	vsel vm2, $0xBF800000, v55;
	v40 =	vmax.f32 v40, v42  }
0x164: {  	vm0 =	veq.s32 v4, $0x7;
	v46 =	vsel vm1, $0xBF800000, v43;
	v61 =	vmax.f32 v40, v45  }
0x165: {  	v62 =	vsel vm0, $0xBF800000, v44;
	v4 =	vmax.f32 v61, v46  }
0x166: {  	v4 =	vmax.f32 v4, v62  }
0x167: {  	vm15 =	veq.f32 v62, v4  }
0x168: {  	vm12 =	veq.f32 v46, v4;
	v40 =	vsel vm15, $0x7, v21  }
0x169: {  	vm13 =	veq.f32 v45, v4;
	v40 =	vsel vm12, $0x6, v40  }
0x16a: {  	vm14 =	veq.f32 v42, v4;
	v40 =	vsel vm13, $0x5, v40  }
0x16b: {  	vm15 =	veq.f32 v41, v4;
	v40 =	vsel vm14, $0x4, v40  }
0x16c: {  	vm12 =	veq.f32 v59, v4;
	v40 =	vsel vm15, $0x3, v40  }
0x16d: {  	vm13 =	veq.f32 v58, v4;
	v39 =	vsel vm12, $0x2, v40  }
0x16e: {  	vm14 =	vne.f32 v57, v4;
	v38 =	vsel vm13, $0x1, v39  }
0x16f: {  	v4 =	vnsel vm14, $0x0, v38  }
0x170: {  	vm8 =	vmand vm14, vm13;
	vm15 =	veq.s32 v4, $0x0  }
0x171: {  	v63 =	vld [tilespmem:$0x50];
	vm7 =	vmor vm7, vm8;
	vm6 =	vmor vm6, vm15  }
0x172: {  	v9 =	vld [tilespmem:$0xD0];
	v37 =	vnsel vm7, $0x0, v50;
	vm12 =	veq.s32 v4, $0x2;
	v39 =	vnsel vm6, $0x0, v49  }
0x173: {  	v10 =	vld [tilespmem:$0x150];
	vm5 =	vmor vm5, vm12;
	v1 =	vadd.f32 v39, v37  }
0x174: {  	v11 =	vld [tilespmem:$0x1D0];
	vm13 =	veq.s32 v4, $0x3;
	v38 =	vnsel vm5, $0x0, v51  }
0x175: {  	v47 =	vld [tilespmem:$0x250];
	vm4 =	vmor vm4, vm13;
	v1 =	vadd.f32 v1, v38  }
0x176: {  	v12 =	vld [tilespmem:$0x2D0];
	vm14 =	veq.s32 v4, $0x4;
	v40 =	vnsel vm4, $0x0, v53  }
0x177: {  	v13 =	vmax.f32 v63, v9;
	v48 =	vld [tilespmem:$0x350];
	vm3 =	vmor vm3, vm14;
	v1 =	vadd.f32 v1, v40  }
0x178: {  	v14 =	vld [tilespmem:$0x3D0];
	v42 =	vmax.f32 v13, v10;
	vm15 =	veq.s32 v4, $0x5;
	v41 =	vnsel vm3, $0x0, v54  }
0x179: {  	vm2 =	vmor vm2, vm15;
	v49 =	vmax.f32 v42, v11;
	v1 =	vadd.f32 v1, v41  }
0x17a: {  	vm5 =	veq.s32 v4, $0x6;
	v42 =	vnsel vm2, $0x0, v55;
	v19 =	vmax.f32 v49, v47  }
0x17b: {  	vm1 =	vmor vm1, vm5;
	v7 =	vmax.f32 v19, v12;
	v1 =	vadd.f32 v1, v42  }
0x17c: {  	vm6 =	veq.s32 v4, $0x7;
	v43 =	vnsel vm1, $0x0, v43;
	v20 =	vmax.f32 v7, v48  }
0x17d: {  	vm0 =	vmor vm0, vm6;
	v4 =	vmax.f32 v20, v14;
	v1 =	vadd.f32 v1, v43  }
0x17e: {  	v44 =	vnsel vm0, $0x0, v44;
	v45 =	vsub.f32 v63, v4  }
0x17f: {  	v0 =	vsub.f32 v9, v4;
	v1 =	vadd.f32 v1, v44  }
0x180: {  	v49 =	vsub.f32 v10, v4;
	v7 =	vmul.f32 $1.442695020e+00, v45  }
0x181: {  	v50 =	vsub.f32 v11, v4;
	v0 =	vmul.f32 $1.442695020e+00, v0;
	(erf) = vrcp.f32 v1  }
0x182: {  	v52 =	vsub.f32 v47, v4;
	v51 =	vmul.f32 $1.442695020e+00, v49;
	(erf) = vpow2.f32 v7  }
0x183: {  	v54 =	vsub.f32 v12, v4;
	v53 =	vmul.f32 $1.442695020e+00, v50;
	(erf) = vpow2.f32 v0  }
0x184: {  	v56 =	vsub.f32 v48, v4;
	v55 =	vmul.f32 $1.442695020e+00, v52;
	(erf) = vpow2.f32 v51  }
0x185: {  	v58 =	vsub.f32 v14, v4;
	v57 =	vmul.f32 $1.442695020e+00, v54;
	(erf) = vpow2.f32 v53  }
0x186: {  	v59 =	vmul.f32 $1.442695020e+00, v56;
	(erf) = vpow2.f32 v55  }
0x187: {  	v60 =	vmul.f32 $1.442695020e+00, v58;
	(erf) = vpow2.f32 v57  }
0x188: {  	(erf) = vpow2.f32 v59  }
0x189: {  	(erf) = vpow2.f32 v60  }
0x18a: {  	v45 =	vpop (erf)  }
0x18b: {  	v61 =	vpop (erf)  }
0x18c: {  	v62 =	vpop (erf)  }
0x18d: {  	v63 =	vpop (erf);
	v9 =	vmax.f32 v61, v62  }
0x18e: {  	v10 =	vpop (erf);
	v4 =	vmax.f32 v9, v63  }
0x18f: {  	v11 =	vpop (erf);
	v4 =	vmax.f32 v4, v10  }
0x190: {  	v12 =	vpop (erf);
	v4 =	vmax.f32 v4, v11  }
0x191: {  	v52 =	vpop (erf);
	v4 =	vmax.f32 v4, v12  }
0x192: {  	v53 =	vpop (erf);
	v4 =	vmax.f32 v4, v52  }
0x193: {  	v4 =	vmax.f32 v4, v53  }
0x194: {  	vm7 =	veq.f32 v53, v4  }
0x195: {  	vm8 =	veq.f32 v52, v4;
	v13 =	vsel vm7, $0x7, v21  }
0x196: {  	vm9 =	veq.f32 v12, v4;
	v46 =	vsel vm8, $0x6, v13  }
0x197: {  	vm10 =	veq.f32 v11, v4;
	v46 =	vsel vm9, $0x5, v46  }
0x198: {  	vm11 =	veq.f32 v10, v4;
	v46 =	vsel vm10, $0x4, v46  }
0x199: {  	vm12 =	veq.f32 v63, v4;
	v46 =	vsel vm11, $0x3, v46  }
0x19a: {  	vm13 =	veq.f32 v62, v4;
	v46 =	vsel vm12, $0x2, v46  }
0x19b: {  	vm14 =	vne.f32 v61, v4;
	v46 =	vsel vm13, $0x1, v46  }
0x19c: {  	v4 =	vnsel vm14, $0x0, v46  }
0x19d: {  	vm7 =	vmand vm14, vm13;
	vm6 =	veq.s32 v4, $0x0  }
0x19e: {  	v19 =	vsel vm7, $0xBF800000, v62;
	vm5 =	veq.s32 v4, $0x2;
	v14 =	vsel vm6, $0xBF800000, v61  }
0x19f: {  	vm4 =	veq.s32 v4, $0x3;
	v20 =	vsel vm5, $0xBF800000, v63;
	v57 =	vmax.f32 v14, v19  }
0x1a0: {  	vm3 =	veq.s32 v4, $0x4;
	v50 =	vsel vm4, $0xBF800000, v10;
	v49 =	vmax.f32 v57, v20  }
0x1a1: {  	vm2 =	veq.s32 v4, $0x5;
	v51 =	vsel vm3, $0xBF800000, v11;
	v49 =	vmax.f32 v49, v50  }
0x1a2: {  	vm1 =	veq.s32 v4, $0x6;
	v54 =	vsel vm2, $0xBF800000, v12;
	v49 =	vmax.f32 v49, v51  }
0x1a3: {  	vm0 =	veq.s32 v4, $0x7;
	v55 =	vsel vm1, $0xBF800000, v52;
	v58 =	vmax.f32 v49, v54  }
0x1a4: {  	v59 =	vsel vm0, $0xBF800000, v53;
	v4 =	vmax.f32 v58, v55  }
0x1a5: {  	v4 =	vmax.f32 v4, v59  }
0x1a6: {  	vm15 =	veq.f32 v59, v4  }
0x1a7: {  	vm12 =	veq.f32 v55, v4;
	v49 =	vsel vm15, $0x7, v21  }
0x1a8: {  	vm13 =	veq.f32 v54, v4;
	v49 =	vsel vm12, $0x6, v49  }
0x1a9: {  	vm14 =	veq.f32 v51, v4;
	v49 =	vsel vm13, $0x5, v49  }
0x1aa: {  	vm15 =	veq.f32 v50, v4;
	v49 =	vsel vm14, $0x4, v49  }
0x1ab: {  	vm12 =	veq.f32 v20, v4;
	v49 =	vsel vm15, $0x3, v49  }
0x1ac: {  	vm13 =	veq.f32 v19, v4;
	v48 =	vsel vm12, $0x2, v49  }
0x1ad: {  	vm14 =	vne.f32 v14, v4;
	v47 =	vsel vm13, $0x1, v48  }
0x1ae: {  	v4 =	vnsel vm14, $0x0, v47  }
0x1af: {  	vm8 =	vmand vm14, vm13;
	vm15 =	veq.s32 v4, $0x0  }
0x1b0: {  	v60 =	vld [tilespmem:$0x60];
	vm7 =	vmor vm7, vm8;
	vm6 =	vmor vm6, vm15  }
0x1b1: {  	v46 =	vnsel vm7, $0x0, v62;
	vm12 =	veq.s32 v4, $0x2;
	v48 =	vnsel vm6, $0x0, v61;
	v61 =	vld [tilespmem:$0xE0]  }
0x1b2: {  	v62 =	vld [tilespmem:$0x160];
	vm5 =	vmor vm5, vm12;
	v1 =	vadd.f32 v48, v46  }
0x1b3: {  	vm13 =	veq.s32 v4, $0x3;
	v47 =	vnsel vm5, $0x0, v63;
	v63 =	vld [tilespmem:$0x1E0]  }
0x1b4: {  	v56 =	vld [tilespmem:$0x260];
	vm4 =	vmor vm4, vm13;
	v1 =	vadd.f32 v1, v47  }
0x1b5: {  	v9 =	vld [tilespmem:$0x2E0];
	vm14 =	veq.s32 v4, $0x4;
	v49 =	vnsel vm4, $0x0, v10  }
0x1b6: {  	v57 =	vld [tilespmem:$0x360];
	vm3 =	vmor vm3, vm14;
	v1 =	vadd.f32 v1, v49;
	v10 =	vmax.f32 v60, v61  }
0x1b7: {  	vm15 =	veq.s32 v4, $0x5;
	v50 =	vnsel vm3, $0x0, v11;
	v11 =	vld [tilespmem:$0x3E0];
	v51 =	vmax.f32 v10, v62  }
0x1b8: {  	vm2 =	vmor vm2, vm15;
	v1 =	vadd.f32 v1, v50;
	v58 =	vmax.f32 v51, v63  }
0x1b9: {  	vm5 =	veq.s32 v4, $0x6;
	v51 =	vnsel vm2, $0x0, v12;
	v12 =	vmax.f32 v58, v56  }
0x1ba: {  	vm1 =	vmor vm1, vm5;
	v1 =	vadd.f32 v1, v51;
	v7 =	vmax.f32 v12, v9  }
0x1bb: {  	vm6 =	veq.s32 v4, $0x7;
	v52 =	vnsel vm1, $0x0, v52;
	v13 =	vmax.f32 v7, v57  }
0x1bc: {  	vm0 =	vmor vm0, vm6;
	v1 =	vadd.f32 v1, v52;
	v4 =	vmax.f32 v13, v11  }
0x1bd: {  	v53 =	vnsel vm0, $0x0, v53;
	v14 =	vsub.f32 v60, v4  }
0x1be: {  	v0 =	vsub.f32 v61, v4;
	v1 =	vadd.f32 v1, v53  }
0x1bf: {  	v19 =	vsub.f32 v62, v4;
	v7 =	vmul.f32 $1.442695020e+00, v14  }
0x1c0: {  	v20 =	vsub.f32 v63, v4;
	v0 =	vmul.f32 $1.442695020e+00, v0;
	(erf) = vrcp.f32 v1  }
0x1c1: {  	v58 =	vsub.f32 v56, v4;
	v55 =	vmul.f32 $1.442695020e+00, v19;
	(erf) = vpow2.f32 v7  }
0x1c2: {  	v60 =	vsub.f32 v9, v4;
	v59 =	vmul.f32 $1.442695020e+00, v20;
	(erf) = vpow2.f32 v0  }
0x1c3: {  	v62 =	vsub.f32 v57, v4;
	v61 =	vmul.f32 $1.442695020e+00, v58;
	(erf) = vpow2.f32 v55  }
0x1c4: {  	v63 =	vmul.f32 $1.442695020e+00, v60;
	v7 =	vsub.f32 v11, v4;
	(erf) = vpow2.f32 v59  }
0x1c5: {  	v8 =	vmul.f32 $1.442695020e+00, v62;
	(erf) = vpow2.f32 v61  }
0x1c6: {  	v9 =	vmul.f32 $1.442695020e+00, v7;
	(erf) = vpow2.f32 v63  }
0x1c7: {  	(erf) = vpow2.f32 v8  }
0x1c8: {  	(erf) = vpow2.f32 v9  }
0x1c9: {  	v54 =	vpop (erf)  }
0x1ca: {  	v0 =	vpop (erf)  }
0x1cb: {  	v1 =	vpop (erf)  }
0x1cc: {  	v3 =	vpop (erf);
	v10 =	vmax.f32 v0, v1  }
0x1cd: {  	v5 =	vpop (erf);
	v4 =	vmax.f32 v10, v3  }
0x1ce: {  	v7 =	vpop (erf);
	v4 =	vmax.f32 v4, v5  }
0x1cf: {  	v9 =	vpop (erf);
	v4 =	vmax.f32 v4, v7  }
0x1d0: {  	v61 =	vpop (erf);
	v4 =	vmax.f32 v4, v9  }
0x1d1: {  	v62 =	vpop (erf);
	v4 =	vmax.f32 v4, v61  }
0x1d2: {  	v4 =	vmax.f32 v4, v62  }
0x1d3: {  	vm7 =	veq.f32 v62, v4  }
0x1d4: {  	vm8 =	veq.f32 v61, v4;
	v11 =	vsel vm7, $0x7, v21  }
0x1d5: {  	vm9 =	veq.f32 v9, v4;
	v55 =	vsel vm8, $0x6, v11  }
0x1d6: {  	vm10 =	veq.f32 v7, v4;
	v55 =	vsel vm9, $0x5, v55  }
0x1d7: {  	vm11 =	veq.f32 v5, v4;
	v55 =	vsel vm10, $0x4, v55  }
0x1d8: {  	vm12 =	veq.f32 v3, v4;
	v55 =	vsel vm11, $0x3, v55  }
0x1d9: {  	vm13 =	veq.f32 v1, v4;
	v55 =	vsel vm12, $0x2, v55  }
0x1da: {  	vm14 =	vne.f32 v0, v4;
	v55 =	vsel vm13, $0x1, v55  }
0x1db: {  	v4 =	vnsel vm14, $0x0, v55  }
0x1dc: {  	vm7 =	vmand vm14, vm13;
	vm6 =	veq.s32 v4, $0x0  }
0x1dd: {  	v12 =	vsel vm7, $0xBF800000, v1;
	vm5 =	veq.s32 v4, $0x2;
	v55 =	vsel vm6, $0xBF800000, v0  }
0x1de: {  	vm4 =	veq.s32 v4, $0x3;
	v13 =	vsel vm5, $0xBF800000, v3;
	v14 =	vmax.f32 v55, v12  }
0x1df: {  	vm3 =	veq.s32 v4, $0x4;
	v59 =	vsel vm4, $0xBF800000, v5;
	v58 =	vmax.f32 v14, v13  }
0x1e0: {  	vm2 =	veq.s32 v4, $0x5;
	v60 =	vsel vm3, $0xBF800000, v7;
	v58 =	vmax.f32 v58, v59  }
0x1e1: {  	vm1 =	veq.s32 v4, $0x6;
	v63 =	vsel vm2, $0xBF800000, v9;
	v58 =	vmax.f32 v58, v60  }
0x1e2: {  	vm0 =	veq.s32 v4, $0x7;
	v20 =	vsel vm1, $0xBF800000, v61;
	v19 =	vmax.f32 v58, v63  }
0x1e3: {  	v2 =	vsel vm0, $0xBF800000, v62;
	v4 =	vmax.f32 v19, v20  }
0x1e4: {  	v4 =	vmax.f32 v4, v2  }
0x1e5: {  	vm15 =	veq.f32 v2, v4  }
0x1e6: {  	vm12 =	veq.f32 v20, v4;
	v8 =	vsel vm15, $0x7, v21  }
0x1e7: {  	vm13 =	veq.f32 v63, v4;
	v8 =	vsel vm12, $0x6, v8  }
0x1e8: {  	vm14 =	veq.f32 v60, v4;
	v8 =	vsel vm13, $0x5, v8  }
0x1e9: {  	vm15 =	veq.f32 v59, v4;
	v8 =	vsel vm14, $0x4, v8  }
0x1ea: {  	vm12 =	veq.f32 v13, v4;
	v8 =	vsel vm15, $0x3, v8  }
0x1eb: {  	vm13 =	veq.f32 v12, v4;
	v8 =	vsel vm12, $0x2, v8  }
0x1ec: {  	vm14 =	vne.f32 v55, v4;
	v8 =	vsel vm13, $0x1, v8  }
0x1ed: {  	v4 =	vnsel vm14, $0x0, v8  }
0x1ee: {  	vm8 =	vmand vm14, vm13;
	vm15 =	veq.s32 v4, $0x0  }
0x1ef: {  	v10 =	vld [tilespmem:$0xF0];
	vm7 =	vmor vm7, vm8;
	vm6 =	vmor vm6, vm15  }
0x1f0: {  	v55 =	vnsel vm7, $0x0, v1;
	v8 =	vld [tilespmem:$0x70];
	vm12 =	veq.s32 v4, $0x2;
	v56 =	vnsel vm6, $0x0, v0  }
0x1f1: {  	v11 =	vld [tilespmem:$0x170];
	vm5 =	vmor vm5, vm12;
	v1 =	vadd.f32 v56, v55  }
0x1f2: {  	vm13 =	veq.s32 v4, $0x3;
	v57 =	vnsel vm5, $0x0, v3;
	v3 =	vld [tilespmem:$0x1F0]  }
0x1f3: {  	vm4 =	vmor vm4, vm13;
	v0 =	vld [tilespmem:$0x270];
	v1 =	vadd.f32 v1, v57  }
0x1f4: {  	vm14 =	veq.s32 v4, $0x4;
	v58 =	vnsel vm4, $0x0, v5;
	v5 =	vld [tilespmem:$0x2F0]  }
0x1f5: {  	v2 =	vld [tilespmem:$0x370];
	vm3 =	vmor vm3, vm14;
	v12 =	vmax.f32 v8, v10;
	v1 =	vadd.f32 v1, v58  }
0x1f6: {  	v60 =	vld [tilespmem:$0x3F0];
	vm15 =	veq.s32 v4, $0x5;
	v59 =	vnsel vm3, $0x0, v7;
	v13 =	vmax.f32 v12, v11  }
0x1f7: {  	vm2 =	vmor vm2, vm15;
	v7 =	vmax.f32 v13, v3;
	v1 =	vadd.f32 v1, v59  }
0x1f8: {  	vm5 =	veq.s32 v4, $0x6;
	v20 =	vnsel vm2, $0x0, v9;
	v7 =	vmax.f32 v7, v0  }
0x1f9: {  	vm1 =	vmor vm1, vm5;
	v7 =	vmax.f32 v7, v5;
	v1 =	vadd.f32 v1, v20  }
0x1fa: {  	vm6 =	veq.s32 v4, $0x7;
	v61 =	vnsel vm1, $0x0, v61;
	v14 =	vmax.f32 v7, v2  }
0x1fb: {  	vm0 =	vmor vm0, vm6;
	v4 =	vmax.f32 v14, v60;
	v1 =	vadd.f32 v1, v61  }
0x1fc: {  	v62 =	vnsel vm0, $0x0, v62;
	v19 =	vsub.f32 v8, v4  }
0x1fd: {  	v6 =	vsub.f32 v10, v4;
	v1 =	vadd.f32 v1, v62  }
0x1fe: {  	v63 =	vsub.f32 v11, v4;
	v7 =	vmul.f32 $1.442695020e+00, v19  }
0x1ff: {  	v3 =	vsub.f32 v3, v4;
	v10 =	vmul.f32 $1.442695020e+00, v6;
	(erf) = vrcp.f32 v1  }
0x200: {  	v0 =	vsub.f32 v0, v4;
	v11 =	vmul.f32 $1.442695020e+00, v63;
	(erf) = vpow2.f32 v7  }
0x201: {  	v13 =	vsub.f32 v5, v4;
	v12 =	vmul.f32 $1.442695020e+00, v3;
	(erf) = vpow2.f32 v10  }
0x202: {  	v2 =	vsub.f32 v2, v4;
	v0 =	vmul.f32 $1.442695020e+00, v0;
	(erf) = vpow2.f32 v11  }
0x203: {  	v3 =	vmul.f32 $1.442695020e+00, v13;
	(erf) = vpow2.f32 v12  }
0x204: {  	v19 =	vmul.f32 $1.442695020e+00, v2;
	(erf) = vpow2.f32 v0  }
0x205: {  	(erf) = vpow2.f32 v3  }
0x206: {  	v14 =	vsub.f32 v60, v4;
	(erf) = vpow2.f32 v19;
	_ =	sdelay $0x1  }
0x207: {  	v1 =	vmul.f32 $1.442695020e+00, v14;
	v63 =	vpop (erf)  }
0x208: {  	v5 =	vld [tilespmem:$0x1FEF0];
	v9 =	vpop (erf)  }
0x209: {  	v2 =	vld [tilespmem:$0x1FF00];
	(erf) = vpow2.f32 v1;
	v7 =	vpop (erf)  }
0x20a: {  	v10 =	vpop (erf);
	v60 =	vmax.f32 v9, v7  }
0x20b: {  	v6 =	vld [tilespmem:$0x1FF10];
	v0 =	vmax.f32 v60, v10;
	v11 =	vpop (erf)  }
0x20c: {  	v0 =	vmax.f32 v0, v11;
	v12 =	vpop (erf)  }
0x20d: {  	v0 =	vmax.f32 v0, v12;
	v13 =	vpop (erf)  }
0x20e: {  	v8 =	vmul.f32 v2, v5;
	v5 =	vld [tilespmem:$0x1FF30];
	v4 =	vmax.f32 v0, v13;
	v14 =	vpop (erf)  }
0x20f: {  	v60 =	vmax.f32 v4, v14;
	v4 =	vld [tilespmem:$0x1FF20]  }
0x210: {  	v1 =	vmul.f32 v2, v6;
	v6 =	vld [tilespmem:$0x1FF40];
	_ =	sdelay $0x1  }
0x211: {  	v19 =	vpop (erf)  }
0x212: {  	v60 =	vmax.f32 v60, v19  }
0x213: {  	vm7 =	veq.f32 v19, v60;
	v3 =	vmul.f32 v2, v4  }
0x214: {  	vm8 =	veq.f32 v14, v60;
	v4 =	vmul.f32 v2, v5;
	v5 =	vmul.f32 v2, v6;
	v6 =	vld [tilespmem:$0x1FF60]  }
0x215: {  	[tilespmem:$0x400] =	vst v8;
	v8 =	vld [tilespmem:$0x1FF50];
	vm9 =	veq.f32 v13, v60;
	vm10 =	veq.f32 v12, v60;
	vm11 =	veq.f32 v11, v60  }
0x216: {  	vm12 =	veq.f32 v10, v60;
	vm13 =	veq.f32 v7, v60;
	vm14 =	vne.f32 v9, v60;
	v60 =	vld [tilespmem:$0x1FF80]  }
0x217: {  	[tilespmem:$0x480] =	vst v1;
	v0 =	vsel vm7, $0x7, v21  }
0x218: {  	v0 =	vsel vm8, $0x6, v0;
	[tilespmem:$0x580] =	vst v4;
	v4 =	vld [tilespmem:$0x1FF90]  }
0x219: {  	v0 =	vsel vm9, $0x5, v0;
	[tilespmem:$0x600] =	vst v5;
	v5 =	vld [tilespmem:$0x1FFA0];
	v6 =	vmul.f32 v2, v6  }
0x21a: {  	v8 =	vmul.f32 v2, v8;
	v1 =	vmov v2;
	v0 =	vsel vm10, $0x4, v0;
	[tilespmem:$0x500] =	vst v3;
	v2 =	vld [tilespmem:$0x1FF70]  }
0x21b: {  	v3 =	vmul.f32 v18, v60;
	v0 =	vsel vm11, $0x3, v0;
	[tilespmem:$0x700] =	vst v6;
	v6 =	vld [tilespmem:$0x1FFB0]  }
0x21c: {  	vm7 =	vmand vm14, vm13;
	v60 =	vld [tilespmem:$0x1FFC0];
	v0 =	vsel vm12, $0x2, v0  }
0x21d: {  	v0 =	vsel vm13, $0x1, v0;
	[tilespmem:$0x410] =	vst v3;
	v3 =	vmul.f32 v18, v17;
	v4 =	vmul.f32 v18, v4  }
0x21e: {  	[tilespmem:$0x680] =	vst v8;
	v17 =	vsel vm7, $0xBF800000, v7;
	v0 =	vnsel vm14, $0x0, v0;
	v8 =	vmul.f32 v18, v5  }
0x21f: {  	vm6 =	veq.s32 v0, $0x0;
	vm5 =	veq.s32 v0, $0x2;
	[tilespmem:$0x490] =	vst v4;
	v2 =	vmul.f32 v1, v2  }
0x220: {  	vm4 =	veq.s32 v0, $0x3;
	vm3 =	veq.s32 v0, $0x4;
	[tilespmem:$0x510] =	vst v8;
	v1 =	vmul.f32 v18, v6  }
0x221: {  	v60 =	vmul.f32 v18, v60;
	v4 =	vmul.f32 v27, v25;
	v8 =	vsel vm6, $0xBF800000, v9;
	[tilespmem:$0x780] =	vst v2  }
0x222: {  	v2 =	vmul.f32 v18, v15;
	v6 =	vmax.f32 v8, v17;
	[tilespmem:$0x590] =	vst v1;
	v1 =	vsel vm5, $0xBF800000, v10  }
0x223: {  	v25 =	vsel vm4, $0xBF800000, v11;
	v15 =	vmul.f32 v18, v16;
	v18 =	vmax.f32 v6, v1  }
0x224: {  	vm2 =	veq.s32 v0, $0x5;
	[tilespmem:$0x690] =	vst v2;
	v2 =	vsel vm3, $0xBF800000, v12;
	v18 =	vmax.f32 v18, v25  }
0x225: {  	vm1 =	veq.s32 v0, $0x6;
	[tilespmem:$0x710] =	vst v15;
	v15 =	vsel vm2, $0xBF800000, v13;
	v18 =	vmax.f32 v18, v2  }
0x226: {  	vm0 =	veq.s32 v0, $0x7;
	v5 =	vmul.f32 v36, v30;
	[tilespmem:$0x610] =	vst v60;
	v60 =	vmax.f32 v18, v15;
	v18 =	vld [tilespmem:$0x1FFD0]  }
0x227: {  	[tilespmem:$0x790] =	vst v3;
	v0 =	vsel vm1, $0xBF800000, v14;
	v30 =	vmul.f32 v45, v40;
	v40 =	vmul.f32 v54, v46  }
0x228: {  	[tilespmem:$0x430] =	vst v5;
	v16 =	vmul.f32 v27, v26;
	v26 =	vsel vm0, $0xBF800000, v19;
	v3 =	vmax.f32 v60, v0  }
0x229: {  	v46 =	vmul.f32 v54, v52;
	[tilespmem:$0x5C0] =	vst v30;
	v3 =	vmax.f32 v3, v26  }
0x22a: {  	v52 =	vmul.f32 v63, v59;
	[tilespmem:$0x4D0] =	vst v40;
	vm15 =	veq.f32 v26, v3;
	vm12 =	veq.f32 v0, v3  }
0x22b: {  	[tilespmem:$0x420] =	vst v16;
	v16 =	vmul.f32 v27, v18;
	v18 =	vmul.f32 v27, v22;
	v22 =	vsel vm15, $0x7, v21  }
0x22c: {  	[tilespmem:$0x750] =	vst v46;
	v6 =	vmul.f32 v36, v28;
	v60 =	vld [tilespmem:$0x1FFE0];
	vm13 =	veq.f32 v15, v3;
	v0 =	vsel vm12, $0x6, v22  }
0x22d: {  	[tilespmem:$0x660] =	vst v52;
	v26 =	vld [tilespmem:$0x1FFF0];
	vm14 =	veq.f32 v2, v3;
	v15 =	vmul.f32 v36, v29;
	v0 =	vsel vm13, $0x5, v0  }
0x22e: {  	[tilespmem:$0x4A0] =	vst v4;
	v29 =	vmul.f32 v45, v38;
	vm15 =	veq.f32 v25, v3;
	v0 =	vsel vm14, $0x4, v0  }
0x22f: {  	[tilespmem:$0x4B0] =	vst v6;
	v38 =	vmul.f32 v54, v48;
	vm12 =	veq.f32 v1, v3;
	v0 =	vsel vm15, $0x3, v0  }
0x230: {  	v48 =	vmul.f32 v63, v56;
	[tilespmem:$0x530] =	vst v15;
	vm13 =	veq.f32 v17, v3;
	v0 =	vsel vm12, $0x2, v0  }
0x231: {  	v21 =	vmul.f32 v36, v34;
	[tilespmem:$0x540] =	vst v29;
	vm14 =	vne.f32 v8, v3;
	v0 =	vsel vm13, $0x1, v0  }
0x232: {  	[tilespmem:$0x450] =	vst v38;
	v4 =	vmul.f32 v27, v60;
	v60 =	vmul.f32 v27, v26;
	v0 =	vnsel vm14, $0x0, v0  }
0x233: {  	[tilespmem:$0x460] =	vst v48;
	v26 =	vmul.f32 v27, v23;
	vm8 =	vmand vm14, vm13;
	vm15 =	veq.s32 v0, $0x0  }
0x234: {  	[tilespmem:$0x620] =	vst v60;
	v60 =	vmul.f32 v27, v24;
	vm7 =	vmor vm7, vm8;
	vm6 =	vmor vm6, vm15  }
0x235: {  	[tilespmem:$0x520] =	vst v16;
	v24 =	vnsel vm7, $0x0, v7;
	vm10 =	veq.s32 v0, $0x2;
	v23 =	vnsel vm6, $0x0, v9  }
0x236: {  	v25 =	vmul.f32 v45, v39;
	[tilespmem:$0x720] =	vst v26;
	vm5 =	vmor vm5, vm10;
	v26 =	vadd.f32 v23, v24  }
0x237: {  	v22 =	vmul.f32 v36, v35;
	[tilespmem:$0x6A0] =	vst v18;
	vm11 =	veq.s32 v0, $0x3;
	v28 =	vnsel vm5, $0x0, v10  }
0x238: {  	v35 =	vmul.f32 v45, v43;
	[tilespmem:$0x730] =	vst v21;
	vm4 =	vmor vm4, vm11;
	v6 =	vadd.f32 v26, v28  }
0x239: {  	v16 =	vmul.f32 v36, v31;
	[tilespmem:$0x440] =	vst v25;
	vm12 =	veq.s32 v0, $0x4;
	v31 =	vnsel vm4, $0x0, v11  }
0x23a: {  	v43 =	vmul.f32 v54, v49;
	[tilespmem:$0x5A0] =	vst v4;
	vm3 =	vmor vm3, vm12;
	v6 =	vadd.f32 v6, v31  }
0x23b: {  	v49 =	vmul.f32 v63, v55;
	[tilespmem:$0x7B0] =	vst v22;
	vm13 =	veq.s32 v0, $0x5;
	v34 =	vnsel vm3, $0x0, v12  }
0x23c: {  	v55 =	vmul.f32 v63, v62;
	[tilespmem:$0x740] =	vst v35;
	vm2 =	vmor vm2, vm13;
	v6 =	vadd.f32 v6, v34  }
0x23d: {  	[tilespmem:$0x5D0] =	vst v43;
	v27 =	vmul.f32 v45, v37;
	vm14 =	veq.s32 v0, $0x6;
	v37 =	vnsel vm2, $0x0, v13  }
0x23e: {  	[tilespmem:$0x4E0] =	vst v49;
	vm1 =	vmor vm1, vm14;
	v6 =	vadd.f32 v6, v37  }
0x23f: {  	v17 =	vmul.f32 v36, v32;
	[tilespmem:$0x7E0] =	vst v55;
	vm15 =	veq.s32 v0, $0x7;
	v39 =	vnsel vm1, $0x0, v14  }
0x240: {  	v18 =	vmul.f32 v36, v33;
	[tilespmem:$0x5B0] =	vst v16;
	vm0 =	vmor vm0, vm15;
	v6 =	vadd.f32 v6, v39  }
0x241: {  	v32 =	vmul.f32 v45, v41;
	v33 =	vmul.f32 v45, v42;
	[tilespmem:$0x630] =	vst v17;
	v42 =	vnsel vm0, $0x0, v19  }
0x242: {  	[tilespmem:$0x6B0] =	vst v18;
	v6 =	vadd.f32 v6, v42  }
0x243: {  	v36 =	vmul.f32 v45, v44;
	[tilespmem:$0x640] =	vst v32  }
0x244: {  	v41 =	vmul.f32 v54, v47;
	[tilespmem:$0x6C0] =	vst v33;
	(erf) = vrcp.f32 v6  }
0x245: {  	v44 =	vmul.f32 v54, v50;
	[tilespmem:$0x7C0] =	vst v36  }
0x246: {  	v47 =	vmul.f32 v54, v53;
	[tilespmem:$0x550] =	vst v41  }
0x247: {  	v50 =	vmul.f32 v63, v57;
	[tilespmem:$0x650] =	vst v44  }
0x248: {  	v53 =	vmul.f32 v63, v20;
	[tilespmem:$0x7D0] =	vst v47  }
0x249: {  	[tilespmem:$0x560] =	vst v50  }
0x24a: {  	[tilespmem:$0x6E0] =	vst v53  }
0x24b: {  	v45 =	vmul.f32 v54, v51;
	[tilespmem:$0x7A0] =	vst v60  }
0x24c: {  	v51 =	vmul.f32 v63, v58;
	[tilespmem:$0x4C0] =	vst v27  }
0x24d: {  	v54 =	vmul.f32 v63, v61;
	[tilespmem:$0x6D0] =	vst v45;
	v56 =	vpop (erf)  }
0x24e: {  	[tilespmem:$0x5E0] =	vst v51;
	v57 =	vmul.f32 v56, v23  }
0x24f: {  	[tilespmem:$0x760] =	vst v54;
	v58 =	vmul.f32 v56, v24  }
0x250: {  	v59 =	vmul.f32 v56, v28;
	[tilespmem:$0x470] =	vst v57  }
0x251: {  	v60 =	vmul.f32 v56, v31;
	[tilespmem:$0x4F0] =	vst v58  }
0x252: {  	v61 =	vmul.f32 v56, v34;
	[tilespmem:$0x570] =	vst v59  }
0x253: {  	v62 =	vmul.f32 v56, v37;
	[tilespmem:$0x5F0] =	vst v60  }
0x254: {  	v0 =	vmul.f32 v56, v39;
	[tilespmem:$0x670] =	vst v61  }
0x255: {  	v63 =	vmul.f32 v56, v42;
	[tilespmem:$0x6F0] =	vst v62  }
0x256: {  	[tilespmem:$0x770] =	vst v0  }
0x257: {  	[tilespmem:$0x7F0] =	vst v63  }
0x258: {  	[hbm4b:s7+s2] =	stream.linear.scatter [tilespmem:s24], [sflag:$0x1], $0x80, $0x38;
	[tilespmem:$0x800] =	vst v63  }
0x259: {  	_ =	swait.ge [sflag:s16], $0x80  }
0x25a: {  	[sflag:s16] =	ssyncset.done $0x0  }
0x25b: {  	[sflag:s16] =	ssyncadd.s32 $0xFFFFFF80  }
0x25c: {  	[hbm4b:s8+s2] =	stream.linear.scatter [tilespmem:s25], [sflag:$0x1], $0x80, $0x38;
	[tilespmem:$0x800] =	vst v63  }
0x25d: {  	_ =	swait.ge [sflag:s16], $0x80  }
0x25e: {  	[sflag:s16] =	ssyncset.done $0x0  }
0x25f: {  	[sflag:s16] =	ssyncadd.s32 $0xFFFFFF80  }
0x260: {  	[hbm4b:s9+s2] =	stream.linear.scatter [tilespmem:s26], [sflag:$0x1], $0x80, $0x38;
	[tilespmem:$0x800] =	vst v63  }
0x261: {  	_ =	swait.ge [sflag:s16], $0x80  }
0x262: {  	[sflag:s16] =	ssyncset.done $0x0  }
0x263: {  	[sflag:s16] =	ssyncadd.s32 $0xFFFFFF80  }
0x264: {  	[hbm4b:s10+s2] =	stream.linear.scatter [tilespmem:s28], [sflag:$0x1], $0x80, $0x38;
	[tilespmem:$0x800] =	vst v63  }
0x265: {  	_ =	swait.ge [sflag:s16], $0x80  }
0x266: {  	[sflag:s16] =	ssyncset.done $0x0  }
0x267: {  	[sflag:s16] =	ssyncadd.s32 $0xFFFFFF80  }
0x268: {  	[hbm4b:s11+s2] =	stream.linear.scatter [tilespmem:s29], [sflag:$0x1], $0x80, $0x38;
	[tilespmem:$0x800] =	vst v63  }
0x269: {  	_ =	swait.ge [sflag:s16], $0x80  }
0x26a: {  	[sflag:s16] =	ssyncset.done $0x0  }
0x26b: {  	[sflag:s16] =	ssyncadd.s32 $0xFFFFFF80  }
0x26c: {  	[hbm4b:s12+s2] =	stream.linear.scatter [tilespmem:s30], [sflag:$0x1], $0x80, $0x38;
	[tilespmem:$0x800] =	vst v63  }
0x26d: {  	_ =	swait.ge [sflag:s16], $0x80  }
0x26e: {  	[sflag:s16] =	ssyncset.done $0x0  }
0x26f: {  	[sflag:s16] =	ssyncadd.s32 $0xFFFFFF80  }
0x270: {  	[hbm4b:s13+s2] =	stream.linear.scatter [tilespmem:s31], [sflag:$0x1], $0x80, $0x38;
	[tilespmem:$0x800] =	vst v63  }
0x271: {  	_ =	swait.ge [sflag:s16], $0x80  }
0x272: {  	p0 =	sne.s32 s15, $0x1;
	[sflag:s16] =	ssyncset.done $0x0  }
.Ltmp0:
0x273: {  	[sflag:s16] =	ssyncadd.s32 $0xFFFFFF80;
	(pc) =	sbr.rel @p0 .LBB2_1-.Ltmp0, $4  }
0x274: {  	[hbm4b:s14+s2] =	stream.linear.scatter [tilespmem:s0], [sflag:$0x1], $0x80, $0x38;
	[tilespmem:$0x800] =	vst v63  }
0x275: {  	_ =	swait.ge [sflag:s16], $0x80  }
0x276: {  	[sflag:s16] =	ssyncset.done $0x0  }
0x277: {  	s15 =	sadd.s32 $0xFFFFFFFF, s15;
	[sflag:s16] =	ssyncadd.s32 $0xFFFFFF80  }
0x278: {  	_ =	sfence.sel $0x180000  }
0x279: {  	[bflag:$0x0] =	sbarrier.arrive $0xFFFF  }
0x27a: {  	_ =	strace $0x90000047  }
0x27b: {  	s0 =	stileid.u32;
	[bflag:$0x2] =	sbarrier.arrive $0xFFFF  }
0x27c: {  	p0 =	sne.s32 s0, $0x0;
	s0 =	rddreg [dreg:$0x2]  }
0x27d: {  	s0 =	sadd.s32 @!p0 $0x100000, s0  }
0x27e: {  	[sflag:s0] =	ssyncadd.tile.s32 @!p0 $0x1;
	_ =	shalt  }
.Lfunc_end2:
_tile_overlayer_lowered:
.L_overlay_start_2:
0x27f: {  	(tag) =	ssettag $0x2  }
0x280: {  	s0 =	rddreg [dreg:$0x0];
	s2 =	stileid.u32  }
0x281: {  	s1 =	rddreg [dreg:$0x1];
	p0 =	sne.s32 s2, $0x0  }
0x282: {  	s3 =	rddreg [dreg:$0x2];
	[bflag:$0x3] =	sbarrier.arrive $0xFFFF;
	s2 =	simm.s32 @!p0 $0x1C01  }
0x283: {  	[timem:s3], [sflag:s2] =	dma.local @!p0 [hbm:s0], s1  }
0x284: {  	s0 =	simm.s32 @!p0 $0x1  }
0x285: {  	_ =	swait.ge @!p0 [sflag:s0], s1  }
0x286: {  	s1 =	ssub.s32 @!p0 $0x0, s1;
	[sflag:s0] =	ssyncset.done @!p0 $0x0  }
0x287: {  	[sflag:s0] =	ssyncadd.s32 @!p0 s1  }
0x288: {  	[bflag:$0x3] =	sbarrier.arrive $0xFFFF  }
0x289: {  	_ =	shalt  }

</sc_bundles>
